<compile_context>
chip_gen: v7x
topology: tpu7x:2x2x1
jax: 0.10.2.dev20260603
libtpu: 0.0.44.dev20260713+nightly
codegen_flags: <defaults>
</compile_context>

<pallas_src>
import functools

import jax
import jax.numpy as jnp
from jax import lax
from jax.experimental import pallas as pl
from jax.experimental.pallas import tpu as pltpu
from jax.experimental.pallas import tpu_sc as plsc

S = 8192
D = 768
K = 1024
P = 8192
NC = 2
NS = 16
L = 16
NB = D // 128
NQ = 4
QR = S // NQ
TR = QR // NS
EV = P // NS
BE = 32
CAP = EV + BE + L
KP = K + 8


def _proj_table_kernel(beta_ref, mark_ref, w_ref, b_ref, out_ref):
    acc = lax.dot_general(
        mark_ref[...], w_ref[...],
        dimension_numbers=(((1,), (1,)), ((), ())),
        preferred_element_type=jnp.float32,
    )
    beta = beta_ref[0, 0]
    res = beta * (acc + b_ref[...])
    for cc in range(NB):
        out_ref[cc, 0:K, :] = res[:, cc * 128:(cc + 1) * 128]
        out_ref[cc, K:KP, :] = jnp.zeros((KP - K, 128), jnp.float32)


def _sc_inject_kernel(text_hbm, proj_hbm, eid_hbm, pos_hbm, out_hbm,
                      eid_v, pos_v, gl, sl, gidx6, bidx6, rows6, acc6, sem):
    c = lax.axis_index("c")
    s = lax.axis_index("s")

    pltpu.sync_copy(eid_hbm.at[pl.ds(s * EV, EV)], eid_v)
    pltpu.sync_copy(pos_hbm.at[pl.ds(s * EV, EV)], pos_v)

    zero_v = jnp.zeros((L,), jnp.int32)
    one_v = jnp.ones((L,), jnp.int32)
    pad_v = jnp.full((L,), K, jnp.int32)
    trash_v = jnp.full((L,), CAP - 1, jnp.int32)

    for q in range(NQ // NC):
        base = (c * (NQ // NC) + q) * QR

        def init_or_writeout(acc, write):
            for cc in range(NB):
                a = acc.at[pl.ds(cc * QR + s * TR, TR)]
                h_src = text_hbm if not write else out_hbm
                h = h_src.at[pl.ds(base + s * TR, TR),
                             pl.ds(cc * 128, 128)]
                if write:
                    pltpu.sync_copy(a, h)
                else:
                    pltpu.sync_copy(h, a)

        icopies = [
            pltpu.async_copy(
                text_hbm.at[pl.ds(base + s * TR, TR),
                            pl.ds(cc * 128, 128)],
                acc6.at[pl.ds(cc * QR + s * TR, TR)], sem)
            for cc in range(NB)
        ]

        lo_v = jnp.full((L,), base, jnp.int32)
        hi_v = jnp.full((L,), base + QR, jnp.int32)

        def scan_body(i, off):
            e = eid_v[pl.ds(i * L, L)]
            p = pos_v[pl.ds(i * L, L)]
            m = (e > zero_v) & (p >= lo_v) & (p < hi_v)
            mi = jnp.where(m, one_v, zero_v)
            off_v = jnp.full((L,), off, jnp.int32)
            dst = jnp.where(m, off_v + plsc.cumsum(mi) - mi, trash_v)
            plsc.store_scatter(gl, [dst], e - one_v)
            plsc.store_scatter(sl, [dst], p - lo_v)
            return off + jnp.sum(mi)

        cnt = lax.fori_loop(0, EV // L, scan_body, jnp.int32(0))

        for j in range(BE // L):
            gl[pl.ds(cnt + j * L, L)] = pad_v
            sl[pl.ds(cnt + j * L, L)] = zero_v
        nbat = (cnt + BE - 1) // BE

        for d in icopies:
            d.wait()
        plsc.subcore_barrier()

        def batch_body(b, carry):
            for j in range(BE // L):
                g = gl[pl.ds(b * BE + j * L, L)]
                t = sl[pl.ds(b * BE + j * L, L)]
                for cc in range(NB):
                    gidx6[cc, pl.ds(j * L, L)] = g + jnp.full(
                        (L,), cc * KP, jnp.int32)
                    bidx6[cc, pl.ds(j * L, L)] = t + jnp.full(
                        (L,), cc * QR, jnp.int32)
            copies = [
                pltpu.async_copy(proj_hbm.at[gidx6.at[cc]],
                                 rows6.at[cc], sem)
                for cc in range(NB)
            ]
            for cc in range(NB):
                copies[cc].wait()
                pltpu.sync_copy(rows6.at[cc], acc6.at[bidx6.at[cc]],
                                add=True)
            return carry

        lax.fori_loop(0, nbat, batch_body, jnp.int32(0))

        plsc.subcore_barrier()

        init_or_writeout(acc6, write=True)


def kernel(text_embeddings, mark_embeddings, entity_ids, positions, W, b, beta):
    proj = pl.pallas_call(
        _proj_table_kernel,
        out_shape=jax.ShapeDtypeStruct((NB, KP, 128), jnp.float32),
        in_specs=[
            pl.BlockSpec(memory_space=pltpu.SMEM),
            pl.BlockSpec(memory_space=pltpu.VMEM),
            pl.BlockSpec(memory_space=pltpu.VMEM),
            pl.BlockSpec(memory_space=pltpu.VMEM),
        ],
        out_specs=pl.BlockSpec(memory_space=pltpu.VMEM),
    )(jnp.reshape(beta, (1, 1)), mark_embeddings, W, jnp.reshape(b, (1, D)))
    proj = jnp.reshape(proj, (NB * KP, 128))

    mesh = plsc.VectorSubcoreMesh(core_axis_name="c", subcore_axis_name="s",
                                  num_cores=NC, num_subcores=NS)
    inject = functools.partial(
        pl.kernel,
        out_type=jax.ShapeDtypeStruct((S, D), jnp.float32),
        mesh=mesh,
        scratch_types=[
            pltpu.VMEM((EV,), jnp.int32),
            pltpu.VMEM((EV,), jnp.int32),
            pltpu.VMEM((CAP,), jnp.int32),
            pltpu.VMEM((CAP,), jnp.int32),
            pltpu.VMEM((NB, BE), jnp.int32),
            pltpu.VMEM((NB, BE), jnp.int32),
            pltpu.VMEM((NB, BE, 128), jnp.float32),
            pltpu.VMEM_SHARED((NB * QR, 128), jnp.float32),
            pltpu.SemaphoreType.DMA,
        ],
        compiler_params=pltpu.CompilerParams(needs_layout_passes=False),
    )(_sc_inject_kernel)

    return inject(text_embeddings, proj,
                  entity_ids.astype(jnp.int32), positions.astype(jnp.int32))

# --- scband reference (transcript-rebuilt; emitter-appended) ---
"""Pipeline reference for scband-text-mark-injector-38525856645139 (READ-ONLY COPY).

The authoritative reference and input builder live on the scoring server;
editing this copy changes nothing except your own understanding.
"""

import jax, jax.numpy as jnp
import numpy as np

S = 8192  # seq_len
D = 768   # d_model
K = 1024  # number of mark embeddings
P = 8192  # number of (entity_id, position) injection events
BETA_INIT = 0.1


def setup_inputs(seed: int = 0) -> dict:
    key = jax.random.key(seed)
    k1, k2, k3, k4, k5 = jax.random.split(key, 5)
    text_embeddings = jax.random.normal(k1, (S, D), dtype=jnp.float32)
    mark_embeddings = jax.random.normal(k2, (K, D), dtype=jnp.float32)
    # entity ids in [0, K); id==0 is skipped by the module (entity_id > 0 check)
    entity_ids = jax.random.randint(k3, (P,), 0, K)
    positions = jax.random.randint(k4, (P,), 0, S)
    # learned params of nn.Linear(d_model, d_model) and beta
    W = jax.random.normal(k5, (D, D), dtype=jnp.float32) * (1.0 / np.sqrt(D))
    b = jnp.zeros((D,), dtype=jnp.float32)
    beta = jnp.float32(BETA_INIT)
    return {
        "text_embeddings": text_embeddings,
        "mark_embeddings": mark_embeddings,
        "entity_ids": entity_ids,
        "positions": positions,
        "W": W,
        "b": b,
        "beta": beta,
    }


def reference(text_embeddings, mark_embeddings, entity_ids, positions, W, b, beta):
    # Faithful translation of TextMarkInjector.inject:
    #   for each (entity_id, pos): if 0 < entity_id <= K and pos < seq_len:
    #       result[pos] += beta * proj_text(mark_embeddings[entity_id - 1])
    # The python loops with `+=` accumulate, which is exactly a scatter-add.
    Kn = mark_embeddings.shape[0]
    Sn = text_embeddings.shape[0]
    valid = (entity_ids > 0) & (entity_ids <= Kn) & (positions < Sn)
    # safe gather index (entity_id - 1), clamped to 0 for invalid entries
    idx = jnp.where(entity_ids > 0, entity_ids - 1, 0)
    marks = jnp.take(mark_embeddings, idx, axis=0)        # [P, D] gather
    projected = marks @ W.T + b                            # proj_text per gathered mark
    add = jnp.where(valid[:, None], beta * projected, jnp.float32(0.0))
    safe_pos = jnp.where(positions < Sn, positions, 0)
    result = text_embeddings.at[safe_pos].add(add)         # scatter-add into sequence
    return result


if False:  # reference __main__ guard neutralized (emitter)
    out = reference(**setup_inputs())
    print(out.shape, out.dtype)

if __name__ == "__main__":
    import jax
    _d = setup_inputs()
    print(jax.jit(kernel)(*tuple(_d.values())))

</pallas_src>

<mosaic_0001>
#map = affine_map<(d0, d1) -> (0, 0)>
#map1 = affine_map<(d0, d1) -> (0)>
module attributes {stable_mosaic.version = 14 : i64} {
  func.func @_sc_inject_kernel(%arg0: i32, %arg1: i32, %arg2: memref<8192x768xf32, #tpu.memory_space<hbm>>, %arg3: memref<6192x128xf32, #tpu.memory_space<hbm>>, %arg4: memref<8192xi32, #tpu.memory_space<hbm>>, %arg5: memref<8192xi32, #tpu.memory_space<hbm>>, %arg6: memref<8192x768xf32, #tpu.memory_space<hbm>>, %arg7: memref<512xi32, #tpu.memory_space<vmem>>, %arg8: memref<512xi32, #tpu.memory_space<vmem>>, %arg9: memref<560xi32, #tpu.memory_space<vmem>>, %arg10: memref<560xi32, #tpu.memory_space<vmem>>, %arg11: memref<6x32xi32, #tpu.memory_space<vmem>>, %arg12: memref<6x32xi32, #tpu.memory_space<vmem>>, %arg13: memref<6x32x128xf32, #tpu.memory_space<vmem>>, %arg14: memref<12288x128xf32, #tpu.memory_space<vmem_shared>>, %arg15: memref<!tpu.dma_semaphore, #tpu.memory_space<semaphore_mem>>) attributes {dimension_semantics = [#tpu.dimension_semantics<core_parallel>, #tpu.dimension_semantics<subcore_parallel>], iteration_bounds = array<i64: 2, 16>, scalar_prefetch = 0 : i64, scratch_operands = 9 : i64, tpu.core_type = #tpu.core_type<sc_vector_subcore>, window_params = [{transform_indices = #map}, {transform_indices = #map}, {transform_indices = #map1}, {transform_indices = #map1}, {transform_indices = #map}]} {
    %mul3A = arith.constant 512 : i32
    %mul3A_0 = arith.muli %arg1, %mul3A : i32
    "tpu.region"() ({
      %run_scoped3A = tpu.sem_alloc : memref<!tpu.dma_semaphore, #tpu.memory_space<semaphore_mem>>
      %dma_start3A_405 = tpu.memref_slice %arg4[%mul3A_0] : memref<8192xi32, #tpu.memory_space<hbm>> -> memref<512xi32, #tpu.memory_space<hbm>>
      %dma_start3A_406 = tpu.memref_slice %arg4[%mul3A_0] : memref<8192xi32, #tpu.memory_space<hbm>> -> memref<512xi32, #tpu.memory_space<hbm>>
      tpu.enqueue_dma source(%dma_start3A_406 : memref<512xi32, #tpu.memory_space<hbm>>) target(%arg7 : memref<512xi32, #tpu.memory_space<vmem>>) target_semaphore(%run_scoped3A : memref<!tpu.dma_semaphore, #tpu.memory_space<semaphore_mem>>)
      %dma_wait3A_407 = tpu.memref_slice %arg4[%mul3A_0] : memref<8192xi32, #tpu.memory_space<hbm>> -> memref<512xi32, #tpu.memory_space<hbm>>
      %dma_wait3A_408 = tpu.memref_slice %arg4[%mul3A_0] : memref<8192xi32, #tpu.memory_space<hbm>> -> memref<512xi32, #tpu.memory_space<hbm>>
      tpu.wait_dma2 semaphore(%run_scoped3A : memref<!tpu.dma_semaphore, #tpu.memory_space<semaphore_mem>>) src(%dma_wait3A_408 : memref<512xi32, #tpu.memory_space<hbm>>) dst(%arg7 : memref<512xi32, #tpu.memory_space<vmem>>)
      tpu.yield
    }) : () -> ()
    %mul3A_1 = arith.constant 512 : i32
    %mul3A_2 = arith.muli %arg1, %mul3A_1 : i32
    "tpu.region"() ({
      %run_scoped3A = tpu.sem_alloc : memref<!tpu.dma_semaphore, #tpu.memory_space<semaphore_mem>>
      %dma_start3A_405 = tpu.memref_slice %arg5[%mul3A_2] : memref<8192xi32, #tpu.memory_space<hbm>> -> memref<512xi32, #tpu.memory_space<hbm>>
      %dma_start3A_406 = tpu.memref_slice %arg5[%mul3A_2] : memref<8192xi32, #tpu.memory_space<hbm>> -> memref<512xi32, #tpu.memory_space<hbm>>
      tpu.enqueue_dma source(%dma_start3A_406 : memref<512xi32, #tpu.memory_space<hbm>>) target(%arg8 : memref<512xi32, #tpu.memory_space<vmem>>) target_semaphore(%run_scoped3A : memref<!tpu.dma_semaphore, #tpu.memory_space<semaphore_mem>>)
      %dma_wait3A_407 = tpu.memref_slice %arg5[%mul3A_2] : memref<8192xi32, #tpu.memory_space<hbm>> -> memref<512xi32, #tpu.memory_space<hbm>>
      %dma_wait3A_408 = tpu.memref_slice %arg5[%mul3A_2] : memref<8192xi32, #tpu.memory_space<hbm>> -> memref<512xi32, #tpu.memory_space<hbm>>
      tpu.wait_dma2 semaphore(%run_scoped3A : memref<!tpu.dma_semaphore, #tpu.memory_space<semaphore_mem>>) src(%dma_wait3A_408 : memref<512xi32, #tpu.memory_space<hbm>>) dst(%arg8 : memref<512xi32, #tpu.memory_space<vmem>>)
      tpu.yield
    }) : () -> ()
    %broadcast_in_dim3A = arith.constant 0 : i32
    %broadcast_in_dim3A_3 = vector.broadcast %broadcast_in_dim3A : i32 to vector<16xi32>
    %broadcast_in_dim3A_4 = arith.constant 1 : i32
    %broadcast_in_dim3A_5 = vector.broadcast %broadcast_in_dim3A_4 : i32 to vector<16xi32>
    %broadcast_in_dim3A_6 = arith.constant 1024 : i32
    %broadcast_in_dim3A_7 = vector.broadcast %broadcast_in_dim3A_6 : i32 to vector<16xi32>
    %broadcast_in_dim3A_8 = arith.constant 559 : i32
    %broadcast_in_dim3A_9 = vector.broadcast %broadcast_in_dim3A_8 : i32 to vector<16xi32>
    %mul3A_10 = arith.constant 2 : i32
    %mul3A_11 = arith.muli %arg0, %mul3A_10 : i32
    %add3A = arith.constant 0 : i32
    %add3A_12 = arith.addi %mul3A_11, %add3A : i32
    %mul3A_13 = arith.constant 2048 : i32
    %mul3A_14 = arith.muli %add3A_12, %mul3A_13 : i32
    %mul3A_15 = arith.constant 128 : i32
    %mul3A_16 = arith.muli %arg1, %mul3A_15 : i32
    %add3A_17 = arith.addi %mul3A_14, %mul3A_16 : i32
    %mul3A_18 = arith.constant 128 : i32
    %mul3A_19 = arith.muli %arg1, %mul3A_18 : i32
    %add3A_20 = arith.constant 0 : i32
    %add3A_21 = arith.addi %add3A_20, %mul3A_19 : i32
    %dma_start3A = arith.constant 0 : i32
    %dma_start3A_22 = tpu.memref_slice %arg14[%add3A_21, %dma_start3A] : memref<12288x128xf32, #tpu.memory_space<vmem_shared>> -> memref<128x128xf32, #tpu.memory_space<vmem_shared>>
    %dma_start3A_23 = arith.constant 0 : i32
    %dma_start3A_24 = tpu.memref_slice %arg2[%add3A_17, %dma_start3A_23] : memref<8192x768xf32, #tpu.memory_space<hbm>> -> memref<128x128xf32, #tpu.memory_space<hbm>>
    tpu.enqueue_dma source(%dma_start3A_24 : memref<128x128xf32, #tpu.memory_space<hbm>>) target(%dma_start3A_22 : memref<128x128xf32, #tpu.memory_space<vmem_shared>>) target_semaphore(%arg15 : memref<!tpu.dma_semaphore, #tpu.memory_space<semaphore_mem>>)
    %mul3A_25 = arith.constant 128 : i32
    %mul3A_26 = arith.muli %arg1, %mul3A_25 : i32
    %add3A_27 = arith.addi %mul3A_14, %mul3A_26 : i32
    %mul3A_28 = arith.constant 128 : i32
    %mul3A_29 = arith.muli %arg1, %mul3A_28 : i32
    %add3A_30 = arith.constant 2048 : i32
    %add3A_31 = arith.addi %add3A_30, %mul3A_29 : i32
    %dma_start3A_32 = arith.constant 0 : i32
    %dma_start3A_33 = tpu.memref_slice %arg14[%add3A_31, %dma_start3A_32] : memref<12288x128xf32, #tpu.memory_space<vmem_shared>> -> memref<128x128xf32, #tpu.memory_space<vmem_shared>>
    %dma_start3A_34 = arith.constant 128 : i32
    %dma_start3A_35 = tpu.memref_slice %arg2[%add3A_27, %dma_start3A_34] : memref<8192x768xf32, #tpu.memory_space<hbm>> -> memref<128x128xf32, #tpu.memory_space<hbm>>
    tpu.enqueue_dma source(%dma_start3A_35 : memref<128x128xf32, #tpu.memory_space<hbm>>) target(%dma_start3A_33 : memref<128x128xf32, #tpu.memory_space<vmem_shared>>) target_semaphore(%arg15 : memref<!tpu.dma_semaphore, #tpu.memory_space<semaphore_mem>>)
    %mul3A_36 = arith.constant 128 : i32
    %mul3A_37 = arith.muli %arg1, %mul3A_36 : i32
    %add3A_38 = arith.addi %mul3A_14, %mul3A_37 : i32
    %mul3A_39 = arith.constant 128 : i32
    %mul3A_40 = arith.muli %arg1, %mul3A_39 : i32
    %add3A_41 = arith.constant 4096 : i32
    %add3A_42 = arith.addi %add3A_41, %mul3A_40 : i32
    %dma_start3A_43 = arith.constant 0 : i32
    %dma_start3A_44 = tpu.memref_slice %arg14[%add3A_42, %dma_start3A_43] : memref<12288x128xf32, #tpu.memory_space<vmem_shared>> -> memref<128x128xf32, #tpu.memory_space<vmem_shared>>
    %dma_start3A_45 = arith.constant 256 : i32
    %dma_start3A_46 = tpu.memref_slice %arg2[%add3A_38, %dma_start3A_45] : memref<8192x768xf32, #tpu.memory_space<hbm>> -> memref<128x128xf32, #tpu.memory_space<hbm>>
    tpu.enqueue_dma source(%dma_start3A_46 : memref<128x128xf32, #tpu.memory_space<hbm>>) target(%dma_start3A_44 : memref<128x128xf32, #tpu.memory_space<vmem_shared>>) target_semaphore(%arg15 : memref<!tpu.dma_semaphore, #tpu.memory_space<semaphore_mem>>)
    %mul3A_47 = arith.constant 128 : i32
    %mul3A_48 = arith.muli %arg1, %mul3A_47 : i32
    %add3A_49 = arith.addi %mul3A_14, %mul3A_48 : i32
    %mul3A_50 = arith.constant 128 : i32
    %mul3A_51 = arith.muli %arg1, %mul3A_50 : i32
    %add3A_52 = arith.constant 6144 : i32
    %add3A_53 = arith.addi %add3A_52, %mul3A_51 : i32
    %dma_start3A_54 = arith.constant 0 : i32
    %dma_start3A_55 = tpu.memref_slice %arg14[%add3A_53, %dma_start3A_54] : memref<12288x128xf32, #tpu.memory_space<vmem_shared>> -> memref<128x128xf32, #tpu.memory_space<vmem_shared>>
    %dma_start3A_56 = arith.constant 384 : i32
    %dma_start3A_57 = tpu.memref_slice %arg2[%add3A_49, %dma_start3A_56] : memref<8192x768xf32, #tpu.memory_space<hbm>> -> memref<128x128xf32, #tpu.memory_space<hbm>>
    tpu.enqueue_dma source(%dma_start3A_57 : memref<128x128xf32, #tpu.memory_space<hbm>>) target(%dma_start3A_55 : memref<128x128xf32, #tpu.memory_space<vmem_shared>>) target_semaphore(%arg15 : memref<!tpu.dma_semaphore, #tpu.memory_space<semaphore_mem>>)
    %mul3A_58 = arith.constant 128 : i32
    %mul3A_59 = arith.muli %arg1, %mul3A_58 : i32
    %add3A_60 = arith.addi %mul3A_14, %mul3A_59 : i32
    %mul3A_61 = arith.constant 128 : i32
    %mul3A_62 = arith.muli %arg1, %mul3A_61 : i32
    %add3A_63 = arith.constant 8192 : i32
    %add3A_64 = arith.addi %add3A_63, %mul3A_62 : i32
    %dma_start3A_65 = arith.constant 0 : i32
    %dma_start3A_66 = tpu.memref_slice %arg14[%add3A_64, %dma_start3A_65] : memref<12288x128xf32, #tpu.memory_space<vmem_shared>> -> memref<128x128xf32, #tpu.memory_space<vmem_shared>>
    %dma_start3A_67 = arith.constant 512 : i32
    %dma_start3A_68 = tpu.memref_slice %arg2[%add3A_60, %dma_start3A_67] : memref<8192x768xf32, #tpu.memory_space<hbm>> -> memref<128x128xf32, #tpu.memory_space<hbm>>
    tpu.enqueue_dma source(%dma_start3A_68 : memref<128x128xf32, #tpu.memory_space<hbm>>) target(%dma_start3A_66 : memref<128x128xf32, #tpu.memory_space<vmem_shared>>) target_semaphore(%arg15 : memref<!tpu.dma_semaphore, #tpu.memory_space<semaphore_mem>>)
    %mul3A_69 = arith.constant 128 : i32
    %mul3A_70 = arith.muli %arg1, %mul3A_69 : i32
    %add3A_71 = arith.addi %mul3A_14, %mul3A_70 : i32
    %mul3A_72 = arith.constant 128 : i32
    %mul3A_73 = arith.muli %arg1, %mul3A_72 : i32
    %add3A_74 = arith.constant 10240 : i32
    %add3A_75 = arith.addi %add3A_74, %mul3A_73 : i32
    %dma_start3A_76 = arith.constant 0 : i32
    %dma_start3A_77 = tpu.memref_slice %arg14[%add3A_75, %dma_start3A_76] : memref<12288x128xf32, #tpu.memory_space<vmem_shared>> -> memref<128x128xf32, #tpu.memory_space<vmem_shared>>
    %dma_start3A_78 = arith.constant 640 : i32
    %dma_start3A_79 = tpu.memref_slice %arg2[%add3A_71, %dma_start3A_78] : memref<8192x768xf32, #tpu.memory_space<hbm>> -> memref<128x128xf32, #tpu.memory_space<hbm>>
    tpu.enqueue_dma source(%dma_start3A_79 : memref<128x128xf32, #tpu.memory_space<hbm>>) target(%dma_start3A_77 : memref<128x128xf32, #tpu.memory_space<vmem_shared>>) target_semaphore(%arg15 : memref<!tpu.dma_semaphore, #tpu.memory_space<semaphore_mem>>)
    %broadcast_in_dim3A_80 = vector.broadcast %mul3A_14 : i32 to vector<16xi32>
    %add3A_81 = arith.constant 2048 : i32
    %add3A_82 = arith.addi %mul3A_14, %add3A_81 : i32
    %broadcast_in_dim3A_83 = vector.broadcast %add3A_82 : i32 to vector<16xi32>
    %scan3A = arith.constant 0 : i32
    %scan3A_84 = arith.constant 0 : i32
    %scan3A_85 = arith.constant 32 : i32
    %scan3A_86 = arith.addi %scan3A_84, %scan3A_85 : i32
    %scan3A_87 = arith.constant 1 : i32
    %scan3A_88 = scf.for %scan3A_405 = %scan3A_84 to %scan3A_86 step %scan3A_87 iter_args(%scan3A_406 = %scan3A) -> (i32)  : i32 {
      %mul3A_407 = arith.constant 16 : i32
      %mul3A_408 = arith.muli %scan3A_405, %mul3A_407 : i32
      %get3A = arith.index_cast %mul3A_408 : i32 to index
      %get3A_409 = tpu.vector_load %arg7[%get3A] {strides = array<i32>} : memref<512xi32, #tpu.memory_space<vmem>>, vector<16xi32>,
      %mul3A_410 = arith.constant 16 : i32
      %mul3A_411 = arith.muli %scan3A_405, %mul3A_410 : i32
      %get3A_412 = arith.index_cast %mul3A_411 : i32 to index
      %get3A_413 = tpu.vector_load %arg8[%get3A_412] {strides = array<i32>} : memref<512xi32, #tpu.memory_space<vmem>>, vector<16xi32>,
      %gt3A = arith.cmpi sgt, %get3A_409, %broadcast_in_dim3A_3 : vector<16xi32>
      %ge3A = arith.cmpi sge, %get3A_413, %broadcast_in_dim3A_80 : vector<16xi32>
      %and3A_414 = arith.andi %gt3A, %ge3A : vector<16xi1>
      %lt3A = arith.cmpi slt, %get3A_413, %broadcast_in_dim3A_83 : vector<16xi32>
      %and3A_415 = arith.andi %and3A_414, %lt3A : vector<16xi1>
      %select_n3A_416 = arith.select %and3A_415, %broadcast_in_dim3A_5, %broadcast_in_dim3A_3 : vector<16xi1>, vector<16xi32>
      %broadcast_in_dim3A_417 = vector.broadcast %scan3A_406 : i32 to vector<16xi32>
      %broadcast_in_dim3A_418 = arith.constant true
      %broadcast_in_dim3A_419 = vector.broadcast %broadcast_in_dim3A_418 : i1 to vector<16xi1>
      %masked_cumsum3A = tpu.scan <sum>, %select_n3A_416 masked %broadcast_in_dim3A_419 : vector<16xi32>, vector<16xi1> -> vector<16xi32>
      %add3A_420 = arith.addi %broadcast_in_dim3A_417, %masked_cumsum3A : vector<16xi32>
      %sub3A_421 = arith.subi %add3A_420, %select_n3A_416 : vector<16xi32>
      %select_n3A_422 = arith.select %and3A_415, %sub3A_421, %broadcast_in_dim3A_9 : vector<16xi1>, vector<16xi32>
      %sub3A_423 = arith.subi %get3A_409, %broadcast_in_dim3A_5 : vector<16xi32>
      tpu.vector_store_idx %arg9[%select_n3A_422], %sub3A_423 : memref<560xi32, #tpu.memory_space<vmem>>[vector<16xi32>], vector<16xi32>,
      %sub3A_424 = arith.subi %get3A_413, %broadcast_in_dim3A_80 : vector<16xi32>
      tpu.vector_store_idx %arg10[%select_n3A_422], %sub3A_424 : memref<560xi32, #tpu.memory_space<vmem>>[vector<16xi32>], vector<16xi32>,
      %reduce_sum3A = arith.constant true
      %reduce_sum3A_425 = vector.broadcast %reduce_sum3A : i1 to vector<16xi1>
      %reduce_sum3A_426 = tpu.scan <sum>, %select_n3A_416 masked %reduce_sum3A_425 : vector<16xi32>, vector<16xi1> -> vector<16xi32>
      %reduce_sum3A_427 = vector.extract %reduce_sum3A_426[15] : i32 from vector<16xi32>
      %add3A_428 = arith.addi %scan3A_406, %reduce_sum3A_427 : i32
      scf.yield %add3A_428 : i32
    }
    %scan3A_89 = arith.constant 32 : i32
    %add3A_90 = arith.constant 0 : i32
    %add3A_91 = arith.addi %scan3A_88, %add3A_90 : i32
    %swap3A = arith.index_cast %add3A_91 : i32 to index
    %swap3A_92 = tpu.vector_load %arg9[%swap3A] {strides = array<i32>} : memref<560xi32, #tpu.memory_space<vmem>>, vector<16xi32>,
    tpu.vector_store %arg9[%swap3A], %broadcast_in_dim3A_7 {strides = array<i32>} : memref<560xi32, #tpu.memory_space<vmem>>, vector<16xi32>,
    %add3A_93 = arith.constant 0 : i32
    %add3A_94 = arith.addi %scan3A_88, %add3A_93 : i32
    %swap3A_95 = arith.index_cast %add3A_94 : i32 to index
    %swap3A_96 = tpu.vector_load %arg10[%swap3A_95] {strides = array<i32>} : memref<560xi32, #tpu.memory_space<vmem>>, vector<16xi32>,
    tpu.vector_store %arg10[%swap3A_95], %broadcast_in_dim3A_3 {strides = array<i32>} : memref<560xi32, #tpu.memory_space<vmem>>, vector<16xi32>,
    %add3A_97 = arith.constant 16 : i32
    %add3A_98 = arith.addi %scan3A_88, %add3A_97 : i32
    %swap3A_99 = arith.index_cast %add3A_98 : i32 to index
    %swap3A_100 = tpu.vector_load %arg9[%swap3A_99] {strides = array<i32>} : memref<560xi32, #tpu.memory_space<vmem>>, vector<16xi32>,
    tpu.vector_store %arg9[%swap3A_99], %broadcast_in_dim3A_7 {strides = array<i32>} : memref<560xi32, #tpu.memory_space<vmem>>, vector<16xi32>,
    %add3A_101 = arith.constant 16 : i32
    %add3A_102 = arith.addi %scan3A_88, %add3A_101 : i32
    %swap3A_103 = arith.index_cast %add3A_102 : i32 to index
    %swap3A_104 = tpu.vector_load %arg10[%swap3A_103] {strides = array<i32>} : memref<560xi32, #tpu.memory_space<vmem>>, vector<16xi32>,
    tpu.vector_store %arg10[%swap3A_103], %broadcast_in_dim3A_3 {strides = array<i32>} : memref<560xi32, #tpu.memory_space<vmem>>, vector<16xi32>,
    %add3A_105 = arith.constant 32 : i32
    %add3A_106 = arith.addi %scan3A_88, %add3A_105 : i32
    %sub3A = arith.constant 1 : i32
    %sub3A_107 = arith.subi %add3A_106, %sub3A : i32
    %jit3A = arith.constant 32 : i32
    %div3A = arith.divsi %sub3A_107, %jit3A : i32
    %sign3A = arith.constant 0 : i32
    %sign3A_108 = arith.cmpi sgt, %sub3A_107, %sign3A : i32
    %sign3A_109 = arith.extui %sign3A_108 : i1 to i32
    %sign3A_110 = arith.constant 0 : i32
    %sign3A_111 = arith.cmpi slt, %sub3A_107, %sign3A_110 : i32
    %sign3A_112 = arith.extui %sign3A_111 : i1 to i32
    %sign3A_113 = arith.subi %sign3A_109, %sign3A_112 : i32
    %sign3A_114 = arith.constant 0 : i32
    %sign3A_115 = arith.cmpi sgt, %jit3A, %sign3A_114 : i32
    %sign3A_116 = arith.extui %sign3A_115 : i1 to i32
    %sign3A_117 = arith.constant 0 : i32
    %sign3A_118 = arith.cmpi slt, %jit3A, %sign3A_117 : i32
    %sign3A_119 = arith.extui %sign3A_118 : i1 to i32
    %sign3A_120 = arith.subi %sign3A_116, %sign3A_119 : i32
    %ne3A = arith.cmpi ne, %sign3A_113, %sign3A_120 : i32
    %rem3A = arith.remsi %sub3A_107, %jit3A : i32
    %ne3A_121 = arith.constant 0 : i32
    %ne3A_122 = arith.cmpi ne, %rem3A, %ne3A_121 : i32
    %and3A = arith.andi %ne3A, %ne3A_122 : i1
    %sub3A_123 = arith.constant 1 : i32
    %sub3A_124 = arith.subi %div3A, %sub3A_123 : i32
    %select_n3A = arith.select %and3A, %sub3A_124, %div3A : i32
    %dma_wait3A = arith.constant 0 : i32
    %dma_wait3A_125 = tpu.memref_slice %arg14[%add3A_21, %dma_wait3A] : memref<12288x128xf32, #tpu.memory_space<vmem_shared>> -> memref<128x128xf32, #tpu.memory_space<vmem_shared>>
    %dma_wait3A_126 = arith.constant 0 : i32
    %dma_wait3A_127 = tpu.memref_slice %arg2[%add3A_17, %dma_wait3A_126] : memref<8192x768xf32, #tpu.memory_space<hbm>> -> memref<128x128xf32, #tpu.memory_space<hbm>>
    tpu.wait_dma2 semaphore(%arg15 : memref<!tpu.dma_semaphore, #tpu.memory_space<semaphore_mem>>) src(%dma_wait3A_127 : memref<128x128xf32, #tpu.memory_space<hbm>>) dst(%dma_wait3A_125 : memref<128x128xf32, #tpu.memory_space<vmem_shared>>)
    %dma_wait3A_128 = arith.constant 0 : i32
    %dma_wait3A_129 = tpu.memref_slice %arg14[%add3A_31, %dma_wait3A_128] : memref<12288x128xf32, #tpu.memory_space<vmem_shared>> -> memref<128x128xf32, #tpu.memory_space<vmem_shared>>
    %dma_wait3A_130 = arith.constant 128 : i32
    %dma_wait3A_131 = tpu.memref_slice %arg2[%add3A_27, %dma_wait3A_130] : memref<8192x768xf32, #tpu.memory_space<hbm>> -> memref<128x128xf32, #tpu.memory_space<hbm>>
    tpu.wait_dma2 semaphore(%arg15 : memref<!tpu.dma_semaphore, #tpu.memory_space<semaphore_mem>>) src(%dma_wait3A_131 : memref<128x128xf32, #tpu.memory_space<hbm>>) dst(%dma_wait3A_129 : memref<128x128xf32, #tpu.memory_space<vmem_shared>>)
    %dma_wait3A_132 = arith.constant 0 : i32
    %dma_wait3A_133 = tpu.memref_slice %arg14[%add3A_42, %dma_wait3A_132] : memref<12288x128xf32, #tpu.memory_space<vmem_shared>> -> memref<128x128xf32, #tpu.memory_space<vmem_shared>>
    %dma_wait3A_134 = arith.constant 256 : i32
    %dma_wait3A_135 = tpu.memref_slice %arg2[%add3A_38, %dma_wait3A_134] : memref<8192x768xf32, #tpu.memory_space<hbm>> -> memref<128x128xf32, #tpu.memory_space<hbm>>
    tpu.wait_dma2 semaphore(%arg15 : memref<!tpu.dma_semaphore, #tpu.memory_space<semaphore_mem>>) src(%dma_wait3A_135 : memref<128x128xf32, #tpu.memory_space<hbm>>) dst(%dma_wait3A_133 : memref<128x128xf32, #tpu.memory_space<vmem_shared>>)
    %dma_wait3A_136 = arith.constant 0 : i32
    %dma_wait3A_137 = tpu.memref_slice %arg14[%add3A_53, %dma_wait3A_136] : memref<12288x128xf32, #tpu.memory_space<vmem_shared>> -> memref<128x128xf32, #tpu.memory_space<vmem_shared>>
    %dma_wait3A_138 = arith.constant 384 : i32
    %dma_wait3A_139 = tpu.memref_slice %arg2[%add3A_49, %dma_wait3A_138] : memref<8192x768xf32, #tpu.memory_space<hbm>> -> memref<128x128xf32, #tpu.memory_space<hbm>>
    tpu.wait_dma2 semaphore(%arg15 : memref<!tpu.dma_semaphore, #tpu.memory_space<semaphore_mem>>) src(%dma_wait3A_139 : memref<128x128xf32, #tpu.memory_space<hbm>>) dst(%dma_wait3A_137 : memref<128x128xf32, #tpu.memory_space<vmem_shared>>)
    %dma_wait3A_140 = arith.constant 0 : i32
    %dma_wait3A_141 = tpu.memref_slice %arg14[%add3A_64, %dma_wait3A_140] : memref<12288x128xf32, #tpu.memory_space<vmem_shared>> -> memref<128x128xf32, #tpu.memory_space<vmem_shared>>
    %dma_wait3A_142 = arith.constant 512 : i32
    %dma_wait3A_143 = tpu.memref_slice %arg2[%add3A_60, %dma_wait3A_142] : memref<8192x768xf32, #tpu.memory_space<hbm>> -> memref<128x128xf32, #tpu.memory_space<hbm>>
    tpu.wait_dma2 semaphore(%arg15 : memref<!tpu.dma_semaphore, #tpu.memory_space<semaphore_mem>>) src(%dma_wait3A_143 : memref<128x128xf32, #tpu.memory_space<hbm>>) dst(%dma_wait3A_141 : memref<128x128xf32, #tpu.memory_space<vmem_shared>>)
    %dma_wait3A_144 = arith.constant 0 : i32
    %dma_wait3A_145 = tpu.memref_slice %arg14[%add3A_75, %dma_wait3A_144] : memref<12288x128xf32, #tpu.memory_space<vmem_shared>> -> memref<128x128xf32, #tpu.memory_space<vmem_shared>>
    %dma_wait3A_146 = arith.constant 640 : i32
    %dma_wait3A_147 = tpu.memref_slice %arg2[%add3A_71, %dma_wait3A_146] : memref<8192x768xf32, #tpu.memory_space<hbm>> -> memref<128x128xf32, #tpu.memory_space<hbm>>
    tpu.wait_dma2 semaphore(%arg15 : memref<!tpu.dma_semaphore, #tpu.memory_space<semaphore_mem>>) src(%dma_wait3A_147 : memref<128x128xf32, #tpu.memory_space<hbm>>) dst(%dma_wait3A_145 : memref<128x128xf32, #tpu.memory_space<vmem_shared>>)
    %barrier3A = arith.constant 0 : index
    tpu.barrier barrier_id(%barrier3A)
    %while3A = arith.constant 0 : i32
    %while3A_148 = arith.constant 0 : i32
    %while3A_149 = arith.subi %select_n3A, %while3A_148 : i32
    %while3A_150 = arith.addi %while3A_148, %while3A_149 : i32
    %while3A_151 = arith.constant 1 : i32
    %while3A_152 = arith.divsi %while3A_149, %while3A_151 : i32
    %while3A_153 = arith.muli %while3A_152, %while3A_151 : i32
    %while3A_154 = arith.addi %while3A_148, %while3A_153 : i32
    %while3A_155 = arith.constant 1 : i32
    scf.for %while3A_405 = %while3A_148 to %while3A_154 step %while3A_155  : i32 {
      %mul3A_406 = arith.constant 32 : i32
      %mul3A_407 = arith.muli %while3A_405, %mul3A_406 : i32
      %add3A_408 = arith.constant 0 : i32
      %add3A_409 = arith.addi %mul3A_407, %add3A_408 : i32
      %get3A = arith.index_cast %add3A_409 : i32 to index
      %get3A_410 = tpu.vector_load %arg9[%get3A] {strides = array<i32>} : memref<560xi32, #tpu.memory_space<vmem>>, vector<16xi32>,
      %mul3A_411 = arith.constant 32 : i32
      %mul3A_412 = arith.muli %while3A_405, %mul3A_411 : i32
      %add3A_413 = arith.constant 0 : i32
      %add3A_414 = arith.addi %mul3A_412, %add3A_413 : i32
      %get3A_415 = arith.index_cast %add3A_414 : i32 to index
      %get3A_416 = tpu.vector_load %arg10[%get3A_415] {strides = array<i32>} : memref<560xi32, #tpu.memory_space<vmem>>, vector<16xi32>,
      %broadcast_in_dim3A_417 = arith.constant 0 : i32
      %broadcast_in_dim3A_418 = vector.broadcast %broadcast_in_dim3A_417 : i32 to vector<16xi32>
      %add3A_419 = arith.addi %get3A_410, %broadcast_in_dim3A_418 : vector<16xi32>
      %swap3A_420 = arith.constant 0 : i32
      %swap3A_421 = arith.index_cast %swap3A_420 : i32 to index
      %swap3A_422 = arith.constant 0 : index
      %swap3A_423 = tpu.vector_load %arg11[%swap3A_421, %swap3A_422] {strides = array<i32>} : memref<6x32xi32, #tpu.memory_space<vmem>>, vector<16xi32>,
      tpu.vector_store %arg11[%swap3A_421, %swap3A_422], %add3A_419 {strides = array<i32>} : memref<6x32xi32, #tpu.memory_space<vmem>>, vector<16xi32>,
      %broadcast_in_dim3A_424 = arith.constant 0 : i32
      %broadcast_in_dim3A_425 = vector.broadcast %broadcast_in_dim3A_424 : i32 to vector<16xi32>
      %add3A_426 = arith.addi %get3A_416, %broadcast_in_dim3A_425 : vector<16xi32>
      %swap3A_427 = arith.constant 0 : i32
      %swap3A_428 = arith.index_cast %swap3A_427 : i32 to index
      %swap3A_429 = arith.constant 0 : index
      %swap3A_430 = tpu.vector_load %arg12[%swap3A_428, %swap3A_429] {strides = array<i32>} : memref<6x32xi32, #tpu.memory_space<vmem>>, vector<16xi32>,
      tpu.vector_store %arg12[%swap3A_428, %swap3A_429], %add3A_426 {strides = array<i32>} : memref<6x32xi32, #tpu.memory_space<vmem>>, vector<16xi32>,
      %broadcast_in_dim3A_431 = arith.constant 1032 : i32
      %broadcast_in_dim3A_432 = vector.broadcast %broadcast_in_dim3A_431 : i32 to vector<16xi32>
      %add3A_433 = arith.addi %get3A_410, %broadcast_in_dim3A_432 : vector<16xi32>
      %swap3A_434 = arith.constant 1 : i32
      %swap3A_435 = arith.index_cast %swap3A_434 : i32 to index
      %swap3A_436 = arith.constant 0 : index
      %swap3A_437 = tpu.vector_load %arg11[%swap3A_435, %swap3A_436] {strides = array<i32>} : memref<6x32xi32, #tpu.memory_space<vmem>>, vector<16xi32>,
      tpu.vector_store %arg11[%swap3A_435, %swap3A_436], %add3A_433 {strides = array<i32>} : memref<6x32xi32, #tpu.memory_space<vmem>>, vector<16xi32>,
      %broadcast_in_dim3A_438 = arith.constant 2048 : i32
      %broadcast_in_dim3A_439 = vector.broadcast %broadcast_in_dim3A_438 : i32 to vector<16xi32>
      %add3A_440 = arith.addi %get3A_416, %broadcast_in_dim3A_439 : vector<16xi32>
      %swap3A_441 = arith.constant 1 : i32
      %swap3A_442 = arith.index_cast %swap3A_441 : i32 to index
      %swap3A_443 = arith.constant 0 : index
      %swap3A_444 = tpu.vector_load %arg12[%swap3A_442, %swap3A_443] {strides = array<i32>} : memref<6x32xi32, #tpu.memory_space<vmem>>, vector<16xi32>,
      tpu.vector_store %arg12[%swap3A_442, %swap3A_443], %add3A_440 {strides = array<i32>} : memref<6x32xi32, #tpu.memory_space<vmem>>, vector<16xi32>,
      %broadcast_in_dim3A_445 = arith.constant 2064 : i32
      %broadcast_in_dim3A_446 = vector.broadcast %broadcast_in_dim3A_445 : i32 to vector<16xi32>
      %add3A_447 = arith.addi %get3A_410, %broadcast_in_dim3A_446 : vector<16xi32>
      %swap3A_448 = arith.constant 2 : i32
      %swap3A_449 = arith.index_cast %swap3A_448 : i32 to index
      %swap3A_450 = arith.constant 0 : index
      %swap3A_451 = tpu.vector_load %arg11[%swap3A_449, %swap3A_450] {strides = array<i32>} : memref<6x32xi32, #tpu.memory_space<vmem>>, vector<16xi32>,
      tpu.vector_store %arg11[%swap3A_449, %swap3A_450], %add3A_447 {strides = array<i32>} : memref<6x32xi32, #tpu.memory_space<vmem>>, vector<16xi32>,
      %broadcast_in_dim3A_452 = arith.constant 4096 : i32
      %broadcast_in_dim3A_453 = vector.broadcast %broadcast_in_dim3A_452 : i32 to vector<16xi32>
      %add3A_454 = arith.addi %get3A_416, %broadcast_in_dim3A_453 : vector<16xi32>
      %swap3A_455 = arith.constant 2 : i32
      %swap3A_456 = arith.index_cast %swap3A_455 : i32 to index
      %swap3A_457 = arith.constant 0 : index
      %swap3A_458 = tpu.vector_load %arg12[%swap3A_456, %swap3A_457] {strides = array<i32>} : memref<6x32xi32, #tpu.memory_space<vmem>>, vector<16xi32>,
      tpu.vector_store %arg12[%swap3A_456, %swap3A_457], %add3A_454 {strides = array<i32>} : memref<6x32xi32, #tpu.memory_space<vmem>>, vector<16xi32>,
      %broadcast_in_dim3A_459 = arith.constant 3096 : i32
      %broadcast_in_dim3A_460 = vector.broadcast %broadcast_in_dim3A_459 : i32 to vector<16xi32>
      %add3A_461 = arith.addi %get3A_410, %broadcast_in_dim3A_460 : vector<16xi32>
      %swap3A_462 = arith.constant 3 : i32
      %swap3A_463 = arith.index_cast %swap3A_462 : i32 to index
      %swap3A_464 = arith.constant 0 : index
      %swap3A_465 = tpu.vector_load %arg11[%swap3A_463, %swap3A_464] {strides = array<i32>} : memref<6x32xi32, #tpu.memory_space<vmem>>, vector<16xi32>,
      tpu.vector_store %arg11[%swap3A_463, %swap3A_464], %add3A_461 {strides = array<i32>} : memref<6x32xi32, #tpu.memory_space<vmem>>, vector<16xi32>,
      %broadcast_in_dim3A_466 = arith.constant 6144 : i32
      %broadcast_in_dim3A_467 = vector.broadcast %broadcast_in_dim3A_466 : i32 to vector<16xi32>
      %add3A_468 = arith.addi %get3A_416, %broadcast_in_dim3A_467 : vector<16xi32>
      %swap3A_469 = arith.constant 3 : i32
      %swap3A_470 = arith.index_cast %swap3A_469 : i32 to index
      %swap3A_471 = arith.constant 0 : index
      %swap3A_472 = tpu.vector_load %arg12[%swap3A_470, %swap3A_471] {strides = array<i32>} : memref<6x32xi32, #tpu.memory_space<vmem>>, vector<16xi32>,
      tpu.vector_store %arg12[%swap3A_470, %swap3A_471], %add3A_468 {strides = array<i32>} : memref<6x32xi32, #tpu.memory_space<vmem>>, vector<16xi32>,
      %broadcast_in_dim3A_473 = arith.constant 4128 : i32
      %broadcast_in_dim3A_474 = vector.broadcast %broadcast_in_dim3A_473 : i32 to vector<16xi32>
      %add3A_475 = arith.addi %get3A_410, %broadcast_in_dim3A_474 : vector<16xi32>
      %swap3A_476 = arith.constant 4 : i32
      %swap3A_477 = arith.index_cast %swap3A_476 : i32 to index
      %swap3A_478 = arith.constant 0 : index
      %swap3A_479 = tpu.vector_load %arg11[%swap3A_477, %swap3A_478] {strides = array<i32>} : memref<6x32xi32, #tpu.memory_space<vmem>>, vector<16xi32>,
      tpu.vector_store %arg11[%swap3A_477, %swap3A_478], %add3A_475 {strides = array<i32>} : memref<6x32xi32, #tpu.memory_space<vmem>>, vector<16xi32>,
      %broadcast_in_dim3A_480 = arith.constant 8192 : i32
      %broadcast_in_dim3A_481 = vector.broadcast %broadcast_in_dim3A_480 : i32 to vector<16xi32>
      %add3A_482 = arith.addi %get3A_416, %broadcast_in_dim3A_481 : vector<16xi32>
      %swap3A_483 = arith.constant 4 : i32
      %swap3A_484 = arith.index_cast %swap3A_483 : i32 to index
      %swap3A_485 = arith.constant 0 : index
      %swap3A_486 = tpu.vector_load %arg12[%swap3A_484, %swap3A_485] {strides = array<i32>} : memref<6x32xi32, #tpu.memory_space<vmem>>, vector<16xi32>,
      tpu.vector_store %arg12[%swap3A_484, %swap3A_485], %add3A_482 {strides = array<i32>} : memref<6x32xi32, #tpu.memory_space<vmem>>, vector<16xi32>,
      %broadcast_in_dim3A_487 = arith.constant 5160 : i32
      %broadcast_in_dim3A_488 = vector.broadcast %broadcast_in_dim3A_487 : i32 to vector<16xi32>
      %add3A_489 = arith.addi %get3A_410, %broadcast_in_dim3A_488 : vector<16xi32>
      %swap3A_490 = arith.constant 5 : i32
      %swap3A_491 = arith.index_cast %swap3A_490 : i32 to index
      %swap3A_492 = arith.constant 0 : index
      %swap3A_493 = tpu.vector_load %arg11[%swap3A_491, %swap3A_492] {strides = array<i32>} : memref<6x32xi32, #tpu.memory_space<vmem>>, vector<16xi32>,
      tpu.vector_store %arg11[%swap3A_491, %swap3A_492], %add3A_489 {strides = array<i32>} : memref<6x32xi32, #tpu.memory_space<vmem>>, vector<16xi32>,
      %broadcast_in_dim3A_494 = arith.constant 10240 : i32
      %broadcast_in_dim3A_495 = vector.broadcast %broadcast_in_dim3A_494 : i32 to vector<16xi32>
      %add3A_496 = arith.addi %get3A_416, %broadcast_in_dim3A_495 : vector<16xi32>
      %swap3A_497 = arith.constant 5 : i32
      %swap3A_498 = arith.index_cast %swap3A_497 : i32 to index
      %swap3A_499 = arith.constant 0 : index
      %swap3A_500 = tpu.vector_load %arg12[%swap3A_498, %swap3A_499] {strides = array<i32>} : memref<6x32xi32, #tpu.memory_space<vmem>>, vector<16xi32>,
      tpu.vector_store %arg12[%swap3A_498, %swap3A_499], %add3A_496 {strides = array<i32>} : memref<6x32xi32, #tpu.memory_space<vmem>>, vector<16xi32>,
      %mul3A_501 = arith.constant 32 : i32
      %mul3A_502 = arith.muli %while3A_405, %mul3A_501 : i32
      %add3A_503 = arith.constant 16 : i32
      %add3A_504 = arith.addi %mul3A_502, %add3A_503 : i32
      %get3A_505 = arith.index_cast %add3A_504 : i32 to index
      %get3A_506 = tpu.vector_load %arg9[%get3A_505] {strides = array<i32>} : memref<560xi32, #tpu.memory_space<vmem>>, vector<16xi32>,
      %mul3A_507 = arith.constant 32 : i32
      %mul3A_508 = arith.muli %while3A_405, %mul3A_507 : i32
      %add3A_509 = arith.constant 16 : i32
      %add3A_510 = arith.addi %mul3A_508, %add3A_509 : i32
      %get3A_511 = arith.index_cast %add3A_510 : i32 to index
      %get3A_512 = tpu.vector_load %arg10[%get3A_511] {strides = array<i32>} : memref<560xi32, #tpu.memory_space<vmem>>, vector<16xi32>,
      %broadcast_in_dim3A_513 = arith.constant 0 : i32
      %broadcast_in_dim3A_514 = vector.broadcast %broadcast_in_dim3A_513 : i32 to vector<16xi32>
      %add3A_515 = arith.addi %get3A_506, %broadcast_in_dim3A_514 : vector<16xi32>
      %swap3A_516 = arith.constant 0 : i32
      %swap3A_517 = arith.index_cast %swap3A_516 : i32 to index
      %swap3A_518 = arith.constant 16 : index
      %swap3A_519 = tpu.vector_load %arg11[%swap3A_517, %swap3A_518] {strides = array<i32>} : memref<6x32xi32, #tpu.memory_space<vmem>>, vector<16xi32>,
      tpu.vector_store %arg11[%swap3A_517, %swap3A_518], %add3A_515 {strides = array<i32>} : memref<6x32xi32, #tpu.memory_space<vmem>>, vector<16xi32>,
      %broadcast_in_dim3A_520 = arith.constant 0 : i32
      %broadcast_in_dim3A_521 = vector.broadcast %broadcast_in_dim3A_520 : i32 to vector<16xi32>
      %add3A_522 = arith.addi %get3A_512, %broadcast_in_dim3A_521 : vector<16xi32>
      %swap3A_523 = arith.constant 0 : i32
      %swap3A_524 = arith.index_cast %swap3A_523 : i32 to index
      %swap3A_525 = arith.constant 16 : index
      %swap3A_526 = tpu.vector_load %arg12[%swap3A_524, %swap3A_525] {strides = array<i32>} : memref<6x32xi32, #tpu.memory_space<vmem>>, vector<16xi32>,
      tpu.vector_store %arg12[%swap3A_524, %swap3A_525], %add3A_522 {strides = array<i32>} : memref<6x32xi32, #tpu.memory_space<vmem>>, vector<16xi32>,
      %broadcast_in_dim3A_527 = arith.constant 1032 : i32
      %broadcast_in_dim3A_528 = vector.broadcast %broadcast_in_dim3A_527 : i32 to vector<16xi32>
      %add3A_529 = arith.addi %get3A_506, %broadcast_in_dim3A_528 : vector<16xi32>
      %swap3A_530 = arith.constant 1 : i32
      %swap3A_531 = arith.index_cast %swap3A_530 : i32 to index
      %swap3A_532 = arith.constant 16 : index
      %swap3A_533 = tpu.vector_load %arg11[%swap3A_531, %swap3A_532] {strides = array<i32>} : memref<6x32xi32, #tpu.memory_space<vmem>>, vector<16xi32>,
      tpu.vector_store %arg11[%swap3A_531, %swap3A_532], %add3A_529 {strides = array<i32>} : memref<6x32xi32, #tpu.memory_space<vmem>>, vector<16xi32>,
      %broadcast_in_dim3A_534 = arith.constant 2048 : i32
      %broadcast_in_dim3A_535 = vector.broadcast %broadcast_in_dim3A_534 : i32 to vector<16xi32>
      %add3A_536 = arith.addi %get3A_512, %broadcast_in_dim3A_535 : vector<16xi32>
      %swap3A_537 = arith.constant 1 : i32
      %swap3A_538 = arith.index_cast %swap3A_537 : i32 to index
      %swap3A_539 = arith.constant 16 : index
      %swap3A_540 = tpu.vector_load %arg12[%swap3A_538, %swap3A_539] {strides = array<i32>} : memref<6x32xi32, #tpu.memory_space<vmem>>, vector<16xi32>,
      tpu.vector_store %arg12[%swap3A_538, %swap3A_539], %add3A_536 {strides = array<i32>} : memref<6x32xi32, #tpu.memory_space<vmem>>, vector<16xi32>,
      %broadcast_in_dim3A_541 = arith.constant 2064 : i32
      %broadcast_in_dim3A_542 = vector.broadcast %broadcast_in_dim3A_541 : i32 to vector<16xi32>
      %add3A_543 = arith.addi %get3A_506, %broadcast_in_dim3A_542 : vector<16xi32>
      %swap3A_544 = arith.constant 2 : i32
      %swap3A_545 = arith.index_cast %swap3A_544 : i32 to index
      %swap3A_546 = arith.constant 16 : index
      %swap3A_547 = tpu.vector_load %arg11[%swap3A_545, %swap3A_546] {strides = array<i32>} : memref<6x32xi32, #tpu.memory_space<vmem>>, vector<16xi32>,
      tpu.vector_store %arg11[%swap3A_545, %swap3A_546], %add3A_543 {strides = array<i32>} : memref<6x32xi32, #tpu.memory_space<vmem>>, vector<16xi32>,
      %broadcast_in_dim3A_548 = arith.constant 4096 : i32
      %broadcast_in_dim3A_549 = vector.broadcast %broadcast_in_dim3A_548 : i32 to vector<16xi32>
      %add3A_550 = arith.addi %get3A_512, %broadcast_in_dim3A_549 : vector<16xi32>
      %swap3A_551 = arith.constant 2 : i32
      %swap3A_552 = arith.index_cast %swap3A_551 : i32 to index
      %swap3A_553 = arith.constant 16 : index
      %swap3A_554 = tpu.vector_load %arg12[%swap3A_552, %swap3A_553] {strides = array<i32>} : memref<6x32xi32, #tpu.memory_space<vmem>>, vector<16xi32>,
      tpu.vector_store %arg12[%swap3A_552, %swap3A_553], %add3A_550 {strides = array<i32>} : memref<6x32xi32, #tpu.memory_space<vmem>>, vector<16xi32>,
      %broadcast_in_dim3A_555 = arith.constant 3096 : i32
      %broadcast_in_dim3A_556 = vector.broadcast %broadcast_in_dim3A_555 : i32 to vector<16xi32>
      %add3A_557 = arith.addi %get3A_506, %broadcast_in_dim3A_556 : vector<16xi32>
      %swap3A_558 = arith.constant 3 : i32
      %swap3A_559 = arith.index_cast %swap3A_558 : i32 to index
      %swap3A_560 = arith.constant 16 : index
      %swap3A_561 = tpu.vector_load %arg11[%swap3A_559, %swap3A_560] {strides = array<i32>} : memref<6x32xi32, #tpu.memory_space<vmem>>, vector<16xi32>,
      tpu.vector_store %arg11[%swap3A_559, %swap3A_560], %add3A_557 {strides = array<i32>} : memref<6x32xi32, #tpu.memory_space<vmem>>, vector<16xi32>,
      %broadcast_in_dim3A_562 = arith.constant 6144 : i32
      %broadcast_in_dim3A_563 = vector.broadcast %broadcast_in_dim3A_562 : i32 to vector<16xi32>
      %add3A_564 = arith.addi %get3A_512, %broadcast_in_dim3A_563 : vector<16xi32>
      %swap3A_565 = arith.constant 3 : i32
      %swap3A_566 = arith.index_cast %swap3A_565 : i32 to index
      %swap3A_567 = arith.constant 16 : index
      %swap3A_568 = tpu.vector_load %arg12[%swap3A_566, %swap3A_567] {strides = array<i32>} : memref<6x32xi32, #tpu.memory_space<vmem>>, vector<16xi32>,
      tpu.vector_store %arg12[%swap3A_566, %swap3A_567], %add3A_564 {strides = array<i32>} : memref<6x32xi32, #tpu.memory_space<vmem>>, vector<16xi32>,
      %broadcast_in_dim3A_569 = arith.constant 4128 : i32
      %broadcast_in_dim3A_570 = vector.broadcast %broadcast_in_dim3A_569 : i32 to vector<16xi32>
      %add3A_571 = arith.addi %get3A_506, %broadcast_in_dim3A_570 : vector<16xi32>
      %swap3A_572 = arith.constant 4 : i32
      %swap3A_573 = arith.index_cast %swap3A_572 : i32 to index
      %swap3A_574 = arith.constant 16 : index
      %swap3A_575 = tpu.vector_load %arg11[%swap3A_573, %swap3A_574] {strides = array<i32>} : memref<6x32xi32, #tpu.memory_space<vmem>>, vector<16xi32>,
      tpu.vector_store %arg11[%swap3A_573, %swap3A_574], %add3A_571 {strides = array<i32>} : memref<6x32xi32, #tpu.memory_space<vmem>>, vector<16xi32>,
      %broadcast_in_dim3A_576 = arith.constant 8192 : i32
      %broadcast_in_dim3A_577 = vector.broadcast %broadcast_in_dim3A_576 : i32 to vector<16xi32>
      %add3A_578 = arith.addi %get3A_512, %broadcast_in_dim3A_577 : vector<16xi32>
      %swap3A_579 = arith.constant 4 : i32
      %swap3A_580 = arith.index_cast %swap3A_579 : i32 to index
      %swap3A_581 = arith.constant 16 : index
      %swap3A_582 = tpu.vector_load %arg12[%swap3A_580, %swap3A_581] {strides = array<i32>} : memref<6x32xi32, #tpu.memory_space<vmem>>, vector<16xi32>,
      tpu.vector_store %arg12[%swap3A_580, %swap3A_581], %add3A_578 {strides = array<i32>} : memref<6x32xi32, #tpu.memory_space<vmem>>, vector<16xi32>,
      %broadcast_in_dim3A_583 = arith.constant 5160 : i32
      %broadcast_in_dim3A_584 = vector.broadcast %broadcast_in_dim3A_583 : i32 to vector<16xi32>
      %add3A_585 = arith.addi %get3A_506, %broadcast_in_dim3A_584 : vector<16xi32>
      %swap3A_586 = arith.constant 5 : i32
      %swap3A_587 = arith.index_cast %swap3A_586 : i32 to index
      %swap3A_588 = arith.constant 16 : index
      %swap3A_589 = tpu.vector_load %arg11[%swap3A_587, %swap3A_588] {strides = array<i32>} : memref<6x32xi32, #tpu.memory_space<vmem>>, vector<16xi32>,
      tpu.vector_store %arg11[%swap3A_587, %swap3A_588], %add3A_585 {strides = array<i32>} : memref<6x32xi32, #tpu.memory_space<vmem>>, vector<16xi32>,
      %broadcast_in_dim3A_590 = arith.constant 10240 : i32
      %broadcast_in_dim3A_591 = vector.broadcast %broadcast_in_dim3A_590 : i32 to vector<16xi32>
      %add3A_592 = arith.addi %get3A_512, %broadcast_in_dim3A_591 : vector<16xi32>
      %swap3A_593 = arith.constant 5 : i32
      %swap3A_594 = arith.index_cast %swap3A_593 : i32 to index
      %swap3A_595 = arith.constant 16 : index
      %swap3A_596 = tpu.vector_load %arg12[%swap3A_594, %swap3A_595] {strides = array<i32>} : memref<6x32xi32, #tpu.memory_space<vmem>>, vector<16xi32>,
      tpu.vector_store %arg12[%swap3A_594, %swap3A_595], %add3A_592 {strides = array<i32>} : memref<6x32xi32, #tpu.memory_space<vmem>>, vector<16xi32>,
      %dma_start3A_597 = arith.constant 0 : i32
      %dma_start3A_598 = arith.constant 0 : i32
      %dma_start3A_599 = arith.constant 0 : i32
      %dma_start3A_600 = arith.constant 0 : i32
      %dma_start3A_601 = tpu.memref_slice %arg13[%dma_start3A_598, %dma_start3A_599, %dma_start3A_600] : memref<6x32x128xf32, #tpu.memory_space<vmem>> -> memref<1x32x128xf32, #tpu.memory_space<vmem>>
      %dma_start3A_602 = tpu.memref_squeeze %dma_start3A_601 : memref<1x32x128xf32, #tpu.memory_space<vmem>> -> memref<32x128xf32, #tpu.memory_space<vmem>>
      %dma_start3A_603 = arith.constant 0 : i32
      %dma_start3A_604 = tpu.memref_slice %arg11[%dma_start3A_597, %dma_start3A_603] : memref<6x32xi32, #tpu.memory_space<vmem>> -> memref<1x32xi32, #tpu.memory_space<vmem>>
      %dma_start3A_605 = tpu.memref_squeeze %dma_start3A_604 : memref<1x32xi32, #tpu.memory_space<vmem>> -> memref<32xi32, #tpu.memory_space<vmem>>
      %dma_start3A_606 = arith.constant 0 : i32
      %dma_start3A_607 = arith.constant 0 : i32
      %dma_start3A_608 = tpu.memref_slice %arg3[%dma_start3A_606, %dma_start3A_607] : memref<6192x128xf32, #tpu.memory_space<hbm>> -> memref<6192x128xf32, #tpu.memory_space<hbm>>
      tpu.enqueue_indirect_dma source(%dma_start3A_608 : memref<6192x128xf32, #tpu.memory_space<hbm>>) target(%dma_start3A_602 : memref<32x128xf32, #tpu.memory_space<vmem>>) offsets(%dma_start3A_605 : memref<32xi32, #tpu.memory_space<vmem>>) semaphore(%arg15 : memref<!tpu.dma_semaphore, #tpu.memory_space<semaphore_mem>>)
      %dma_start3A_609 = arith.constant 1 : i32
      %dma_start3A_610 = arith.constant 1 : i32
      %dma_start3A_611 = arith.constant 0 : i32
      %dma_start3A_612 = arith.constant 0 : i32
      %dma_start3A_613 = tpu.memref_slice %arg13[%dma_start3A_610, %dma_start3A_611, %dma_start3A_612] : memref<6x32x128xf32, #tpu.memory_space<vmem>> -> memref<1x32x128xf32, #tpu.memory_space<vmem>>
      %dma_start3A_614 = tpu.memref_squeeze %dma_start3A_613 : memref<1x32x128xf32, #tpu.memory_space<vmem>> -> memref<32x128xf32, #tpu.memory_space<vmem>>
      %dma_start3A_615 = arith.constant 0 : i32
      %dma_start3A_616 = tpu.memref_slice %arg11[%dma_start3A_609, %dma_start3A_615] : memref<6x32xi32, #tpu.memory_space<vmem>> -> memref<1x32xi32, #tpu.memory_space<vmem>>
      %dma_start3A_617 = tpu.memref_squeeze %dma_start3A_616 : memref<1x32xi32, #tpu.memory_space<vmem>> -> memref<32xi32, #tpu.memory_space<vmem>>
      %dma_start3A_618 = arith.constant 0 : i32
      %dma_start3A_619 = arith.constant 0 : i32
      %dma_start3A_620 = tpu.memref_slice %arg3[%dma_start3A_618, %dma_start3A_619] : memref<6192x128xf32, #tpu.memory_space<hbm>> -> memref<6192x128xf32, #tpu.memory_space<hbm>>
      tpu.enqueue_indirect_dma source(%dma_start3A_620 : memref<6192x128xf32, #tpu.memory_space<hbm>>) target(%dma_start3A_614 : memref<32x128xf32, #tpu.memory_space<vmem>>) offsets(%dma_start3A_617 : memref<32xi32, #tpu.memory_space<vmem>>) semaphore(%arg15 : memref<!tpu.dma_semaphore, #tpu.memory_space<semaphore_mem>>)
      %dma_start3A_621 = arith.constant 2 : i32
      %dma_start3A_622 = arith.constant 2 : i32
      %dma_start3A_623 = arith.constant 0 : i32
      %dma_start3A_624 = arith.constant 0 : i32
      %dma_start3A_625 = tpu.memref_slice %arg13[%dma_start3A_622, %dma_start3A_623, %dma_start3A_624] : memref<6x32x128xf32, #tpu.memory_space<vmem>> -> memref<1x32x128xf32, #tpu.memory_space<vmem>>
      %dma_start3A_626 = tpu.memref_squeeze %dma_start3A_625 : memref<1x32x128xf32, #tpu.memory_space<vmem>> -> memref<32x128xf32, #tpu.memory_space<vmem>>
      %dma_start3A_627 = arith.constant 0 : i32
      %dma_start3A_628 = tpu.memref_slice %arg11[%dma_start3A_621, %dma_start3A_627] : memref<6x32xi32, #tpu.memory_space<vmem>> -> memref<1x32xi32, #tpu.memory_space<vmem>>
      %dma_start3A_629 = tpu.memref_squeeze %dma_start3A_628 : memref<1x32xi32, #tpu.memory_space<vmem>> -> memref<32xi32, #tpu.memory_space<vmem>>
      %dma_start3A_630 = arith.constant 0 : i32
      %dma_start3A_631 = arith.constant 0 : i32
      %dma_start3A_632 = tpu.memref_slice %arg3[%dma_start3A_630, %dma_start3A_631] : memref<6192x128xf32, #tpu.memory_space<hbm>> -> memref<6192x128xf32, #tpu.memory_space<hbm>>
      tpu.enqueue_indirect_dma source(%dma_start3A_632 : memref<6192x128xf32, #tpu.memory_space<hbm>>) target(%dma_start3A_626 : memref<32x128xf32, #tpu.memory_space<vmem>>) offsets(%dma_start3A_629 : memref<32xi32, #tpu.memory_space<vmem>>) semaphore(%arg15 : memref<!tpu.dma_semaphore, #tpu.memory_space<semaphore_mem>>)
      %dma_start3A_633 = arith.constant 3 : i32
      %dma_start3A_634 = arith.constant 3 : i32
      %dma_start3A_635 = arith.constant 0 : i32
      %dma_start3A_636 = arith.constant 0 : i32
      %dma_start3A_637 = tpu.memref_slice %arg13[%dma_start3A_634, %dma_start3A_635, %dma_start3A_636] : memref<6x32x128xf32, #tpu.memory_space<vmem>> -> memref<1x32x128xf32, #tpu.memory_space<vmem>>
      %dma_start3A_638 = tpu.memref_squeeze %dma_start3A_637 : memref<1x32x128xf32, #tpu.memory_space<vmem>> -> memref<32x128xf32, #tpu.memory_space<vmem>>
      %dma_start3A_639 = arith.constant 0 : i32
      %dma_start3A_640 = tpu.memref_slice %arg11[%dma_start3A_633, %dma_start3A_639] : memref<6x32xi32, #tpu.memory_space<vmem>> -> memref<1x32xi32, #tpu.memory_space<vmem>>
      %dma_start3A_641 = tpu.memref_squeeze %dma_start3A_640 : memref<1x32xi32, #tpu.memory_space<vmem>> -> memref<32xi32, #tpu.memory_space<vmem>>
      %dma_start3A_642 = arith.constant 0 : i32
      %dma_start3A_643 = arith.constant 0 : i32
      %dma_start3A_644 = tpu.memref_slice %arg3[%dma_start3A_642, %dma_start3A_643] : memref<6192x128xf32, #tpu.memory_space<hbm>> -> memref<6192x128xf32, #tpu.memory_space<hbm>>
      tpu.enqueue_indirect_dma source(%dma_start3A_644 : memref<6192x128xf32, #tpu.memory_space<hbm>>) target(%dma_start3A_638 : memref<32x128xf32, #tpu.memory_space<vmem>>) offsets(%dma_start3A_641 : memref<32xi32, #tpu.memory_space<vmem>>) semaphore(%arg15 : memref<!tpu.dma_semaphore, #tpu.memory_space<semaphore_mem>>)
      %dma_start3A_645 = arith.constant 4 : i32
      %dma_start3A_646 = arith.constant 4 : i32
      %dma_start3A_647 = arith.constant 0 : i32
      %dma_start3A_648 = arith.constant 0 : i32
      %dma_start3A_649 = tpu.memref_slice %arg13[%dma_start3A_646, %dma_start3A_647, %dma_start3A_648] : memref<6x32x128xf32, #tpu.memory_space<vmem>> -> memref<1x32x128xf32, #tpu.memory_space<vmem>>
      %dma_start3A_650 = tpu.memref_squeeze %dma_start3A_649 : memref<1x32x128xf32, #tpu.memory_space<vmem>> -> memref<32x128xf32, #tpu.memory_space<vmem>>
      %dma_start3A_651 = arith.constant 0 : i32
      %dma_start3A_652 = tpu.memref_slice %arg11[%dma_start3A_645, %dma_start3A_651] : memref<6x32xi32, #tpu.memory_space<vmem>> -> memref<1x32xi32, #tpu.memory_space<vmem>>
      %dma_start3A_653 = tpu.memref_squeeze %dma_start3A_652 : memref<1x32xi32, #tpu.memory_space<vmem>> -> memref<32xi32, #tpu.memory_space<vmem>>
      %dma_start3A_654 = arith.constant 0 : i32
      %dma_start3A_655 = arith.constant 0 : i32
      %dma_start3A_656 = tpu.memref_slice %arg3[%dma_start3A_654, %dma_start3A_655] : memref<6192x128xf32, #tpu.memory_space<hbm>> -> memref<6192x128xf32, #tpu.memory_space<hbm>>
      tpu.enqueue_indirect_dma source(%dma_start3A_656 : memref<6192x128xf32, #tpu.memory_space<hbm>>) target(%dma_start3A_650 : memref<32x128xf32, #tpu.memory_space<vmem>>) offsets(%dma_start3A_653 : memref<32xi32, #tpu.memory_space<vmem>>) semaphore(%arg15 : memref<!tpu.dma_semaphore, #tpu.memory_space<semaphore_mem>>)
      %dma_start3A_657 = arith.constant 5 : i32
      %dma_start3A_658 = arith.constant 5 : i32
      %dma_start3A_659 = arith.constant 0 : i32
      %dma_start3A_660 = arith.constant 0 : i32
      %dma_start3A_661 = tpu.memref_slice %arg13[%dma_start3A_658, %dma_start3A_659, %dma_start3A_660] : memref<6x32x128xf32, #tpu.memory_space<vmem>> -> memref<1x32x128xf32, #tpu.memory_space<vmem>>
      %dma_start3A_662 = tpu.memref_squeeze %dma_start3A_661 : memref<1x32x128xf32, #tpu.memory_space<vmem>> -> memref<32x128xf32, #tpu.memory_space<vmem>>
      %dma_start3A_663 = arith.constant 0 : i32
      %dma_start3A_664 = tpu.memref_slice %arg11[%dma_start3A_657, %dma_start3A_663] : memref<6x32xi32, #tpu.memory_space<vmem>> -> memref<1x32xi32, #tpu.memory_space<vmem>>
      %dma_start3A_665 = tpu.memref_squeeze %dma_start3A_664 : memref<1x32xi32, #tpu.memory_space<vmem>> -> memref<32xi32, #tpu.memory_space<vmem>>
      %dma_start3A_666 = arith.constant 0 : i32
      %dma_start3A_667 = arith.constant 0 : i32
      %dma_start3A_668 = tpu.memref_slice %arg3[%dma_start3A_666, %dma_start3A_667] : memref<6192x128xf32, #tpu.memory_space<hbm>> -> memref<6192x128xf32, #tpu.memory_space<hbm>>
      tpu.enqueue_indirect_dma source(%dma_start3A_668 : memref<6192x128xf32, #tpu.memory_space<hbm>>) target(%dma_start3A_662 : memref<32x128xf32, #tpu.memory_space<vmem>>) offsets(%dma_start3A_665 : memref<32xi32, #tpu.memory_space<vmem>>) semaphore(%arg15 : memref<!tpu.dma_semaphore, #tpu.memory_space<semaphore_mem>>)
      %dma_wait3A_669 = arith.constant 0 : i32
      %dma_wait3A_670 = arith.constant 0 : i32
      %dma_wait3A_671 = arith.constant 0 : i32
      %dma_wait3A_672 = arith.constant 0 : i32
      %dma_wait3A_673 = tpu.memref_slice %arg13[%dma_wait3A_670, %dma_wait3A_671, %dma_wait3A_672] : memref<6x32x128xf32, #tpu.memory_space<vmem>> -> memref<1x32x128xf32, #tpu.memory_space<vmem>>
      %dma_wait3A_674 = tpu.memref_squeeze %dma_wait3A_673 : memref<1x32x128xf32, #tpu.memory_space<vmem>> -> memref<32x128xf32, #tpu.memory_space<vmem>>
      %dma_wait3A_675 = arith.constant 0 : i32
      %dma_wait3A_676 = tpu.memref_slice %arg11[%dma_wait3A_669, %dma_wait3A_675] : memref<6x32xi32, #tpu.memory_space<vmem>> -> memref<1x32xi32, #tpu.memory_space<vmem>>
      %dma_wait3A_677 = tpu.memref_squeeze %dma_wait3A_676 : memref<1x32xi32, #tpu.memory_space<vmem>> -> memref<32xi32, #tpu.memory_space<vmem>>
      %dma_wait3A_678 = arith.constant 0 : i32
      %dma_wait3A_679 = arith.constant 0 : i32
      %dma_wait3A_680 = tpu.memref_slice %arg3[%dma_wait3A_678, %dma_wait3A_679] : memref<6192x128xf32, #tpu.memory_space<hbm>> -> memref<6192x128xf32, #tpu.memory_space<hbm>>
      tpu.wait_indirect_dma semaphore(%arg15 : memref<!tpu.dma_semaphore, #tpu.memory_space<semaphore_mem>>) src(%dma_wait3A_680 : memref<6192x128xf32, #tpu.memory_space<hbm>>) dst(%dma_wait3A_674 : memref<32x128xf32, #tpu.memory_space<vmem>>)
      %run_scoped3A = arith.constant 0 : i32
      %run_scoped3A_681 = arith.constant 0 : i32
      "tpu.region"() ({
        %run_scoped3A_752 = tpu.sem_alloc : memref<!tpu.dma_semaphore, #tpu.memory_space<semaphore_mem>>
        %dma_start3A_753 = arith.constant 0 : i32
        %dma_start3A_754 = arith.constant 0 : i32
        %dma_start3A_755 = tpu.memref_slice %arg13[%run_scoped3A, %dma_start3A_753, %dma_start3A_754] : memref<6x32x128xf32, #tpu.memory_space<vmem>> -> memref<1x32x128xf32, #tpu.memory_space<vmem>>
        %dma_start3A_756 = tpu.memref_squeeze %dma_start3A_755 : memref<1x32x128xf32, #tpu.memory_space<vmem>> -> memref<32x128xf32, #tpu.memory_space<vmem>>
        %dma_start3A_757 = arith.constant 0 : i32
        %dma_start3A_758 = tpu.memref_slice %arg12[%run_scoped3A_681, %dma_start3A_757] : memref<6x32xi32, #tpu.memory_space<vmem>> -> memref<1x32xi32, #tpu.memory_space<vmem>>
        %dma_start3A_759 = tpu.memref_squeeze %dma_start3A_758 : memref<1x32xi32, #tpu.memory_space<vmem>> -> memref<32xi32, #tpu.memory_space<vmem>>
        %dma_start3A_760 = arith.constant 0 : i32
        %dma_start3A_761 = arith.constant 0 : i32
        %dma_start3A_762 = tpu.memref_slice %arg14[%dma_start3A_760, %dma_start3A_761] : memref<12288x128xf32, #tpu.memory_space<vmem_shared>> -> memref<12288x128xf32, #tpu.memory_space<vmem_shared>>
        tpu.enqueue_indirect_dma source(%dma_start3A_756 : memref<32x128xf32, #tpu.memory_space<vmem>>) target(%dma_start3A_762 : memref<12288x128xf32, #tpu.memory_space<vmem_shared>>) offsets(%dma_start3A_759 : memref<32xi32, #tpu.memory_space<vmem>>) semaphore(%run_scoped3A_752 : memref<!tpu.dma_semaphore, #tpu.memory_space<semaphore_mem>>) {add = true}
        %dma_wait3A_763 = arith.constant 0 : i32
        %dma_wait3A_764 = arith.constant 0 : i32
        %dma_wait3A_765 = tpu.memref_slice %arg13[%run_scoped3A, %dma_wait3A_763, %dma_wait3A_764] : memref<6x32x128xf32, #tpu.memory_space<vmem>> -> memref<1x32x128xf32, #tpu.memory_space<vmem>>
        %dma_wait3A_766 = tpu.memref_squeeze %dma_wait3A_765 : memref<1x32x128xf32, #tpu.memory_space<vmem>> -> memref<32x128xf32, #tpu.memory_space<vmem>>
        %dma_wait3A_767 = arith.constant 0 : i32
        %dma_wait3A_768 = tpu.memref_slice %arg12[%run_scoped3A_681, %dma_wait3A_767] : memref<6x32xi32, #tpu.memory_space<vmem>> -> memref<1x32xi32, #tpu.memory_space<vmem>>
        %dma_wait3A_769 = tpu.memref_squeeze %dma_wait3A_768 : memref<1x32xi32, #tpu.memory_space<vmem>> -> memref<32xi32, #tpu.memory_space<vmem>>
        %dma_wait3A_770 = arith.constant 0 : i32
        %dma_wait3A_771 = arith.constant 0 : i32
        %dma_wait3A_772 = tpu.memref_slice %arg14[%dma_wait3A_770, %dma_wait3A_771] : memref<12288x128xf32, #tpu.memory_space<vmem_shared>> -> memref<12288x128xf32, #tpu.memory_space<vmem_shared>>
        tpu.wait_indirect_dma semaphore(%run_scoped3A_752 : memref<!tpu.dma_semaphore, #tpu.memory_space<semaphore_mem>>) src(%dma_wait3A_766 : memref<32x128xf32, #tpu.memory_space<vmem>>) dst(%dma_wait3A_772 : memref<12288x128xf32, #tpu.memory_space<vmem_shared>>)
        tpu.yield
      }) : () -> ()
      %dma_wait3A_682 = arith.constant 1 : i32
      %dma_wait3A_683 = arith.constant 1 : i32
      %dma_wait3A_684 = arith.constant 0 : i32
      %dma_wait3A_685 = arith.constant 0 : i32
      %dma_wait3A_686 = tpu.memref_slice %arg13[%dma_wait3A_683, %dma_wait3A_684, %dma_wait3A_685] : memref<6x32x128xf32, #tpu.memory_space<vmem>> -> memref<1x32x128xf32, #tpu.memory_space<vmem>>
      %dma_wait3A_687 = tpu.memref_squeeze %dma_wait3A_686 : memref<1x32x128xf32, #tpu.memory_space<vmem>> -> memref<32x128xf32, #tpu.memory_space<vmem>>
      %dma_wait3A_688 = arith.constant 0 : i32
      %dma_wait3A_689 = tpu.memref_slice %arg11[%dma_wait3A_682, %dma_wait3A_688] : memref<6x32xi32, #tpu.memory_space<vmem>> -> memref<1x32xi32, #tpu.memory_space<vmem>>
      %dma_wait3A_690 = tpu.memref_squeeze %dma_wait3A_689 : memref<1x32xi32, #tpu.memory_space<vmem>> -> memref<32xi32, #tpu.memory_space<vmem>>
      %dma_wait3A_691 = arith.constant 0 : i32
      %dma_wait3A_692 = arith.constant 0 : i32
      %dma_wait3A_693 = tpu.memref_slice %arg3[%dma_wait3A_691, %dma_wait3A_692] : memref<6192x128xf32, #tpu.memory_space<hbm>> -> memref<6192x128xf32, #tpu.memory_space<hbm>>
      tpu.wait_indirect_dma semaphore(%arg15 : memref<!tpu.dma_semaphore, #tpu.memory_space<semaphore_mem>>) src(%dma_wait3A_693 : memref<6192x128xf32, #tpu.memory_space<hbm>>) dst(%dma_wait3A_687 : memref<32x128xf32, #tpu.memory_space<vmem>>)
      %run_scoped3A_694 = arith.constant 1 : i32
      %run_scoped3A_695 = arith.constant 1 : i32
      "tpu.region"() ({
        %run_scoped3A_752 = tpu.sem_alloc : memref<!tpu.dma_semaphore, #tpu.memory_space<semaphore_mem>>
        %dma_start3A_753 = arith.constant 0 : i32
        %dma_start3A_754 = arith.constant 0 : i32
        %dma_start3A_755 = tpu.memref_slice %arg13[%run_scoped3A_694, %dma_start3A_753, %dma_start3A_754] : memref<6x32x128xf32, #tpu.memory_space<vmem>> -> memref<1x32x128xf32, #tpu.memory_space<vmem>>
        %dma_start3A_756 = tpu.memref_squeeze %dma_start3A_755 : memref<1x32x128xf32, #tpu.memory_space<vmem>> -> memref<32x128xf32, #tpu.memory_space<vmem>>
        %dma_start3A_757 = arith.constant 0 : i32
        %dma_start3A_758 = tpu.memref_slice %arg12[%run_scoped3A_695, %dma_start3A_757] : memref<6x32xi32, #tpu.memory_space<vmem>> -> memref<1x32xi32, #tpu.memory_space<vmem>>
        %dma_start3A_759 = tpu.memref_squeeze %dma_start3A_758 : memref<1x32xi32, #tpu.memory_space<vmem>> -> memref<32xi32, #tpu.memory_space<vmem>>
        %dma_start3A_760 = arith.constant 0 : i32
        %dma_start3A_761 = arith.constant 0 : i32
        %dma_start3A_762 = tpu.memref_slice %arg14[%dma_start3A_760, %dma_start3A_761] : memref<12288x128xf32, #tpu.memory_space<vmem_shared>> -> memref<12288x128xf32, #tpu.memory_space<vmem_shared>>
        tpu.enqueue_indirect_dma source(%dma_start3A_756 : memref<32x128xf32, #tpu.memory_space<vmem>>) target(%dma_start3A_762 : memref<12288x128xf32, #tpu.memory_space<vmem_shared>>) offsets(%dma_start3A_759 : memref<32xi32, #tpu.memory_space<vmem>>) semaphore(%run_scoped3A_752 : memref<!tpu.dma_semaphore, #tpu.memory_space<semaphore_mem>>) {add = true}
        %dma_wait3A_763 = arith.constant 0 : i32
        %dma_wait3A_764 = arith.constant 0 : i32
        %dma_wait3A_765 = tpu.memref_slice %arg13[%run_scoped3A_694, %dma_wait3A_763, %dma_wait3A_764] : memref<6x32x128xf32, #tpu.memory_space<vmem>> -> memref<1x32x128xf32, #tpu.memory_space<vmem>>
        %dma_wait3A_766 = tpu.memref_squeeze %dma_wait3A_765 : memref<1x32x128xf32, #tpu.memory_space<vmem>> -> memref<32x128xf32, #tpu.memory_space<vmem>>
        %dma_wait3A_767 = arith.constant 0 : i32
        %dma_wait3A_768 = tpu.memref_slice %arg12[%run_scoped3A_695, %dma_wait3A_767] : memref<6x32xi32, #tpu.memory_space<vmem>> -> memref<1x32xi32, #tpu.memory_space<vmem>>
        %dma_wait3A_769 = tpu.memref_squeeze %dma_wait3A_768 : memref<1x32xi32, #tpu.memory_space<vmem>> -> memref<32xi32, #tpu.memory_space<vmem>>
        %dma_wait3A_770 = arith.constant 0 : i32
        %dma_wait3A_771 = arith.constant 0 : i32
        %dma_wait3A_772 = tpu.memref_slice %arg14[%dma_wait3A_770, %dma_wait3A_771] : memref<12288x128xf32, #tpu.memory_space<vmem_shared>> -> memref<12288x128xf32, #tpu.memory_space<vmem_shared>>
        tpu.wait_indirect_dma semaphore(%run_scoped3A_752 : memref<!tpu.dma_semaphore, #tpu.memory_space<semaphore_mem>>) src(%dma_wait3A_766 : memref<32x128xf32, #tpu.memory_space<vmem>>) dst(%dma_wait3A_772 : memref<12288x128xf32, #tpu.memory_space<vmem_shared>>)
        tpu.yield
      }) : () -> ()
      %dma_wait3A_696 = arith.constant 2 : i32
      %dma_wait3A_697 = arith.constant 2 : i32
      %dma_wait3A_698 = arith.constant 0 : i32
      %dma_wait3A_699 = arith.constant 0 : i32
      %dma_wait3A_700 = tpu.memref_slice %arg13[%dma_wait3A_697, %dma_wait3A_698, %dma_wait3A_699] : memref<6x32x128xf32, #tpu.memory_space<vmem>> -> memref<1x32x128xf32, #tpu.memory_space<vmem>>
      %dma_wait3A_701 = tpu.memref_squeeze %dma_wait3A_700 : memref<1x32x128xf32, #tpu.memory_space<vmem>> -> memref<32x128xf32, #tpu.memory_space<vmem>>
      %dma_wait3A_702 = arith.constant 0 : i32
      %dma_wait3A_703 = tpu.memref_slice %arg11[%dma_wait3A_696, %dma_wait3A_702] : memref<6x32xi32, #tpu.memory_space<vmem>> -> memref<1x32xi32, #tpu.memory_space<vmem>>
      %dma_wait3A_704 = tpu.memref_squeeze %dma_wait3A_703 : memref<1x32xi32, #tpu.memory_space<vmem>> -> memref<32xi32, #tpu.memory_space<vmem>>
      %dma_wait3A_705 = arith.constant 0 : i32
      %dma_wait3A_706 = arith.constant 0 : i32
      %dma_wait3A_707 = tpu.memref_slice %arg3[%dma_wait3A_705, %dma_wait3A_706] : memref<6192x128xf32, #tpu.memory_space<hbm>> -> memref<6192x128xf32, #tpu.memory_space<hbm>>
      tpu.wait_indirect_dma semaphore(%arg15 : memref<!tpu.dma_semaphore, #tpu.memory_space<semaphore_mem>>) src(%dma_wait3A_707 : memref<6192x128xf32, #tpu.memory_space<hbm>>) dst(%dma_wait3A_701 : memref<32x128xf32, #tpu.memory_space<vmem>>)
      %run_scoped3A_708 = arith.constant 2 : i32
      %run_scoped3A_709 = arith.constant 2 : i32
      "tpu.region"() ({
        %run_scoped3A_752 = tpu.sem_alloc : memref<!tpu.dma_semaphore, #tpu.memory_space<semaphore_mem>>
        %dma_start3A_753 = arith.constant 0 : i32
        %dma_start3A_754 = arith.constant 0 : i32
        %dma_start3A_755 = tpu.memref_slice %arg13[%run_scoped3A_708, %dma_start3A_753, %dma_start3A_754] : memref<6x32x128xf32, #tpu.memory_space<vmem>> -> memref<1x32x128xf32, #tpu.memory_space<vmem>>
        %dma_start3A_756 = tpu.memref_squeeze %dma_start3A_755 : memref<1x32x128xf32, #tpu.memory_space<vmem>> -> memref<32x128xf32, #tpu.memory_space<vmem>>
        %dma_start3A_757 = arith.constant 0 : i32
        %dma_start3A_758 = tpu.memref_slice %arg12[%run_scoped3A_709, %dma_start3A_757] : memref<6x32xi32, #tpu.memory_space<vmem>> -> memref<1x32xi32, #tpu.memory_space<vmem>>
        %dma_start3A_759 = tpu.memref_squeeze %dma_start3A_758 : memref<1x32xi32, #tpu.memory_space<vmem>> -> memref<32xi32, #tpu.memory_space<vmem>>
        %dma_start3A_760 = arith.constant 0 : i32
        %dma_start3A_761 = arith.constant 0 : i32
        %dma_start3A_762 = tpu.memref_slice %arg14[%dma_start3A_760, %dma_start3A_761] : memref<12288x128xf32, #tpu.memory_space<vmem_shared>> -> memref<12288x128xf32, #tpu.memory_space<vmem_shared>>
        tpu.enqueue_indirect_dma source(%dma_start3A_756 : memref<32x128xf32, #tpu.memory_space<vmem>>) target(%dma_start3A_762 : memref<12288x128xf32, #tpu.memory_space<vmem_shared>>) offsets(%dma_start3A_759 : memref<32xi32, #tpu.memory_space<vmem>>) semaphore(%run_scoped3A_752 : memref<!tpu.dma_semaphore, #tpu.memory_space<semaphore_mem>>) {add = true}
        %dma_wait3A_763 = arith.constant 0 : i32
        %dma_wait3A_764 = arith.constant 0 : i32
        %dma_wait3A_765 = tpu.memref_slice %arg13[%run_scoped3A_708, %dma_wait3A_763, %dma_wait3A_764] : memref<6x32x128xf32, #tpu.memory_space<vmem>> -> memref<1x32x128xf32, #tpu.memory_space<vmem>>
        %dma_wait3A_766 = tpu.memref_squeeze %dma_wait3A_765 : memref<1x32x128xf32, #tpu.memory_space<vmem>> -> memref<32x128xf32, #tpu.memory_space<vmem>>
        %dma_wait3A_767 = arith.constant 0 : i32
        %dma_wait3A_768 = tpu.memref_slice %arg12[%run_scoped3A_709, %dma_wait3A_767] : memref<6x32xi32, #tpu.memory_space<vmem>> -> memref<1x32xi32, #tpu.memory_space<vmem>>
        %dma_wait3A_769 = tpu.memref_squeeze %dma_wait3A_768 : memref<1x32xi32, #tpu.memory_space<vmem>> -> memref<32xi32, #tpu.memory_space<vmem>>
        %dma_wait3A_770 = arith.constant 0 : i32
        %dma_wait3A_771 = arith.constant 0 : i32
        %dma_wait3A_772 = tpu.memref_slice %arg14[%dma_wait3A_770, %dma_wait3A_771] : memref<12288x128xf32, #tpu.memory_space<vmem_shared>> -> memref<12288x128xf32, #tpu.memory_space<vmem_shared>>
        tpu.wait_indirect_dma semaphore(%run_scoped3A_752 : memref<!tpu.dma_semaphore, #tpu.memory_space<semaphore_mem>>) src(%dma_wait3A_766 : memref<32x128xf32, #tpu.memory_space<vmem>>) dst(%dma_wait3A_772 : memref<12288x128xf32, #tpu.memory_space<vmem_shared>>)
        tpu.yield
      }) : () -> ()
      %dma_wait3A_710 = arith.constant 3 : i32
      %dma_wait3A_711 = arith.constant 3 : i32
      %dma_wait3A_712 = arith.constant 0 : i32
      %dma_wait3A_713 = arith.constant 0 : i32
      %dma_wait3A_714 = tpu.memref_slice %arg13[%dma_wait3A_711, %dma_wait3A_712, %dma_wait3A_713] : memref<6x32x128xf32, #tpu.memory_space<vmem>> -> memref<1x32x128xf32, #tpu.memory_space<vmem>>
      %dma_wait3A_715 = tpu.memref_squeeze %dma_wait3A_714 : memref<1x32x128xf32, #tpu.memory_space<vmem>> -> memref<32x128xf32, #tpu.memory_space<vmem>>
      %dma_wait3A_716 = arith.constant 0 : i32
      %dma_wait3A_717 = tpu.memref_slice %arg11[%dma_wait3A_710, %dma_wait3A_716] : memref<6x32xi32, #tpu.memory_space<vmem>> -> memref<1x32xi32, #tpu.memory_space<vmem>>
      %dma_wait3A_718 = tpu.memref_squeeze %dma_wait3A_717 : memref<1x32xi32, #tpu.memory_space<vmem>> -> memref<32xi32, #tpu.memory_space<vmem>>
      %dma_wait3A_719 = arith.constant 0 : i32
      %dma_wait3A_720 = arith.constant 0 : i32
      %dma_wait3A_721 = tpu.memref_slice %arg3[%dma_wait3A_719, %dma_wait3A_720] : memref<6192x128xf32, #tpu.memory_space<hbm>> -> memref<6192x128xf32, #tpu.memory_space<hbm>>
      tpu.wait_indirect_dma semaphore(%arg15 : memref<!tpu.dma_semaphore, #tpu.memory_space<semaphore_mem>>) src(%dma_wait3A_721 : memref<6192x128xf32, #tpu.memory_space<hbm>>) dst(%dma_wait3A_715 : memref<32x128xf32, #tpu.memory_space<vmem>>)
      %run_scoped3A_722 = arith.constant 3 : i32
      %run_scoped3A_723 = arith.constant 3 : i32
      "tpu.region"() ({
        %run_scoped3A_752 = tpu.sem_alloc : memref<!tpu.dma_semaphore, #tpu.memory_space<semaphore_mem>>
        %dma_start3A_753 = arith.constant 0 : i32
        %dma_start3A_754 = arith.constant 0 : i32
        %dma_start3A_755 = tpu.memref_slice %arg13[%run_scoped3A_722, %dma_start3A_753, %dma_start3A_754] : memref<6x32x128xf32, #tpu.memory_space<vmem>> -> memref<1x32x128xf32, #tpu.memory_space<vmem>>
        %dma_start3A_756 = tpu.memref_squeeze %dma_start3A_755 : memref<1x32x128xf32, #tpu.memory_space<vmem>> -> memref<32x128xf32, #tpu.memory_space<vmem>>
        %dma_start3A_757 = arith.constant 0 : i32
        %dma_start3A_758 = tpu.memref_slice %arg12[%run_scoped3A_723, %dma_start3A_757] : memref<6x32xi32, #tpu.memory_space<vmem>> -> memref<1x32xi32, #tpu.memory_space<vmem>>
        %dma_start3A_759 = tpu.memref_squeeze %dma_start3A_758 : memref<1x32xi32, #tpu.memory_space<vmem>> -> memref<32xi32, #tpu.memory_space<vmem>>
        %dma_start3A_760 = arith.constant 0 : i32
        %dma_start3A_761 = arith.constant 0 : i32
        %dma_start3A_762 = tpu.memref_slice %arg14[%dma_start3A_760, %dma_start3A_761] : memref<12288x128xf32, #tpu.memory_space<vmem_shared>> -> memref<12288x128xf32, #tpu.memory_space<vmem_shared>>
        tpu.enqueue_indirect_dma source(%dma_start3A_756 : memref<32x128xf32, #tpu.memory_space<vmem>>) target(%dma_start3A_762 : memref<12288x128xf32, #tpu.memory_space<vmem_shared>>) offsets(%dma_start3A_759 : memref<32xi32, #tpu.memory_space<vmem>>) semaphore(%run_scoped3A_752 : memref<!tpu.dma_semaphore, #tpu.memory_space<semaphore_mem>>) {add = true}
        %dma_wait3A_763 = arith.constant 0 : i32
        %dma_wait3A_764 = arith.constant 0 : i32
        %dma_wait3A_765 = tpu.memref_slice %arg13[%run_scoped3A_722, %dma_wait3A_763, %dma_wait3A_764] : memref<6x32x128xf32, #tpu.memory_space<vmem>> -> memref<1x32x128xf32, #tpu.memory_space<vmem>>
        %dma_wait3A_766 = tpu.memref_squeeze %dma_wait3A_765 : memref<1x32x128xf32, #tpu.memory_space<vmem>> -> memref<32x128xf32, #tpu.memory_space<vmem>>
        %dma_wait3A_767 = arith.constant 0 : i32
        %dma_wait3A_768 = tpu.memref_slice %arg12[%run_scoped3A_723, %dma_wait3A_767] : memref<6x32xi32, #tpu.memory_space<vmem>> -> memref<1x32xi32, #tpu.memory_space<vmem>>
        %dma_wait3A_769 = tpu.memref_squeeze %dma_wait3A_768 : memref<1x32xi32, #tpu.memory_space<vmem>> -> memref<32xi32, #tpu.memory_space<vmem>>
        %dma_wait3A_770 = arith.constant 0 : i32
        %dma_wait3A_771 = arith.constant 0 : i32
        %dma_wait3A_772 = tpu.memref_slice %arg14[%dma_wait3A_770, %dma_wait3A_771] : memref<12288x128xf32, #tpu.memory_space<vmem_shared>> -> memref<12288x128xf32, #tpu.memory_space<vmem_shared>>
        tpu.wait_indirect_dma semaphore(%run_scoped3A_752 : memref<!tpu.dma_semaphore, #tpu.memory_space<semaphore_mem>>) src(%dma_wait3A_766 : memref<32x128xf32, #tpu.memory_space<vmem>>) dst(%dma_wait3A_772 : memref<12288x128xf32, #tpu.memory_space<vmem_shared>>)
        tpu.yield
      }) : () -> ()
      %dma_wait3A_724 = arith.constant 4 : i32
      %dma_wait3A_725 = arith.constant 4 : i32
      %dma_wait3A_726 = arith.constant 0 : i32
      %dma_wait3A_727 = arith.constant 0 : i32
      %dma_wait3A_728 = tpu.memref_slice %arg13[%dma_wait3A_725, %dma_wait3A_726, %dma_wait3A_727] : memref<6x32x128xf32, #tpu.memory_space<vmem>> -> memref<1x32x128xf32, #tpu.memory_space<vmem>>
      %dma_wait3A_729 = tpu.memref_squeeze %dma_wait3A_728 : memref<1x32x128xf32, #tpu.memory_space<vmem>> -> memref<32x128xf32, #tpu.memory_space<vmem>>
      %dma_wait3A_730 = arith.constant 0 : i32
      %dma_wait3A_731 = tpu.memref_slice %arg11[%dma_wait3A_724, %dma_wait3A_730] : memref<6x32xi32, #tpu.memory_space<vmem>> -> memref<1x32xi32, #tpu.memory_space<vmem>>
      %dma_wait3A_732 = tpu.memref_squeeze %dma_wait3A_731 : memref<1x32xi32, #tpu.memory_space<vmem>> -> memref<32xi32, #tpu.memory_space<vmem>>
      %dma_wait3A_733 = arith.constant 0 : i32
      %dma_wait3A_734 = arith.constant 0 : i32
      %dma_wait3A_735 = tpu.memref_slice %arg3[%dma_wait3A_733, %dma_wait3A_734] : memref<6192x128xf32, #tpu.memory_space<hbm>> -> memref<6192x128xf32, #tpu.memory_space<hbm>>
      tpu.wait_indirect_dma semaphore(%arg15 : memref<!tpu.dma_semaphore, #tpu.memory_space<semaphore_mem>>) src(%dma_wait3A_735 : memref<6192x128xf32, #tpu.memory_space<hbm>>) dst(%dma_wait3A_729 : memref<32x128xf32, #tpu.memory_space<vmem>>)
      %run_scoped3A_736 = arith.constant 4 : i32
      %run_scoped3A_737 = arith.constant 4 : i32
      "tpu.region"() ({
        %run_scoped3A_752 = tpu.sem_alloc : memref<!tpu.dma_semaphore, #tpu.memory_space<semaphore_mem>>
        %dma_start3A_753 = arith.constant 0 : i32
        %dma_start3A_754 = arith.constant 0 : i32
        %dma_start3A_755 = tpu.memref_slice %arg13[%run_scoped3A_736, %dma_start3A_753, %dma_start3A_754] : memref<6x32x128xf32, #tpu.memory_space<vmem>> -> memref<1x32x128xf32, #tpu.memory_space<vmem>>
        %dma_start3A_756 = tpu.memref_squeeze %dma_start3A_755 : memref<1x32x128xf32, #tpu.memory_space<vmem>> -> memref<32x128xf32, #tpu.memory_space<vmem>>
        %dma_start3A_757 = arith.constant 0 : i32
        %dma_start3A_758 = tpu.memref_slice %arg12[%run_scoped3A_737, %dma_start3A_757] : memref<6x32xi32, #tpu.memory_space<vmem>> -> memref<1x32xi32, #tpu.memory_space<vmem>>
        %dma_start3A_759 = tpu.memref_squeeze %dma_start3A_758 : memref<1x32xi32, #tpu.memory_space<vmem>> -> memref<32xi32, #tpu.memory_space<vmem>>
        %dma_start3A_760 = arith.constant 0 : i32
        %dma_start3A_761 = arith.constant 0 : i32
        %dma_start3A_762 = tpu.memref_slice %arg14[%dma_start3A_760, %dma_start3A_761] : memref<12288x128xf32, #tpu.memory_space<vmem_shared>> -> memref<12288x128xf32, #tpu.memory_space<vmem_shared>>
        tpu.enqueue_indirect_dma source(%dma_start3A_756 : memref<32x128xf32, #tpu.memory_space<vmem>>) target(%dma_start3A_762 : memref<12288x128xf32, #tpu.memory_space<vmem_shared>>) offsets(%dma_start3A_759 : memref<32xi32, #tpu.memory_space<vmem>>) semaphore(%run_scoped3A_752 : memref<!tpu.dma_semaphore, #tpu.memory_space<semaphore_mem>>) {add = true}
        %dma_wait3A_763 = arith.constant 0 : i32
        %dma_wait3A_764 = arith.constant 0 : i32
        %dma_wait3A_765 = tpu.memref_slice %arg13[%run_scoped3A_736, %dma_wait3A_763, %dma_wait3A_764] : memref<6x32x128xf32, #tpu.memory_space<vmem>> -> memref<1x32x128xf32, #tpu.memory_space<vmem>>
        %dma_wait3A_766 = tpu.memref_squeeze %dma_wait3A_765 : memref<1x32x128xf32, #tpu.memory_space<vmem>> -> memref<32x128xf32, #tpu.memory_space<vmem>>
        %dma_wait3A_767 = arith.constant 0 : i32
        %dma_wait3A_768 = tpu.memref_slice %arg12[%run_scoped3A_737, %dma_wait3A_767] : memref<6x32xi32, #tpu.memory_space<vmem>> -> memref<1x32xi32, #tpu.memory_space<vmem>>
        %dma_wait3A_769 = tpu.memref_squeeze %dma_wait3A_768 : memref<1x32xi32, #tpu.memory_space<vmem>> -> memref<32xi32, #tpu.memory_space<vmem>>
        %dma_wait3A_770 = arith.constant 0 : i32
        %dma_wait3A_771 = arith.constant 0 : i32
        %dma_wait3A_772 = tpu.memref_slice %arg14[%dma_wait3A_770, %dma_wait3A_771] : memref<12288x128xf32, #tpu.memory_space<vmem_shared>> -> memref<12288x128xf32, #tpu.memory_space<vmem_shared>>
        tpu.wait_indirect_dma semaphore(%run_scoped3A_752 : memref<!tpu.dma_semaphore, #tpu.memory_space<semaphore_mem>>) src(%dma_wait3A_766 : memref<32x128xf32, #tpu.memory_space<vmem>>) dst(%dma_wait3A_772 : memref<12288x128xf32, #tpu.memory_space<vmem_shared>>)
        tpu.yield
      }) : () -> ()
      %dma_wait3A_738 = arith.constant 5 : i32
      %dma_wait3A_739 = arith.constant 5 : i32
      %dma_wait3A_740 = arith.constant 0 : i32
      %dma_wait3A_741 = arith.constant 0 : i32
      %dma_wait3A_742 = tpu.memref_slice %arg13[%dma_wait3A_739, %dma_wait3A_740, %dma_wait3A_741] : memref<6x32x128xf32, #tpu.memory_space<vmem>> -> memref<1x32x128xf32, #tpu.memory_space<vmem>>
      %dma_wait3A_743 = tpu.memref_squeeze %dma_wait3A_742 : memref<1x32x128xf32, #tpu.memory_space<vmem>> -> memref<32x128xf32, #tpu.memory_space<vmem>>
      %dma_wait3A_744 = arith.constant 0 : i32
      %dma_wait3A_745 = tpu.memref_slice %arg11[%dma_wait3A_738, %dma_wait3A_744] : memref<6x32xi32, #tpu.memory_space<vmem>> -> memref<1x32xi32, #tpu.memory_space<vmem>>
      %dma_wait3A_746 = tpu.memref_squeeze %dma_wait3A_745 : memref<1x32xi32, #tpu.memory_space<vmem>> -> memref<32xi32, #tpu.memory_space<vmem>>
      %dma_wait3A_747 = arith.constant 0 : i32
      %dma_wait3A_748 = arith.constant 0 : i32
      %dma_wait3A_749 = tpu.memref_slice %arg3[%dma_wait3A_747, %dma_wait3A_748] : memref<6192x128xf32, #tpu.memory_space<hbm>> -> memref<6192x128xf32, #tpu.memory_space<hbm>>
      tpu.wait_indirect_dma semaphore(%arg15 : memref<!tpu.dma_semaphore, #tpu.memory_space<semaphore_mem>>) src(%dma_wait3A_749 : memref<6192x128xf32, #tpu.memory_space<hbm>>) dst(%dma_wait3A_743 : memref<32x128xf32, #tpu.memory_space<vmem>>)
      %run_scoped3A_750 = arith.constant 5 : i32
      %run_scoped3A_751 = arith.constant 5 : i32
      "tpu.region"() ({
        %run_scoped3A_752 = tpu.sem_alloc : memref<!tpu.dma_semaphore, #tpu.memory_space<semaphore_mem>>
        %dma_start3A_753 = arith.constant 0 : i32
        %dma_start3A_754 = arith.constant 0 : i32
        %dma_start3A_755 = tpu.memref_slice %arg13[%run_scoped3A_750, %dma_start3A_753, %dma_start3A_754] : memref<6x32x128xf32, #tpu.memory_space<vmem>> -> memref<1x32x128xf32, #tpu.memory_space<vmem>>
        %dma_start3A_756 = tpu.memref_squeeze %dma_start3A_755 : memref<1x32x128xf32, #tpu.memory_space<vmem>> -> memref<32x128xf32, #tpu.memory_space<vmem>>
        %dma_start3A_757 = arith.constant 0 : i32
        %dma_start3A_758 = tpu.memref_slice %arg12[%run_scoped3A_751, %dma_start3A_757] : memref<6x32xi32, #tpu.memory_space<vmem>> -> memref<1x32xi32, #tpu.memory_space<vmem>>
        %dma_start3A_759 = tpu.memref_squeeze %dma_start3A_758 : memref<1x32xi32, #tpu.memory_space<vmem>> -> memref<32xi32, #tpu.memory_space<vmem>>
        %dma_start3A_760 = arith.constant 0 : i32
        %dma_start3A_761 = arith.constant 0 : i32
        %dma_start3A_762 = tpu.memref_slice %arg14[%dma_start3A_760, %dma_start3A_761] : memref<12288x128xf32, #tpu.memory_space<vmem_shared>> -> memref<12288x128xf32, #tpu.memory_space<vmem_shared>>
        tpu.enqueue_indirect_dma source(%dma_start3A_756 : memref<32x128xf32, #tpu.memory_space<vmem>>) target(%dma_start3A_762 : memref<12288x128xf32, #tpu.memory_space<vmem_shared>>) offsets(%dma_start3A_759 : memref<32xi32, #tpu.memory_space<vmem>>) semaphore(%run_scoped3A_752 : memref<!tpu.dma_semaphore, #tpu.memory_space<semaphore_mem>>) {add = true}
        %dma_wait3A_763 = arith.constant 0 : i32
        %dma_wait3A_764 = arith.constant 0 : i32
        %dma_wait3A_765 = tpu.memref_slice %arg13[%run_scoped3A_750, %dma_wait3A_763, %dma_wait3A_764] : memref<6x32x128xf32, #tpu.memory_space<vmem>> -> memref<1x32x128xf32, #tpu.memory_space<vmem>>
        %dma_wait3A_766 = tpu.memref_squeeze %dma_wait3A_765 : memref<1x32x128xf32, #tpu.memory_space<vmem>> -> memref<32x128xf32, #tpu.memory_space<vmem>>
        %dma_wait3A_767 = arith.constant 0 : i32
        %dma_wait3A_768 = tpu.memref_slice %arg12[%run_scoped3A_751, %dma_wait3A_767] : memref<6x32xi32, #tpu.memory_space<vmem>> -> memref<1x32xi32, #tpu.memory_space<vmem>>
        %dma_wait3A_769 = tpu.memref_squeeze %dma_wait3A_768 : memref<1x32xi32, #tpu.memory_space<vmem>> -> memref<32xi32, #tpu.memory_space<vmem>>
        %dma_wait3A_770 = arith.constant 0 : i32
        %dma_wait3A_771 = arith.constant 0 : i32
        %dma_wait3A_772 = tpu.memref_slice %arg14[%dma_wait3A_770, %dma_wait3A_771] : memref<12288x128xf32, #tpu.memory_space<vmem_shared>> -> memref<12288x128xf32, #tpu.memory_space<vmem_shared>>
        tpu.wait_indirect_dma semaphore(%run_scoped3A_752 : memref<!tpu.dma_semaphore, #tpu.memory_space<semaphore_mem>>) src(%dma_wait3A_766 : memref<32x128xf32, #tpu.memory_space<vmem>>) dst(%dma_wait3A_772 : memref<12288x128xf32, #tpu.memory_space<vmem_shared>>)
        tpu.yield
      }) : () -> ()
    }
    %while3A_156 = arith.constant 1 : i32
    scf.for %while3A_405 = %while3A_154 to %while3A_150 step %while3A_156  : i32 {
      %mul3A_406 = arith.constant 32 : i32
      %mul3A_407 = arith.muli %while3A_405, %mul3A_406 : i32
      %add3A_408 = arith.constant 0 : i32
      %add3A_409 = arith.addi %mul3A_407, %add3A_408 : i32
      %get3A = arith.index_cast %add3A_409 : i32 to index
      %get3A_410 = tpu.vector_load %arg9[%get3A] {strides = array<i32>} : memref<560xi32, #tpu.memory_space<vmem>>, vector<16xi32>,
      %mul3A_411 = arith.constant 32 : i32
      %mul3A_412 = arith.muli %while3A_405, %mul3A_411 : i32
      %add3A_413 = arith.constant 0 : i32
      %add3A_414 = arith.addi %mul3A_412, %add3A_413 : i32
      %get3A_415 = arith.index_cast %add3A_414 : i32 to index
      %get3A_416 = tpu.vector_load %arg10[%get3A_415] {strides = array<i32>} : memref<560xi32, #tpu.memory_space<vmem>>, vector<16xi32>,
      %broadcast_in_dim3A_417 = arith.constant 0 : i32
      %broadcast_in_dim3A_418 = vector.broadcast %broadcast_in_dim3A_417 : i32 to vector<16xi32>
      %add3A_419 = arith.addi %get3A_410, %broadcast_in_dim3A_418 : vector<16xi32>
      %swap3A_420 = arith.constant 0 : i32
      %swap3A_421 = arith.index_cast %swap3A_420 : i32 to index
      %swap3A_422 = arith.constant 0 : index
      %swap3A_423 = tpu.vector_load %arg11[%swap3A_421, %swap3A_422] {strides = array<i32>} : memref<6x32xi32, #tpu.memory_space<vmem>>, vector<16xi32>,
      tpu.vector_store %arg11[%swap3A_421, %swap3A_422], %add3A_419 {strides = array<i32>} : memref<6x32xi32, #tpu.memory_space<vmem>>, vector<16xi32>,
      %broadcast_in_dim3A_424 = arith.constant 0 : i32
      %broadcast_in_dim3A_425 = vector.broadcast %broadcast_in_dim3A_424 : i32 to vector<16xi32>
      %add3A_426 = arith.addi %get3A_416, %broadcast_in_dim3A_425 : vector<16xi32>
      %swap3A_427 = arith.constant 0 : i32
      %swap3A_428 = arith.index_cast %swap3A_427 : i32 to index
      %swap3A_429 = arith.constant 0 : index
      %swap3A_430 = tpu.vector_load %arg12[%swap3A_428, %swap3A_429] {strides = array<i32>} : memref<6x32xi32, #tpu.memory_space<vmem>>, vector<16xi32>,
      tpu.vector_store %arg12[%swap3A_428, %swap3A_429], %add3A_426 {strides = array<i32>} : memref<6x32xi32, #tpu.memory_space<vmem>>, vector<16xi32>,
      %broadcast_in_dim3A_431 = arith.constant 1032 : i32
      %broadcast_in_dim3A_432 = vector.broadcast %broadcast_in_dim3A_431 : i32 to vector<16xi32>
      %add3A_433 = arith.addi %get3A_410, %broadcast_in_dim3A_432 : vector<16xi32>
      %swap3A_434 = arith.constant 1 : i32
      %swap3A_435 = arith.index_cast %swap3A_434 : i32 to index
      %swap3A_436 = arith.constant 0 : index
      %swap3A_437 = tpu.vector_load %arg11[%swap3A_435, %swap3A_436] {strides = array<i32>} : memref<6x32xi32, #tpu.memory_space<vmem>>, vector<16xi32>,
      tpu.vector_store %arg11[%swap3A_435, %swap3A_436], %add3A_433 {strides = array<i32>} : memref<6x32xi32, #tpu.memory_space<vmem>>, vector<16xi32>,
      %broadcast_in_dim3A_438 = arith.constant 2048 : i32
      %broadcast_in_dim3A_439 = vector.broadcast %broadcast_in_dim3A_438 : i32 to vector<16xi32>
      %add3A_440 = arith.addi %get3A_416, %broadcast_in_dim3A_439 : vector<16xi32>
      %swap3A_441 = arith.constant 1 : i32
      %swap3A_442 = arith.index_cast %swap3A_441 : i32 to index
      %swap3A_443 = arith.constant 0 : index
      %swap3A_444 = tpu.vector_load %arg12[%swap3A_442, %swap3A_443] {strides = array<i32>} : memref<6x32xi32, #tpu.memory_space<vmem>>, vector<16xi32>,
      tpu.vector_store %arg12[%swap3A_442, %swap3A_443], %add3A_440 {strides = array<i32>} : memref<6x32xi32, #tpu.memory_space<vmem>>, vector<16xi32>,
      %broadcast_in_dim3A_445 = arith.constant 2064 : i32
      %broadcast_in_dim3A_446 = vector.broadcast %broadcast_in_dim3A_445 : i32 to vector<16xi32>
      %add3A_447 = arith.addi %get3A_410, %broadcast_in_dim3A_446 : vector<16xi32>
      %swap3A_448 = arith.constant 2 : i32
      %swap3A_449 = arith.index_cast %swap3A_448 : i32 to index
      %swap3A_450 = arith.constant 0 : index
      %swap3A_451 = tpu.vector_load %arg11[%swap3A_449, %swap3A_450] {strides = array<i32>} : memref<6x32xi32, #tpu.memory_space<vmem>>, vector<16xi32>,
      tpu.vector_store %arg11[%swap3A_449, %swap3A_450], %add3A_447 {strides = array<i32>} : memref<6x32xi32, #tpu.memory_space<vmem>>, vector<16xi32>,
      %broadcast_in_dim3A_452 = arith.constant 4096 : i32
      %broadcast_in_dim3A_453 = vector.broadcast %broadcast_in_dim3A_452 : i32 to vector<16xi32>
      %add3A_454 = arith.addi %get3A_416, %broadcast_in_dim3A_453 : vector<16xi32>
      %swap3A_455 = arith.constant 2 : i32
      %swap3A_456 = arith.index_cast %swap3A_455 : i32 to index
      %swap3A_457 = arith.constant 0 : index
      %swap3A_458 = tpu.vector_load %arg12[%swap3A_456, %swap3A_457] {strides = array<i32>} : memref<6x32xi32, #tpu.memory_space<vmem>>, vector<16xi32>,
      tpu.vector_store %arg12[%swap3A_456, %swap3A_457], %add3A_454 {strides = array<i32>} : memref<6x32xi32, #tpu.memory_space<vmem>>, vector<16xi32>,
      %broadcast_in_dim3A_459 = arith.constant 3096 : i32
      %broadcast_in_dim3A_460 = vector.broadcast %broadcast_in_dim3A_459 : i32 to vector<16xi32>
      %add3A_461 = arith.addi %get3A_410, %broadcast_in_dim3A_460 : vector<16xi32>
      %swap3A_462 = arith.constant 3 : i32
      %swap3A_463 = arith.index_cast %swap3A_462 : i32 to index
      %swap3A_464 = arith.constant 0 : index
      %swap3A_465 = tpu.vector_load %arg11[%swap3A_463, %swap3A_464] {strides = array<i32>} : memref<6x32xi32, #tpu.memory_space<vmem>>, vector<16xi32>,
      tpu.vector_store %arg11[%swap3A_463, %swap3A_464], %add3A_461 {strides = array<i32>} : memref<6x32xi32, #tpu.memory_space<vmem>>, vector<16xi32>,
      %broadcast_in_dim3A_466 = arith.constant 6144 : i32
      %broadcast_in_dim3A_467 = vector.broadcast %broadcast_in_dim3A_466 : i32 to vector<16xi32>
      %add3A_468 = arith.addi %get3A_416, %broadcast_in_dim3A_467 : vector<16xi32>
      %swap3A_469 = arith.constant 3 : i32
      %swap3A_470 = arith.index_cast %swap3A_469 : i32 to index
      %swap3A_471 = arith.constant 0 : index
      %swap3A_472 = tpu.vector_load %arg12[%swap3A_470, %swap3A_471] {strides = array<i32>} : memref<6x32xi32, #tpu.memory_space<vmem>>, vector<16xi32>,
      tpu.vector_store %arg12[%swap3A_470, %swap3A_471], %add3A_468 {strides = array<i32>} : memref<6x32xi32, #tpu.memory_space<vmem>>, vector<16xi32>,
      %broadcast_in_dim3A_473 = arith.constant 4128 : i32
      %broadcast_in_dim3A_474 = vector.broadcast %broadcast_in_dim3A_473 : i32 to vector<16xi32>
      %add3A_475 = arith.addi %get3A_410, %broadcast_in_dim3A_474 : vector<16xi32>
      %swap3A_476 = arith.constant 4 : i32
      %swap3A_477 = arith.index_cast %swap3A_476 : i32 to index
      %swap3A_478 = arith.constant 0 : index
      %swap3A_479 = tpu.vector_load %arg11[%swap3A_477, %swap3A_478] {strides = array<i32>} : memref<6x32xi32, #tpu.memory_space<vmem>>, vector<16xi32>,
      tpu.vector_store %arg11[%swap3A_477, %swap3A_478], %add3A_475 {strides = array<i32>} : memref<6x32xi32, #tpu.memory_space<vmem>>, vector<16xi32>,
      %broadcast_in_dim3A_480 = arith.constant 8192 : i32
      %broadcast_in_dim3A_481 = vector.broadcast %broadcast_in_dim3A_480 : i32 to vector<16xi32>
      %add3A_482 = arith.addi %get3A_416, %broadcast_in_dim3A_481 : vector<16xi32>
      %swap3A_483 = arith.constant 4 : i32
      %swap3A_484 = arith.index_cast %swap3A_483 : i32 to index
      %swap3A_485 = arith.constant 0 : index
      %swap3A_486 = tpu.vector_load %arg12[%swap3A_484, %swap3A_485] {strides = array<i32>} : memref<6x32xi32, #tpu.memory_space<vmem>>, vector<16xi32>,
      tpu.vector_store %arg12[%swap3A_484, %swap3A_485], %add3A_482 {strides = array<i32>} : memref<6x32xi32, #tpu.memory_space<vmem>>, vector<16xi32>,
      %broadcast_in_dim3A_487 = arith.constant 5160 : i32
      %broadcast_in_dim3A_488 = vector.broadcast %broadcast_in_dim3A_487 : i32 to vector<16xi32>
      %add3A_489 = arith.addi %get3A_410, %broadcast_in_dim3A_488 : vector<16xi32>
      %swap3A_490 = arith.constant 5 : i32
      %swap3A_491 = arith.index_cast %swap3A_490 : i32 to index
      %swap3A_492 = arith.constant 0 : index
      %swap3A_493 = tpu.vector_load %arg11[%swap3A_491, %swap3A_492] {strides = array<i32>} : memref<6x32xi32, #tpu.memory_space<vmem>>, vector<16xi32>,
      tpu.vector_store %arg11[%swap3A_491, %swap3A_492], %add3A_489 {strides = array<i32>} : memref<6x32xi32, #tpu.memory_space<vmem>>, vector<16xi32>,
      %broadcast_in_dim3A_494 = arith.constant 10240 : i32
      %broadcast_in_dim3A_495 = vector.broadcast %broadcast_in_dim3A_494 : i32 to vector<16xi32>
      %add3A_496 = arith.addi %get3A_416, %broadcast_in_dim3A_495 : vector<16xi32>
      %swap3A_497 = arith.constant 5 : i32
      %swap3A_498 = arith.index_cast %swap3A_497 : i32 to index
      %swap3A_499 = arith.constant 0 : index
      %swap3A_500 = tpu.vector_load %arg12[%swap3A_498, %swap3A_499] {strides = array<i32>} : memref<6x32xi32, #tpu.memory_space<vmem>>, vector<16xi32>,
      tpu.vector_store %arg12[%swap3A_498, %swap3A_499], %add3A_496 {strides = array<i32>} : memref<6x32xi32, #tpu.memory_space<vmem>>, vector<16xi32>,
      %mul3A_501 = arith.constant 32 : i32
      %mul3A_502 = arith.muli %while3A_405, %mul3A_501 : i32
      %add3A_503 = arith.constant 16 : i32
      %add3A_504 = arith.addi %mul3A_502, %add3A_503 : i32
      %get3A_505 = arith.index_cast %add3A_504 : i32 to index
      %get3A_506 = tpu.vector_load %arg9[%get3A_505] {strides = array<i32>} : memref<560xi32, #tpu.memory_space<vmem>>, vector<16xi32>,
      %mul3A_507 = arith.constant 32 : i32
      %mul3A_508 = arith.muli %while3A_405, %mul3A_507 : i32
      %add3A_509 = arith.constant 16 : i32
      %add3A_510 = arith.addi %mul3A_508, %add3A_509 : i32
      %get3A_511 = arith.index_cast %add3A_510 : i32 to index
      %get3A_512 = tpu.vector_load %arg10[%get3A_511] {strides = array<i32>} : memref<560xi32, #tpu.memory_space<vmem>>, vector<16xi32>,
      %broadcast_in_dim3A_513 = arith.constant 0 : i32
      %broadcast_in_dim3A_514 = vector.broadcast %broadcast_in_dim3A_513 : i32 to vector<16xi32>
      %add3A_515 = arith.addi %get3A_506, %broadcast_in_dim3A_514 : vector<16xi32>
      %swap3A_516 = arith.constant 0 : i32
      %swap3A_517 = arith.index_cast %swap3A_516 : i32 to index
      %swap3A_518 = arith.constant 16 : index
      %swap3A_519 = tpu.vector_load %arg11[%swap3A_517, %swap3A_518] {strides = array<i32>} : memref<6x32xi32, #tpu.memory_space<vmem>>, vector<16xi32>,
      tpu.vector_store %arg11[%swap3A_517, %swap3A_518], %add3A_515 {strides = array<i32>} : memref<6x32xi32, #tpu.memory_space<vmem>>, vector<16xi32>,
      %broadcast_in_dim3A_520 = arith.constant 0 : i32
      %broadcast_in_dim3A_521 = vector.broadcast %broadcast_in_dim3A_520 : i32 to vector<16xi32>
      %add3A_522 = arith.addi %get3A_512, %broadcast_in_dim3A_521 : vector<16xi32>
      %swap3A_523 = arith.constant 0 : i32
      %swap3A_524 = arith.index_cast %swap3A_523 : i32 to index
      %swap3A_525 = arith.constant 16 : index
      %swap3A_526 = tpu.vector_load %arg12[%swap3A_524, %swap3A_525] {strides = array<i32>} : memref<6x32xi32, #tpu.memory_space<vmem>>, vector<16xi32>,
      tpu.vector_store %arg12[%swap3A_524, %swap3A_525], %add3A_522 {strides = array<i32>} : memref<6x32xi32, #tpu.memory_space<vmem>>, vector<16xi32>,
      %broadcast_in_dim3A_527 = arith.constant 1032 : i32
      %broadcast_in_dim3A_528 = vector.broadcast %broadcast_in_dim3A_527 : i32 to vector<16xi32>
      %add3A_529 = arith.addi %get3A_506, %broadcast_in_dim3A_528 : vector<16xi32>
      %swap3A_530 = arith.constant 1 : i32
      %swap3A_531 = arith.index_cast %swap3A_530 : i32 to index
      %swap3A_532 = arith.constant 16 : index
      %swap3A_533 = tpu.vector_load %arg11[%swap3A_531, %swap3A_532] {strides = array<i32>} : memref<6x32xi32, #tpu.memory_space<vmem>>, vector<16xi32>,
      tpu.vector_store %arg11[%swap3A_531, %swap3A_532], %add3A_529 {strides = array<i32>} : memref<6x32xi32, #tpu.memory_space<vmem>>, vector<16xi32>,
      %broadcast_in_dim3A_534 = arith.constant 2048 : i32
      %broadcast_in_dim3A_535 = vector.broadcast %broadcast_in_dim3A_534 : i32 to vector<16xi32>
      %add3A_536 = arith.addi %get3A_512, %broadcast_in_dim3A_535 : vector<16xi32>
      %swap3A_537 = arith.constant 1 : i32
      %swap3A_538 = arith.index_cast %swap3A_537 : i32 to index
      %swap3A_539 = arith.constant 16 : index
      %swap3A_540 = tpu.vector_load %arg12[%swap3A_538, %swap3A_539] {strides = array<i32>} : memref<6x32xi32, #tpu.memory_space<vmem>>, vector<16xi32>,
      tpu.vector_store %arg12[%swap3A_538, %swap3A_539], %add3A_536 {strides = array<i32>} : memref<6x32xi32, #tpu.memory_space<vmem>>, vector<16xi32>,
      %broadcast_in_dim3A_541 = arith.constant 2064 : i32
      %broadcast_in_dim3A_542 = vector.broadcast %broadcast_in_dim3A_541 : i32 to vector<16xi32>
      %add3A_543 = arith.addi %get3A_506, %broadcast_in_dim3A_542 : vector<16xi32>
      %swap3A_544 = arith.constant 2 : i32
      %swap3A_545 = arith.index_cast %swap3A_544 : i32 to index
      %swap3A_546 = arith.constant 16 : index
      %swap3A_547 = tpu.vector_load %arg11[%swap3A_545, %swap3A_546] {strides = array<i32>} : memref<6x32xi32, #tpu.memory_space<vmem>>, vector<16xi32>,
      tpu.vector_store %arg11[%swap3A_545, %swap3A_546], %add3A_543 {strides = array<i32>} : memref<6x32xi32, #tpu.memory_space<vmem>>, vector<16xi32>,
      %broadcast_in_dim3A_548 = arith.constant 4096 : i32
      %broadcast_in_dim3A_549 = vector.broadcast %broadcast_in_dim3A_548 : i32 to vector<16xi32>
      %add3A_550 = arith.addi %get3A_512, %broadcast_in_dim3A_549 : vector<16xi32>
      %swap3A_551 = arith.constant 2 : i32
      %swap3A_552 = arith.index_cast %swap3A_551 : i32 to index
      %swap3A_553 = arith.constant 16 : index
      %swap3A_554 = tpu.vector_load %arg12[%swap3A_552, %swap3A_553] {strides = array<i32>} : memref<6x32xi32, #tpu.memory_space<vmem>>, vector<16xi32>,
      tpu.vector_store %arg12[%swap3A_552, %swap3A_553], %add3A_550 {strides = array<i32>} : memref<6x32xi32, #tpu.memory_space<vmem>>, vector<16xi32>,
      %broadcast_in_dim3A_555 = arith.constant 3096 : i32
      %broadcast_in_dim3A_556 = vector.broadcast %broadcast_in_dim3A_555 : i32 to vector<16xi32>
      %add3A_557 = arith.addi %get3A_506, %broadcast_in_dim3A_556 : vector<16xi32>
      %swap3A_558 = arith.constant 3 : i32
      %swap3A_559 = arith.index_cast %swap3A_558 : i32 to index
      %swap3A_560 = arith.constant 16 : index
      %swap3A_561 = tpu.vector_load %arg11[%swap3A_559, %swap3A_560] {strides = array<i32>} : memref<6x32xi32, #tpu.memory_space<vmem>>, vector<16xi32>,
      tpu.vector_store %arg11[%swap3A_559, %swap3A_560], %add3A_557 {strides = array<i32>} : memref<6x32xi32, #tpu.memory_space<vmem>>, vector<16xi32>,
      %broadcast_in_dim3A_562 = arith.constant 6144 : i32
      %broadcast_in_dim3A_563 = vector.broadcast %broadcast_in_dim3A_562 : i32 to vector<16xi32>
      %add3A_564 = arith.addi %get3A_512, %broadcast_in_dim3A_563 : vector<16xi32>
      %swap3A_565 = arith.constant 3 : i32
      %swap3A_566 = arith.index_cast %swap3A_565 : i32 to index
      %swap3A_567 = arith.constant 16 : index
      %swap3A_568 = tpu.vector_load %arg12[%swap3A_566, %swap3A_567] {strides = array<i32>} : memref<6x32xi32, #tpu.memory_space<vmem>>, vector<16xi32>,
      tpu.vector_store %arg12[%swap3A_566, %swap3A_567], %add3A_564 {strides = array<i32>} : memref<6x32xi32, #tpu.memory_space<vmem>>, vector<16xi32>,
      %broadcast_in_dim3A_569 = arith.constant 4128 : i32
      %broadcast_in_dim3A_570 = vector.broadcast %broadcast_in_dim3A_569 : i32 to vector<16xi32>
      %add3A_571 = arith.addi %get3A_506, %broadcast_in_dim3A_570 : vector<16xi32>
      %swap3A_572 = arith.constant 4 : i32
      %swap3A_573 = arith.index_cast %swap3A_572 : i32 to index
      %swap3A_574 = arith.constant 16 : index
      %swap3A_575 = tpu.vector_load %arg11[%swap3A_573, %swap3A_574] {strides = array<i32>} : memref<6x32xi32, #tpu.memory_space<vmem>>, vector<16xi32>,
      tpu.vector_store %arg11[%swap3A_573, %swap3A_574], %add3A_571 {strides = array<i32>} : memref<6x32xi32, #tpu.memory_space<vmem>>, vector<16xi32>,
      %broadcast_in_dim3A_576 = arith.constant 8192 : i32
      %broadcast_in_dim3A_577 = vector.broadcast %broadcast_in_dim3A_576 : i32 to vector<16xi32>
      %add3A_578 = arith.addi %get3A_512, %broadcast_in_dim3A_577 : vector<16xi32>
      %swap3A_579 = arith.constant 4 : i32
      %swap3A_580 = arith.index_cast %swap3A_579 : i32 to index
      %swap3A_581 = arith.constant 16 : index
      %swap3A_582 = tpu.vector_load %arg12[%swap3A_580, %swap3A_581] {strides = array<i32>} : memref<6x32xi32, #tpu.memory_space<vmem>>, vector<16xi32>,
      tpu.vector_store %arg12[%swap3A_580, %swap3A_581], %add3A_578 {strides = array<i32>} : memref<6x32xi32, #tpu.memory_space<vmem>>, vector<16xi32>,
      %broadcast_in_dim3A_583 = arith.constant 5160 : i32
      %broadcast_in_dim3A_584 = vector.broadcast %broadcast_in_dim3A_583 : i32 to vector<16xi32>
      %add3A_585 = arith.addi %get3A_506, %broadcast_in_dim3A_584 : vector<16xi32>
      %swap3A_586 = arith.constant 5 : i32
      %swap3A_587 = arith.index_cast %swap3A_586 : i32 to index
      %swap3A_588 = arith.constant 16 : index
      %swap3A_589 = tpu.vector_load %arg11[%swap3A_587, %swap3A_588] {strides = array<i32>} : memref<6x32xi32, #tpu.memory_space<vmem>>, vector<16xi32>,
      tpu.vector_store %arg11[%swap3A_587, %swap3A_588], %add3A_585 {strides = array<i32>} : memref<6x32xi32, #tpu.memory_space<vmem>>, vector<16xi32>,
      %broadcast_in_dim3A_590 = arith.constant 10240 : i32
      %broadcast_in_dim3A_591 = vector.broadcast %broadcast_in_dim3A_590 : i32 to vector<16xi32>
      %add3A_592 = arith.addi %get3A_512, %broadcast_in_dim3A_591 : vector<16xi32>
      %swap3A_593 = arith.constant 5 : i32
      %swap3A_594 = arith.index_cast %swap3A_593 : i32 to index
      %swap3A_595 = arith.constant 16 : index
      %swap3A_596 = tpu.vector_load %arg12[%swap3A_594, %swap3A_595] {strides = array<i32>} : memref<6x32xi32, #tpu.memory_space<vmem>>, vector<16xi32>,
      tpu.vector_store %arg12[%swap3A_594, %swap3A_595], %add3A_592 {strides = array<i32>} : memref<6x32xi32, #tpu.memory_space<vmem>>, vector<16xi32>,
      %dma_start3A_597 = arith.constant 0 : i32
      %dma_start3A_598 = arith.constant 0 : i32
      %dma_start3A_599 = arith.constant 0 : i32
      %dma_start3A_600 = arith.constant 0 : i32
      %dma_start3A_601 = tpu.memref_slice %arg13[%dma_start3A_598, %dma_start3A_599, %dma_start3A_600] : memref<6x32x128xf32, #tpu.memory_space<vmem>> -> memref<1x32x128xf32, #tpu.memory_space<vmem>>
      %dma_start3A_602 = tpu.memref_squeeze %dma_start3A_601 : memref<1x32x128xf32, #tpu.memory_space<vmem>> -> memref<32x128xf32, #tpu.memory_space<vmem>>
      %dma_start3A_603 = arith.constant 0 : i32
      %dma_start3A_604 = tpu.memref_slice %arg11[%dma_start3A_597, %dma_start3A_603] : memref<6x32xi32, #tpu.memory_space<vmem>> -> memref<1x32xi32, #tpu.memory_space<vmem>>
      %dma_start3A_605 = tpu.memref_squeeze %dma_start3A_604 : memref<1x32xi32, #tpu.memory_space<vmem>> -> memref<32xi32, #tpu.memory_space<vmem>>
      %dma_start3A_606 = arith.constant 0 : i32
      %dma_start3A_607 = arith.constant 0 : i32
      %dma_start3A_608 = tpu.memref_slice %arg3[%dma_start3A_606, %dma_start3A_607] : memref<6192x128xf32, #tpu.memory_space<hbm>> -> memref<6192x128xf32, #tpu.memory_space<hbm>>
      tpu.enqueue_indirect_dma source(%dma_start3A_608 : memref<6192x128xf32, #tpu.memory_space<hbm>>) target(%dma_start3A_602 : memref<32x128xf32, #tpu.memory_space<vmem>>) offsets(%dma_start3A_605 : memref<32xi32, #tpu.memory_space<vmem>>) semaphore(%arg15 : memref<!tpu.dma_semaphore, #tpu.memory_space<semaphore_mem>>)
      %dma_start3A_609 = arith.constant 1 : i32
      %dma_start3A_610 = arith.constant 1 : i32
      %dma_start3A_611 = arith.constant 0 : i32
      %dma_start3A_612 = arith.constant 0 : i32
      %dma_start3A_613 = tpu.memref_slice %arg13[%dma_start3A_610, %dma_start3A_611, %dma_start3A_612] : memref<6x32x128xf32, #tpu.memory_space<vmem>> -> memref<1x32x128xf32, #tpu.memory_space<vmem>>
      %dma_start3A_614 = tpu.memref_squeeze %dma_start3A_613 : memref<1x32x128xf32, #tpu.memory_space<vmem>> -> memref<32x128xf32, #tpu.memory_space<vmem>>
      %dma_start3A_615 = arith.constant 0 : i32
      %dma_start3A_616 = tpu.memref_slice %arg11[%dma_start3A_609, %dma_start3A_615] : memref<6x32xi32, #tpu.memory_space<vmem>> -> memref<1x32xi32, #tpu.memory_space<vmem>>
      %dma_start3A_617 = tpu.memref_squeeze %dma_start3A_616 : memref<1x32xi32, #tpu.memory_space<vmem>> -> memref<32xi32, #tpu.memory_space<vmem>>
      %dma_start3A_618 = arith.constant 0 : i32
      %dma_start3A_619 = arith.constant 0 : i32
      %dma_start3A_620 = tpu.memref_slice %arg3[%dma_start3A_618, %dma_start3A_619] : memref<6192x128xf32, #tpu.memory_space<hbm>> -> memref<6192x128xf32, #tpu.memory_space<hbm>>
      tpu.enqueue_indirect_dma source(%dma_start3A_620 : memref<6192x128xf32, #tpu.memory_space<hbm>>) target(%dma_start3A_614 : memref<32x128xf32, #tpu.memory_space<vmem>>) offsets(%dma_start3A_617 : memref<32xi32, #tpu.memory_space<vmem>>) semaphore(%arg15 : memref<!tpu.dma_semaphore, #tpu.memory_space<semaphore_mem>>)
      %dma_start3A_621 = arith.constant 2 : i32
      %dma_start3A_622 = arith.constant 2 : i32
      %dma_start3A_623 = arith.constant 0 : i32
      %dma_start3A_624 = arith.constant 0 : i32
      %dma_start3A_625 = tpu.memref_slice %arg13[%dma_start3A_622, %dma_start3A_623, %dma_start3A_624] : memref<6x32x128xf32, #tpu.memory_space<vmem>> -> memref<1x32x128xf32, #tpu.memory_space<vmem>>
      %dma_start3A_626 = tpu.memref_squeeze %dma_start3A_625 : memref<1x32x128xf32, #tpu.memory_space<vmem>> -> memref<32x128xf32, #tpu.memory_space<vmem>>
      %dma_start3A_627 = arith.constant 0 : i32
      %dma_start3A_628 = tpu.memref_slice %arg11[%dma_start3A_621, %dma_start3A_627] : memref<6x32xi32, #tpu.memory_space<vmem>> -> memref<1x32xi32, #tpu.memory_space<vmem>>
      %dma_start3A_629 = tpu.memref_squeeze %dma_start3A_628 : memref<1x32xi32, #tpu.memory_space<vmem>> -> memref<32xi32, #tpu.memory_space<vmem>>
      %dma_start3A_630 = arith.constant 0 : i32
      %dma_start3A_631 = arith.constant 0 : i32
      %dma_start3A_632 = tpu.memref_slice %arg3[%dma_start3A_630, %dma_start3A_631] : memref<6192x128xf32, #tpu.memory_space<hbm>> -> memref<6192x128xf32, #tpu.memory_space<hbm>>
      tpu.enqueue_indirect_dma source(%dma_start3A_632 : memref<6192x128xf32, #tpu.memory_space<hbm>>) target(%dma_start3A_626 : memref<32x128xf32, #tpu.memory_space<vmem>>) offsets(%dma_start3A_629 : memref<32xi32, #tpu.memory_space<vmem>>) semaphore(%arg15 : memref<!tpu.dma_semaphore, #tpu.memory_space<semaphore_mem>>)
      %dma_start3A_633 = arith.constant 3 : i32
      %dma_start3A_634 = arith.constant 3 : i32
      %dma_start3A_635 = arith.constant 0 : i32
      %dma_start3A_636 = arith.constant 0 : i32
      %dma_start3A_637 = tpu.memref_slice %arg13[%dma_start3A_634, %dma_start3A_635, %dma_start3A_636] : memref<6x32x128xf32, #tpu.memory_space<vmem>> -> memref<1x32x128xf32, #tpu.memory_space<vmem>>
      %dma_start3A_638 = tpu.memref_squeeze %dma_start3A_637 : memref<1x32x128xf32, #tpu.memory_space<vmem>> -> memref<32x128xf32, #tpu.memory_space<vmem>>
      %dma_start3A_639 = arith.constant 0 : i32
      %dma_start3A_640 = tpu.memref_slice %arg11[%dma_start3A_633, %dma_start3A_639] : memref<6x32xi32, #tpu.memory_space<vmem>> -> memref<1x32xi32, #tpu.memory_space<vmem>>
      %dma_start3A_641 = tpu.memref_squeeze %dma_start3A_640 : memref<1x32xi32, #tpu.memory_space<vmem>> -> memref<32xi32, #tpu.memory_space<vmem>>
      %dma_start3A_642 = arith.constant 0 : i32
      %dma_start3A_643 = arith.constant 0 : i32
      %dma_start3A_644 = tpu.memref_slice %arg3[%dma_start3A_642, %dma_start3A_643] : memref<6192x128xf32, #tpu.memory_space<hbm>> -> memref<6192x128xf32, #tpu.memory_space<hbm>>
      tpu.enqueue_indirect_dma source(%dma_start3A_644 : memref<6192x128xf32, #tpu.memory_space<hbm>>) target(%dma_start3A_638 : memref<32x128xf32, #tpu.memory_space<vmem>>) offsets(%dma_start3A_641 : memref<32xi32, #tpu.memory_space<vmem>>) semaphore(%arg15 : memref<!tpu.dma_semaphore, #tpu.memory_space<semaphore_mem>>)
      %dma_start3A_645 = arith.constant 4 : i32
      %dma_start3A_646 = arith.constant 4 : i32
      %dma_start3A_647 = arith.constant 0 : i32
      %dma_start3A_648 = arith.constant 0 : i32
      %dma_start3A_649 = tpu.memref_slice %arg13[%dma_start3A_646, %dma_start3A_647, %dma_start3A_648] : memref<6x32x128xf32, #tpu.memory_space<vmem>> -> memref<1x32x128xf32, #tpu.memory_space<vmem>>
      %dma_start3A_650 = tpu.memref_squeeze %dma_start3A_649 : memref<1x32x128xf32, #tpu.memory_space<vmem>> -> memref<32x128xf32, #tpu.memory_space<vmem>>
      %dma_start3A_651 = arith.constant 0 : i32
      %dma_start3A_652 = tpu.memref_slice %arg11[%dma_start3A_645, %dma_start3A_651] : memref<6x32xi32, #tpu.memory_space<vmem>> -> memref<1x32xi32, #tpu.memory_space<vmem>>
      %dma_start3A_653 = tpu.memref_squeeze %dma_start3A_652 : memref<1x32xi32, #tpu.memory_space<vmem>> -> memref<32xi32, #tpu.memory_space<vmem>>
      %dma_start3A_654 = arith.constant 0 : i32
      %dma_start3A_655 = arith.constant 0 : i32
      %dma_start3A_656 = tpu.memref_slice %arg3[%dma_start3A_654, %dma_start3A_655] : memref<6192x128xf32, #tpu.memory_space<hbm>> -> memref<6192x128xf32, #tpu.memory_space<hbm>>
      tpu.enqueue_indirect_dma source(%dma_start3A_656 : memref<6192x128xf32, #tpu.memory_space<hbm>>) target(%dma_start3A_650 : memref<32x128xf32, #tpu.memory_space<vmem>>) offsets(%dma_start3A_653 : memref<32xi32, #tpu.memory_space<vmem>>) semaphore(%arg15 : memref<!tpu.dma_semaphore, #tpu.memory_space<semaphore_mem>>)
      %dma_start3A_657 = arith.constant 5 : i32
      %dma_start3A_658 = arith.constant 5 : i32
      %dma_start3A_659 = arith.constant 0 : i32
      %dma_start3A_660 = arith.constant 0 : i32
      %dma_start3A_661 = tpu.memref_slice %arg13[%dma_start3A_658, %dma_start3A_659, %dma_start3A_660] : memref<6x32x128xf32, #tpu.memory_space<vmem>> -> memref<1x32x128xf32, #tpu.memory_space<vmem>>
      %dma_start3A_662 = tpu.memref_squeeze %dma_start3A_661 : memref<1x32x128xf32, #tpu.memory_space<vmem>> -> memref<32x128xf32, #tpu.memory_space<vmem>>
      %dma_start3A_663 = arith.constant 0 : i32
      %dma_start3A_664 = tpu.memref_slice %arg11[%dma_start3A_657, %dma_start3A_663] : memref<6x32xi32, #tpu.memory_space<vmem>> -> memref<1x32xi32, #tpu.memory_space<vmem>>
      %dma_start3A_665 = tpu.memref_squeeze %dma_start3A_664 : memref<1x32xi32, #tpu.memory_space<vmem>> -> memref<32xi32, #tpu.memory_space<vmem>>
      %dma_start3A_666 = arith.constant 0 : i32
      %dma_start3A_667 = arith.constant 0 : i32
      %dma_start3A_668 = tpu.memref_slice %arg3[%dma_start3A_666, %dma_start3A_667] : memref<6192x128xf32, #tpu.memory_space<hbm>> -> memref<6192x128xf32, #tpu.memory_space<hbm>>
      tpu.enqueue_indirect_dma source(%dma_start3A_668 : memref<6192x128xf32, #tpu.memory_space<hbm>>) target(%dma_start3A_662 : memref<32x128xf32, #tpu.memory_space<vmem>>) offsets(%dma_start3A_665 : memref<32xi32, #tpu.memory_space<vmem>>) semaphore(%arg15 : memref<!tpu.dma_semaphore, #tpu.memory_space<semaphore_mem>>)
      %dma_wait3A_669 = arith.constant 0 : i32
      %dma_wait3A_670 = arith.constant 0 : i32
      %dma_wait3A_671 = arith.constant 0 : i32
      %dma_wait3A_672 = arith.constant 0 : i32
      %dma_wait3A_673 = tpu.memref_slice %arg13[%dma_wait3A_670, %dma_wait3A_671, %dma_wait3A_672] : memref<6x32x128xf32, #tpu.memory_space<vmem>> -> memref<1x32x128xf32, #tpu.memory_space<vmem>>
      %dma_wait3A_674 = tpu.memref_squeeze %dma_wait3A_673 : memref<1x32x128xf32, #tpu.memory_space<vmem>> -> memref<32x128xf32, #tpu.memory_space<vmem>>
      %dma_wait3A_675 = arith.constant 0 : i32
      %dma_wait3A_676 = tpu.memref_slice %arg11[%dma_wait3A_669, %dma_wait3A_675] : memref<6x32xi32, #tpu.memory_space<vmem>> -> memref<1x32xi32, #tpu.memory_space<vmem>>
      %dma_wait3A_677 = tpu.memref_squeeze %dma_wait3A_676 : memref<1x32xi32, #tpu.memory_space<vmem>> -> memref<32xi32, #tpu.memory_space<vmem>>
      %dma_wait3A_678 = arith.constant 0 : i32
      %dma_wait3A_679 = arith.constant 0 : i32
      %dma_wait3A_680 = tpu.memref_slice %arg3[%dma_wait3A_678, %dma_wait3A_679] : memref<6192x128xf32, #tpu.memory_space<hbm>> -> memref<6192x128xf32, #tpu.memory_space<hbm>>
      tpu.wait_indirect_dma semaphore(%arg15 : memref<!tpu.dma_semaphore, #tpu.memory_space<semaphore_mem>>) src(%dma_wait3A_680 : memref<6192x128xf32, #tpu.memory_space<hbm>>) dst(%dma_wait3A_674 : memref<32x128xf32, #tpu.memory_space<vmem>>)
      %run_scoped3A = arith.constant 0 : i32
      %run_scoped3A_681 = arith.constant 0 : i32
      "tpu.region"() ({
        %run_scoped3A_752 = tpu.sem_alloc : memref<!tpu.dma_semaphore, #tpu.memory_space<semaphore_mem>>
        %dma_start3A_753 = arith.constant 0 : i32
        %dma_start3A_754 = arith.constant 0 : i32
        %dma_start3A_755 = tpu.memref_slice %arg13[%run_scoped3A, %dma_start3A_753, %dma_start3A_754] : memref<6x32x128xf32, #tpu.memory_space<vmem>> -> memref<1x32x128xf32, #tpu.memory_space<vmem>>
        %dma_start3A_756 = tpu.memref_squeeze %dma_start3A_755 : memref<1x32x128xf32, #tpu.memory_space<vmem>> -> memref<32x128xf32, #tpu.memory_space<vmem>>
        %dma_start3A_757 = arith.constant 0 : i32
        %dma_start3A_758 = tpu.memref_slice %arg12[%run_scoped3A_681, %dma_start3A_757] : memref<6x32xi32, #tpu.memory_space<vmem>> -> memref<1x32xi32, #tpu.memory_space<vmem>>
        %dma_start3A_759 = tpu.memref_squeeze %dma_start3A_758 : memref<1x32xi32, #tpu.memory_space<vmem>> -> memref<32xi32, #tpu.memory_space<vmem>>
        %dma_start3A_760 = arith.constant 0 : i32
        %dma_start3A_761 = arith.constant 0 : i32
        %dma_start3A_762 = tpu.memref_slice %arg14[%dma_start3A_760, %dma_start3A_761] : memref<12288x128xf32, #tpu.memory_space<vmem_shared>> -> memref<12288x128xf32, #tpu.memory_space<vmem_shared>>
        tpu.enqueue_indirect_dma source(%dma_start3A_756 : memref<32x128xf32, #tpu.memory_space<vmem>>) target(%dma_start3A_762 : memref<12288x128xf32, #tpu.memory_space<vmem_shared>>) offsets(%dma_start3A_759 : memref<32xi32, #tpu.memory_space<vmem>>) semaphore(%run_scoped3A_752 : memref<!tpu.dma_semaphore, #tpu.memory_space<semaphore_mem>>) {add = true}
        %dma_wait3A_763 = arith.constant 0 : i32
        %dma_wait3A_764 = arith.constant 0 : i32
        %dma_wait3A_765 = tpu.memref_slice %arg13[%run_scoped3A, %dma_wait3A_763, %dma_wait3A_764] : memref<6x32x128xf32, #tpu.memory_space<vmem>> -> memref<1x32x128xf32, #tpu.memory_space<vmem>>
        %dma_wait3A_766 = tpu.memref_squeeze %dma_wait3A_765 : memref<1x32x128xf32, #tpu.memory_space<vmem>> -> memref<32x128xf32, #tpu.memory_space<vmem>>
        %dma_wait3A_767 = arith.constant 0 : i32
        %dma_wait3A_768 = tpu.memref_slice %arg12[%run_scoped3A_681, %dma_wait3A_767] : memref<6x32xi32, #tpu.memory_space<vmem>> -> memref<1x32xi32, #tpu.memory_space<vmem>>
        %dma_wait3A_769 = tpu.memref_squeeze %dma_wait3A_768 : memref<1x32xi32, #tpu.memory_space<vmem>> -> memref<32xi32, #tpu.memory_space<vmem>>
        %dma_wait3A_770 = arith.constant 0 : i32
        %dma_wait3A_771 = arith.constant 0 : i32
        %dma_wait3A_772 = tpu.memref_slice %arg14[%dma_wait3A_770, %dma_wait3A_771] : memref<12288x128xf32, #tpu.memory_space<vmem_shared>> -> memref<12288x128xf32, #tpu.memory_space<vmem_shared>>
        tpu.wait_indirect_dma semaphore(%run_scoped3A_752 : memref<!tpu.dma_semaphore, #tpu.memory_space<semaphore_mem>>) src(%dma_wait3A_766 : memref<32x128xf32, #tpu.memory_space<vmem>>) dst(%dma_wait3A_772 : memref<12288x128xf32, #tpu.memory_space<vmem_shared>>)
        tpu.yield
      }) : () -> ()
      %dma_wait3A_682 = arith.constant 1 : i32
      %dma_wait3A_683 = arith.constant 1 : i32
      %dma_wait3A_684 = arith.constant 0 : i32
      %dma_wait3A_685 = arith.constant 0 : i32
      %dma_wait3A_686 = tpu.memref_slice %arg13[%dma_wait3A_683, %dma_wait3A_684, %dma_wait3A_685] : memref<6x32x128xf32, #tpu.memory_space<vmem>> -> memref<1x32x128xf32, #tpu.memory_space<vmem>>
      %dma_wait3A_687 = tpu.memref_squeeze %dma_wait3A_686 : memref<1x32x128xf32, #tpu.memory_space<vmem>> -> memref<32x128xf32, #tpu.memory_space<vmem>>
      %dma_wait3A_688 = arith.constant 0 : i32
      %dma_wait3A_689 = tpu.memref_slice %arg11[%dma_wait3A_682, %dma_wait3A_688] : memref<6x32xi32, #tpu.memory_space<vmem>> -> memref<1x32xi32, #tpu.memory_space<vmem>>
      %dma_wait3A_690 = tpu.memref_squeeze %dma_wait3A_689 : memref<1x32xi32, #tpu.memory_space<vmem>> -> memref<32xi32, #tpu.memory_space<vmem>>
      %dma_wait3A_691 = arith.constant 0 : i32
      %dma_wait3A_692 = arith.constant 0 : i32
      %dma_wait3A_693 = tpu.memref_slice %arg3[%dma_wait3A_691, %dma_wait3A_692] : memref<6192x128xf32, #tpu.memory_space<hbm>> -> memref<6192x128xf32, #tpu.memory_space<hbm>>
      tpu.wait_indirect_dma semaphore(%arg15 : memref<!tpu.dma_semaphore, #tpu.memory_space<semaphore_mem>>) src(%dma_wait3A_693 : memref<6192x128xf32, #tpu.memory_space<hbm>>) dst(%dma_wait3A_687 : memref<32x128xf32, #tpu.memory_space<vmem>>)
      %run_scoped3A_694 = arith.constant 1 : i32
      %run_scoped3A_695 = arith.constant 1 : i32
      "tpu.region"() ({
        %run_scoped3A_752 = tpu.sem_alloc : memref<!tpu.dma_semaphore, #tpu.memory_space<semaphore_mem>>
        %dma_start3A_753 = arith.constant 0 : i32
        %dma_start3A_754 = arith.constant 0 : i32
        %dma_start3A_755 = tpu.memref_slice %arg13[%run_scoped3A_694, %dma_start3A_753, %dma_start3A_754] : memref<6x32x128xf32, #tpu.memory_space<vmem>> -> memref<1x32x128xf32, #tpu.memory_space<vmem>>
        %dma_start3A_756 = tpu.memref_squeeze %dma_start3A_755 : memref<1x32x128xf32, #tpu.memory_space<vmem>> -> memref<32x128xf32, #tpu.memory_space<vmem>>
        %dma_start3A_757 = arith.constant 0 : i32
        %dma_start3A_758 = tpu.memref_slice %arg12[%run_scoped3A_695, %dma_start3A_757] : memref<6x32xi32, #tpu.memory_space<vmem>> -> memref<1x32xi32, #tpu.memory_space<vmem>>
        %dma_start3A_759 = tpu.memref_squeeze %dma_start3A_758 : memref<1x32xi32, #tpu.memory_space<vmem>> -> memref<32xi32, #tpu.memory_space<vmem>>
        %dma_start3A_760 = arith.constant 0 : i32
        %dma_start3A_761 = arith.constant 0 : i32
        %dma_start3A_762 = tpu.memref_slice %arg14[%dma_start3A_760, %dma_start3A_761] : memref<12288x128xf32, #tpu.memory_space<vmem_shared>> -> memref<12288x128xf32, #tpu.memory_space<vmem_shared>>
        tpu.enqueue_indirect_dma source(%dma_start3A_756 : memref<32x128xf32, #tpu.memory_space<vmem>>) target(%dma_start3A_762 : memref<12288x128xf32, #tpu.memory_space<vmem_shared>>) offsets(%dma_start3A_759 : memref<32xi32, #tpu.memory_space<vmem>>) semaphore(%run_scoped3A_752 : memref<!tpu.dma_semaphore, #tpu.memory_space<semaphore_mem>>) {add = true}
        %dma_wait3A_763 = arith.constant 0 : i32
        %dma_wait3A_764 = arith.constant 0 : i32
        %dma_wait3A_765 = tpu.memref_slice %arg13[%run_scoped3A_694, %dma_wait3A_763, %dma_wait3A_764] : memref<6x32x128xf32, #tpu.memory_space<vmem>> -> memref<1x32x128xf32, #tpu.memory_space<vmem>>
        %dma_wait3A_766 = tpu.memref_squeeze %dma_wait3A_765 : memref<1x32x128xf32, #tpu.memory_space<vmem>> -> memref<32x128xf32, #tpu.memory_space<vmem>>
        %dma_wait3A_767 = arith.constant 0 : i32
        %dma_wait3A_768 = tpu.memref_slice %arg12[%run_scoped3A_695, %dma_wait3A_767] : memref<6x32xi32, #tpu.memory_space<vmem>> -> memref<1x32xi32, #tpu.memory_space<vmem>>
        %dma_wait3A_769 = tpu.memref_squeeze %dma_wait3A_768 : memref<1x32xi32, #tpu.memory_space<vmem>> -> memref<32xi32, #tpu.memory_space<vmem>>
        %dma_wait3A_770 = arith.constant 0 : i32
        %dma_wait3A_771 = arith.constant 0 : i32
        %dma_wait3A_772 = tpu.memref_slice %arg14[%dma_wait3A_770, %dma_wait3A_771] : memref<12288x128xf32, #tpu.memory_space<vmem_shared>> -> memref<12288x128xf32, #tpu.memory_space<vmem_shared>>
        tpu.wait_indirect_dma semaphore(%run_scoped3A_752 : memref<!tpu.dma_semaphore, #tpu.memory_space<semaphore_mem>>) src(%dma_wait3A_766 : memref<32x128xf32, #tpu.memory_space<vmem>>) dst(%dma_wait3A_772 : memref<12288x128xf32, #tpu.memory_space<vmem_shared>>)
        tpu.yield
      }) : () -> ()
      %dma_wait3A_696 = arith.constant 2 : i32
      %dma_wait3A_697 = arith.constant 2 : i32
      %dma_wait3A_698 = arith.constant 0 : i32
      %dma_wait3A_699 = arith.constant 0 : i32
      %dma_wait3A_700 = tpu.memref_slice %arg13[%dma_wait3A_697, %dma_wait3A_698, %dma_wait3A_699] : memref<6x32x128xf32, #tpu.memory_space<vmem>> -> memref<1x32x128xf32, #tpu.memory_space<vmem>>
      %dma_wait3A_701 = tpu.memref_squeeze %dma_wait3A_700 : memref<1x32x128xf32, #tpu.memory_space<vmem>> -> memref<32x128xf32, #tpu.memory_space<vmem>>
      %dma_wait3A_702 = arith.constant 0 : i32
      %dma_wait3A_703 = tpu.memref_slice %arg11[%dma_wait3A_696, %dma_wait3A_702] : memref<6x32xi32, #tpu.memory_space<vmem>> -> memref<1x32xi32, #tpu.memory_space<vmem>>
      %dma_wait3A_704 = tpu.memref_squeeze %dma_wait3A_703 : memref<1x32xi32, #tpu.memory_space<vmem>> -> memref<32xi32, #tpu.memory_space<vmem>>
      %dma_wait3A_705 = arith.constant 0 : i32
      %dma_wait3A_706 = arith.constant 0 : i32
      %dma_wait3A_707 = tpu.memref_slice %arg3[%dma_wait3A_705, %dma_wait3A_706] : memref<6192x128xf32, #tpu.memory_space<hbm>> -> memref<6192x128xf32, #tpu.memory_space<hbm>>
      tpu.wait_indirect_dma semaphore(%arg15 : memref<!tpu.dma_semaphore, #tpu.memory_space<semaphore_mem>>) src(%dma_wait3A_707 : memref<6192x128xf32, #tpu.memory_space<hbm>>) dst(%dma_wait3A_701 : memref<32x128xf32, #tpu.memory_space<vmem>>)
      %run_scoped3A_708 = arith.constant 2 : i32
      %run_scoped3A_709 = arith.constant 2 : i32
      "tpu.region"() ({
        %run_scoped3A_752 = tpu.sem_alloc : memref<!tpu.dma_semaphore, #tpu.memory_space<semaphore_mem>>
        %dma_start3A_753 = arith.constant 0 : i32
        %dma_start3A_754 = arith.constant 0 : i32
        %dma_start3A_755 = tpu.memref_slice %arg13[%run_scoped3A_708, %dma_start3A_753, %dma_start3A_754] : memref<6x32x128xf32, #tpu.memory_space<vmem>> -> memref<1x32x128xf32, #tpu.memory_space<vmem>>
        %dma_start3A_756 = tpu.memref_squeeze %dma_start3A_755 : memref<1x32x128xf32, #tpu.memory_space<vmem>> -> memref<32x128xf32, #tpu.memory_space<vmem>>
        %dma_start3A_757 = arith.constant 0 : i32
        %dma_start3A_758 = tpu.memref_slice %arg12[%run_scoped3A_709, %dma_start3A_757] : memref<6x32xi32, #tpu.memory_space<vmem>> -> memref<1x32xi32, #tpu.memory_space<vmem>>
        %dma_start3A_759 = tpu.memref_squeeze %dma_start3A_758 : memref<1x32xi32, #tpu.memory_space<vmem>> -> memref<32xi32, #tpu.memory_space<vmem>>
        %dma_start3A_760 = arith.constant 0 : i32
        %dma_start3A_761 = arith.constant 0 : i32
        %dma_start3A_762 = tpu.memref_slice %arg14[%dma_start3A_760, %dma_start3A_761] : memref<12288x128xf32, #tpu.memory_space<vmem_shared>> -> memref<12288x128xf32, #tpu.memory_space<vmem_shared>>
        tpu.enqueue_indirect_dma source(%dma_start3A_756 : memref<32x128xf32, #tpu.memory_space<vmem>>) target(%dma_start3A_762 : memref<12288x128xf32, #tpu.memory_space<vmem_shared>>) offsets(%dma_start3A_759 : memref<32xi32, #tpu.memory_space<vmem>>) semaphore(%run_scoped3A_752 : memref<!tpu.dma_semaphore, #tpu.memory_space<semaphore_mem>>) {add = true}
        %dma_wait3A_763 = arith.constant 0 : i32
        %dma_wait3A_764 = arith.constant 0 : i32
        %dma_wait3A_765 = tpu.memref_slice %arg13[%run_scoped3A_708, %dma_wait3A_763, %dma_wait3A_764] : memref<6x32x128xf32, #tpu.memory_space<vmem>> -> memref<1x32x128xf32, #tpu.memory_space<vmem>>
        %dma_wait3A_766 = tpu.memref_squeeze %dma_wait3A_765 : memref<1x32x128xf32, #tpu.memory_space<vmem>> -> memref<32x128xf32, #tpu.memory_space<vmem>>
        %dma_wait3A_767 = arith.constant 0 : i32
        %dma_wait3A_768 = tpu.memref_slice %arg12[%run_scoped3A_709, %dma_wait3A_767] : memref<6x32xi32, #tpu.memory_space<vmem>> -> memref<1x32xi32, #tpu.memory_space<vmem>>
        %dma_wait3A_769 = tpu.memref_squeeze %dma_wait3A_768 : memref<1x32xi32, #tpu.memory_space<vmem>> -> memref<32xi32, #tpu.memory_space<vmem>>
        %dma_wait3A_770 = arith.constant 0 : i32
        %dma_wait3A_771 = arith.constant 0 : i32
        %dma_wait3A_772 = tpu.memref_slice %arg14[%dma_wait3A_770, %dma_wait3A_771] : memref<12288x128xf32, #tpu.memory_space<vmem_shared>> -> memref<12288x128xf32, #tpu.memory_space<vmem_shared>>
        tpu.wait_indirect_dma semaphore(%run_scoped3A_752 : memref<!tpu.dma_semaphore, #tpu.memory_space<semaphore_mem>>) src(%dma_wait3A_766 : memref<32x128xf32, #tpu.memory_space<vmem>>) dst(%dma_wait3A_772 : memref<12288x128xf32, #tpu.memory_space<vmem_shared>>)
        tpu.yield
      }) : () -> ()
      %dma_wait3A_710 = arith.constant 3 : i32
      %dma_wait3A_711 = arith.constant 3 : i32
      %dma_wait3A_712 = arith.constant 0 : i32
      %dma_wait3A_713 = arith.constant 0 : i32
      %dma_wait3A_714 = tpu.memref_slice %arg13[%dma_wait3A_711, %dma_wait3A_712, %dma_wait3A_713] : memref<6x32x128xf32, #tpu.memory_space<vmem>> -> memref<1x32x128xf32, #tpu.memory_space<vmem>>
      %dma_wait3A_715 = tpu.memref_squeeze %dma_wait3A_714 : memref<1x32x128xf32, #tpu.memory_space<vmem>> -> memref<32x128xf32, #tpu.memory_space<vmem>>
      %dma_wait3A_716 = arith.constant 0 : i32
      %dma_wait3A_717 = tpu.memref_slice %arg11[%dma_wait3A_710, %dma_wait3A_716] : memref<6x32xi32, #tpu.memory_space<vmem>> -> memref<1x32xi32, #tpu.memory_space<vmem>>
      %dma_wait3A_718 = tpu.memref_squeeze %dma_wait3A_717 : memref<1x32xi32, #tpu.memory_space<vmem>> -> memref<32xi32, #tpu.memory_space<vmem>>
      %dma_wait3A_719 = arith.constant 0 : i32
      %dma_wait3A_720 = arith.constant 0 : i32
      %dma_wait3A_721 = tpu.memref_slice %arg3[%dma_wait3A_719, %dma_wait3A_720] : memref<6192x128xf32, #tpu.memory_space<hbm>> -> memref<6192x128xf32, #tpu.memory_space<hbm>>
      tpu.wait_indirect_dma semaphore(%arg15 : memref<!tpu.dma_semaphore, #tpu.memory_space<semaphore_mem>>) src(%dma_wait3A_721 : memref<6192x128xf32, #tpu.memory_space<hbm>>) dst(%dma_wait3A_715 : memref<32x128xf32, #tpu.memory_space<vmem>>)
      %run_scoped3A_722 = arith.constant 3 : i32
      %run_scoped3A_723 = arith.constant 3 : i32
      "tpu.region"() ({
        %run_scoped3A_752 = tpu.sem_alloc : memref<!tpu.dma_semaphore, #tpu.memory_space<semaphore_mem>>
        %dma_start3A_753 = arith.constant 0 : i32
        %dma_start3A_754 = arith.constant 0 : i32
        %dma_start3A_755 = tpu.memref_slice %arg13[%run_scoped3A_722, %dma_start3A_753, %dma_start3A_754] : memref<6x32x128xf32, #tpu.memory_space<vmem>> -> memref<1x32x128xf32, #tpu.memory_space<vmem>>
        %dma_start3A_756 = tpu.memref_squeeze %dma_start3A_755 : memref<1x32x128xf32, #tpu.memory_space<vmem>> -> memref<32x128xf32, #tpu.memory_space<vmem>>
        %dma_start3A_757 = arith.constant 0 : i32
        %dma_start3A_758 = tpu.memref_slice %arg12[%run_scoped3A_723, %dma_start3A_757] : memref<6x32xi32, #tpu.memory_space<vmem>> -> memref<1x32xi32, #tpu.memory_space<vmem>>
        %dma_start3A_759 = tpu.memref_squeeze %dma_start3A_758 : memref<1x32xi32, #tpu.memory_space<vmem>> -> memref<32xi32, #tpu.memory_space<vmem>>
        %dma_start3A_760 = arith.constant 0 : i32
        %dma_start3A_761 = arith.constant 0 : i32
        %dma_start3A_762 = tpu.memref_slice %arg14[%dma_start3A_760, %dma_start3A_761] : memref<12288x128xf32, #tpu.memory_space<vmem_shared>> -> memref<12288x128xf32, #tpu.memory_space<vmem_shared>>
        tpu.enqueue_indirect_dma source(%dma_start3A_756 : memref<32x128xf32, #tpu.memory_space<vmem>>) target(%dma_start3A_762 : memref<12288x128xf32, #tpu.memory_space<vmem_shared>>) offsets(%dma_start3A_759 : memref<32xi32, #tpu.memory_space<vmem>>) semaphore(%run_scoped3A_752 : memref<!tpu.dma_semaphore, #tpu.memory_space<semaphore_mem>>) {add = true}
        %dma_wait3A_763 = arith.constant 0 : i32
        %dma_wait3A_764 = arith.constant 0 : i32
        %dma_wait3A_765 = tpu.memref_slice %arg13[%run_scoped3A_722, %dma_wait3A_763, %dma_wait3A_764] : memref<6x32x128xf32, #tpu.memory_space<vmem>> -> memref<1x32x128xf32, #tpu.memory_space<vmem>>
        %dma_wait3A_766 = tpu.memref_squeeze %dma_wait3A_765 : memref<1x32x128xf32, #tpu.memory_space<vmem>> -> memref<32x128xf32, #tpu.memory_space<vmem>>
        %dma_wait3A_767 = arith.constant 0 : i32
        %dma_wait3A_768 = tpu.memref_slice %arg12[%run_scoped3A_723, %dma_wait3A_767] : memref<6x32xi32, #tpu.memory_space<vmem>> -> memref<1x32xi32, #tpu.memory_space<vmem>>
        %dma_wait3A_769 = tpu.memref_squeeze %dma_wait3A_768 : memref<1x32xi32, #tpu.memory_space<vmem>> -> memref<32xi32, #tpu.memory_space<vmem>>
        %dma_wait3A_770 = arith.constant 0 : i32
        %dma_wait3A_771 = arith.constant 0 : i32
        %dma_wait3A_772 = tpu.memref_slice %arg14[%dma_wait3A_770, %dma_wait3A_771] : memref<12288x128xf32, #tpu.memory_space<vmem_shared>> -> memref<12288x128xf32, #tpu.memory_space<vmem_shared>>
        tpu.wait_indirect_dma semaphore(%run_scoped3A_752 : memref<!tpu.dma_semaphore, #tpu.memory_space<semaphore_mem>>) src(%dma_wait3A_766 : memref<32x128xf32, #tpu.memory_space<vmem>>) dst(%dma_wait3A_772 : memref<12288x128xf32, #tpu.memory_space<vmem_shared>>)
        tpu.yield
      }) : () -> ()
      %dma_wait3A_724 = arith.constant 4 : i32
      %dma_wait3A_725 = arith.constant 4 : i32
      %dma_wait3A_726 = arith.constant 0 : i32
      %dma_wait3A_727 = arith.constant 0 : i32
      %dma_wait3A_728 = tpu.memref_slice %arg13[%dma_wait3A_725, %dma_wait3A_726, %dma_wait3A_727] : memref<6x32x128xf32, #tpu.memory_space<vmem>> -> memref<1x32x128xf32, #tpu.memory_space<vmem>>
      %dma_wait3A_729 = tpu.memref_squeeze %dma_wait3A_728 : memref<1x32x128xf32, #tpu.memory_space<vmem>> -> memref<32x128xf32, #tpu.memory_space<vmem>>
      %dma_wait3A_730 = arith.constant 0 : i32
      %dma_wait3A_731 = tpu.memref_slice %arg11[%dma_wait3A_724, %dma_wait3A_730] : memref<6x32xi32, #tpu.memory_space<vmem>> -> memref<1x32xi32, #tpu.memory_space<vmem>>
      %dma_wait3A_732 = tpu.memref_squeeze %dma_wait3A_731 : memref<1x32xi32, #tpu.memory_space<vmem>> -> memref<32xi32, #tpu.memory_space<vmem>>
      %dma_wait3A_733 = arith.constant 0 : i32
      %dma_wait3A_734 = arith.constant 0 : i32
      %dma_wait3A_735 = tpu.memref_slice %arg3[%dma_wait3A_733, %dma_wait3A_734] : memref<6192x128xf32, #tpu.memory_space<hbm>> -> memref<6192x128xf32, #tpu.memory_space<hbm>>
      tpu.wait_indirect_dma semaphore(%arg15 : memref<!tpu.dma_semaphore, #tpu.memory_space<semaphore_mem>>) src(%dma_wait3A_735 : memref<6192x128xf32, #tpu.memory_space<hbm>>) dst(%dma_wait3A_729 : memref<32x128xf32, #tpu.memory_space<vmem>>)
      %run_scoped3A_736 = arith.constant 4 : i32
      %run_scoped3A_737 = arith.constant 4 : i32
      "tpu.region"() ({
        %run_scoped3A_752 = tpu.sem_alloc : memref<!tpu.dma_semaphore, #tpu.memory_space<semaphore_mem>>
        %dma_start3A_753 = arith.constant 0 : i32
        %dma_start3A_754 = arith.constant 0 : i32
        %dma_start3A_755 = tpu.memref_slice %arg13[%run_scoped3A_736, %dma_start3A_753, %dma_start3A_754] : memref<6x32x128xf32, #tpu.memory_space<vmem>> -> memref<1x32x128xf32, #tpu.memory_space<vmem>>
        %dma_start3A_756 = tpu.memref_squeeze %dma_start3A_755 : memref<1x32x128xf32, #tpu.memory_space<vmem>> -> memref<32x128xf32, #tpu.memory_space<vmem>>
        %dma_start3A_757 = arith.constant 0 : i32
        %dma_start3A_758 = tpu.memref_slice %arg12[%run_scoped3A_737, %dma_start3A_757] : memref<6x32xi32, #tpu.memory_space<vmem>> -> memref<1x32xi32, #tpu.memory_space<vmem>>
        %dma_start3A_759 = tpu.memref_squeeze %dma_start3A_758 : memref<1x32xi32, #tpu.memory_space<vmem>> -> memref<32xi32, #tpu.memory_space<vmem>>
        %dma_start3A_760 = arith.constant 0 : i32
        %dma_start3A_761 = arith.constant 0 : i32
        %dma_start3A_762 = tpu.memref_slice %arg14[%dma_start3A_760, %dma_start3A_761] : memref<12288x128xf32, #tpu.memory_space<vmem_shared>> -> memref<12288x128xf32, #tpu.memory_space<vmem_shared>>
        tpu.enqueue_indirect_dma source(%dma_start3A_756 : memref<32x128xf32, #tpu.memory_space<vmem>>) target(%dma_start3A_762 : memref<12288x128xf32, #tpu.memory_space<vmem_shared>>) offsets(%dma_start3A_759 : memref<32xi32, #tpu.memory_space<vmem>>) semaphore(%run_scoped3A_752 : memref<!tpu.dma_semaphore, #tpu.memory_space<semaphore_mem>>) {add = true}
        %dma_wait3A_763 = arith.constant 0 : i32
        %dma_wait3A_764 = arith.constant 0 : i32
        %dma_wait3A_765 = tpu.memref_slice %arg13[%run_scoped3A_736, %dma_wait3A_763, %dma_wait3A_764] : memref<6x32x128xf32, #tpu.memory_space<vmem>> -> memref<1x32x128xf32, #tpu.memory_space<vmem>>
        %dma_wait3A_766 = tpu.memref_squeeze %dma_wait3A_765 : memref<1x32x128xf32, #tpu.memory_space<vmem>> -> memref<32x128xf32, #tpu.memory_space<vmem>>
        %dma_wait3A_767 = arith.constant 0 : i32
        %dma_wait3A_768 = tpu.memref_slice %arg12[%run_scoped3A_737, %dma_wait3A_767] : memref<6x32xi32, #tpu.memory_space<vmem>> -> memref<1x32xi32, #tpu.memory_space<vmem>>
        %dma_wait3A_769 = tpu.memref_squeeze %dma_wait3A_768 : memref<1x32xi32, #tpu.memory_space<vmem>> -> memref<32xi32, #tpu.memory_space<vmem>>
        %dma_wait3A_770 = arith.constant 0 : i32
        %dma_wait3A_771 = arith.constant 0 : i32
        %dma_wait3A_772 = tpu.memref_slice %arg14[%dma_wait3A_770, %dma_wait3A_771] : memref<12288x128xf32, #tpu.memory_space<vmem_shared>> -> memref<12288x128xf32, #tpu.memory_space<vmem_shared>>
        tpu.wait_indirect_dma semaphore(%run_scoped3A_752 : memref<!tpu.dma_semaphore, #tpu.memory_space<semaphore_mem>>) src(%dma_wait3A_766 : memref<32x128xf32, #tpu.memory_space<vmem>>) dst(%dma_wait3A_772 : memref<12288x128xf32, #tpu.memory_space<vmem_shared>>)
        tpu.yield
      }) : () -> ()
      %dma_wait3A_738 = arith.constant 5 : i32
      %dma_wait3A_739 = arith.constant 5 : i32
      %dma_wait3A_740 = arith.constant 0 : i32
      %dma_wait3A_741 = arith.constant 0 : i32
      %dma_wait3A_742 = tpu.memref_slice %arg13[%dma_wait3A_739, %dma_wait3A_740, %dma_wait3A_741] : memref<6x32x128xf32, #tpu.memory_space<vmem>> -> memref<1x32x128xf32, #tpu.memory_space<vmem>>
      %dma_wait3A_743 = tpu.memref_squeeze %dma_wait3A_742 : memref<1x32x128xf32, #tpu.memory_space<vmem>> -> memref<32x128xf32, #tpu.memory_space<vmem>>
      %dma_wait3A_744 = arith.constant 0 : i32
      %dma_wait3A_745 = tpu.memref_slice %arg11[%dma_wait3A_738, %dma_wait3A_744] : memref<6x32xi32, #tpu.memory_space<vmem>> -> memref<1x32xi32, #tpu.memory_space<vmem>>
      %dma_wait3A_746 = tpu.memref_squeeze %dma_wait3A_745 : memref<1x32xi32, #tpu.memory_space<vmem>> -> memref<32xi32, #tpu.memory_space<vmem>>
      %dma_wait3A_747 = arith.constant 0 : i32
      %dma_wait3A_748 = arith.constant 0 : i32
      %dma_wait3A_749 = tpu.memref_slice %arg3[%dma_wait3A_747, %dma_wait3A_748] : memref<6192x128xf32, #tpu.memory_space<hbm>> -> memref<6192x128xf32, #tpu.memory_space<hbm>>
      tpu.wait_indirect_dma semaphore(%arg15 : memref<!tpu.dma_semaphore, #tpu.memory_space<semaphore_mem>>) src(%dma_wait3A_749 : memref<6192x128xf32, #tpu.memory_space<hbm>>) dst(%dma_wait3A_743 : memref<32x128xf32, #tpu.memory_space<vmem>>)
      %run_scoped3A_750 = arith.constant 5 : i32
      %run_scoped3A_751 = arith.constant 5 : i32
      "tpu.region"() ({
        %run_scoped3A_752 = tpu.sem_alloc : memref<!tpu.dma_semaphore, #tpu.memory_space<semaphore_mem>>
        %dma_start3A_753 = arith.constant 0 : i32
        %dma_start3A_754 = arith.constant 0 : i32
        %dma_start3A_755 = tpu.memref_slice %arg13[%run_scoped3A_750, %dma_start3A_753, %dma_start3A_754] : memref<6x32x128xf32, #tpu.memory_space<vmem>> -> memref<1x32x128xf32, #tpu.memory_space<vmem>>
        %dma_start3A_756 = tpu.memref_squeeze %dma_start3A_755 : memref<1x32x128xf32, #tpu.memory_space<vmem>> -> memref<32x128xf32, #tpu.memory_space<vmem>>
        %dma_start3A_757 = arith.constant 0 : i32
        %dma_start3A_758 = tpu.memref_slice %arg12[%run_scoped3A_751, %dma_start3A_757] : memref<6x32xi32, #tpu.memory_space<vmem>> -> memref<1x32xi32, #tpu.memory_space<vmem>>
        %dma_start3A_759 = tpu.memref_squeeze %dma_start3A_758 : memref<1x32xi32, #tpu.memory_space<vmem>> -> memref<32xi32, #tpu.memory_space<vmem>>
        %dma_start3A_760 = arith.constant 0 : i32
        %dma_start3A_761 = arith.constant 0 : i32
        %dma_start3A_762 = tpu.memref_slice %arg14[%dma_start3A_760, %dma_start3A_761] : memref<12288x128xf32, #tpu.memory_space<vmem_shared>> -> memref<12288x128xf32, #tpu.memory_space<vmem_shared>>
        tpu.enqueue_indirect_dma source(%dma_start3A_756 : memref<32x128xf32, #tpu.memory_space<vmem>>) target(%dma_start3A_762 : memref<12288x128xf32, #tpu.memory_space<vmem_shared>>) offsets(%dma_start3A_759 : memref<32xi32, #tpu.memory_space<vmem>>) semaphore(%run_scoped3A_752 : memref<!tpu.dma_semaphore, #tpu.memory_space<semaphore_mem>>) {add = true}
        %dma_wait3A_763 = arith.constant 0 : i32
        %dma_wait3A_764 = arith.constant 0 : i32
        %dma_wait3A_765 = tpu.memref_slice %arg13[%run_scoped3A_750, %dma_wait3A_763, %dma_wait3A_764] : memref<6x32x128xf32, #tpu.memory_space<vmem>> -> memref<1x32x128xf32, #tpu.memory_space<vmem>>
        %dma_wait3A_766 = tpu.memref_squeeze %dma_wait3A_765 : memref<1x32x128xf32, #tpu.memory_space<vmem>> -> memref<32x128xf32, #tpu.memory_space<vmem>>
        %dma_wait3A_767 = arith.constant 0 : i32
        %dma_wait3A_768 = tpu.memref_slice %arg12[%run_scoped3A_751, %dma_wait3A_767] : memref<6x32xi32, #tpu.memory_space<vmem>> -> memref<1x32xi32, #tpu.memory_space<vmem>>
        %dma_wait3A_769 = tpu.memref_squeeze %dma_wait3A_768 : memref<1x32xi32, #tpu.memory_space<vmem>> -> memref<32xi32, #tpu.memory_space<vmem>>
        %dma_wait3A_770 = arith.constant 0 : i32
        %dma_wait3A_771 = arith.constant 0 : i32
        %dma_wait3A_772 = tpu.memref_slice %arg14[%dma_wait3A_770, %dma_wait3A_771] : memref<12288x128xf32, #tpu.memory_space<vmem_shared>> -> memref<12288x128xf32, #tpu.memory_space<vmem_shared>>
        tpu.wait_indirect_dma semaphore(%run_scoped3A_752 : memref<!tpu.dma_semaphore, #tpu.memory_space<semaphore_mem>>) src(%dma_wait3A_766 : memref<32x128xf32, #tpu.memory_space<vmem>>) dst(%dma_wait3A_772 : memref<12288x128xf32, #tpu.memory_space<vmem_shared>>)
        tpu.yield
      }) : () -> ()
    }
    %barrier3A_157 = arith.constant 0 : index
    tpu.barrier barrier_id(%barrier3A_157)
    %mul3A_158 = arith.constant 128 : i32
    %mul3A_159 = arith.muli %arg1, %mul3A_158 : i32
    %add3A_160 = arith.constant 0 : i32
    %add3A_161 = arith.addi %add3A_160, %mul3A_159 : i32
    %mul3A_162 = arith.constant 128 : i32
    %mul3A_163 = arith.muli %arg1, %mul3A_162 : i32
    %add3A_164 = arith.addi %mul3A_14, %mul3A_163 : i32
    "tpu.region"() ({
      %run_scoped3A = tpu.sem_alloc : memref<!tpu.dma_semaphore, #tpu.memory_space<semaphore_mem>>
      %dma_start3A_405 = arith.constant 0 : i32
      %dma_start3A_406 = tpu.memref_slice %arg6[%add3A_164, %dma_start3A_405] : memref<8192x768xf32, #tpu.memory_space<hbm>> -> memref<128x128xf32, #tpu.memory_space<hbm>>
      %dma_start3A_407 = arith.constant 0 : i32
      %dma_start3A_408 = tpu.memref_slice %arg14[%add3A_161, %dma_start3A_407] : memref<12288x128xf32, #tpu.memory_space<vmem_shared>> -> memref<128x128xf32, #tpu.memory_space<vmem_shared>>
      tpu.enqueue_dma source(%dma_start3A_408 : memref<128x128xf32, #tpu.memory_space<vmem_shared>>) target(%dma_start3A_406 : memref<128x128xf32, #tpu.memory_space<hbm>>) target_semaphore(%run_scoped3A : memref<!tpu.dma_semaphore, #tpu.memory_space<semaphore_mem>>)
      %dma_wait3A_409 = arith.constant 0 : i32
      %dma_wait3A_410 = tpu.memref_slice %arg6[%add3A_164, %dma_wait3A_409] : memref<8192x768xf32, #tpu.memory_space<hbm>> -> memref<128x128xf32, #tpu.memory_space<hbm>>
      %dma_wait3A_411 = arith.constant 0 : i32
      %dma_wait3A_412 = tpu.memref_slice %arg14[%add3A_161, %dma_wait3A_411] : memref<12288x128xf32, #tpu.memory_space<vmem_shared>> -> memref<128x128xf32, #tpu.memory_space<vmem_shared>>
      tpu.wait_dma2 semaphore(%run_scoped3A : memref<!tpu.dma_semaphore, #tpu.memory_space<semaphore_mem>>) src(%dma_wait3A_412 : memref<128x128xf32, #tpu.memory_space<vmem_shared>>) dst(%dma_wait3A_410 : memref<128x128xf32, #tpu.memory_space<hbm>>)
      tpu.yield
    }) : () -> ()
    %mul3A_165 = arith.constant 128 : i32
    %mul3A_166 = arith.muli %arg1, %mul3A_165 : i32
    %add3A_167 = arith.constant 2048 : i32
    %add3A_168 = arith.addi %add3A_167, %mul3A_166 : i32
    %mul3A_169 = arith.constant 128 : i32
    %mul3A_170 = arith.muli %arg1, %mul3A_169 : i32
    %add3A_171 = arith.addi %mul3A_14, %mul3A_170 : i32
    "tpu.region"() ({
      %run_scoped3A = tpu.sem_alloc : memref<!tpu.dma_semaphore, #tpu.memory_space<semaphore_mem>>
      %dma_start3A_405 = arith.constant 128 : i32
      %dma_start3A_406 = tpu.memref_slice %arg6[%add3A_171, %dma_start3A_405] : memref<8192x768xf32, #tpu.memory_space<hbm>> -> memref<128x128xf32, #tpu.memory_space<hbm>>
      %dma_start3A_407 = arith.constant 0 : i32
      %dma_start3A_408 = tpu.memref_slice %arg14[%add3A_168, %dma_start3A_407] : memref<12288x128xf32, #tpu.memory_space<vmem_shared>> -> memref<128x128xf32, #tpu.memory_space<vmem_shared>>
      tpu.enqueue_dma source(%dma_start3A_408 : memref<128x128xf32, #tpu.memory_space<vmem_shared>>) target(%dma_start3A_406 : memref<128x128xf32, #tpu.memory_space<hbm>>) target_semaphore(%run_scoped3A : memref<!tpu.dma_semaphore, #tpu.memory_space<semaphore_mem>>)
      %dma_wait3A_409 = arith.constant 128 : i32
      %dma_wait3A_410 = tpu.memref_slice %arg6[%add3A_171, %dma_wait3A_409] : memref<8192x768xf32, #tpu.memory_space<hbm>> -> memref<128x128xf32, #tpu.memory_space<hbm>>
      %dma_wait3A_411 = arith.constant 0 : i32
      %dma_wait3A_412 = tpu.memref_slice %arg14[%add3A_168, %dma_wait3A_411] : memref<12288x128xf32, #tpu.memory_space<vmem_shared>> -> memref<128x128xf32, #tpu.memory_space<vmem_shared>>
      tpu.wait_dma2 semaphore(%run_scoped3A : memref<!tpu.dma_semaphore, #tpu.memory_space<semaphore_mem>>) src(%dma_wait3A_412 : memref<128x128xf32, #tpu.memory_space<vmem_shared>>) dst(%dma_wait3A_410 : memref<128x128xf32, #tpu.memory_space<hbm>>)
      tpu.yield
    }) : () -> ()
    %mul3A_172 = arith.constant 128 : i32
    %mul3A_173 = arith.muli %arg1, %mul3A_172 : i32
    %add3A_174 = arith.constant 4096 : i32
    %add3A_175 = arith.addi %add3A_174, %mul3A_173 : i32
    %mul3A_176 = arith.constant 128 : i32
    %mul3A_177 = arith.muli %arg1, %mul3A_176 : i32
    %add3A_178 = arith.addi %mul3A_14, %mul3A_177 : i32
    "tpu.region"() ({
      %run_scoped3A = tpu.sem_alloc : memref<!tpu.dma_semaphore, #tpu.memory_space<semaphore_mem>>
      %dma_start3A_405 = arith.constant 256 : i32
      %dma_start3A_406 = tpu.memref_slice %arg6[%add3A_178, %dma_start3A_405] : memref<8192x768xf32, #tpu.memory_space<hbm>> -> memref<128x128xf32, #tpu.memory_space<hbm>>
      %dma_start3A_407 = arith.constant 0 : i32
      %dma_start3A_408 = tpu.memref_slice %arg14[%add3A_175, %dma_start3A_407] : memref<12288x128xf32, #tpu.memory_space<vmem_shared>> -> memref<128x128xf32, #tpu.memory_space<vmem_shared>>
      tpu.enqueue_dma source(%dma_start3A_408 : memref<128x128xf32, #tpu.memory_space<vmem_shared>>) target(%dma_start3A_406 : memref<128x128xf32, #tpu.memory_space<hbm>>) target_semaphore(%run_scoped3A : memref<!tpu.dma_semaphore, #tpu.memory_space<semaphore_mem>>)
      %dma_wait3A_409 = arith.constant 256 : i32
      %dma_wait3A_410 = tpu.memref_slice %arg6[%add3A_178, %dma_wait3A_409] : memref<8192x768xf32, #tpu.memory_space<hbm>> -> memref<128x128xf32, #tpu.memory_space<hbm>>
      %dma_wait3A_411 = arith.constant 0 : i32
      %dma_wait3A_412 = tpu.memref_slice %arg14[%add3A_175, %dma_wait3A_411] : memref<12288x128xf32, #tpu.memory_space<vmem_shared>> -> memref<128x128xf32, #tpu.memory_space<vmem_shared>>
      tpu.wait_dma2 semaphore(%run_scoped3A : memref<!tpu.dma_semaphore, #tpu.memory_space<semaphore_mem>>) src(%dma_wait3A_412 : memref<128x128xf32, #tpu.memory_space<vmem_shared>>) dst(%dma_wait3A_410 : memref<128x128xf32, #tpu.memory_space<hbm>>)
      tpu.yield
    }) : () -> ()
    %mul3A_179 = arith.constant 128 : i32
    %mul3A_180 = arith.muli %arg1, %mul3A_179 : i32
    %add3A_181 = arith.constant 6144 : i32
    %add3A_182 = arith.addi %add3A_181, %mul3A_180 : i32
    %mul3A_183 = arith.constant 128 : i32
    %mul3A_184 = arith.muli %arg1, %mul3A_183 : i32
    %add3A_185 = arith.addi %mul3A_14, %mul3A_184 : i32
    "tpu.region"() ({
      %run_scoped3A = tpu.sem_alloc : memref<!tpu.dma_semaphore, #tpu.memory_space<semaphore_mem>>
      %dma_start3A_405 = arith.constant 384 : i32
      %dma_start3A_406 = tpu.memref_slice %arg6[%add3A_185, %dma_start3A_405] : memref<8192x768xf32, #tpu.memory_space<hbm>> -> memref<128x128xf32, #tpu.memory_space<hbm>>
      %dma_start3A_407 = arith.constant 0 : i32
      %dma_start3A_408 = tpu.memref_slice %arg14[%add3A_182, %dma_start3A_407] : memref<12288x128xf32, #tpu.memory_space<vmem_shared>> -> memref<128x128xf32, #tpu.memory_space<vmem_shared>>
      tpu.enqueue_dma source(%dma_start3A_408 : memref<128x128xf32, #tpu.memory_space<vmem_shared>>) target(%dma_start3A_406 : memref<128x128xf32, #tpu.memory_space<hbm>>) target_semaphore(%run_scoped3A : memref<!tpu.dma_semaphore, #tpu.memory_space<semaphore_mem>>)
      %dma_wait3A_409 = arith.constant 384 : i32
      %dma_wait3A_410 = tpu.memref_slice %arg6[%add3A_185, %dma_wait3A_409] : memref<8192x768xf32, #tpu.memory_space<hbm>> -> memref<128x128xf32, #tpu.memory_space<hbm>>
      %dma_wait3A_411 = arith.constant 0 : i32
      %dma_wait3A_412 = tpu.memref_slice %arg14[%add3A_182, %dma_wait3A_411] : memref<12288x128xf32, #tpu.memory_space<vmem_shared>> -> memref<128x128xf32, #tpu.memory_space<vmem_shared>>
      tpu.wait_dma2 semaphore(%run_scoped3A : memref<!tpu.dma_semaphore, #tpu.memory_space<semaphore_mem>>) src(%dma_wait3A_412 : memref<128x128xf32, #tpu.memory_space<vmem_shared>>) dst(%dma_wait3A_410 : memref<128x128xf32, #tpu.memory_space<hbm>>)
      tpu.yield
    }) : () -> ()
    %mul3A_186 = arith.constant 128 : i32
    %mul3A_187 = arith.muli %arg1, %mul3A_186 : i32
    %add3A_188 = arith.constant 8192 : i32
    %add3A_189 = arith.addi %add3A_188, %mul3A_187 : i32
    %mul3A_190 = arith.constant 128 : i32
    %mul3A_191 = arith.muli %arg1, %mul3A_190 : i32
    %add3A_192 = arith.addi %mul3A_14, %mul3A_191 : i32
    "tpu.region"() ({
      %run_scoped3A = tpu.sem_alloc : memref<!tpu.dma_semaphore, #tpu.memory_space<semaphore_mem>>
      %dma_start3A_405 = arith.constant 512 : i32
      %dma_start3A_406 = tpu.memref_slice %arg6[%add3A_192, %dma_start3A_405] : memref<8192x768xf32, #tpu.memory_space<hbm>> -> memref<128x128xf32, #tpu.memory_space<hbm>>
      %dma_start3A_407 = arith.constant 0 : i32
      %dma_start3A_408 = tpu.memref_slice %arg14[%add3A_189, %dma_start3A_407] : memref<12288x128xf32, #tpu.memory_space<vmem_shared>> -> memref<128x128xf32, #tpu.memory_space<vmem_shared>>
      tpu.enqueue_dma source(%dma_start3A_408 : memref<128x128xf32, #tpu.memory_space<vmem_shared>>) target(%dma_start3A_406 : memref<128x128xf32, #tpu.memory_space<hbm>>) target_semaphore(%run_scoped3A : memref<!tpu.dma_semaphore, #tpu.memory_space<semaphore_mem>>)
      %dma_wait3A_409 = arith.constant 512 : i32
      %dma_wait3A_410 = tpu.memref_slice %arg6[%add3A_192, %dma_wait3A_409] : memref<8192x768xf32, #tpu.memory_space<hbm>> -> memref<128x128xf32, #tpu.memory_space<hbm>>
      %dma_wait3A_411 = arith.constant 0 : i32
      %dma_wait3A_412 = tpu.memref_slice %arg14[%add3A_189, %dma_wait3A_411] : memref<12288x128xf32, #tpu.memory_space<vmem_shared>> -> memref<128x128xf32, #tpu.memory_space<vmem_shared>>
      tpu.wait_dma2 semaphore(%run_scoped3A : memref<!tpu.dma_semaphore, #tpu.memory_space<semaphore_mem>>) src(%dma_wait3A_412 : memref<128x128xf32, #tpu.memory_space<vmem_shared>>) dst(%dma_wait3A_410 : memref<128x128xf32, #tpu.memory_space<hbm>>)
      tpu.yield
    }) : () -> ()
    %mul3A_193 = arith.constant 128 : i32
    %mul3A_194 = arith.muli %arg1, %mul3A_193 : i32
    %add3A_195 = arith.constant 10240 : i32
    %add3A_196 = arith.addi %add3A_195, %mul3A_194 : i32
    %mul3A_197 = arith.constant 128 : i32
    %mul3A_198 = arith.muli %arg1, %mul3A_197 : i32
    %add3A_199 = arith.addi %mul3A_14, %mul3A_198 : i32
    "tpu.region"() ({
      %run_scoped3A = tpu.sem_alloc : memref<!tpu.dma_semaphore, #tpu.memory_space<semaphore_mem>>
      %dma_start3A_405 = arith.constant 640 : i32
      %dma_start3A_406 = tpu.memref_slice %arg6[%add3A_199, %dma_start3A_405] : memref<8192x768xf32, #tpu.memory_space<hbm>> -> memref<128x128xf32, #tpu.memory_space<hbm>>
      %dma_start3A_407 = arith.constant 0 : i32
      %dma_start3A_408 = tpu.memref_slice %arg14[%add3A_196, %dma_start3A_407] : memref<12288x128xf32, #tpu.memory_space<vmem_shared>> -> memref<128x128xf32, #tpu.memory_space<vmem_shared>>
      tpu.enqueue_dma source(%dma_start3A_408 : memref<128x128xf32, #tpu.memory_space<vmem_shared>>) target(%dma_start3A_406 : memref<128x128xf32, #tpu.memory_space<hbm>>) target_semaphore(%run_scoped3A : memref<!tpu.dma_semaphore, #tpu.memory_space<semaphore_mem>>)
      %dma_wait3A_409 = arith.constant 640 : i32
      %dma_wait3A_410 = tpu.memref_slice %arg6[%add3A_199, %dma_wait3A_409] : memref<8192x768xf32, #tpu.memory_space<hbm>> -> memref<128x128xf32, #tpu.memory_space<hbm>>
      %dma_wait3A_411 = arith.constant 0 : i32
      %dma_wait3A_412 = tpu.memref_slice %arg14[%add3A_196, %dma_wait3A_411] : memref<12288x128xf32, #tpu.memory_space<vmem_shared>> -> memref<128x128xf32, #tpu.memory_space<vmem_shared>>
      tpu.wait_dma2 semaphore(%run_scoped3A : memref<!tpu.dma_semaphore, #tpu.memory_space<semaphore_mem>>) src(%dma_wait3A_412 : memref<128x128xf32, #tpu.memory_space<vmem_shared>>) dst(%dma_wait3A_410 : memref<128x128xf32, #tpu.memory_space<hbm>>)
      tpu.yield
    }) : () -> ()
    %mul3A_200 = arith.constant 2 : i32
    %mul3A_201 = arith.muli %arg0, %mul3A_200 : i32
    %add3A_202 = arith.constant 1 : i32
    %add3A_203 = arith.addi %mul3A_201, %add3A_202 : i32
    %mul3A_204 = arith.constant 2048 : i32
    %mul3A_205 = arith.muli %add3A_203, %mul3A_204 : i32
    %mul3A_206 = arith.constant 128 : i32
    %mul3A_207 = arith.muli %arg1, %mul3A_206 : i32
    %add3A_208 = arith.addi %mul3A_205, %mul3A_207 : i32
    %mul3A_209 = arith.constant 128 : i32
    %mul3A_210 = arith.muli %arg1, %mul3A_209 : i32
    %add3A_211 = arith.constant 0 : i32
    %add3A_212 = arith.addi %add3A_211, %mul3A_210 : i32
    %dma_start3A_213 = arith.constant 0 : i32
    %dma_start3A_214 = tpu.memref_slice %arg14[%add3A_212, %dma_start3A_213] : memref<12288x128xf32, #tpu.memory_space<vmem_shared>> -> memref<128x128xf32, #tpu.memory_space<vmem_shared>>
    %dma_start3A_215 = arith.constant 0 : i32
    %dma_start3A_216 = tpu.memref_slice %arg2[%add3A_208, %dma_start3A_215] : memref<8192x768xf32, #tpu.memory_space<hbm>> -> memref<128x128xf32, #tpu.memory_space<hbm>>
    tpu.enqueue_dma source(%dma_start3A_216 : memref<128x128xf32, #tpu.memory_space<hbm>>) target(%dma_start3A_214 : memref<128x128xf32, #tpu.memory_space<vmem_shared>>) target_semaphore(%arg15 : memref<!tpu.dma_semaphore, #tpu.memory_space<semaphore_mem>>)
    %mul3A_217 = arith.constant 128 : i32
    %mul3A_218 = arith.muli %arg1, %mul3A_217 : i32
    %add3A_219 = arith.addi %mul3A_205, %mul3A_218 : i32
    %mul3A_220 = arith.constant 128 : i32
    %mul3A_221 = arith.muli %arg1, %mul3A_220 : i32
    %add3A_222 = arith.constant 2048 : i32
    %add3A_223 = arith.addi %add3A_222, %mul3A_221 : i32
    %dma_start3A_224 = arith.constant 0 : i32
    %dma_start3A_225 = tpu.memref_slice %arg14[%add3A_223, %dma_start3A_224] : memref<12288x128xf32, #tpu.memory_space<vmem_shared>> -> memref<128x128xf32, #tpu.memory_space<vmem_shared>>
    %dma_start3A_226 = arith.constant 128 : i32
    %dma_start3A_227 = tpu.memref_slice %arg2[%add3A_219, %dma_start3A_226] : memref<8192x768xf32, #tpu.memory_space<hbm>> -> memref<128x128xf32, #tpu.memory_space<hbm>>
    tpu.enqueue_dma source(%dma_start3A_227 : memref<128x128xf32, #tpu.memory_space<hbm>>) target(%dma_start3A_225 : memref<128x128xf32, #tpu.memory_space<vmem_shared>>) target_semaphore(%arg15 : memref<!tpu.dma_semaphore, #tpu.memory_space<semaphore_mem>>)
    %mul3A_228 = arith.constant 128 : i32
    %mul3A_229 = arith.muli %arg1, %mul3A_228 : i32
    %add3A_230 = arith.addi %mul3A_205, %mul3A_229 : i32
    %mul3A_231 = arith.constant 128 : i32
    %mul3A_232 = arith.muli %arg1, %mul3A_231 : i32
    %add3A_233 = arith.constant 4096 : i32
    %add3A_234 = arith.addi %add3A_233, %mul3A_232 : i32
    %dma_start3A_235 = arith.constant 0 : i32
    %dma_start3A_236 = tpu.memref_slice %arg14[%add3A_234, %dma_start3A_235] : memref<12288x128xf32, #tpu.memory_space<vmem_shared>> -> memref<128x128xf32, #tpu.memory_space<vmem_shared>>
    %dma_start3A_237 = arith.constant 256 : i32
    %dma_start3A_238 = tpu.memref_slice %arg2[%add3A_230, %dma_start3A_237] : memref<8192x768xf32, #tpu.memory_space<hbm>> -> memref<128x128xf32, #tpu.memory_space<hbm>>
    tpu.enqueue_dma source(%dma_start3A_238 : memref<128x128xf32, #tpu.memory_space<hbm>>) target(%dma_start3A_236 : memref<128x128xf32, #tpu.memory_space<vmem_shared>>) target_semaphore(%arg15 : memref<!tpu.dma_semaphore, #tpu.memory_space<semaphore_mem>>)
    %mul3A_239 = arith.constant 128 : i32
    %mul3A_240 = arith.muli %arg1, %mul3A_239 : i32
    %add3A_241 = arith.addi %mul3A_205, %mul3A_240 : i32
    %mul3A_242 = arith.constant 128 : i32
    %mul3A_243 = arith.muli %arg1, %mul3A_242 : i32
    %add3A_244 = arith.constant 6144 : i32
    %add3A_245 = arith.addi %add3A_244, %mul3A_243 : i32
    %dma_start3A_246 = arith.constant 0 : i32
    %dma_start3A_247 = tpu.memref_slice %arg14[%add3A_245, %dma_start3A_246] : memref<12288x128xf32, #tpu.memory_space<vmem_shared>> -> memref<128x128xf32, #tpu.memory_space<vmem_shared>>
    %dma_start3A_248 = arith.constant 384 : i32
    %dma_start3A_249 = tpu.memref_slice %arg2[%add3A_241, %dma_start3A_248] : memref<8192x768xf32, #tpu.memory_space<hbm>> -> memref<128x128xf32, #tpu.memory_space<hbm>>
    tpu.enqueue_dma source(%dma_start3A_249 : memref<128x128xf32, #tpu.memory_space<hbm>>) target(%dma_start3A_247 : memref<128x128xf32, #tpu.memory_space<vmem_shared>>) target_semaphore(%arg15 : memref<!tpu.dma_semaphore, #tpu.memory_space<semaphore_mem>>)
    %mul3A_250 = arith.constant 128 : i32
    %mul3A_251 = arith.muli %arg1, %mul3A_250 : i32
    %add3A_252 = arith.addi %mul3A_205, %mul3A_251 : i32
    %mul3A_253 = arith.constant 128 : i32
    %mul3A_254 = arith.muli %arg1, %mul3A_253 : i32
    %add3A_255 = arith.constant 8192 : i32
    %add3A_256 = arith.addi %add3A_255, %mul3A_254 : i32
    %dma_start3A_257 = arith.constant 0 : i32
    %dma_start3A_258 = tpu.memref_slice %arg14[%add3A_256, %dma_start3A_257] : memref<12288x128xf32, #tpu.memory_space<vmem_shared>> -> memref<128x128xf32, #tpu.memory_space<vmem_shared>>
    %dma_start3A_259 = arith.constant 512 : i32
    %dma_start3A_260 = tpu.memref_slice %arg2[%add3A_252, %dma_start3A_259] : memref<8192x768xf32, #tpu.memory_space<hbm>> -> memref<128x128xf32, #tpu.memory_space<hbm>>
    tpu.enqueue_dma source(%dma_start3A_260 : memref<128x128xf32, #tpu.memory_space<hbm>>) target(%dma_start3A_258 : memref<128x128xf32, #tpu.memory_space<vmem_shared>>) target_semaphore(%arg15 : memref<!tpu.dma_semaphore, #tpu.memory_space<semaphore_mem>>)
    %mul3A_261 = arith.constant 128 : i32
    %mul3A_262 = arith.muli %arg1, %mul3A_261 : i32
    %add3A_263 = arith.addi %mul3A_205, %mul3A_262 : i32
    %mul3A_264 = arith.constant 128 : i32
    %mul3A_265 = arith.muli %arg1, %mul3A_264 : i32
    %add3A_266 = arith.constant 10240 : i32
    %add3A_267 = arith.addi %add3A_266, %mul3A_265 : i32
    %dma_start3A_268 = arith.constant 0 : i32
    %dma_start3A_269 = tpu.memref_slice %arg14[%add3A_267, %dma_start3A_268] : memref<12288x128xf32, #tpu.memory_space<vmem_shared>> -> memref<128x128xf32, #tpu.memory_space<vmem_shared>>
    %dma_start3A_270 = arith.constant 640 : i32
    %dma_start3A_271 = tpu.memref_slice %arg2[%add3A_263, %dma_start3A_270] : memref<8192x768xf32, #tpu.memory_space<hbm>> -> memref<128x128xf32, #tpu.memory_space<hbm>>
    tpu.enqueue_dma source(%dma_start3A_271 : memref<128x128xf32, #tpu.memory_space<hbm>>) target(%dma_start3A_269 : memref<128x128xf32, #tpu.memory_space<vmem_shared>>) target_semaphore(%arg15 : memref<!tpu.dma_semaphore, #tpu.memory_space<semaphore_mem>>)
    %broadcast_in_dim3A_272 = vector.broadcast %mul3A_205 : i32 to vector<16xi32>
    %add3A_273 = arith.constant 2048 : i32
    %add3A_274 = arith.addi %mul3A_205, %add3A_273 : i32
    %broadcast_in_dim3A_275 = vector.broadcast %add3A_274 : i32 to vector<16xi32>
    %scan3A_276 = arith.constant 0 : i32
    %scan3A_277 = arith.constant 0 : i32
    %scan3A_278 = arith.constant 32 : i32
    %scan3A_279 = arith.addi %scan3A_277, %scan3A_278 : i32
    %scan3A_280 = arith.constant 1 : i32
    %scan3A_281 = scf.for %scan3A_405 = %scan3A_277 to %scan3A_279 step %scan3A_280 iter_args(%scan3A_406 = %scan3A_276) -> (i32)  : i32 {
      %mul3A_407 = arith.constant 16 : i32
      %mul3A_408 = arith.muli %scan3A_405, %mul3A_407 : i32
      %get3A = arith.index_cast %mul3A_408 : i32 to index
      %get3A_409 = tpu.vector_load %arg7[%get3A] {strides = array<i32>} : memref<512xi32, #tpu.memory_space<vmem>>, vector<16xi32>,
      %mul3A_410 = arith.constant 16 : i32
      %mul3A_411 = arith.muli %scan3A_405, %mul3A_410 : i32
      %get3A_412 = arith.index_cast %mul3A_411 : i32 to index
      %get3A_413 = tpu.vector_load %arg8[%get3A_412] {strides = array<i32>} : memref<512xi32, #tpu.memory_space<vmem>>, vector<16xi32>,
      %gt3A = arith.cmpi sgt, %get3A_409, %broadcast_in_dim3A_3 : vector<16xi32>
      %ge3A = arith.cmpi sge, %get3A_413, %broadcast_in_dim3A_272 : vector<16xi32>
      %and3A_414 = arith.andi %gt3A, %ge3A : vector<16xi1>
      %lt3A = arith.cmpi slt, %get3A_413, %broadcast_in_dim3A_275 : vector<16xi32>
      %and3A_415 = arith.andi %and3A_414, %lt3A : vector<16xi1>
      %select_n3A_416 = arith.select %and3A_415, %broadcast_in_dim3A_5, %broadcast_in_dim3A_3 : vector<16xi1>, vector<16xi32>
      %broadcast_in_dim3A_417 = vector.broadcast %scan3A_406 : i32 to vector<16xi32>
      %broadcast_in_dim3A_418 = arith.constant true
      %broadcast_in_dim3A_419 = vector.broadcast %broadcast_in_dim3A_418 : i1 to vector<16xi1>
      %masked_cumsum3A = tpu.scan <sum>, %select_n3A_416 masked %broadcast_in_dim3A_419 : vector<16xi32>, vector<16xi1> -> vector<16xi32>
      %add3A_420 = arith.addi %broadcast_in_dim3A_417, %masked_cumsum3A : vector<16xi32>
      %sub3A_421 = arith.subi %add3A_420, %select_n3A_416 : vector<16xi32>
      %select_n3A_422 = arith.select %and3A_415, %sub3A_421, %broadcast_in_dim3A_9 : vector<16xi1>, vector<16xi32>
      %sub3A_423 = arith.subi %get3A_409, %broadcast_in_dim3A_5 : vector<16xi32>
      tpu.vector_store_idx %arg9[%select_n3A_422], %sub3A_423 : memref<560xi32, #tpu.memory_space<vmem>>[vector<16xi32>], vector<16xi32>,
      %sub3A_424 = arith.subi %get3A_413, %broadcast_in_dim3A_272 : vector<16xi32>
      tpu.vector_store_idx %arg10[%select_n3A_422], %sub3A_424 : memref<560xi32, #tpu.memory_space<vmem>>[vector<16xi32>], vector<16xi32>,
      %reduce_sum3A = arith.constant true
      %reduce_sum3A_425 = vector.broadcast %reduce_sum3A : i1 to vector<16xi1>
      %reduce_sum3A_426 = tpu.scan <sum>, %select_n3A_416 masked %reduce_sum3A_425 : vector<16xi32>, vector<16xi1> -> vector<16xi32>
      %reduce_sum3A_427 = vector.extract %reduce_sum3A_426[15] : i32 from vector<16xi32>
      %add3A_428 = arith.addi %scan3A_406, %reduce_sum3A_427 : i32
      scf.yield %add3A_428 : i32
    }
    %scan3A_282 = arith.constant 32 : i32
    %add3A_283 = arith.constant 0 : i32
    %add3A_284 = arith.addi %scan3A_281, %add3A_283 : i32
    %swap3A_285 = arith.index_cast %add3A_284 : i32 to index
    %swap3A_286 = tpu.vector_load %arg9[%swap3A_285] {strides = array<i32>} : memref<560xi32, #tpu.memory_space<vmem>>, vector<16xi32>,
    tpu.vector_store %arg9[%swap3A_285], %broadcast_in_dim3A_7 {strides = array<i32>} : memref<560xi32, #tpu.memory_space<vmem>>, vector<16xi32>,
    %add3A_287 = arith.constant 0 : i32
    %add3A_288 = arith.addi %scan3A_281, %add3A_287 : i32
    %swap3A_289 = arith.index_cast %add3A_288 : i32 to index
    %swap3A_290 = tpu.vector_load %arg10[%swap3A_289] {strides = array<i32>} : memref<560xi32, #tpu.memory_space<vmem>>, vector<16xi32>,
    tpu.vector_store %arg10[%swap3A_289], %broadcast_in_dim3A_3 {strides = array<i32>} : memref<560xi32, #tpu.memory_space<vmem>>, vector<16xi32>,
    %add3A_291 = arith.constant 16 : i32
    %add3A_292 = arith.addi %scan3A_281, %add3A_291 : i32
    %swap3A_293 = arith.index_cast %add3A_292 : i32 to index
    %swap3A_294 = tpu.vector_load %arg9[%swap3A_293] {strides = array<i32>} : memref<560xi32, #tpu.memory_space<vmem>>, vector<16xi32>,
    tpu.vector_store %arg9[%swap3A_293], %broadcast_in_dim3A_7 {strides = array<i32>} : memref<560xi32, #tpu.memory_space<vmem>>, vector<16xi32>,
    %add3A_295 = arith.constant 16 : i32
    %add3A_296 = arith.addi %scan3A_281, %add3A_295 : i32
    %swap3A_297 = arith.index_cast %add3A_296 : i32 to index
    %swap3A_298 = tpu.vector_load %arg10[%swap3A_297] {strides = array<i32>} : memref<560xi32, #tpu.memory_space<vmem>>, vector<16xi32>,
    tpu.vector_store %arg10[%swap3A_297], %broadcast_in_dim3A_3 {strides = array<i32>} : memref<560xi32, #tpu.memory_space<vmem>>, vector<16xi32>,
    %add3A_299 = arith.constant 32 : i32
    %add3A_300 = arith.addi %scan3A_281, %add3A_299 : i32
    %sub3A_301 = arith.constant 1 : i32
    %sub3A_302 = arith.subi %add3A_300, %sub3A_301 : i32
    %jit3A_303 = arith.constant 32 : i32
    %div3A_304 = arith.divsi %sub3A_302, %jit3A_303 : i32
    %sign3A_305 = arith.constant 0 : i32
    %sign3A_306 = arith.cmpi sgt, %sub3A_302, %sign3A_305 : i32
    %sign3A_307 = arith.extui %sign3A_306 : i1 to i32
    %sign3A_308 = arith.constant 0 : i32
    %sign3A_309 = arith.cmpi slt, %sub3A_302, %sign3A_308 : i32
    %sign3A_310 = arith.extui %sign3A_309 : i1 to i32
    %sign3A_311 = arith.subi %sign3A_307, %sign3A_310 : i32
    %sign3A_312 = arith.constant 0 : i32
    %sign3A_313 = arith.cmpi sgt, %jit3A_303, %sign3A_312 : i32
    %sign3A_314 = arith.extui %sign3A_313 : i1 to i32
    %sign3A_315 = arith.constant 0 : i32
    %sign3A_316 = arith.cmpi slt, %jit3A_303, %sign3A_315 : i32
    %sign3A_317 = arith.extui %sign3A_316 : i1 to i32
    %sign3A_318 = arith.subi %sign3A_314, %sign3A_317 : i32
    %ne3A_319 = arith.cmpi ne, %sign3A_311, %sign3A_318 : i32
    %rem3A_320 = arith.remsi %sub3A_302, %jit3A_303 : i32
    %ne3A_321 = arith.constant 0 : i32
    %ne3A_322 = arith.cmpi ne, %rem3A_320, %ne3A_321 : i32
    %and3A_323 = arith.andi %ne3A_319, %ne3A_322 : i1
    %sub3A_324 = arith.constant 1 : i32
    %sub3A_325 = arith.subi %div3A_304, %sub3A_324 : i32
    %select_n3A_326 = arith.select %and3A_323, %sub3A_325, %div3A_304 : i32
    %dma_wait3A_327 = arith.constant 0 : i32
    %dma_wait3A_328 = tpu.memref_slice %arg14[%add3A_212, %dma_wait3A_327] : memref<12288x128xf32, #tpu.memory_space<vmem_shared>> -> memref<128x128xf32, #tpu.memory_space<vmem_shared>>
    %dma_wait3A_329 = arith.constant 0 : i32
    %dma_wait3A_330 = tpu.memref_slice %arg2[%add3A_208, %dma_wait3A_329] : memref<8192x768xf32, #tpu.memory_space<hbm>> -> memref<128x128xf32, #tpu.memory_space<hbm>>
    tpu.wait_dma2 semaphore(%arg15 : memref<!tpu.dma_semaphore, #tpu.memory_space<semaphore_mem>>) src(%dma_wait3A_330 : memref<128x128xf32, #tpu.memory_space<hbm>>) dst(%dma_wait3A_328 : memref<128x128xf32, #tpu.memory_space<vmem_shared>>)
    %dma_wait3A_331 = arith.constant 0 : i32
    %dma_wait3A_332 = tpu.memref_slice %arg14[%add3A_223, %dma_wait3A_331] : memref<12288x128xf32, #tpu.memory_space<vmem_shared>> -> memref<128x128xf32, #tpu.memory_space<vmem_shared>>
    %dma_wait3A_333 = arith.constant 128 : i32
    %dma_wait3A_334 = tpu.memref_slice %arg2[%add3A_219, %dma_wait3A_333] : memref<8192x768xf32, #tpu.memory_space<hbm>> -> memref<128x128xf32, #tpu.memory_space<hbm>>
    tpu.wait_dma2 semaphore(%arg15 : memref<!tpu.dma_semaphore, #tpu.memory_space<semaphore_mem>>) src(%dma_wait3A_334 : memref<128x128xf32, #tpu.memory_space<hbm>>) dst(%dma_wait3A_332 : memref<128x128xf32, #tpu.memory_space<vmem_shared>>)
    %dma_wait3A_335 = arith.constant 0 : i32
    %dma_wait3A_336 = tpu.memref_slice %arg14[%add3A_234, %dma_wait3A_335] : memref<12288x128xf32, #tpu.memory_space<vmem_shared>> -> memref<128x128xf32, #tpu.memory_space<vmem_shared>>
    %dma_wait3A_337 = arith.constant 256 : i32
    %dma_wait3A_338 = tpu.memref_slice %arg2[%add3A_230, %dma_wait3A_337] : memref<8192x768xf32, #tpu.memory_space<hbm>> -> memref<128x128xf32, #tpu.memory_space<hbm>>
    tpu.wait_dma2 semaphore(%arg15 : memref<!tpu.dma_semaphore, #tpu.memory_space<semaphore_mem>>) src(%dma_wait3A_338 : memref<128x128xf32, #tpu.memory_space<hbm>>) dst(%dma_wait3A_336 : memref<128x128xf32, #tpu.memory_space<vmem_shared>>)
    %dma_wait3A_339 = arith.constant 0 : i32
    %dma_wait3A_340 = tpu.memref_slice %arg14[%add3A_245, %dma_wait3A_339] : memref<12288x128xf32, #tpu.memory_space<vmem_shared>> -> memref<128x128xf32, #tpu.memory_space<vmem_shared>>
    %dma_wait3A_341 = arith.constant 384 : i32
    %dma_wait3A_342 = tpu.memref_slice %arg2[%add3A_241, %dma_wait3A_341] : memref<8192x768xf32, #tpu.memory_space<hbm>> -> memref<128x128xf32, #tpu.memory_space<hbm>>
    tpu.wait_dma2 semaphore(%arg15 : memref<!tpu.dma_semaphore, #tpu.memory_space<semaphore_mem>>) src(%dma_wait3A_342 : memref<128x128xf32, #tpu.memory_space<hbm>>) dst(%dma_wait3A_340 : memref<128x128xf32, #tpu.memory_space<vmem_shared>>)
    %dma_wait3A_343 = arith.constant 0 : i32
    %dma_wait3A_344 = tpu.memref_slice %arg14[%add3A_256, %dma_wait3A_343] : memref<12288x128xf32, #tpu.memory_space<vmem_shared>> -> memref<128x128xf32, #tpu.memory_space<vmem_shared>>
    %dma_wait3A_345 = arith.constant 512 : i32
    %dma_wait3A_346 = tpu.memref_slice %arg2[%add3A_252, %dma_wait3A_345] : memref<8192x768xf32, #tpu.memory_space<hbm>> -> memref<128x128xf32, #tpu.memory_space<hbm>>
    tpu.wait_dma2 semaphore(%arg15 : memref<!tpu.dma_semaphore, #tpu.memory_space<semaphore_mem>>) src(%dma_wait3A_346 : memref<128x128xf32, #tpu.memory_space<hbm>>) dst(%dma_wait3A_344 : memref<128x128xf32, #tpu.memory_space<vmem_shared>>)
    %dma_wait3A_347 = arith.constant 0 : i32
    %dma_wait3A_348 = tpu.memref_slice %arg14[%add3A_267, %dma_wait3A_347] : memref<12288x128xf32, #tpu.memory_space<vmem_shared>> -> memref<128x128xf32, #tpu.memory_space<vmem_shared>>
    %dma_wait3A_349 = arith.constant 640 : i32
    %dma_wait3A_350 = tpu.memref_slice %arg2[%add3A_263, %dma_wait3A_349] : memref<8192x768xf32, #tpu.memory_space<hbm>> -> memref<128x128xf32, #tpu.memory_space<hbm>>
    tpu.wait_dma2 semaphore(%arg15 : memref<!tpu.dma_semaphore, #tpu.memory_space<semaphore_mem>>) src(%dma_wait3A_350 : memref<128x128xf32, #tpu.memory_space<hbm>>) dst(%dma_wait3A_348 : memref<128x128xf32, #tpu.memory_space<vmem_shared>>)
    %barrier3A_351 = arith.constant 0 : index
    tpu.barrier barrier_id(%barrier3A_351)
    %while3A_352 = arith.constant 0 : i32
    %while3A_353 = arith.constant 0 : i32
    %while3A_354 = arith.subi %select_n3A_326, %while3A_353 : i32
    %while3A_355 = arith.addi %while3A_353, %while3A_354 : i32
    %while3A_356 = arith.constant 1 : i32
    %while3A_357 = arith.divsi %while3A_354, %while3A_356 : i32
    %while3A_358 = arith.muli %while3A_357, %while3A_356 : i32
    %while3A_359 = arith.addi %while3A_353, %while3A_358 : i32
    %while3A_360 = arith.constant 1 : i32
    scf.for %while3A_405 = %while3A_353 to %while3A_359 step %while3A_360  : i32 {
      %mul3A_406 = arith.constant 32 : i32
      %mul3A_407 = arith.muli %while3A_405, %mul3A_406 : i32
      %add3A_408 = arith.constant 0 : i32
      %add3A_409 = arith.addi %mul3A_407, %add3A_408 : i32
      %get3A = arith.index_cast %add3A_409 : i32 to index
      %get3A_410 = tpu.vector_load %arg9[%get3A] {strides = array<i32>} : memref<560xi32, #tpu.memory_space<vmem>>, vector<16xi32>,
      %mul3A_411 = arith.constant 32 : i32
      %mul3A_412 = arith.muli %while3A_405, %mul3A_411 : i32
      %add3A_413 = arith.constant 0 : i32
      %add3A_414 = arith.addi %mul3A_412, %add3A_413 : i32
      %get3A_415 = arith.index_cast %add3A_414 : i32 to index
      %get3A_416 = tpu.vector_load %arg10[%get3A_415] {strides = array<i32>} : memref<560xi32, #tpu.memory_space<vmem>>, vector<16xi32>,
      %broadcast_in_dim3A_417 = arith.constant 0 : i32
      %broadcast_in_dim3A_418 = vector.broadcast %broadcast_in_dim3A_417 : i32 to vector<16xi32>
      %add3A_419 = arith.addi %get3A_410, %broadcast_in_dim3A_418 : vector<16xi32>
      %swap3A_420 = arith.constant 0 : i32
      %swap3A_421 = arith.index_cast %swap3A_420 : i32 to index
      %swap3A_422 = arith.constant 0 : index
      %swap3A_423 = tpu.vector_load %arg11[%swap3A_421, %swap3A_422] {strides = array<i32>} : memref<6x32xi32, #tpu.memory_space<vmem>>, vector<16xi32>,
      tpu.vector_store %arg11[%swap3A_421, %swap3A_422], %add3A_419 {strides = array<i32>} : memref<6x32xi32, #tpu.memory_space<vmem>>, vector<16xi32>,
      %broadcast_in_dim3A_424 = arith.constant 0 : i32
      %broadcast_in_dim3A_425 = vector.broadcast %broadcast_in_dim3A_424 : i32 to vector<16xi32>
      %add3A_426 = arith.addi %get3A_416, %broadcast_in_dim3A_425 : vector<16xi32>
      %swap3A_427 = arith.constant 0 : i32
      %swap3A_428 = arith.index_cast %swap3A_427 : i32 to index
      %swap3A_429 = arith.constant 0 : index
      %swap3A_430 = tpu.vector_load %arg12[%swap3A_428, %swap3A_429] {strides = array<i32>} : memref<6x32xi32, #tpu.memory_space<vmem>>, vector<16xi32>,
      tpu.vector_store %arg12[%swap3A_428, %swap3A_429], %add3A_426 {strides = array<i32>} : memref<6x32xi32, #tpu.memory_space<vmem>>, vector<16xi32>,
      %broadcast_in_dim3A_431 = arith.constant 1032 : i32
      %broadcast_in_dim3A_432 = vector.broadcast %broadcast_in_dim3A_431 : i32 to vector<16xi32>
      %add3A_433 = arith.addi %get3A_410, %broadcast_in_dim3A_432 : vector<16xi32>
      %swap3A_434 = arith.constant 1 : i32
      %swap3A_435 = arith.index_cast %swap3A_434 : i32 to index
      %swap3A_436 = arith.constant 0 : index
      %swap3A_437 = tpu.vector_load %arg11[%swap3A_435, %swap3A_436] {strides = array<i32>} : memref<6x32xi32, #tpu.memory_space<vmem>>, vector<16xi32>,
      tpu.vector_store %arg11[%swap3A_435, %swap3A_436], %add3A_433 {strides = array<i32>} : memref<6x32xi32, #tpu.memory_space<vmem>>, vector<16xi32>,
      %broadcast_in_dim3A_438 = arith.constant 2048 : i32
      %broadcast_in_dim3A_439 = vector.broadcast %broadcast_in_dim3A_438 : i32 to vector<16xi32>
      %add3A_440 = arith.addi %get3A_416, %broadcast_in_dim3A_439 : vector<16xi32>
      %swap3A_441 = arith.constant 1 : i32
      %swap3A_442 = arith.index_cast %swap3A_441 : i32 to index
      %swap3A_443 = arith.constant 0 : index
      %swap3A_444 = tpu.vector_load %arg12[%swap3A_442, %swap3A_443] {strides = array<i32>} : memref<6x32xi32, #tpu.memory_space<vmem>>, vector<16xi32>,
      tpu.vector_store %arg12[%swap3A_442, %swap3A_443], %add3A_440 {strides = array<i32>} : memref<6x32xi32, #tpu.memory_space<vmem>>, vector<16xi32>,
      %broadcast_in_dim3A_445 = arith.constant 2064 : i32
      %broadcast_in_dim3A_446 = vector.broadcast %broadcast_in_dim3A_445 : i32 to vector<16xi32>
      %add3A_447 = arith.addi %get3A_410, %broadcast_in_dim3A_446 : vector<16xi32>
      %swap3A_448 = arith.constant 2 : i32
      %swap3A_449 = arith.index_cast %swap3A_448 : i32 to index
      %swap3A_450 = arith.constant 0 : index
      %swap3A_451 = tpu.vector_load %arg11[%swap3A_449, %swap3A_450] {strides = array<i32>} : memref<6x32xi32, #tpu.memory_space<vmem>>, vector<16xi32>,
      tpu.vector_store %arg11[%swap3A_449, %swap3A_450], %add3A_447 {strides = array<i32>} : memref<6x32xi32, #tpu.memory_space<vmem>>, vector<16xi32>,
      %broadcast_in_dim3A_452 = arith.constant 4096 : i32
      %broadcast_in_dim3A_453 = vector.broadcast %broadcast_in_dim3A_452 : i32 to vector<16xi32>
      %add3A_454 = arith.addi %get3A_416, %broadcast_in_dim3A_453 : vector<16xi32>
      %swap3A_455 = arith.constant 2 : i32
      %swap3A_456 = arith.index_cast %swap3A_455 : i32 to index
      %swap3A_457 = arith.constant 0 : index
      %swap3A_458 = tpu.vector_load %arg12[%swap3A_456, %swap3A_457] {strides = array<i32>} : memref<6x32xi32, #tpu.memory_space<vmem>>, vector<16xi32>,
      tpu.vector_store %arg12[%swap3A_456, %swap3A_457], %add3A_454 {strides = array<i32>} : memref<6x32xi32, #tpu.memory_space<vmem>>, vector<16xi32>,
      %broadcast_in_dim3A_459 = arith.constant 3096 : i32
      %broadcast_in_dim3A_460 = vector.broadcast %broadcast_in_dim3A_459 : i32 to vector<16xi32>
      %add3A_461 = arith.addi %get3A_410, %broadcast_in_dim3A_460 : vector<16xi32>
      %swap3A_462 = arith.constant 3 : i32
      %swap3A_463 = arith.index_cast %swap3A_462 : i32 to index
      %swap3A_464 = arith.constant 0 : index
      %swap3A_465 = tpu.vector_load %arg11[%swap3A_463, %swap3A_464] {strides = array<i32>} : memref<6x32xi32, #tpu.memory_space<vmem>>, vector<16xi32>,
      tpu.vector_store %arg11[%swap3A_463, %swap3A_464], %add3A_461 {strides = array<i32>} : memref<6x32xi32, #tpu.memory_space<vmem>>, vector<16xi32>,
      %broadcast_in_dim3A_466 = arith.constant 6144 : i32
      %broadcast_in_dim3A_467 = vector.broadcast %broadcast_in_dim3A_466 : i32 to vector<16xi32>
      %add3A_468 = arith.addi %get3A_416, %broadcast_in_dim3A_467 : vector<16xi32>
      %swap3A_469 = arith.constant 3 : i32
      %swap3A_470 = arith.index_cast %swap3A_469 : i32 to index
      %swap3A_471 = arith.constant 0 : index
      %swap3A_472 = tpu.vector_load %arg12[%swap3A_470, %swap3A_471] {strides = array<i32>} : memref<6x32xi32, #tpu.memory_space<vmem>>, vector<16xi32>,
      tpu.vector_store %arg12[%swap3A_470, %swap3A_471], %add3A_468 {strides = array<i32>} : memref<6x32xi32, #tpu.memory_space<vmem>>, vector<16xi32>,
      %broadcast_in_dim3A_473 = arith.constant 4128 : i32
      %broadcast_in_dim3A_474 = vector.broadcast %broadcast_in_dim3A_473 : i32 to vector<16xi32>
      %add3A_475 = arith.addi %get3A_410, %broadcast_in_dim3A_474 : vector<16xi32>
      %swap3A_476 = arith.constant 4 : i32
      %swap3A_477 = arith.index_cast %swap3A_476 : i32 to index
      %swap3A_478 = arith.constant 0 : index
      %swap3A_479 = tpu.vector_load %arg11[%swap3A_477, %swap3A_478] {strides = array<i32>} : memref<6x32xi32, #tpu.memory_space<vmem>>, vector<16xi32>,
      tpu.vector_store %arg11[%swap3A_477, %swap3A_478], %add3A_475 {strides = array<i32>} : memref<6x32xi32, #tpu.memory_space<vmem>>, vector<16xi32>,
      %broadcast_in_dim3A_480 = arith.constant 8192 : i32
      %broadcast_in_dim3A_481 = vector.broadcast %broadcast_in_dim3A_480 : i32 to vector<16xi32>
      %add3A_482 = arith.addi %get3A_416, %broadcast_in_dim3A_481 : vector<16xi32>
      %swap3A_483 = arith.constant 4 : i32
      %swap3A_484 = arith.index_cast %swap3A_483 : i32 to index
      %swap3A_485 = arith.constant 0 : index
      %swap3A_486 = tpu.vector_load %arg12[%swap3A_484, %swap3A_485] {strides = array<i32>} : memref<6x32xi32, #tpu.memory_space<vmem>>, vector<16xi32>,
      tpu.vector_store %arg12[%swap3A_484, %swap3A_485], %add3A_482 {strides = array<i32>} : memref<6x32xi32, #tpu.memory_space<vmem>>, vector<16xi32>,
      %broadcast_in_dim3A_487 = arith.constant 5160 : i32
      %broadcast_in_dim3A_488 = vector.broadcast %broadcast_in_dim3A_487 : i32 to vector<16xi32>
      %add3A_489 = arith.addi %get3A_410, %broadcast_in_dim3A_488 : vector<16xi32>
      %swap3A_490 = arith.constant 5 : i32
      %swap3A_491 = arith.index_cast %swap3A_490 : i32 to index
      %swap3A_492 = arith.constant 0 : index
      %swap3A_493 = tpu.vector_load %arg11[%swap3A_491, %swap3A_492] {strides = array<i32>} : memref<6x32xi32, #tpu.memory_space<vmem>>, vector<16xi32>,
      tpu.vector_store %arg11[%swap3A_491, %swap3A_492], %add3A_489 {strides = array<i32>} : memref<6x32xi32, #tpu.memory_space<vmem>>, vector<16xi32>,
      %broadcast_in_dim3A_494 = arith.constant 10240 : i32
      %broadcast_in_dim3A_495 = vector.broadcast %broadcast_in_dim3A_494 : i32 to vector<16xi32>
      %add3A_496 = arith.addi %get3A_416, %broadcast_in_dim3A_495 : vector<16xi32>
      %swap3A_497 = arith.constant 5 : i32
      %swap3A_498 = arith.index_cast %swap3A_497 : i32 to index
      %swap3A_499 = arith.constant 0 : index
      %swap3A_500 = tpu.vector_load %arg12[%swap3A_498, %swap3A_499] {strides = array<i32>} : memref<6x32xi32, #tpu.memory_space<vmem>>, vector<16xi32>,
      tpu.vector_store %arg12[%swap3A_498, %swap3A_499], %add3A_496 {strides = array<i32>} : memref<6x32xi32, #tpu.memory_space<vmem>>, vector<16xi32>,
      %mul3A_501 = arith.constant 32 : i32
      %mul3A_502 = arith.muli %while3A_405, %mul3A_501 : i32
      %add3A_503 = arith.constant 16 : i32
      %add3A_504 = arith.addi %mul3A_502, %add3A_503 : i32
      %get3A_505 = arith.index_cast %add3A_504 : i32 to index
      %get3A_506 = tpu.vector_load %arg9[%get3A_505] {strides = array<i32>} : memref<560xi32, #tpu.memory_space<vmem>>, vector<16xi32>,
      %mul3A_507 = arith.constant 32 : i32
      %mul3A_508 = arith.muli %while3A_405, %mul3A_507 : i32
      %add3A_509 = arith.constant 16 : i32
      %add3A_510 = arith.addi %mul3A_508, %add3A_509 : i32
      %get3A_511 = arith.index_cast %add3A_510 : i32 to index
      %get3A_512 = tpu.vector_load %arg10[%get3A_511] {strides = array<i32>} : memref<560xi32, #tpu.memory_space<vmem>>, vector<16xi32>,
      %broadcast_in_dim3A_513 = arith.constant 0 : i32
      %broadcast_in_dim3A_514 = vector.broadcast %broadcast_in_dim3A_513 : i32 to vector<16xi32>
      %add3A_515 = arith.addi %get3A_506, %broadcast_in_dim3A_514 : vector<16xi32>
      %swap3A_516 = arith.constant 0 : i32
      %swap3A_517 = arith.index_cast %swap3A_516 : i32 to index
      %swap3A_518 = arith.constant 16 : index
      %swap3A_519 = tpu.vector_load %arg11[%swap3A_517, %swap3A_518] {strides = array<i32>} : memref<6x32xi32, #tpu.memory_space<vmem>>, vector<16xi32>,
      tpu.vector_store %arg11[%swap3A_517, %swap3A_518], %add3A_515 {strides = array<i32>} : memref<6x32xi32, #tpu.memory_space<vmem>>, vector<16xi32>,
      %broadcast_in_dim3A_520 = arith.constant 0 : i32
      %broadcast_in_dim3A_521 = vector.broadcast %broadcast_in_dim3A_520 : i32 to vector<16xi32>
      %add3A_522 = arith.addi %get3A_512, %broadcast_in_dim3A_521 : vector<16xi32>
      %swap3A_523 = arith.constant 0 : i32
      %swap3A_524 = arith.index_cast %swap3A_523 : i32 to index
      %swap3A_525 = arith.constant 16 : index
      %swap3A_526 = tpu.vector_load %arg12[%swap3A_524, %swap3A_525] {strides = array<i32>} : memref<6x32xi32, #tpu.memory_space<vmem>>, vector<16xi32>,
      tpu.vector_store %arg12[%swap3A_524, %swap3A_525], %add3A_522 {strides = array<i32>} : memref<6x32xi32, #tpu.memory_space<vmem>>, vector<16xi32>,
      %broadcast_in_dim3A_527 = arith.constant 1032 : i32
      %broadcast_in_dim3A_528 = vector.broadcast %broadcast_in_dim3A_527 : i32 to vector<16xi32>
      %add3A_529 = arith.addi %get3A_506, %broadcast_in_dim3A_528 : vector<16xi32>
      %swap3A_530 = arith.constant 1 : i32
      %swap3A_531 = arith.index_cast %swap3A_530 : i32 to index
      %swap3A_532 = arith.constant 16 : index
      %swap3A_533 = tpu.vector_load %arg11[%swap3A_531, %swap3A_532] {strides = array<i32>} : memref<6x32xi32, #tpu.memory_space<vmem>>, vector<16xi32>,
      tpu.vector_store %arg11[%swap3A_531, %swap3A_532], %add3A_529 {strides = array<i32>} : memref<6x32xi32, #tpu.memory_space<vmem>>, vector<16xi32>,
      %broadcast_in_dim3A_534 = arith.constant 2048 : i32
      %broadcast_in_dim3A_535 = vector.broadcast %broadcast_in_dim3A_534 : i32 to vector<16xi32>
      %add3A_536 = arith.addi %get3A_512, %broadcast_in_dim3A_535 : vector<16xi32>
      %swap3A_537 = arith.constant 1 : i32
      %swap3A_538 = arith.index_cast %swap3A_537 : i32 to index
      %swap3A_539 = arith.constant 16 : index
      %swap3A_540 = tpu.vector_load %arg12[%swap3A_538, %swap3A_539] {strides = array<i32>} : memref<6x32xi32, #tpu.memory_space<vmem>>, vector<16xi32>,
      tpu.vector_store %arg12[%swap3A_538, %swap3A_539], %add3A_536 {strides = array<i32>} : memref<6x32xi32, #tpu.memory_space<vmem>>, vector<16xi32>,
      %broadcast_in_dim3A_541 = arith.constant 2064 : i32
      %broadcast_in_dim3A_542 = vector.broadcast %broadcast_in_dim3A_541 : i32 to vector<16xi32>
      %add3A_543 = arith.addi %get3A_506, %broadcast_in_dim3A_542 : vector<16xi32>
      %swap3A_544 = arith.constant 2 : i32
      %swap3A_545 = arith.index_cast %swap3A_544 : i32 to index
      %swap3A_546 = arith.constant 16 : index
      %swap3A_547 = tpu.vector_load %arg11[%swap3A_545, %swap3A_546] {strides = array<i32>} : memref<6x32xi32, #tpu.memory_space<vmem>>, vector<16xi32>,
      tpu.vector_store %arg11[%swap3A_545, %swap3A_546], %add3A_543 {strides = array<i32>} : memref<6x32xi32, #tpu.memory_space<vmem>>, vector<16xi32>,
      %broadcast_in_dim3A_548 = arith.constant 4096 : i32
      %broadcast_in_dim3A_549 = vector.broadcast %broadcast_in_dim3A_548 : i32 to vector<16xi32>
      %add3A_550 = arith.addi %get3A_512, %broadcast_in_dim3A_549 : vector<16xi32>
      %swap3A_551 = arith.constant 2 : i32
      %swap3A_552 = arith.index_cast %swap3A_551 : i32 to index
      %swap3A_553 = arith.constant 16 : index
      %swap3A_554 = tpu.vector_load %arg12[%swap3A_552, %swap3A_553] {strides = array<i32>} : memref<6x32xi32, #tpu.memory_space<vmem>>, vector<16xi32>,
      tpu.vector_store %arg12[%swap3A_552, %swap3A_553], %add3A_550 {strides = array<i32>} : memref<6x32xi32, #tpu.memory_space<vmem>>, vector<16xi32>,
      %broadcast_in_dim3A_555 = arith.constant 3096 : i32
      %broadcast_in_dim3A_556 = vector.broadcast %broadcast_in_dim3A_555 : i32 to vector<16xi32>
      %add3A_557 = arith.addi %get3A_506, %broadcast_in_dim3A_556 : vector<16xi32>
      %swap3A_558 = arith.constant 3 : i32
      %swap3A_559 = arith.index_cast %swap3A_558 : i32 to index
      %swap3A_560 = arith.constant 16 : index
      %swap3A_561 = tpu.vector_load %arg11[%swap3A_559, %swap3A_560] {strides = array<i32>} : memref<6x32xi32, #tpu.memory_space<vmem>>, vector<16xi32>,
      tpu.vector_store %arg11[%swap3A_559, %swap3A_560], %add3A_557 {strides = array<i32>} : memref<6x32xi32, #tpu.memory_space<vmem>>, vector<16xi32>,
      %broadcast_in_dim3A_562 = arith.constant 6144 : i32
      %broadcast_in_dim3A_563 = vector.broadcast %broadcast_in_dim3A_562 : i32 to vector<16xi32>
      %add3A_564 = arith.addi %get3A_512, %broadcast_in_dim3A_563 : vector<16xi32>
      %swap3A_565 = arith.constant 3 : i32
      %swap3A_566 = arith.index_cast %swap3A_565 : i32 to index
      %swap3A_567 = arith.constant 16 : index
      %swap3A_568 = tpu.vector_load %arg12[%swap3A_566, %swap3A_567] {strides = array<i32>} : memref<6x32xi32, #tpu.memory_space<vmem>>, vector<16xi32>,
      tpu.vector_store %arg12[%swap3A_566, %swap3A_567], %add3A_564 {strides = array<i32>} : memref<6x32xi32, #tpu.memory_space<vmem>>, vector<16xi32>,
      %broadcast_in_dim3A_569 = arith.constant 4128 : i32
      %broadcast_in_dim3A_570 = vector.broadcast %broadcast_in_dim3A_569 : i32 to vector<16xi32>
      %add3A_571 = arith.addi %get3A_506, %broadcast_in_dim3A_570 : vector<16xi32>
      %swap3A_572 = arith.constant 4 : i32
      %swap3A_573 = arith.index_cast %swap3A_572 : i32 to index
      %swap3A_574 = arith.constant 16 : index
      %swap3A_575 = tpu.vector_load %arg11[%swap3A_573, %swap3A_574] {strides = array<i32>} : memref<6x32xi32, #tpu.memory_space<vmem>>, vector<16xi32>,
      tpu.vector_store %arg11[%swap3A_573, %swap3A_574], %add3A_571 {strides = array<i32>} : memref<6x32xi32, #tpu.memory_space<vmem>>, vector<16xi32>,
      %broadcast_in_dim3A_576 = arith.constant 8192 : i32
      %broadcast_in_dim3A_577 = vector.broadcast %broadcast_in_dim3A_576 : i32 to vector<16xi32>
      %add3A_578 = arith.addi %get3A_512, %broadcast_in_dim3A_577 : vector<16xi32>
      %swap3A_579 = arith.constant 4 : i32
      %swap3A_580 = arith.index_cast %swap3A_579 : i32 to index
      %swap3A_581 = arith.constant 16 : index
      %swap3A_582 = tpu.vector_load %arg12[%swap3A_580, %swap3A_581] {strides = array<i32>} : memref<6x32xi32, #tpu.memory_space<vmem>>, vector<16xi32>,
      tpu.vector_store %arg12[%swap3A_580, %swap3A_581], %add3A_578 {strides = array<i32>} : memref<6x32xi32, #tpu.memory_space<vmem>>, vector<16xi32>,
      %broadcast_in_dim3A_583 = arith.constant 5160 : i32
      %broadcast_in_dim3A_584 = vector.broadcast %broadcast_in_dim3A_583 : i32 to vector<16xi32>
      %add3A_585 = arith.addi %get3A_506, %broadcast_in_dim3A_584 : vector<16xi32>
      %swap3A_586 = arith.constant 5 : i32
      %swap3A_587 = arith.index_cast %swap3A_586 : i32 to index
      %swap3A_588 = arith.constant 16 : index
      %swap3A_589 = tpu.vector_load %arg11[%swap3A_587, %swap3A_588] {strides = array<i32>} : memref<6x32xi32, #tpu.memory_space<vmem>>, vector<16xi32>,
      tpu.vector_store %arg11[%swap3A_587, %swap3A_588], %add3A_585 {strides = array<i32>} : memref<6x32xi32, #tpu.memory_space<vmem>>, vector<16xi32>,
      %broadcast_in_dim3A_590 = arith.constant 10240 : i32
      %broadcast_in_dim3A_591 = vector.broadcast %broadcast_in_dim3A_590 : i32 to vector<16xi32>
      %add3A_592 = arith.addi %get3A_512, %broadcast_in_dim3A_591 : vector<16xi32>
      %swap3A_593 = arith.constant 5 : i32
      %swap3A_594 = arith.index_cast %swap3A_593 : i32 to index
      %swap3A_595 = arith.constant 16 : index
      %swap3A_596 = tpu.vector_load %arg12[%swap3A_594, %swap3A_595] {strides = array<i32>} : memref<6x32xi32, #tpu.memory_space<vmem>>, vector<16xi32>,
      tpu.vector_store %arg12[%swap3A_594, %swap3A_595], %add3A_592 {strides = array<i32>} : memref<6x32xi32, #tpu.memory_space<vmem>>, vector<16xi32>,
      %dma_start3A_597 = arith.constant 0 : i32
      %dma_start3A_598 = arith.constant 0 : i32
      %dma_start3A_599 = arith.constant 0 : i32
      %dma_start3A_600 = arith.constant 0 : i32
      %dma_start3A_601 = tpu.memref_slice %arg13[%dma_start3A_598, %dma_start3A_599, %dma_start3A_600] : memref<6x32x128xf32, #tpu.memory_space<vmem>> -> memref<1x32x128xf32, #tpu.memory_space<vmem>>
      %dma_start3A_602 = tpu.memref_squeeze %dma_start3A_601 : memref<1x32x128xf32, #tpu.memory_space<vmem>> -> memref<32x128xf32, #tpu.memory_space<vmem>>
      %dma_start3A_603 = arith.constant 0 : i32
      %dma_start3A_604 = tpu.memref_slice %arg11[%dma_start3A_597, %dma_start3A_603] : memref<6x32xi32, #tpu.memory_space<vmem>> -> memref<1x32xi32, #tpu.memory_space<vmem>>
      %dma_start3A_605 = tpu.memref_squeeze %dma_start3A_604 : memref<1x32xi32, #tpu.memory_space<vmem>> -> memref<32xi32, #tpu.memory_space<vmem>>
      %dma_start3A_606 = arith.constant 0 : i32
      %dma_start3A_607 = arith.constant 0 : i32
      %dma_start3A_608 = tpu.memref_slice %arg3[%dma_start3A_606, %dma_start3A_607] : memref<6192x128xf32, #tpu.memory_space<hbm>> -> memref<6192x128xf32, #tpu.memory_space<hbm>>
      tpu.enqueue_indirect_dma source(%dma_start3A_608 : memref<6192x128xf32, #tpu.memory_space<hbm>>) target(%dma_start3A_602 : memref<32x128xf32, #tpu.memory_space<vmem>>) offsets(%dma_start3A_605 : memref<32xi32, #tpu.memory_space<vmem>>) semaphore(%arg15 : memref<!tpu.dma_semaphore, #tpu.memory_space<semaphore_mem>>)
      %dma_start3A_609 = arith.constant 1 : i32
      %dma_start3A_610 = arith.constant 1 : i32
      %dma_start3A_611 = arith.constant 0 : i32
      %dma_start3A_612 = arith.constant 0 : i32
      %dma_start3A_613 = tpu.memref_slice %arg13[%dma_start3A_610, %dma_start3A_611, %dma_start3A_612] : memref<6x32x128xf32, #tpu.memory_space<vmem>> -> memref<1x32x128xf32, #tpu.memory_space<vmem>>
      %dma_start3A_614 = tpu.memref_squeeze %dma_start3A_613 : memref<1x32x128xf32, #tpu.memory_space<vmem>> -> memref<32x128xf32, #tpu.memory_space<vmem>>
      %dma_start3A_615 = arith.constant 0 : i32
      %dma_start3A_616 = tpu.memref_slice %arg11[%dma_start3A_609, %dma_start3A_615] : memref<6x32xi32, #tpu.memory_space<vmem>> -> memref<1x32xi32, #tpu.memory_space<vmem>>
      %dma_start3A_617 = tpu.memref_squeeze %dma_start3A_616 : memref<1x32xi32, #tpu.memory_space<vmem>> -> memref<32xi32, #tpu.memory_space<vmem>>
      %dma_start3A_618 = arith.constant 0 : i32
      %dma_start3A_619 = arith.constant 0 : i32
      %dma_start3A_620 = tpu.memref_slice %arg3[%dma_start3A_618, %dma_start3A_619] : memref<6192x128xf32, #tpu.memory_space<hbm>> -> memref<6192x128xf32, #tpu.memory_space<hbm>>
      tpu.enqueue_indirect_dma source(%dma_start3A_620 : memref<6192x128xf32, #tpu.memory_space<hbm>>) target(%dma_start3A_614 : memref<32x128xf32, #tpu.memory_space<vmem>>) offsets(%dma_start3A_617 : memref<32xi32, #tpu.memory_space<vmem>>) semaphore(%arg15 : memref<!tpu.dma_semaphore, #tpu.memory_space<semaphore_mem>>)
      %dma_start3A_621 = arith.constant 2 : i32
      %dma_start3A_622 = arith.constant 2 : i32
      %dma_start3A_623 = arith.constant 0 : i32
      %dma_start3A_624 = arith.constant 0 : i32
      %dma_start3A_625 = tpu.memref_slice %arg13[%dma_start3A_622, %dma_start3A_623, %dma_start3A_624] : memref<6x32x128xf32, #tpu.memory_space<vmem>> -> memref<1x32x128xf32, #tpu.memory_space<vmem>>
      %dma_start3A_626 = tpu.memref_squeeze %dma_start3A_625 : memref<1x32x128xf32, #tpu.memory_space<vmem>> -> memref<32x128xf32, #tpu.memory_space<vmem>>
      %dma_start3A_627 = arith.constant 0 : i32
      %dma_start3A_628 = tpu.memref_slice %arg11[%dma_start3A_621, %dma_start3A_627] : memref<6x32xi32, #tpu.memory_space<vmem>> -> memref<1x32xi32, #tpu.memory_space<vmem>>
      %dma_start3A_629 = tpu.memref_squeeze %dma_start3A_628 : memref<1x32xi32, #tpu.memory_space<vmem>> -> memref<32xi32, #tpu.memory_space<vmem>>
      %dma_start3A_630 = arith.constant 0 : i32
      %dma_start3A_631 = arith.constant 0 : i32
      %dma_start3A_632 = tpu.memref_slice %arg3[%dma_start3A_630, %dma_start3A_631] : memref<6192x128xf32, #tpu.memory_space<hbm>> -> memref<6192x128xf32, #tpu.memory_space<hbm>>
      tpu.enqueue_indirect_dma source(%dma_start3A_632 : memref<6192x128xf32, #tpu.memory_space<hbm>>) target(%dma_start3A_626 : memref<32x128xf32, #tpu.memory_space<vmem>>) offsets(%dma_start3A_629 : memref<32xi32, #tpu.memory_space<vmem>>) semaphore(%arg15 : memref<!tpu.dma_semaphore, #tpu.memory_space<semaphore_mem>>)
      %dma_start3A_633 = arith.constant 3 : i32
      %dma_start3A_634 = arith.constant 3 : i32
      %dma_start3A_635 = arith.constant 0 : i32
      %dma_start3A_636 = arith.constant 0 : i32
      %dma_start3A_637 = tpu.memref_slice %arg13[%dma_start3A_634, %dma_start3A_635, %dma_start3A_636] : memref<6x32x128xf32, #tpu.memory_space<vmem>> -> memref<1x32x128xf32, #tpu.memory_space<vmem>>
      %dma_start3A_638 = tpu.memref_squeeze %dma_start3A_637 : memref<1x32x128xf32, #tpu.memory_space<vmem>> -> memref<32x128xf32, #tpu.memory_space<vmem>>
      %dma_start3A_639 = arith.constant 0 : i32
      %dma_start3A_640 = tpu.memref_slice %arg11[%dma_start3A_633, %dma_start3A_639] : memref<6x32xi32, #tpu.memory_space<vmem>> -> memref<1x32xi32, #tpu.memory_space<vmem>>
      %dma_start3A_641 = tpu.memref_squeeze %dma_start3A_640 : memref<1x32xi32, #tpu.memory_space<vmem>> -> memref<32xi32, #tpu.memory_space<vmem>>
      %dma_start3A_642 = arith.constant 0 : i32
      %dma_start3A_643 = arith.constant 0 : i32
      %dma_start3A_644 = tpu.memref_slice %arg3[%dma_start3A_642, %dma_start3A_643] : memref<6192x128xf32, #tpu.memory_space<hbm>> -> memref<6192x128xf32, #tpu.memory_space<hbm>>
      tpu.enqueue_indirect_dma source(%dma_start3A_644 : memref<6192x128xf32, #tpu.memory_space<hbm>>) target(%dma_start3A_638 : memref<32x128xf32, #tpu.memory_space<vmem>>) offsets(%dma_start3A_641 : memref<32xi32, #tpu.memory_space<vmem>>) semaphore(%arg15 : memref<!tpu.dma_semaphore, #tpu.memory_space<semaphore_mem>>)
      %dma_start3A_645 = arith.constant 4 : i32
      %dma_start3A_646 = arith.constant 4 : i32
      %dma_start3A_647 = arith.constant 0 : i32
      %dma_start3A_648 = arith.constant 0 : i32
      %dma_start3A_649 = tpu.memref_slice %arg13[%dma_start3A_646, %dma_start3A_647, %dma_start3A_648] : memref<6x32x128xf32, #tpu.memory_space<vmem>> -> memref<1x32x128xf32, #tpu.memory_space<vmem>>
      %dma_start3A_650 = tpu.memref_squeeze %dma_start3A_649 : memref<1x32x128xf32, #tpu.memory_space<vmem>> -> memref<32x128xf32, #tpu.memory_space<vmem>>
      %dma_start3A_651 = arith.constant 0 : i32
      %dma_start3A_652 = tpu.memref_slice %arg11[%dma_start3A_645, %dma_start3A_651] : memref<6x32xi32, #tpu.memory_space<vmem>> -> memref<1x32xi32, #tpu.memory_space<vmem>>
      %dma_start3A_653 = tpu.memref_squeeze %dma_start3A_652 : memref<1x32xi32, #tpu.memory_space<vmem>> -> memref<32xi32, #tpu.memory_space<vmem>>
      %dma_start3A_654 = arith.constant 0 : i32
      %dma_start3A_655 = arith.constant 0 : i32
      %dma_start3A_656 = tpu.memref_slice %arg3[%dma_start3A_654, %dma_start3A_655] : memref<6192x128xf32, #tpu.memory_space<hbm>> -> memref<6192x128xf32, #tpu.memory_space<hbm>>
      tpu.enqueue_indirect_dma source(%dma_start3A_656 : memref<6192x128xf32, #tpu.memory_space<hbm>>) target(%dma_start3A_650 : memref<32x128xf32, #tpu.memory_space<vmem>>) offsets(%dma_start3A_653 : memref<32xi32, #tpu.memory_space<vmem>>) semaphore(%arg15 : memref<!tpu.dma_semaphore, #tpu.memory_space<semaphore_mem>>)
      %dma_start3A_657 = arith.constant 5 : i32
      %dma_start3A_658 = arith.constant 5 : i32
      %dma_start3A_659 = arith.constant 0 : i32
      %dma_start3A_660 = arith.constant 0 : i32
      %dma_start3A_661 = tpu.memref_slice %arg13[%dma_start3A_658, %dma_start3A_659, %dma_start3A_660] : memref<6x32x128xf32, #tpu.memory_space<vmem>> -> memref<1x32x128xf32, #tpu.memory_space<vmem>>
      %dma_start3A_662 = tpu.memref_squeeze %dma_start3A_661 : memref<1x32x128xf32, #tpu.memory_space<vmem>> -> memref<32x128xf32, #tpu.memory_space<vmem>>
      %dma_start3A_663 = arith.constant 0 : i32
      %dma_start3A_664 = tpu.memref_slice %arg11[%dma_start3A_657, %dma_start3A_663] : memref<6x32xi32, #tpu.memory_space<vmem>> -> memref<1x32xi32, #tpu.memory_space<vmem>>
      %dma_start3A_665 = tpu.memref_squeeze %dma_start3A_664 : memref<1x32xi32, #tpu.memory_space<vmem>> -> memref<32xi32, #tpu.memory_space<vmem>>
      %dma_start3A_666 = arith.constant 0 : i32
      %dma_start3A_667 = arith.constant 0 : i32
      %dma_start3A_668 = tpu.memref_slice %arg3[%dma_start3A_666, %dma_start3A_667] : memref<6192x128xf32, #tpu.memory_space<hbm>> -> memref<6192x128xf32, #tpu.memory_space<hbm>>
      tpu.enqueue_indirect_dma source(%dma_start3A_668 : memref<6192x128xf32, #tpu.memory_space<hbm>>) target(%dma_start3A_662 : memref<32x128xf32, #tpu.memory_space<vmem>>) offsets(%dma_start3A_665 : memref<32xi32, #tpu.memory_space<vmem>>) semaphore(%arg15 : memref<!tpu.dma_semaphore, #tpu.memory_space<semaphore_mem>>)
      %dma_wait3A_669 = arith.constant 0 : i32
      %dma_wait3A_670 = arith.constant 0 : i32
      %dma_wait3A_671 = arith.constant 0 : i32
      %dma_wait3A_672 = arith.constant 0 : i32
      %dma_wait3A_673 = tpu.memref_slice %arg13[%dma_wait3A_670, %dma_wait3A_671, %dma_wait3A_672] : memref<6x32x128xf32, #tpu.memory_space<vmem>> -> memref<1x32x128xf32, #tpu.memory_space<vmem>>
      %dma_wait3A_674 = tpu.memref_squeeze %dma_wait3A_673 : memref<1x32x128xf32, #tpu.memory_space<vmem>> -> memref<32x128xf32, #tpu.memory_space<vmem>>
      %dma_wait3A_675 = arith.constant 0 : i32
      %dma_wait3A_676 = tpu.memref_slice %arg11[%dma_wait3A_669, %dma_wait3A_675] : memref<6x32xi32, #tpu.memory_space<vmem>> -> memref<1x32xi32, #tpu.memory_space<vmem>>
      %dma_wait3A_677 = tpu.memref_squeeze %dma_wait3A_676 : memref<1x32xi32, #tpu.memory_space<vmem>> -> memref<32xi32, #tpu.memory_space<vmem>>
      %dma_wait3A_678 = arith.constant 0 : i32
      %dma_wait3A_679 = arith.constant 0 : i32
      %dma_wait3A_680 = tpu.memref_slice %arg3[%dma_wait3A_678, %dma_wait3A_679] : memref<6192x128xf32, #tpu.memory_space<hbm>> -> memref<6192x128xf32, #tpu.memory_space<hbm>>
      tpu.wait_indirect_dma semaphore(%arg15 : memref<!tpu.dma_semaphore, #tpu.memory_space<semaphore_mem>>) src(%dma_wait3A_680 : memref<6192x128xf32, #tpu.memory_space<hbm>>) dst(%dma_wait3A_674 : memref<32x128xf32, #tpu.memory_space<vmem>>)
      %run_scoped3A = arith.constant 0 : i32
      %run_scoped3A_681 = arith.constant 0 : i32
      "tpu.region"() ({
        %run_scoped3A_752 = tpu.sem_alloc : memref<!tpu.dma_semaphore, #tpu.memory_space<semaphore_mem>>
        %dma_start3A_753 = arith.constant 0 : i32
        %dma_start3A_754 = arith.constant 0 : i32
        %dma_start3A_755 = tpu.memref_slice %arg13[%run_scoped3A, %dma_start3A_753, %dma_start3A_754] : memref<6x32x128xf32, #tpu.memory_space<vmem>> -> memref<1x32x128xf32, #tpu.memory_space<vmem>>
        %dma_start3A_756 = tpu.memref_squeeze %dma_start3A_755 : memref<1x32x128xf32, #tpu.memory_space<vmem>> -> memref<32x128xf32, #tpu.memory_space<vmem>>
        %dma_start3A_757 = arith.constant 0 : i32
        %dma_start3A_758 = tpu.memref_slice %arg12[%run_scoped3A_681, %dma_start3A_757] : memref<6x32xi32, #tpu.memory_space<vmem>> -> memref<1x32xi32, #tpu.memory_space<vmem>>
        %dma_start3A_759 = tpu.memref_squeeze %dma_start3A_758 : memref<1x32xi32, #tpu.memory_space<vmem>> -> memref<32xi32, #tpu.memory_space<vmem>>
        %dma_start3A_760 = arith.constant 0 : i32
        %dma_start3A_761 = arith.constant 0 : i32
        %dma_start3A_762 = tpu.memref_slice %arg14[%dma_start3A_760, %dma_start3A_761] : memref<12288x128xf32, #tpu.memory_space<vmem_shared>> -> memref<12288x128xf32, #tpu.memory_space<vmem_shared>>
        tpu.enqueue_indirect_dma source(%dma_start3A_756 : memref<32x128xf32, #tpu.memory_space<vmem>>) target(%dma_start3A_762 : memref<12288x128xf32, #tpu.memory_space<vmem_shared>>) offsets(%dma_start3A_759 : memref<32xi32, #tpu.memory_space<vmem>>) semaphore(%run_scoped3A_752 : memref<!tpu.dma_semaphore, #tpu.memory_space<semaphore_mem>>) {add = true}
        %dma_wait3A_763 = arith.constant 0 : i32
        %dma_wait3A_764 = arith.constant 0 : i32
        %dma_wait3A_765 = tpu.memref_slice %arg13[%run_scoped3A, %dma_wait3A_763, %dma_wait3A_764] : memref<6x32x128xf32, #tpu.memory_space<vmem>> -> memref<1x32x128xf32, #tpu.memory_space<vmem>>
        %dma_wait3A_766 = tpu.memref_squeeze %dma_wait3A_765 : memref<1x32x128xf32, #tpu.memory_space<vmem>> -> memref<32x128xf32, #tpu.memory_space<vmem>>
        %dma_wait3A_767 = arith.constant 0 : i32
        %dma_wait3A_768 = tpu.memref_slice %arg12[%run_scoped3A_681, %dma_wait3A_767] : memref<6x32xi32, #tpu.memory_space<vmem>> -> memref<1x32xi32, #tpu.memory_space<vmem>>
        %dma_wait3A_769 = tpu.memref_squeeze %dma_wait3A_768 : memref<1x32xi32, #tpu.memory_space<vmem>> -> memref<32xi32, #tpu.memory_space<vmem>>
        %dma_wait3A_770 = arith.constant 0 : i32
        %dma_wait3A_771 = arith.constant 0 : i32
        %dma_wait3A_772 = tpu.memref_slice %arg14[%dma_wait3A_770, %dma_wait3A_771] : memref<12288x128xf32, #tpu.memory_space<vmem_shared>> -> memref<12288x128xf32, #tpu.memory_space<vmem_shared>>
        tpu.wait_indirect_dma semaphore(%run_scoped3A_752 : memref<!tpu.dma_semaphore, #tpu.memory_space<semaphore_mem>>) src(%dma_wait3A_766 : memref<32x128xf32, #tpu.memory_space<vmem>>) dst(%dma_wait3A_772 : memref<12288x128xf32, #tpu.memory_space<vmem_shared>>)
        tpu.yield
      }) : () -> ()
      %dma_wait3A_682 = arith.constant 1 : i32
      %dma_wait3A_683 = arith.constant 1 : i32
      %dma_wait3A_684 = arith.constant 0 : i32
      %dma_wait3A_685 = arith.constant 0 : i32
      %dma_wait3A_686 = tpu.memref_slice %arg13[%dma_wait3A_683, %dma_wait3A_684, %dma_wait3A_685] : memref<6x32x128xf32, #tpu.memory_space<vmem>> -> memref<1x32x128xf32, #tpu.memory_space<vmem>>
      %dma_wait3A_687 = tpu.memref_squeeze %dma_wait3A_686 : memref<1x32x128xf32, #tpu.memory_space<vmem>> -> memref<32x128xf32, #tpu.memory_space<vmem>>
      %dma_wait3A_688 = arith.constant 0 : i32
      %dma_wait3A_689 = tpu.memref_slice %arg11[%dma_wait3A_682, %dma_wait3A_688] : memref<6x32xi32, #tpu.memory_space<vmem>> -> memref<1x32xi32, #tpu.memory_space<vmem>>
      %dma_wait3A_690 = tpu.memref_squeeze %dma_wait3A_689 : memref<1x32xi32, #tpu.memory_space<vmem>> -> memref<32xi32, #tpu.memory_space<vmem>>
      %dma_wait3A_691 = arith.constant 0 : i32
      %dma_wait3A_692 = arith.constant 0 : i32
      %dma_wait3A_693 = tpu.memref_slice %arg3[%dma_wait3A_691, %dma_wait3A_692] : memref<6192x128xf32, #tpu.memory_space<hbm>> -> memref<6192x128xf32, #tpu.memory_space<hbm>>
      tpu.wait_indirect_dma semaphore(%arg15 : memref<!tpu.dma_semaphore, #tpu.memory_space<semaphore_mem>>) src(%dma_wait3A_693 : memref<6192x128xf32, #tpu.memory_space<hbm>>) dst(%dma_wait3A_687 : memref<32x128xf32, #tpu.memory_space<vmem>>)
      %run_scoped3A_694 = arith.constant 1 : i32
      %run_scoped3A_695 = arith.constant 1 : i32
      "tpu.region"() ({
        %run_scoped3A_752 = tpu.sem_alloc : memref<!tpu.dma_semaphore, #tpu.memory_space<semaphore_mem>>
        %dma_start3A_753 = arith.constant 0 : i32
        %dma_start3A_754 = arith.constant 0 : i32
        %dma_start3A_755 = tpu.memref_slice %arg13[%run_scoped3A_694, %dma_start3A_753, %dma_start3A_754] : memref<6x32x128xf32, #tpu.memory_space<vmem>> -> memref<1x32x128xf32, #tpu.memory_space<vmem>>
        %dma_start3A_756 = tpu.memref_squeeze %dma_start3A_755 : memref<1x32x128xf32, #tpu.memory_space<vmem>> -> memref<32x128xf32, #tpu.memory_space<vmem>>
        %dma_start3A_757 = arith.constant 0 : i32
        %dma_start3A_758 = tpu.memref_slice %arg12[%run_scoped3A_695, %dma_start3A_757] : memref<6x32xi32, #tpu.memory_space<vmem>> -> memref<1x32xi32, #tpu.memory_space<vmem>>
        %dma_start3A_759 = tpu.memref_squeeze %dma_start3A_758 : memref<1x32xi32, #tpu.memory_space<vmem>> -> memref<32xi32, #tpu.memory_space<vmem>>
        %dma_start3A_760 = arith.constant 0 : i32
        %dma_start3A_761 = arith.constant 0 : i32
        %dma_start3A_762 = tpu.memref_slice %arg14[%dma_start3A_760, %dma_start3A_761] : memref<12288x128xf32, #tpu.memory_space<vmem_shared>> -> memref<12288x128xf32, #tpu.memory_space<vmem_shared>>
        tpu.enqueue_indirect_dma source(%dma_start3A_756 : memref<32x128xf32, #tpu.memory_space<vmem>>) target(%dma_start3A_762 : memref<12288x128xf32, #tpu.memory_space<vmem_shared>>) offsets(%dma_start3A_759 : memref<32xi32, #tpu.memory_space<vmem>>) semaphore(%run_scoped3A_752 : memref<!tpu.dma_semaphore, #tpu.memory_space<semaphore_mem>>) {add = true}
        %dma_wait3A_763 = arith.constant 0 : i32
        %dma_wait3A_764 = arith.constant 0 : i32
        %dma_wait3A_765 = tpu.memref_slice %arg13[%run_scoped3A_694, %dma_wait3A_763, %dma_wait3A_764] : memref<6x32x128xf32, #tpu.memory_space<vmem>> -> memref<1x32x128xf32, #tpu.memory_space<vmem>>
        %dma_wait3A_766 = tpu.memref_squeeze %dma_wait3A_765 : memref<1x32x128xf32, #tpu.memory_space<vmem>> -> memref<32x128xf32, #tpu.memory_space<vmem>>
        %dma_wait3A_767 = arith.constant 0 : i32
        %dma_wait3A_768 = tpu.memref_slice %arg12[%run_scoped3A_695, %dma_wait3A_767] : memref<6x32xi32, #tpu.memory_space<vmem>> -> memref<1x32xi32, #tpu.memory_space<vmem>>
        %dma_wait3A_769 = tpu.memref_squeeze %dma_wait3A_768 : memref<1x32xi32, #tpu.memory_space<vmem>> -> memref<32xi32, #tpu.memory_space<vmem>>
        %dma_wait3A_770 = arith.constant 0 : i32
        %dma_wait3A_771 = arith.constant 0 : i32
        %dma_wait3A_772 = tpu.memref_slice %arg14[%dma_wait3A_770, %dma_wait3A_771] : memref<12288x128xf32, #tpu.memory_space<vmem_shared>> -> memref<12288x128xf32, #tpu.memory_space<vmem_shared>>
        tpu.wait_indirect_dma semaphore(%run_scoped3A_752 : memref<!tpu.dma_semaphore, #tpu.memory_space<semaphore_mem>>) src(%dma_wait3A_766 : memref<32x128xf32, #tpu.memory_space<vmem>>) dst(%dma_wait3A_772 : memref<12288x128xf32, #tpu.memory_space<vmem_shared>>)
        tpu.yield
      }) : () -> ()
      %dma_wait3A_696 = arith.constant 2 : i32
      %dma_wait3A_697 = arith.constant 2 : i32
      %dma_wait3A_698 = arith.constant 0 : i32
      %dma_wait3A_699 = arith.constant 0 : i32
      %dma_wait3A_700 = tpu.memref_slice %arg13[%dma_wait3A_697, %dma_wait3A_698, %dma_wait3A_699] : memref<6x32x128xf32, #tpu.memory_space<vmem>> -> memref<1x32x128xf32, #tpu.memory_space<vmem>>
      %dma_wait3A_701 = tpu.memref_squeeze %dma_wait3A_700 : memref<1x32x128xf32, #tpu.memory_space<vmem>> -> memref<32x128xf32, #tpu.memory_space<vmem>>
      %dma_wait3A_702 = arith.constant 0 : i32
      %dma_wait3A_703 = tpu.memref_slice %arg11[%dma_wait3A_696, %dma_wait3A_702] : memref<6x32xi32, #tpu.memory_space<vmem>> -> memref<1x32xi32, #tpu.memory_space<vmem>>
      %dma_wait3A_704 = tpu.memref_squeeze %dma_wait3A_703 : memref<1x32xi32, #tpu.memory_space<vmem>> -> memref<32xi32, #tpu.memory_space<vmem>>
      %dma_wait3A_705 = arith.constant 0 : i32
      %dma_wait3A_706 = arith.constant 0 : i32
      %dma_wait3A_707 = tpu.memref_slice %arg3[%dma_wait3A_705, %dma_wait3A_706] : memref<6192x128xf32, #tpu.memory_space<hbm>> -> memref<6192x128xf32, #tpu.memory_space<hbm>>
      tpu.wait_indirect_dma semaphore(%arg15 : memref<!tpu.dma_semaphore, #tpu.memory_space<semaphore_mem>>) src(%dma_wait3A_707 : memref<6192x128xf32, #tpu.memory_space<hbm>>) dst(%dma_wait3A_701 : memref<32x128xf32, #tpu.memory_space<vmem>>)
      %run_scoped3A_708 = arith.constant 2 : i32
      %run_scoped3A_709 = arith.constant 2 : i32
      "tpu.region"() ({
        %run_scoped3A_752 = tpu.sem_alloc : memref<!tpu.dma_semaphore, #tpu.memory_space<semaphore_mem>>
        %dma_start3A_753 = arith.constant 0 : i32
        %dma_start3A_754 = arith.constant 0 : i32
        %dma_start3A_755 = tpu.memref_slice %arg13[%run_scoped3A_708, %dma_start3A_753, %dma_start3A_754] : memref<6x32x128xf32, #tpu.memory_space<vmem>> -> memref<1x32x128xf32, #tpu.memory_space<vmem>>
        %dma_start3A_756 = tpu.memref_squeeze %dma_start3A_755 : memref<1x32x128xf32, #tpu.memory_space<vmem>> -> memref<32x128xf32, #tpu.memory_space<vmem>>
        %dma_start3A_757 = arith.constant 0 : i32
        %dma_start3A_758 = tpu.memref_slice %arg12[%run_scoped3A_709, %dma_start3A_757] : memref<6x32xi32, #tpu.memory_space<vmem>> -> memref<1x32xi32, #tpu.memory_space<vmem>>
        %dma_start3A_759 = tpu.memref_squeeze %dma_start3A_758 : memref<1x32xi32, #tpu.memory_space<vmem>> -> memref<32xi32, #tpu.memory_space<vmem>>
        %dma_start3A_760 = arith.constant 0 : i32
        %dma_start3A_761 = arith.constant 0 : i32
        %dma_start3A_762 = tpu.memref_slice %arg14[%dma_start3A_760, %dma_start3A_761] : memref<12288x128xf32, #tpu.memory_space<vmem_shared>> -> memref<12288x128xf32, #tpu.memory_space<vmem_shared>>
        tpu.enqueue_indirect_dma source(%dma_start3A_756 : memref<32x128xf32, #tpu.memory_space<vmem>>) target(%dma_start3A_762 : memref<12288x128xf32, #tpu.memory_space<vmem_shared>>) offsets(%dma_start3A_759 : memref<32xi32, #tpu.memory_space<vmem>>) semaphore(%run_scoped3A_752 : memref<!tpu.dma_semaphore, #tpu.memory_space<semaphore_mem>>) {add = true}
        %dma_wait3A_763 = arith.constant 0 : i32
        %dma_wait3A_764 = arith.constant 0 : i32
        %dma_wait3A_765 = tpu.memref_slice %arg13[%run_scoped3A_708, %dma_wait3A_763, %dma_wait3A_764] : memref<6x32x128xf32, #tpu.memory_space<vmem>> -> memref<1x32x128xf32, #tpu.memory_space<vmem>>
        %dma_wait3A_766 = tpu.memref_squeeze %dma_wait3A_765 : memref<1x32x128xf32, #tpu.memory_space<vmem>> -> memref<32x128xf32, #tpu.memory_space<vmem>>
        %dma_wait3A_767 = arith.constant 0 : i32
        %dma_wait3A_768 = tpu.memref_slice %arg12[%run_scoped3A_709, %dma_wait3A_767] : memref<6x32xi32, #tpu.memory_space<vmem>> -> memref<1x32xi32, #tpu.memory_space<vmem>>
        %dma_wait3A_769 = tpu.memref_squeeze %dma_wait3A_768 : memref<1x32xi32, #tpu.memory_space<vmem>> -> memref<32xi32, #tpu.memory_space<vmem>>
        %dma_wait3A_770 = arith.constant 0 : i32
        %dma_wait3A_771 = arith.constant 0 : i32
        %dma_wait3A_772 = tpu.memref_slice %arg14[%dma_wait3A_770, %dma_wait3A_771] : memref<12288x128xf32, #tpu.memory_space<vmem_shared>> -> memref<12288x128xf32, #tpu.memory_space<vmem_shared>>
        tpu.wait_indirect_dma semaphore(%run_scoped3A_752 : memref<!tpu.dma_semaphore, #tpu.memory_space<semaphore_mem>>) src(%dma_wait3A_766 : memref<32x128xf32, #tpu.memory_space<vmem>>) dst(%dma_wait3A_772 : memref<12288x128xf32, #tpu.memory_space<vmem_shared>>)
        tpu.yield
      }) : () -> ()
      %dma_wait3A_710 = arith.constant 3 : i32
      %dma_wait3A_711 = arith.constant 3 : i32
      %dma_wait3A_712 = arith.constant 0 : i32
      %dma_wait3A_713 = arith.constant 0 : i32
      %dma_wait3A_714 = tpu.memref_slice %arg13[%dma_wait3A_711, %dma_wait3A_712, %dma_wait3A_713] : memref<6x32x128xf32, #tpu.memory_space<vmem>> -> memref<1x32x128xf32, #tpu.memory_space<vmem>>
      %dma_wait3A_715 = tpu.memref_squeeze %dma_wait3A_714 : memref<1x32x128xf32, #tpu.memory_space<vmem>> -> memref<32x128xf32, #tpu.memory_space<vmem>>
      %dma_wait3A_716 = arith.constant 0 : i32
      %dma_wait3A_717 = tpu.memref_slice %arg11[%dma_wait3A_710, %dma_wait3A_716] : memref<6x32xi32, #tpu.memory_space<vmem>> -> memref<1x32xi32, #tpu.memory_space<vmem>>
      %dma_wait3A_718 = tpu.memref_squeeze %dma_wait3A_717 : memref<1x32xi32, #tpu.memory_space<vmem>> -> memref<32xi32, #tpu.memory_space<vmem>>
      %dma_wait3A_719 = arith.constant 0 : i32
      %dma_wait3A_720 = arith.constant 0 : i32
      %dma_wait3A_721 = tpu.memref_slice %arg3[%dma_wait3A_719, %dma_wait3A_720] : memref<6192x128xf32, #tpu.memory_space<hbm>> -> memref<6192x128xf32, #tpu.memory_space<hbm>>
      tpu.wait_indirect_dma semaphore(%arg15 : memref<!tpu.dma_semaphore, #tpu.memory_space<semaphore_mem>>) src(%dma_wait3A_721 : memref<6192x128xf32, #tpu.memory_space<hbm>>) dst(%dma_wait3A_715 : memref<32x128xf32, #tpu.memory_space<vmem>>)
      %run_scoped3A_722 = arith.constant 3 : i32
      %run_scoped3A_723 = arith.constant 3 : i32
      "tpu.region"() ({
        %run_scoped3A_752 = tpu.sem_alloc : memref<!tpu.dma_semaphore, #tpu.memory_space<semaphore_mem>>
        %dma_start3A_753 = arith.constant 0 : i32
        %dma_start3A_754 = arith.constant 0 : i32
        %dma_start3A_755 = tpu.memref_slice %arg13[%run_scoped3A_722, %dma_start3A_753, %dma_start3A_754] : memref<6x32x128xf32, #tpu.memory_space<vmem>> -> memref<1x32x128xf32, #tpu.memory_space<vmem>>
        %dma_start3A_756 = tpu.memref_squeeze %dma_start3A_755 : memref<1x32x128xf32, #tpu.memory_space<vmem>> -> memref<32x128xf32, #tpu.memory_space<vmem>>
        %dma_start3A_757 = arith.constant 0 : i32
        %dma_start3A_758 = tpu.memref_slice %arg12[%run_scoped3A_723, %dma_start3A_757] : memref<6x32xi32, #tpu.memory_space<vmem>> -> memref<1x32xi32, #tpu.memory_space<vmem>>
        %dma_start3A_759 = tpu.memref_squeeze %dma_start3A_758 : memref<1x32xi32, #tpu.memory_space<vmem>> -> memref<32xi32, #tpu.memory_space<vmem>>
        %dma_start3A_760 = arith.constant 0 : i32
        %dma_start3A_761 = arith.constant 0 : i32
        %dma_start3A_762 = tpu.memref_slice %arg14[%dma_start3A_760, %dma_start3A_761] : memref<12288x128xf32, #tpu.memory_space<vmem_shared>> -> memref<12288x128xf32, #tpu.memory_space<vmem_shared>>
        tpu.enqueue_indirect_dma source(%dma_start3A_756 : memref<32x128xf32, #tpu.memory_space<vmem>>) target(%dma_start3A_762 : memref<12288x128xf32, #tpu.memory_space<vmem_shared>>) offsets(%dma_start3A_759 : memref<32xi32, #tpu.memory_space<vmem>>) semaphore(%run_scoped3A_752 : memref<!tpu.dma_semaphore, #tpu.memory_space<semaphore_mem>>) {add = true}
        %dma_wait3A_763 = arith.constant 0 : i32
        %dma_wait3A_764 = arith.constant 0 : i32
        %dma_wait3A_765 = tpu.memref_slice %arg13[%run_scoped3A_722, %dma_wait3A_763, %dma_wait3A_764] : memref<6x32x128xf32, #tpu.memory_space<vmem>> -> memref<1x32x128xf32, #tpu.memory_space<vmem>>
        %dma_wait3A_766 = tpu.memref_squeeze %dma_wait3A_765 : memref<1x32x128xf32, #tpu.memory_space<vmem>> -> memref<32x128xf32, #tpu.memory_space<vmem>>
        %dma_wait3A_767 = arith.constant 0 : i32
        %dma_wait3A_768 = tpu.memref_slice %arg12[%run_scoped3A_723, %dma_wait3A_767] : memref<6x32xi32, #tpu.memory_space<vmem>> -> memref<1x32xi32, #tpu.memory_space<vmem>>
        %dma_wait3A_769 = tpu.memref_squeeze %dma_wait3A_768 : memref<1x32xi32, #tpu.memory_space<vmem>> -> memref<32xi32, #tpu.memory_space<vmem>>
        %dma_wait3A_770 = arith.constant 0 : i32
        %dma_wait3A_771 = arith.constant 0 : i32
        %dma_wait3A_772 = tpu.memref_slice %arg14[%dma_wait3A_770, %dma_wait3A_771] : memref<12288x128xf32, #tpu.memory_space<vmem_shared>> -> memref<12288x128xf32, #tpu.memory_space<vmem_shared>>
        tpu.wait_indirect_dma semaphore(%run_scoped3A_752 : memref<!tpu.dma_semaphore, #tpu.memory_space<semaphore_mem>>) src(%dma_wait3A_766 : memref<32x128xf32, #tpu.memory_space<vmem>>) dst(%dma_wait3A_772 : memref<12288x128xf32, #tpu.memory_space<vmem_shared>>)
        tpu.yield
      }) : () -> ()
      %dma_wait3A_724 = arith.constant 4 : i32
      %dma_wait3A_725 = arith.constant 4 : i32
      %dma_wait3A_726 = arith.constant 0 : i32
      %dma_wait3A_727 = arith.constant 0 : i32
      %dma_wait3A_728 = tpu.memref_slice %arg13[%dma_wait3A_725, %dma_wait3A_726, %dma_wait3A_727] : memref<6x32x128xf32, #tpu.memory_space<vmem>> -> memref<1x32x128xf32, #tpu.memory_space<vmem>>
      %dma_wait3A_729 = tpu.memref_squeeze %dma_wait3A_728 : memref<1x32x128xf32, #tpu.memory_space<vmem>> -> memref<32x128xf32, #tpu.memory_space<vmem>>
      %dma_wait3A_730 = arith.constant 0 : i32
      %dma_wait3A_731 = tpu.memref_slice %arg11[%dma_wait3A_724, %dma_wait3A_730] : memref<6x32xi32, #tpu.memory_space<vmem>> -> memref<1x32xi32, #tpu.memory_space<vmem>>
      %dma_wait3A_732 = tpu.memref_squeeze %dma_wait3A_731 : memref<1x32xi32, #tpu.memory_space<vmem>> -> memref<32xi32, #tpu.memory_space<vmem>>
      %dma_wait3A_733 = arith.constant 0 : i32
      %dma_wait3A_734 = arith.constant 0 : i32
      %dma_wait3A_735 = tpu.memref_slice %arg3[%dma_wait3A_733, %dma_wait3A_734] : memref<6192x128xf32, #tpu.memory_space<hbm>> -> memref<6192x128xf32, #tpu.memory_space<hbm>>
      tpu.wait_indirect_dma semaphore(%arg15 : memref<!tpu.dma_semaphore, #tpu.memory_space<semaphore_mem>>) src(%dma_wait3A_735 : memref<6192x128xf32, #tpu.memory_space<hbm>>) dst(%dma_wait3A_729 : memref<32x128xf32, #tpu.memory_space<vmem>>)
      %run_scoped3A_736 = arith.constant 4 : i32
      %run_scoped3A_737 = arith.constant 4 : i32
      "tpu.region"() ({
        %run_scoped3A_752 = tpu.sem_alloc : memref<!tpu.dma_semaphore, #tpu.memory_space<semaphore_mem>>
        %dma_start3A_753 = arith.constant 0 : i32
        %dma_start3A_754 = arith.constant 0 : i32
        %dma_start3A_755 = tpu.memref_slice %arg13[%run_scoped3A_736, %dma_start3A_753, %dma_start3A_754] : memref<6x32x128xf32, #tpu.memory_space<vmem>> -> memref<1x32x128xf32, #tpu.memory_space<vmem>>
        %dma_start3A_756 = tpu.memref_squeeze %dma_start3A_755 : memref<1x32x128xf32, #tpu.memory_space<vmem>> -> memref<32x128xf32, #tpu.memory_space<vmem>>
        %dma_start3A_757 = arith.constant 0 : i32
        %dma_start3A_758 = tpu.memref_slice %arg12[%run_scoped3A_737, %dma_start3A_757] : memref<6x32xi32, #tpu.memory_space<vmem>> -> memref<1x32xi32, #tpu.memory_space<vmem>>
        %dma_start3A_759 = tpu.memref_squeeze %dma_start3A_758 : memref<1x32xi32, #tpu.memory_space<vmem>> -> memref<32xi32, #tpu.memory_space<vmem>>
        %dma_start3A_760 = arith.constant 0 : i32
        %dma_start3A_761 = arith.constant 0 : i32
        %dma_start3A_762 = tpu.memref_slice %arg14[%dma_start3A_760, %dma_start3A_761] : memref<12288x128xf32, #tpu.memory_space<vmem_shared>> -> memref<12288x128xf32, #tpu.memory_space<vmem_shared>>
        tpu.enqueue_indirect_dma source(%dma_start3A_756 : memref<32x128xf32, #tpu.memory_space<vmem>>) target(%dma_start3A_762 : memref<12288x128xf32, #tpu.memory_space<vmem_shared>>) offsets(%dma_start3A_759 : memref<32xi32, #tpu.memory_space<vmem>>) semaphore(%run_scoped3A_752 : memref<!tpu.dma_semaphore, #tpu.memory_space<semaphore_mem>>) {add = true}
        %dma_wait3A_763 = arith.constant 0 : i32
        %dma_wait3A_764 = arith.constant 0 : i32
        %dma_wait3A_765 = tpu.memref_slice %arg13[%run_scoped3A_736, %dma_wait3A_763, %dma_wait3A_764] : memref<6x32x128xf32, #tpu.memory_space<vmem>> -> memref<1x32x128xf32, #tpu.memory_space<vmem>>
        %dma_wait3A_766 = tpu.memref_squeeze %dma_wait3A_765 : memref<1x32x128xf32, #tpu.memory_space<vmem>> -> memref<32x128xf32, #tpu.memory_space<vmem>>
        %dma_wait3A_767 = arith.constant 0 : i32
        %dma_wait3A_768 = tpu.memref_slice %arg12[%run_scoped3A_737, %dma_wait3A_767] : memref<6x32xi32, #tpu.memory_space<vmem>> -> memref<1x32xi32, #tpu.memory_space<vmem>>
        %dma_wait3A_769 = tpu.memref_squeeze %dma_wait3A_768 : memref<1x32xi32, #tpu.memory_space<vmem>> -> memref<32xi32, #tpu.memory_space<vmem>>
        %dma_wait3A_770 = arith.constant 0 : i32
        %dma_wait3A_771 = arith.constant 0 : i32
        %dma_wait3A_772 = tpu.memref_slice %arg14[%dma_wait3A_770, %dma_wait3A_771] : memref<12288x128xf32, #tpu.memory_space<vmem_shared>> -> memref<12288x128xf32, #tpu.memory_space<vmem_shared>>
        tpu.wait_indirect_dma semaphore(%run_scoped3A_752 : memref<!tpu.dma_semaphore, #tpu.memory_space<semaphore_mem>>) src(%dma_wait3A_766 : memref<32x128xf32, #tpu.memory_space<vmem>>) dst(%dma_wait3A_772 : memref<12288x128xf32, #tpu.memory_space<vmem_shared>>)
        tpu.yield
      }) : () -> ()
      %dma_wait3A_738 = arith.constant 5 : i32
      %dma_wait3A_739 = arith.constant 5 : i32
      %dma_wait3A_740 = arith.constant 0 : i32
      %dma_wait3A_741 = arith.constant 0 : i32
      %dma_wait3A_742 = tpu.memref_slice %arg13[%dma_wait3A_739, %dma_wait3A_740, %dma_wait3A_741] : memref<6x32x128xf32, #tpu.memory_space<vmem>> -> memref<1x32x128xf32, #tpu.memory_space<vmem>>
      %dma_wait3A_743 = tpu.memref_squeeze %dma_wait3A_742 : memref<1x32x128xf32, #tpu.memory_space<vmem>> -> memref<32x128xf32, #tpu.memory_space<vmem>>
      %dma_wait3A_744 = arith.constant 0 : i32
      %dma_wait3A_745 = tpu.memref_slice %arg11[%dma_wait3A_738, %dma_wait3A_744] : memref<6x32xi32, #tpu.memory_space<vmem>> -> memref<1x32xi32, #tpu.memory_space<vmem>>
      %dma_wait3A_746 = tpu.memref_squeeze %dma_wait3A_745 : memref<1x32xi32, #tpu.memory_space<vmem>> -> memref<32xi32, #tpu.memory_space<vmem>>
      %dma_wait3A_747 = arith.constant 0 : i32
      %dma_wait3A_748 = arith.constant 0 : i32
      %dma_wait3A_749 = tpu.memref_slice %arg3[%dma_wait3A_747, %dma_wait3A_748] : memref<6192x128xf32, #tpu.memory_space<hbm>> -> memref<6192x128xf32, #tpu.memory_space<hbm>>
      tpu.wait_indirect_dma semaphore(%arg15 : memref<!tpu.dma_semaphore, #tpu.memory_space<semaphore_mem>>) src(%dma_wait3A_749 : memref<6192x128xf32, #tpu.memory_space<hbm>>) dst(%dma_wait3A_743 : memref<32x128xf32, #tpu.memory_space<vmem>>)
      %run_scoped3A_750 = arith.constant 5 : i32
      %run_scoped3A_751 = arith.constant 5 : i32
      "tpu.region"() ({
        %run_scoped3A_752 = tpu.sem_alloc : memref<!tpu.dma_semaphore, #tpu.memory_space<semaphore_mem>>
        %dma_start3A_753 = arith.constant 0 : i32
        %dma_start3A_754 = arith.constant 0 : i32
        %dma_start3A_755 = tpu.memref_slice %arg13[%run_scoped3A_750, %dma_start3A_753, %dma_start3A_754] : memref<6x32x128xf32, #tpu.memory_space<vmem>> -> memref<1x32x128xf32, #tpu.memory_space<vmem>>
        %dma_start3A_756 = tpu.memref_squeeze %dma_start3A_755 : memref<1x32x128xf32, #tpu.memory_space<vmem>> -> memref<32x128xf32, #tpu.memory_space<vmem>>
        %dma_start3A_757 = arith.constant 0 : i32
        %dma_start3A_758 = tpu.memref_slice %arg12[%run_scoped3A_751, %dma_start3A_757] : memref<6x32xi32, #tpu.memory_space<vmem>> -> memref<1x32xi32, #tpu.memory_space<vmem>>
        %dma_start3A_759 = tpu.memref_squeeze %dma_start3A_758 : memref<1x32xi32, #tpu.memory_space<vmem>> -> memref<32xi32, #tpu.memory_space<vmem>>
        %dma_start3A_760 = arith.constant 0 : i32
        %dma_start3A_761 = arith.constant 0 : i32
        %dma_start3A_762 = tpu.memref_slice %arg14[%dma_start3A_760, %dma_start3A_761] : memref<12288x128xf32, #tpu.memory_space<vmem_shared>> -> memref<12288x128xf32, #tpu.memory_space<vmem_shared>>
        tpu.enqueue_indirect_dma source(%dma_start3A_756 : memref<32x128xf32, #tpu.memory_space<vmem>>) target(%dma_start3A_762 : memref<12288x128xf32, #tpu.memory_space<vmem_shared>>) offsets(%dma_start3A_759 : memref<32xi32, #tpu.memory_space<vmem>>) semaphore(%run_scoped3A_752 : memref<!tpu.dma_semaphore, #tpu.memory_space<semaphore_mem>>) {add = true}
        %dma_wait3A_763 = arith.constant 0 : i32
        %dma_wait3A_764 = arith.constant 0 : i32
        %dma_wait3A_765 = tpu.memref_slice %arg13[%run_scoped3A_750, %dma_wait3A_763, %dma_wait3A_764] : memref<6x32x128xf32, #tpu.memory_space<vmem>> -> memref<1x32x128xf32, #tpu.memory_space<vmem>>
        %dma_wait3A_766 = tpu.memref_squeeze %dma_wait3A_765 : memref<1x32x128xf32, #tpu.memory_space<vmem>> -> memref<32x128xf32, #tpu.memory_space<vmem>>
        %dma_wait3A_767 = arith.constant 0 : i32
        %dma_wait3A_768 = tpu.memref_slice %arg12[%run_scoped3A_751, %dma_wait3A_767] : memref<6x32xi32, #tpu.memory_space<vmem>> -> memref<1x32xi32, #tpu.memory_space<vmem>>
        %dma_wait3A_769 = tpu.memref_squeeze %dma_wait3A_768 : memref<1x32xi32, #tpu.memory_space<vmem>> -> memref<32xi32, #tpu.memory_space<vmem>>
        %dma_wait3A_770 = arith.constant 0 : i32
        %dma_wait3A_771 = arith.constant 0 : i32
        %dma_wait3A_772 = tpu.memref_slice %arg14[%dma_wait3A_770, %dma_wait3A_771] : memref<12288x128xf32, #tpu.memory_space<vmem_shared>> -> memref<12288x128xf32, #tpu.memory_space<vmem_shared>>
        tpu.wait_indirect_dma semaphore(%run_scoped3A_752 : memref<!tpu.dma_semaphore, #tpu.memory_space<semaphore_mem>>) src(%dma_wait3A_766 : memref<32x128xf32, #tpu.memory_space<vmem>>) dst(%dma_wait3A_772 : memref<12288x128xf32, #tpu.memory_space<vmem_shared>>)
        tpu.yield
      }) : () -> ()
    }
    %while3A_361 = arith.constant 1 : i32
    scf.for %while3A_405 = %while3A_359 to %while3A_355 step %while3A_361  : i32 {
      %mul3A_406 = arith.constant 32 : i32
      %mul3A_407 = arith.muli %while3A_405, %mul3A_406 : i32
      %add3A_408 = arith.constant 0 : i32
      %add3A_409 = arith.addi %mul3A_407, %add3A_408 : i32
      %get3A = arith.index_cast %add3A_409 : i32 to index
      %get3A_410 = tpu.vector_load %arg9[%get3A] {strides = array<i32>} : memref<560xi32, #tpu.memory_space<vmem>>, vector<16xi32>,
      %mul3A_411 = arith.constant 32 : i32
      %mul3A_412 = arith.muli %while3A_405, %mul3A_411 : i32
      %add3A_413 = arith.constant 0 : i32
      %add3A_414 = arith.addi %mul3A_412, %add3A_413 : i32
      %get3A_415 = arith.index_cast %add3A_414 : i32 to index
      %get3A_416 = tpu.vector_load %arg10[%get3A_415] {strides = array<i32>} : memref<560xi32, #tpu.memory_space<vmem>>, vector<16xi32>,
      %broadcast_in_dim3A_417 = arith.constant 0 : i32
      %broadcast_in_dim3A_418 = vector.broadcast %broadcast_in_dim3A_417 : i32 to vector<16xi32>
      %add3A_419 = arith.addi %get3A_410, %broadcast_in_dim3A_418 : vector<16xi32>
      %swap3A_420 = arith.constant 0 : i32
      %swap3A_421 = arith.index_cast %swap3A_420 : i32 to index
      %swap3A_422 = arith.constant 0 : index
      %swap3A_423 = tpu.vector_load %arg11[%swap3A_421, %swap3A_422] {strides = array<i32>} : memref<6x32xi32, #tpu.memory_space<vmem>>, vector<16xi32>,
      tpu.vector_store %arg11[%swap3A_421, %swap3A_422], %add3A_419 {strides = array<i32>} : memref<6x32xi32, #tpu.memory_space<vmem>>, vector<16xi32>,
      %broadcast_in_dim3A_424 = arith.constant 0 : i32
      %broadcast_in_dim3A_425 = vector.broadcast %broadcast_in_dim3A_424 : i32 to vector<16xi32>
      %add3A_426 = arith.addi %get3A_416, %broadcast_in_dim3A_425 : vector<16xi32>
      %swap3A_427 = arith.constant 0 : i32
      %swap3A_428 = arith.index_cast %swap3A_427 : i32 to index
      %swap3A_429 = arith.constant 0 : index
      %swap3A_430 = tpu.vector_load %arg12[%swap3A_428, %swap3A_429] {strides = array<i32>} : memref<6x32xi32, #tpu.memory_space<vmem>>, vector<16xi32>,
      tpu.vector_store %arg12[%swap3A_428, %swap3A_429], %add3A_426 {strides = array<i32>} : memref<6x32xi32, #tpu.memory_space<vmem>>, vector<16xi32>,
      %broadcast_in_dim3A_431 = arith.constant 1032 : i32
      %broadcast_in_dim3A_432 = vector.broadcast %broadcast_in_dim3A_431 : i32 to vector<16xi32>
      %add3A_433 = arith.addi %get3A_410, %broadcast_in_dim3A_432 : vector<16xi32>
      %swap3A_434 = arith.constant 1 : i32
      %swap3A_435 = arith.index_cast %swap3A_434 : i32 to index
      %swap3A_436 = arith.constant 0 : index
      %swap3A_437 = tpu.vector_load %arg11[%swap3A_435, %swap3A_436] {strides = array<i32>} : memref<6x32xi32, #tpu.memory_space<vmem>>, vector<16xi32>,
      tpu.vector_store %arg11[%swap3A_435, %swap3A_436], %add3A_433 {strides = array<i32>} : memref<6x32xi32, #tpu.memory_space<vmem>>, vector<16xi32>,
      %broadcast_in_dim3A_438 = arith.constant 2048 : i32
      %broadcast_in_dim3A_439 = vector.broadcast %broadcast_in_dim3A_438 : i32 to vector<16xi32>
      %add3A_440 = arith.addi %get3A_416, %broadcast_in_dim3A_439 : vector<16xi32>
      %swap3A_441 = arith.constant 1 : i32
      %swap3A_442 = arith.index_cast %swap3A_441 : i32 to index
      %swap3A_443 = arith.constant 0 : index
      %swap3A_444 = tpu.vector_load %arg12[%swap3A_442, %swap3A_443] {strides = array<i32>} : memref<6x32xi32, #tpu.memory_space<vmem>>, vector<16xi32>,
      tpu.vector_store %arg12[%swap3A_442, %swap3A_443], %add3A_440 {strides = array<i32>} : memref<6x32xi32, #tpu.memory_space<vmem>>, vector<16xi32>,
      %broadcast_in_dim3A_445 = arith.constant 2064 : i32
      %broadcast_in_dim3A_446 = vector.broadcast %broadcast_in_dim3A_445 : i32 to vector<16xi32>
      %add3A_447 = arith.addi %get3A_410, %broadcast_in_dim3A_446 : vector<16xi32>
      %swap3A_448 = arith.constant 2 : i32
      %swap3A_449 = arith.index_cast %swap3A_448 : i32 to index
      %swap3A_450 = arith.constant 0 : index
      %swap3A_451 = tpu.vector_load %arg11[%swap3A_449, %swap3A_450] {strides = array<i32>} : memref<6x32xi32, #tpu.memory_space<vmem>>, vector<16xi32>,
      tpu.vector_store %arg11[%swap3A_449, %swap3A_450], %add3A_447 {strides = array<i32>} : memref<6x32xi32, #tpu.memory_space<vmem>>, vector<16xi32>,
      %broadcast_in_dim3A_452 = arith.constant 4096 : i32
      %broadcast_in_dim3A_453 = vector.broadcast %broadcast_in_dim3A_452 : i32 to vector<16xi32>
      %add3A_454 = arith.addi %get3A_416, %broadcast_in_dim3A_453 : vector<16xi32>
      %swap3A_455 = arith.constant 2 : i32
      %swap3A_456 = arith.index_cast %swap3A_455 : i32 to index
      %swap3A_457 = arith.constant 0 : index
      %swap3A_458 = tpu.vector_load %arg12[%swap3A_456, %swap3A_457] {strides = array<i32>} : memref<6x32xi32, #tpu.memory_space<vmem>>, vector<16xi32>,
      tpu.vector_store %arg12[%swap3A_456, %swap3A_457], %add3A_454 {strides = array<i32>} : memref<6x32xi32, #tpu.memory_space<vmem>>, vector<16xi32>,
      %broadcast_in_dim3A_459 = arith.constant 3096 : i32
      %broadcast_in_dim3A_460 = vector.broadcast %broadcast_in_dim3A_459 : i32 to vector<16xi32>
      %add3A_461 = arith.addi %get3A_410, %broadcast_in_dim3A_460 : vector<16xi32>
      %swap3A_462 = arith.constant 3 : i32
      %swap3A_463 = arith.index_cast %swap3A_462 : i32 to index
      %swap3A_464 = arith.constant 0 : index
      %swap3A_465 = tpu.vector_load %arg11[%swap3A_463, %swap3A_464] {strides = array<i32>} : memref<6x32xi32, #tpu.memory_space<vmem>>, vector<16xi32>,
      tpu.vector_store %arg11[%swap3A_463, %swap3A_464], %add3A_461 {strides = array<i32>} : memref<6x32xi32, #tpu.memory_space<vmem>>, vector<16xi32>,
      %broadcast_in_dim3A_466 = arith.constant 6144 : i32
      %broadcast_in_dim3A_467 = vector.broadcast %broadcast_in_dim3A_466 : i32 to vector<16xi32>
      %add3A_468 = arith.addi %get3A_416, %broadcast_in_dim3A_467 : vector<16xi32>
      %swap3A_469 = arith.constant 3 : i32
      %swap3A_470 = arith.index_cast %swap3A_469 : i32 to index
      %swap3A_471 = arith.constant 0 : index
      %swap3A_472 = tpu.vector_load %arg12[%swap3A_470, %swap3A_471] {strides = array<i32>} : memref<6x32xi32, #tpu.memory_space<vmem>>, vector<16xi32>,
      tpu.vector_store %arg12[%swap3A_470, %swap3A_471], %add3A_468 {strides = array<i32>} : memref<6x32xi32, #tpu.memory_space<vmem>>, vector<16xi32>,
      %broadcast_in_dim3A_473 = arith.constant 4128 : i32
      %broadcast_in_dim3A_474 = vector.broadcast %broadcast_in_dim3A_473 : i32 to vector<16xi32>
      %add3A_475 = arith.addi %get3A_410, %broadcast_in_dim3A_474 : vector<16xi32>
      %swap3A_476 = arith.constant 4 : i32
      %swap3A_477 = arith.index_cast %swap3A_476 : i32 to index
      %swap3A_478 = arith.constant 0 : index
      %swap3A_479 = tpu.vector_load %arg11[%swap3A_477, %swap3A_478] {strides = array<i32>} : memref<6x32xi32, #tpu.memory_space<vmem>>, vector<16xi32>,
      tpu.vector_store %arg11[%swap3A_477, %swap3A_478], %add3A_475 {strides = array<i32>} : memref<6x32xi32, #tpu.memory_space<vmem>>, vector<16xi32>,
      %broadcast_in_dim3A_480 = arith.constant 8192 : i32
      %broadcast_in_dim3A_481 = vector.broadcast %broadcast_in_dim3A_480 : i32 to vector<16xi32>
      %add3A_482 = arith.addi %get3A_416, %broadcast_in_dim3A_481 : vector<16xi32>
      %swap3A_483 = arith.constant 4 : i32
      %swap3A_484 = arith.index_cast %swap3A_483 : i32 to index
      %swap3A_485 = arith.constant 0 : index
      %swap3A_486 = tpu.vector_load %arg12[%swap3A_484, %swap3A_485] {strides = array<i32>} : memref<6x32xi32, #tpu.memory_space<vmem>>, vector<16xi32>,
      tpu.vector_store %arg12[%swap3A_484, %swap3A_485], %add3A_482 {strides = array<i32>} : memref<6x32xi32, #tpu.memory_space<vmem>>, vector<16xi32>,
      %broadcast_in_dim3A_487 = arith.constant 5160 : i32
      %broadcast_in_dim3A_488 = vector.broadcast %broadcast_in_dim3A_487 : i32 to vector<16xi32>
      %add3A_489 = arith.addi %get3A_410, %broadcast_in_dim3A_488 : vector<16xi32>
      %swap3A_490 = arith.constant 5 : i32
      %swap3A_491 = arith.index_cast %swap3A_490 : i32 to index
      %swap3A_492 = arith.constant 0 : index
      %swap3A_493 = tpu.vector_load %arg11[%swap3A_491, %swap3A_492] {strides = array<i32>} : memref<6x32xi32, #tpu.memory_space<vmem>>, vector<16xi32>,
      tpu.vector_store %arg11[%swap3A_491, %swap3A_492], %add3A_489 {strides = array<i32>} : memref<6x32xi32, #tpu.memory_space<vmem>>, vector<16xi32>,
      %broadcast_in_dim3A_494 = arith.constant 10240 : i32
      %broadcast_in_dim3A_495 = vector.broadcast %broadcast_in_dim3A_494 : i32 to vector<16xi32>
      %add3A_496 = arith.addi %get3A_416, %broadcast_in_dim3A_495 : vector<16xi32>
      %swap3A_497 = arith.constant 5 : i32
      %swap3A_498 = arith.index_cast %swap3A_497 : i32 to index
      %swap3A_499 = arith.constant 0 : index
      %swap3A_500 = tpu.vector_load %arg12[%swap3A_498, %swap3A_499] {strides = array<i32>} : memref<6x32xi32, #tpu.memory_space<vmem>>, vector<16xi32>,
      tpu.vector_store %arg12[%swap3A_498, %swap3A_499], %add3A_496 {strides = array<i32>} : memref<6x32xi32, #tpu.memory_space<vmem>>, vector<16xi32>,
      %mul3A_501 = arith.constant 32 : i32
      %mul3A_502 = arith.muli %while3A_405, %mul3A_501 : i32
      %add3A_503 = arith.constant 16 : i32
      %add3A_504 = arith.addi %mul3A_502, %add3A_503 : i32
      %get3A_505 = arith.index_cast %add3A_504 : i32 to index
      %get3A_506 = tpu.vector_load %arg9[%get3A_505] {strides = array<i32>} : memref<560xi32, #tpu.memory_space<vmem>>, vector<16xi32>,
      %mul3A_507 = arith.constant 32 : i32
      %mul3A_508 = arith.muli %while3A_405, %mul3A_507 : i32
      %add3A_509 = arith.constant 16 : i32
      %add3A_510 = arith.addi %mul3A_508, %add3A_509 : i32
      %get3A_511 = arith.index_cast %add3A_510 : i32 to index
      %get3A_512 = tpu.vector_load %arg10[%get3A_511] {strides = array<i32>} : memref<560xi32, #tpu.memory_space<vmem>>, vector<16xi32>,
      %broadcast_in_dim3A_513 = arith.constant 0 : i32
      %broadcast_in_dim3A_514 = vector.broadcast %broadcast_in_dim3A_513 : i32 to vector<16xi32>
      %add3A_515 = arith.addi %get3A_506, %broadcast_in_dim3A_514 : vector<16xi32>
      %swap3A_516 = arith.constant 0 : i32
      %swap3A_517 = arith.index_cast %swap3A_516 : i32 to index
      %swap3A_518 = arith.constant 16 : index
      %swap3A_519 = tpu.vector_load %arg11[%swap3A_517, %swap3A_518] {strides = array<i32>} : memref<6x32xi32, #tpu.memory_space<vmem>>, vector<16xi32>,
      tpu.vector_store %arg11[%swap3A_517, %swap3A_518], %add3A_515 {strides = array<i32>} : memref<6x32xi32, #tpu.memory_space<vmem>>, vector<16xi32>,
      %broadcast_in_dim3A_520 = arith.constant 0 : i32
      %broadcast_in_dim3A_521 = vector.broadcast %broadcast_in_dim3A_520 : i32 to vector<16xi32>
      %add3A_522 = arith.addi %get3A_512, %broadcast_in_dim3A_521 : vector<16xi32>
      %swap3A_523 = arith.constant 0 : i32
      %swap3A_524 = arith.index_cast %swap3A_523 : i32 to index
      %swap3A_525 = arith.constant 16 : index
      %swap3A_526 = tpu.vector_load %arg12[%swap3A_524, %swap3A_525] {strides = array<i32>} : memref<6x32xi32, #tpu.memory_space<vmem>>, vector<16xi32>,
      tpu.vector_store %arg12[%swap3A_524, %swap3A_525], %add3A_522 {strides = array<i32>} : memref<6x32xi32, #tpu.memory_space<vmem>>, vector<16xi32>,
      %broadcast_in_dim3A_527 = arith.constant 1032 : i32
      %broadcast_in_dim3A_528 = vector.broadcast %broadcast_in_dim3A_527 : i32 to vector<16xi32>
      %add3A_529 = arith.addi %get3A_506, %broadcast_in_dim3A_528 : vector<16xi32>
      %swap3A_530 = arith.constant 1 : i32
      %swap3A_531 = arith.index_cast %swap3A_530 : i32 to index
      %swap3A_532 = arith.constant 16 : index
      %swap3A_533 = tpu.vector_load %arg11[%swap3A_531, %swap3A_532] {strides = array<i32>} : memref<6x32xi32, #tpu.memory_space<vmem>>, vector<16xi32>,
      tpu.vector_store %arg11[%swap3A_531, %swap3A_532], %add3A_529 {strides = array<i32>} : memref<6x32xi32, #tpu.memory_space<vmem>>, vector<16xi32>,
      %broadcast_in_dim3A_534 = arith.constant 2048 : i32
      %broadcast_in_dim3A_535 = vector.broadcast %broadcast_in_dim3A_534 : i32 to vector<16xi32>
      %add3A_536 = arith.addi %get3A_512, %broadcast_in_dim3A_535 : vector<16xi32>
      %swap3A_537 = arith.constant 1 : i32
      %swap3A_538 = arith.index_cast %swap3A_537 : i32 to index
      %swap3A_539 = arith.constant 16 : index
      %swap3A_540 = tpu.vector_load %arg12[%swap3A_538, %swap3A_539] {strides = array<i32>} : memref<6x32xi32, #tpu.memory_space<vmem>>, vector<16xi32>,
      tpu.vector_store %arg12[%swap3A_538, %swap3A_539], %add3A_536 {strides = array<i32>} : memref<6x32xi32, #tpu.memory_space<vmem>>, vector<16xi32>,
      %broadcast_in_dim3A_541 = arith.constant 2064 : i32
      %broadcast_in_dim3A_542 = vector.broadcast %broadcast_in_dim3A_541 : i32 to vector<16xi32>
      %add3A_543 = arith.addi %get3A_506, %broadcast_in_dim3A_542 : vector<16xi32>
      %swap3A_544 = arith.constant 2 : i32
      %swap3A_545 = arith.index_cast %swap3A_544 : i32 to index
      %swap3A_546 = arith.constant 16 : index
      %swap3A_547 = tpu.vector_load %arg11[%swap3A_545, %swap3A_546] {strides = array<i32>} : memref<6x32xi32, #tpu.memory_space<vmem>>, vector<16xi32>,
      tpu.vector_store %arg11[%swap3A_545, %swap3A_546], %add3A_543 {strides = array<i32>} : memref<6x32xi32, #tpu.memory_space<vmem>>, vector<16xi32>,
      %broadcast_in_dim3A_548 = arith.constant 4096 : i32
      %broadcast_in_dim3A_549 = vector.broadcast %broadcast_in_dim3A_548 : i32 to vector<16xi32>
      %add3A_550 = arith.addi %get3A_512, %broadcast_in_dim3A_549 : vector<16xi32>
      %swap3A_551 = arith.constant 2 : i32
      %swap3A_552 = arith.index_cast %swap3A_551 : i32 to index
      %swap3A_553 = arith.constant 16 : index
      %swap3A_554 = tpu.vector_load %arg12[%swap3A_552, %swap3A_553] {strides = array<i32>} : memref<6x32xi32, #tpu.memory_space<vmem>>, vector<16xi32>,
      tpu.vector_store %arg12[%swap3A_552, %swap3A_553], %add3A_550 {strides = array<i32>} : memref<6x32xi32, #tpu.memory_space<vmem>>, vector<16xi32>,
      %broadcast_in_dim3A_555 = arith.constant 3096 : i32
      %broadcast_in_dim3A_556 = vector.broadcast %broadcast_in_dim3A_555 : i32 to vector<16xi32>
      %add3A_557 = arith.addi %get3A_506, %broadcast_in_dim3A_556 : vector<16xi32>
      %swap3A_558 = arith.constant 3 : i32
      %swap3A_559 = arith.index_cast %swap3A_558 : i32 to index
      %swap3A_560 = arith.constant 16 : index
      %swap3A_561 = tpu.vector_load %arg11[%swap3A_559, %swap3A_560] {strides = array<i32>} : memref<6x32xi32, #tpu.memory_space<vmem>>, vector<16xi32>,
      tpu.vector_store %arg11[%swap3A_559, %swap3A_560], %add3A_557 {strides = array<i32>} : memref<6x32xi32, #tpu.memory_space<vmem>>, vector<16xi32>,
      %broadcast_in_dim3A_562 = arith.constant 6144 : i32
      %broadcast_in_dim3A_563 = vector.broadcast %broadcast_in_dim3A_562 : i32 to vector<16xi32>
      %add3A_564 = arith.addi %get3A_512, %broadcast_in_dim3A_563 : vector<16xi32>
      %swap3A_565 = arith.constant 3 : i32
      %swap3A_566 = arith.index_cast %swap3A_565 : i32 to index
      %swap3A_567 = arith.constant 16 : index
      %swap3A_568 = tpu.vector_load %arg12[%swap3A_566, %swap3A_567] {strides = array<i32>} : memref<6x32xi32, #tpu.memory_space<vmem>>, vector<16xi32>,
      tpu.vector_store %arg12[%swap3A_566, %swap3A_567], %add3A_564 {strides = array<i32>} : memref<6x32xi32, #tpu.memory_space<vmem>>, vector<16xi32>,
      %broadcast_in_dim3A_569 = arith.constant 4128 : i32
      %broadcast_in_dim3A_570 = vector.broadcast %broadcast_in_dim3A_569 : i32 to vector<16xi32>
      %add3A_571 = arith.addi %get3A_506, %broadcast_in_dim3A_570 : vector<16xi32>
      %swap3A_572 = arith.constant 4 : i32
      %swap3A_573 = arith.index_cast %swap3A_572 : i32 to index
      %swap3A_574 = arith.constant 16 : index
      %swap3A_575 = tpu.vector_load %arg11[%swap3A_573, %swap3A_574] {strides = array<i32>} : memref<6x32xi32, #tpu.memory_space<vmem>>, vector<16xi32>,
      tpu.vector_store %arg11[%swap3A_573, %swap3A_574], %add3A_571 {strides = array<i32>} : memref<6x32xi32, #tpu.memory_space<vmem>>, vector<16xi32>,
      %broadcast_in_dim3A_576 = arith.constant 8192 : i32
      %broadcast_in_dim3A_577 = vector.broadcast %broadcast_in_dim3A_576 : i32 to vector<16xi32>
      %add3A_578 = arith.addi %get3A_512, %broadcast_in_dim3A_577 : vector<16xi32>
      %swap3A_579 = arith.constant 4 : i32
      %swap3A_580 = arith.index_cast %swap3A_579 : i32 to index
      %swap3A_581 = arith.constant 16 : index
      %swap3A_582 = tpu.vector_load %arg12[%swap3A_580, %swap3A_581] {strides = array<i32>} : memref<6x32xi32, #tpu.memory_space<vmem>>, vector<16xi32>,
      tpu.vector_store %arg12[%swap3A_580, %swap3A_581], %add3A_578 {strides = array<i32>} : memref<6x32xi32, #tpu.memory_space<vmem>>, vector<16xi32>,
      %broadcast_in_dim3A_583 = arith.constant 5160 : i32
      %broadcast_in_dim3A_584 = vector.broadcast %broadcast_in_dim3A_583 : i32 to vector<16xi32>
      %add3A_585 = arith.addi %get3A_506, %broadcast_in_dim3A_584 : vector<16xi32>
      %swap3A_586 = arith.constant 5 : i32
      %swap3A_587 = arith.index_cast %swap3A_586 : i32 to index
      %swap3A_588 = arith.constant 16 : index
      %swap3A_589 = tpu.vector_load %arg11[%swap3A_587, %swap3A_588] {strides = array<i32>} : memref<6x32xi32, #tpu.memory_space<vmem>>, vector<16xi32>,
      tpu.vector_store %arg11[%swap3A_587, %swap3A_588], %add3A_585 {strides = array<i32>} : memref<6x32xi32, #tpu.memory_space<vmem>>, vector<16xi32>,
      %broadcast_in_dim3A_590 = arith.constant 10240 : i32
      %broadcast_in_dim3A_591 = vector.broadcast %broadcast_in_dim3A_590 : i32 to vector<16xi32>
      %add3A_592 = arith.addi %get3A_512, %broadcast_in_dim3A_591 : vector<16xi32>
      %swap3A_593 = arith.constant 5 : i32
      %swap3A_594 = arith.index_cast %swap3A_593 : i32 to index
      %swap3A_595 = arith.constant 16 : index
      %swap3A_596 = tpu.vector_load %arg12[%swap3A_594, %swap3A_595] {strides = array<i32>} : memref<6x32xi32, #tpu.memory_space<vmem>>, vector<16xi32>,
      tpu.vector_store %arg12[%swap3A_594, %swap3A_595], %add3A_592 {strides = array<i32>} : memref<6x32xi32, #tpu.memory_space<vmem>>, vector<16xi32>,
      %dma_start3A_597 = arith.constant 0 : i32
      %dma_start3A_598 = arith.constant 0 : i32
      %dma_start3A_599 = arith.constant 0 : i32
      %dma_start3A_600 = arith.constant 0 : i32
      %dma_start3A_601 = tpu.memref_slice %arg13[%dma_start3A_598, %dma_start3A_599, %dma_start3A_600] : memref<6x32x128xf32, #tpu.memory_space<vmem>> -> memref<1x32x128xf32, #tpu.memory_space<vmem>>
      %dma_start3A_602 = tpu.memref_squeeze %dma_start3A_601 : memref<1x32x128xf32, #tpu.memory_space<vmem>> -> memref<32x128xf32, #tpu.memory_space<vmem>>
      %dma_start3A_603 = arith.constant 0 : i32
      %dma_start3A_604 = tpu.memref_slice %arg11[%dma_start3A_597, %dma_start3A_603] : memref<6x32xi32, #tpu.memory_space<vmem>> -> memref<1x32xi32, #tpu.memory_space<vmem>>
      %dma_start3A_605 = tpu.memref_squeeze %dma_start3A_604 : memref<1x32xi32, #tpu.memory_space<vmem>> -> memref<32xi32, #tpu.memory_space<vmem>>
      %dma_start3A_606 = arith.constant 0 : i32
      %dma_start3A_607 = arith.constant 0 : i32
      %dma_start3A_608 = tpu.memref_slice %arg3[%dma_start3A_606, %dma_start3A_607] : memref<6192x128xf32, #tpu.memory_space<hbm>> -> memref<6192x128xf32, #tpu.memory_space<hbm>>
      tpu.enqueue_indirect_dma source(%dma_start3A_608 : memref<6192x128xf32, #tpu.memory_space<hbm>>) target(%dma_start3A_602 : memref<32x128xf32, #tpu.memory_space<vmem>>) offsets(%dma_start3A_605 : memref<32xi32, #tpu.memory_space<vmem>>) semaphore(%arg15 : memref<!tpu.dma_semaphore, #tpu.memory_space<semaphore_mem>>)
      %dma_start3A_609 = arith.constant 1 : i32
      %dma_start3A_610 = arith.constant 1 : i32
      %dma_start3A_611 = arith.constant 0 : i32
      %dma_start3A_612 = arith.constant 0 : i32
      %dma_start3A_613 = tpu.memref_slice %arg13[%dma_start3A_610, %dma_start3A_611, %dma_start3A_612] : memref<6x32x128xf32, #tpu.memory_space<vmem>> -> memref<1x32x128xf32, #tpu.memory_space<vmem>>
      %dma_start3A_614 = tpu.memref_squeeze %dma_start3A_613 : memref<1x32x128xf32, #tpu.memory_space<vmem>> -> memref<32x128xf32, #tpu.memory_space<vmem>>
      %dma_start3A_615 = arith.constant 0 : i32
      %dma_start3A_616 = tpu.memref_slice %arg11[%dma_start3A_609, %dma_start3A_615] : memref<6x32xi32, #tpu.memory_space<vmem>> -> memref<1x32xi32, #tpu.memory_space<vmem>>
      %dma_start3A_617 = tpu.memref_squeeze %dma_start3A_616 : memref<1x32xi32, #tpu.memory_space<vmem>> -> memref<32xi32, #tpu.memory_space<vmem>>
      %dma_start3A_618 = arith.constant 0 : i32
      %dma_start3A_619 = arith.constant 0 : i32
      %dma_start3A_620 = tpu.memref_slice %arg3[%dma_start3A_618, %dma_start3A_619] : memref<6192x128xf32, #tpu.memory_space<hbm>> -> memref<6192x128xf32, #tpu.memory_space<hbm>>
      tpu.enqueue_indirect_dma source(%dma_start3A_620 : memref<6192x128xf32, #tpu.memory_space<hbm>>) target(%dma_start3A_614 : memref<32x128xf32, #tpu.memory_space<vmem>>) offsets(%dma_start3A_617 : memref<32xi32, #tpu.memory_space<vmem>>) semaphore(%arg15 : memref<!tpu.dma_semaphore, #tpu.memory_space<semaphore_mem>>)
      %dma_start3A_621 = arith.constant 2 : i32
      %dma_start3A_622 = arith.constant 2 : i32
      %dma_start3A_623 = arith.constant 0 : i32
      %dma_start3A_624 = arith.constant 0 : i32
      %dma_start3A_625 = tpu.memref_slice %arg13[%dma_start3A_622, %dma_start3A_623, %dma_start3A_624] : memref<6x32x128xf32, #tpu.memory_space<vmem>> -> memref<1x32x128xf32, #tpu.memory_space<vmem>>
      %dma_start3A_626 = tpu.memref_squeeze %dma_start3A_625 : memref<1x32x128xf32, #tpu.memory_space<vmem>> -> memref<32x128xf32, #tpu.memory_space<vmem>>
      %dma_start3A_627 = arith.constant 0 : i32
      %dma_start3A_628 = tpu.memref_slice %arg11[%dma_start3A_621, %dma_start3A_627] : memref<6x32xi32, #tpu.memory_space<vmem>> -> memref<1x32xi32, #tpu.memory_space<vmem>>
      %dma_start3A_629 = tpu.memref_squeeze %dma_start3A_628 : memref<1x32xi32, #tpu.memory_space<vmem>> -> memref<32xi32, #tpu.memory_space<vmem>>
      %dma_start3A_630 = arith.constant 0 : i32
      %dma_start3A_631 = arith.constant 0 : i32
      %dma_start3A_632 = tpu.memref_slice %arg3[%dma_start3A_630, %dma_start3A_631] : memref<6192x128xf32, #tpu.memory_space<hbm>> -> memref<6192x128xf32, #tpu.memory_space<hbm>>
      tpu.enqueue_indirect_dma source(%dma_start3A_632 : memref<6192x128xf32, #tpu.memory_space<hbm>>) target(%dma_start3A_626 : memref<32x128xf32, #tpu.memory_space<vmem>>) offsets(%dma_start3A_629 : memref<32xi32, #tpu.memory_space<vmem>>) semaphore(%arg15 : memref<!tpu.dma_semaphore, #tpu.memory_space<semaphore_mem>>)
      %dma_start3A_633 = arith.constant 3 : i32
      %dma_start3A_634 = arith.constant 3 : i32
      %dma_start3A_635 = arith.constant 0 : i32
      %dma_start3A_636 = arith.constant 0 : i32
      %dma_start3A_637 = tpu.memref_slice %arg13[%dma_start3A_634, %dma_start3A_635, %dma_start3A_636] : memref<6x32x128xf32, #tpu.memory_space<vmem>> -> memref<1x32x128xf32, #tpu.memory_space<vmem>>
      %dma_start3A_638 = tpu.memref_squeeze %dma_start3A_637 : memref<1x32x128xf32, #tpu.memory_space<vmem>> -> memref<32x128xf32, #tpu.memory_space<vmem>>
      %dma_start3A_639 = arith.constant 0 : i32
      %dma_start3A_640 = tpu.memref_slice %arg11[%dma_start3A_633, %dma_start3A_639] : memref<6x32xi32, #tpu.memory_space<vmem>> -> memref<1x32xi32, #tpu.memory_space<vmem>>
      %dma_start3A_641 = tpu.memref_squeeze %dma_start3A_640 : memref<1x32xi32, #tpu.memory_space<vmem>> -> memref<32xi32, #tpu.memory_space<vmem>>
      %dma_start3A_642 = arith.constant 0 : i32
      %dma_start3A_643 = arith.constant 0 : i32
      %dma_start3A_644 = tpu.memref_slice %arg3[%dma_start3A_642, %dma_start3A_643] : memref<6192x128xf32, #tpu.memory_space<hbm>> -> memref<6192x128xf32, #tpu.memory_space<hbm>>
      tpu.enqueue_indirect_dma source(%dma_start3A_644 : memref<6192x128xf32, #tpu.memory_space<hbm>>) target(%dma_start3A_638 : memref<32x128xf32, #tpu.memory_space<vmem>>) offsets(%dma_start3A_641 : memref<32xi32, #tpu.memory_space<vmem>>) semaphore(%arg15 : memref<!tpu.dma_semaphore, #tpu.memory_space<semaphore_mem>>)
      %dma_start3A_645 = arith.constant 4 : i32
      %dma_start3A_646 = arith.constant 4 : i32
      %dma_start3A_647 = arith.constant 0 : i32
      %dma_start3A_648 = arith.constant 0 : i32
      %dma_start3A_649 = tpu.memref_slice %arg13[%dma_start3A_646, %dma_start3A_647, %dma_start3A_648] : memref<6x32x128xf32, #tpu.memory_space<vmem>> -> memref<1x32x128xf32, #tpu.memory_space<vmem>>
      %dma_start3A_650 = tpu.memref_squeeze %dma_start3A_649 : memref<1x32x128xf32, #tpu.memory_space<vmem>> -> memref<32x128xf32, #tpu.memory_space<vmem>>
      %dma_start3A_651 = arith.constant 0 : i32
      %dma_start3A_652 = tpu.memref_slice %arg11[%dma_start3A_645, %dma_start3A_651] : memref<6x32xi32, #tpu.memory_space<vmem>> -> memref<1x32xi32, #tpu.memory_space<vmem>>
      %dma_start3A_653 = tpu.memref_squeeze %dma_start3A_652 : memref<1x32xi32, #tpu.memory_space<vmem>> -> memref<32xi32, #tpu.memory_space<vmem>>
      %dma_start3A_654 = arith.constant 0 : i32
      %dma_start3A_655 = arith.constant 0 : i32
      %dma_start3A_656 = tpu.memref_slice %arg3[%dma_start3A_654, %dma_start3A_655] : memref<6192x128xf32, #tpu.memory_space<hbm>> -> memref<6192x128xf32, #tpu.memory_space<hbm>>
      tpu.enqueue_indirect_dma source(%dma_start3A_656 : memref<6192x128xf32, #tpu.memory_space<hbm>>) target(%dma_start3A_650 : memref<32x128xf32, #tpu.memory_space<vmem>>) offsets(%dma_start3A_653 : memref<32xi32, #tpu.memory_space<vmem>>) semaphore(%arg15 : memref<!tpu.dma_semaphore, #tpu.memory_space<semaphore_mem>>)
      %dma_start3A_657 = arith.constant 5 : i32
      %dma_start3A_658 = arith.constant 5 : i32
      %dma_start3A_659 = arith.constant 0 : i32
      %dma_start3A_660 = arith.constant 0 : i32
      %dma_start3A_661 = tpu.memref_slice %arg13[%dma_start3A_658, %dma_start3A_659, %dma_start3A_660] : memref<6x32x128xf32, #tpu.memory_space<vmem>> -> memref<1x32x128xf32, #tpu.memory_space<vmem>>
      %dma_start3A_662 = tpu.memref_squeeze %dma_start3A_661 : memref<1x32x128xf32, #tpu.memory_space<vmem>> -> memref<32x128xf32, #tpu.memory_space<vmem>>
      %dma_start3A_663 = arith.constant 0 : i32
      %dma_start3A_664 = tpu.memref_slice %arg11[%dma_start3A_657, %dma_start3A_663] : memref<6x32xi32, #tpu.memory_space<vmem>> -> memref<1x32xi32, #tpu.memory_space<vmem>>
      %dma_start3A_665 = tpu.memref_squeeze %dma_start3A_664 : memref<1x32xi32, #tpu.memory_space<vmem>> -> memref<32xi32, #tpu.memory_space<vmem>>
      %dma_start3A_666 = arith.constant 0 : i32
      %dma_start3A_667 = arith.constant 0 : i32
      %dma_start3A_668 = tpu.memref_slice %arg3[%dma_start3A_666, %dma_start3A_667] : memref<6192x128xf32, #tpu.memory_space<hbm>> -> memref<6192x128xf32, #tpu.memory_space<hbm>>
      tpu.enqueue_indirect_dma source(%dma_start3A_668 : memref<6192x128xf32, #tpu.memory_space<hbm>>) target(%dma_start3A_662 : memref<32x128xf32, #tpu.memory_space<vmem>>) offsets(%dma_start3A_665 : memref<32xi32, #tpu.memory_space<vmem>>) semaphore(%arg15 : memref<!tpu.dma_semaphore, #tpu.memory_space<semaphore_mem>>)
      %dma_wait3A_669 = arith.constant 0 : i32
      %dma_wait3A_670 = arith.constant 0 : i32
      %dma_wait3A_671 = arith.constant 0 : i32
      %dma_wait3A_672 = arith.constant 0 : i32
      %dma_wait3A_673 = tpu.memref_slice %arg13[%dma_wait3A_670, %dma_wait3A_671, %dma_wait3A_672] : memref<6x32x128xf32, #tpu.memory_space<vmem>> -> memref<1x32x128xf32, #tpu.memory_space<vmem>>
      %dma_wait3A_674 = tpu.memref_squeeze %dma_wait3A_673 : memref<1x32x128xf32, #tpu.memory_space<vmem>> -> memref<32x128xf32, #tpu.memory_space<vmem>>
      %dma_wait3A_675 = arith.constant 0 : i32
      %dma_wait3A_676 = tpu.memref_slice %arg11[%dma_wait3A_669, %dma_wait3A_675] : memref<6x32xi32, #tpu.memory_space<vmem>> -> memref<1x32xi32, #tpu.memory_space<vmem>>
      %dma_wait3A_677 = tpu.memref_squeeze %dma_wait3A_676 : memref<1x32xi32, #tpu.memory_space<vmem>> -> memref<32xi32, #tpu.memory_space<vmem>>
      %dma_wait3A_678 = arith.constant 0 : i32
      %dma_wait3A_679 = arith.constant 0 : i32
      %dma_wait3A_680 = tpu.memref_slice %arg3[%dma_wait3A_678, %dma_wait3A_679] : memref<6192x128xf32, #tpu.memory_space<hbm>> -> memref<6192x128xf32, #tpu.memory_space<hbm>>
      tpu.wait_indirect_dma semaphore(%arg15 : memref<!tpu.dma_semaphore, #tpu.memory_space<semaphore_mem>>) src(%dma_wait3A_680 : memref<6192x128xf32, #tpu.memory_space<hbm>>) dst(%dma_wait3A_674 : memref<32x128xf32, #tpu.memory_space<vmem>>)
      %run_scoped3A = arith.constant 0 : i32
      %run_scoped3A_681 = arith.constant 0 : i32
      "tpu.region"() ({
        %run_scoped3A_752 = tpu.sem_alloc : memref<!tpu.dma_semaphore, #tpu.memory_space<semaphore_mem>>
        %dma_start3A_753 = arith.constant 0 : i32
        %dma_start3A_754 = arith.constant 0 : i32
        %dma_start3A_755 = tpu.memref_slice %arg13[%run_scoped3A, %dma_start3A_753, %dma_start3A_754] : memref<6x32x128xf32, #tpu.memory_space<vmem>> -> memref<1x32x128xf32, #tpu.memory_space<vmem>>
        %dma_start3A_756 = tpu.memref_squeeze %dma_start3A_755 : memref<1x32x128xf32, #tpu.memory_space<vmem>> -> memref<32x128xf32, #tpu.memory_space<vmem>>
        %dma_start3A_757 = arith.constant 0 : i32
        %dma_start3A_758 = tpu.memref_slice %arg12[%run_scoped3A_681, %dma_start3A_757] : memref<6x32xi32, #tpu.memory_space<vmem>> -> memref<1x32xi32, #tpu.memory_space<vmem>>
        %dma_start3A_759 = tpu.memref_squeeze %dma_start3A_758 : memref<1x32xi32, #tpu.memory_space<vmem>> -> memref<32xi32, #tpu.memory_space<vmem>>
        %dma_start3A_760 = arith.constant 0 : i32
        %dma_start3A_761 = arith.constant 0 : i32
        %dma_start3A_762 = tpu.memref_slice %arg14[%dma_start3A_760, %dma_start3A_761] : memref<12288x128xf32, #tpu.memory_space<vmem_shared>> -> memref<12288x128xf32, #tpu.memory_space<vmem_shared>>
        tpu.enqueue_indirect_dma source(%dma_start3A_756 : memref<32x128xf32, #tpu.memory_space<vmem>>) target(%dma_start3A_762 : memref<12288x128xf32, #tpu.memory_space<vmem_shared>>) offsets(%dma_start3A_759 : memref<32xi32, #tpu.memory_space<vmem>>) semaphore(%run_scoped3A_752 : memref<!tpu.dma_semaphore, #tpu.memory_space<semaphore_mem>>) {add = true}
        %dma_wait3A_763 = arith.constant 0 : i32
        %dma_wait3A_764 = arith.constant 0 : i32
        %dma_wait3A_765 = tpu.memref_slice %arg13[%run_scoped3A, %dma_wait3A_763, %dma_wait3A_764] : memref<6x32x128xf32, #tpu.memory_space<vmem>> -> memref<1x32x128xf32, #tpu.memory_space<vmem>>
        %dma_wait3A_766 = tpu.memref_squeeze %dma_wait3A_765 : memref<1x32x128xf32, #tpu.memory_space<vmem>> -> memref<32x128xf32, #tpu.memory_space<vmem>>
        %dma_wait3A_767 = arith.constant 0 : i32
        %dma_wait3A_768 = tpu.memref_slice %arg12[%run_scoped3A_681, %dma_wait3A_767] : memref<6x32xi32, #tpu.memory_space<vmem>> -> memref<1x32xi32, #tpu.memory_space<vmem>>
        %dma_wait3A_769 = tpu.memref_squeeze %dma_wait3A_768 : memref<1x32xi32, #tpu.memory_space<vmem>> -> memref<32xi32, #tpu.memory_space<vmem>>
        %dma_wait3A_770 = arith.constant 0 : i32
        %dma_wait3A_771 = arith.constant 0 : i32
        %dma_wait3A_772 = tpu.memref_slice %arg14[%dma_wait3A_770, %dma_wait3A_771] : memref<12288x128xf32, #tpu.memory_space<vmem_shared>> -> memref<12288x128xf32, #tpu.memory_space<vmem_shared>>
        tpu.wait_indirect_dma semaphore(%run_scoped3A_752 : memref<!tpu.dma_semaphore, #tpu.memory_space<semaphore_mem>>) src(%dma_wait3A_766 : memref<32x128xf32, #tpu.memory_space<vmem>>) dst(%dma_wait3A_772 : memref<12288x128xf32, #tpu.memory_space<vmem_shared>>)
        tpu.yield
      }) : () -> ()
      %dma_wait3A_682 = arith.constant 1 : i32
      %dma_wait3A_683 = arith.constant 1 : i32
      %dma_wait3A_684 = arith.constant 0 : i32
      %dma_wait3A_685 = arith.constant 0 : i32
      %dma_wait3A_686 = tpu.memref_slice %arg13[%dma_wait3A_683, %dma_wait3A_684, %dma_wait3A_685] : memref<6x32x128xf32, #tpu.memory_space<vmem>> -> memref<1x32x128xf32, #tpu.memory_space<vmem>>
      %dma_wait3A_687 = tpu.memref_squeeze %dma_wait3A_686 : memref<1x32x128xf32, #tpu.memory_space<vmem>> -> memref<32x128xf32, #tpu.memory_space<vmem>>
      %dma_wait3A_688 = arith.constant 0 : i32
      %dma_wait3A_689 = tpu.memref_slice %arg11[%dma_wait3A_682, %dma_wait3A_688] : memref<6x32xi32, #tpu.memory_space<vmem>> -> memref<1x32xi32, #tpu.memory_space<vmem>>
      %dma_wait3A_690 = tpu.memref_squeeze %dma_wait3A_689 : memref<1x32xi32, #tpu.memory_space<vmem>> -> memref<32xi32, #tpu.memory_space<vmem>>
      %dma_wait3A_691 = arith.constant 0 : i32
      %dma_wait3A_692 = arith.constant 0 : i32
      %dma_wait3A_693 = tpu.memref_slice %arg3[%dma_wait3A_691, %dma_wait3A_692] : memref<6192x128xf32, #tpu.memory_space<hbm>> -> memref<6192x128xf32, #tpu.memory_space<hbm>>
      tpu.wait_indirect_dma semaphore(%arg15 : memref<!tpu.dma_semaphore, #tpu.memory_space<semaphore_mem>>) src(%dma_wait3A_693 : memref<6192x128xf32, #tpu.memory_space<hbm>>) dst(%dma_wait3A_687 : memref<32x128xf32, #tpu.memory_space<vmem>>)
      %run_scoped3A_694 = arith.constant 1 : i32
      %run_scoped3A_695 = arith.constant 1 : i32
      "tpu.region"() ({
        %run_scoped3A_752 = tpu.sem_alloc : memref<!tpu.dma_semaphore, #tpu.memory_space<semaphore_mem>>
        %dma_start3A_753 = arith.constant 0 : i32
        %dma_start3A_754 = arith.constant 0 : i32
        %dma_start3A_755 = tpu.memref_slice %arg13[%run_scoped3A_694, %dma_start3A_753, %dma_start3A_754] : memref<6x32x128xf32, #tpu.memory_space<vmem>> -> memref<1x32x128xf32, #tpu.memory_space<vmem>>
        %dma_start3A_756 = tpu.memref_squeeze %dma_start3A_755 : memref<1x32x128xf32, #tpu.memory_space<vmem>> -> memref<32x128xf32, #tpu.memory_space<vmem>>
        %dma_start3A_757 = arith.constant 0 : i32
        %dma_start3A_758 = tpu.memref_slice %arg12[%run_scoped3A_695, %dma_start3A_757] : memref<6x32xi32, #tpu.memory_space<vmem>> -> memref<1x32xi32, #tpu.memory_space<vmem>>
        %dma_start3A_759 = tpu.memref_squeeze %dma_start3A_758 : memref<1x32xi32, #tpu.memory_space<vmem>> -> memref<32xi32, #tpu.memory_space<vmem>>
        %dma_start3A_760 = arith.constant 0 : i32
        %dma_start3A_761 = arith.constant 0 : i32
        %dma_start3A_762 = tpu.memref_slice %arg14[%dma_start3A_760, %dma_start3A_761] : memref<12288x128xf32, #tpu.memory_space<vmem_shared>> -> memref<12288x128xf32, #tpu.memory_space<vmem_shared>>
        tpu.enqueue_indirect_dma source(%dma_start3A_756 : memref<32x128xf32, #tpu.memory_space<vmem>>) target(%dma_start3A_762 : memref<12288x128xf32, #tpu.memory_space<vmem_shared>>) offsets(%dma_start3A_759 : memref<32xi32, #tpu.memory_space<vmem>>) semaphore(%run_scoped3A_752 : memref<!tpu.dma_semaphore, #tpu.memory_space<semaphore_mem>>) {add = true}
        %dma_wait3A_763 = arith.constant 0 : i32
        %dma_wait3A_764 = arith.constant 0 : i32
        %dma_wait3A_765 = tpu.memref_slice %arg13[%run_scoped3A_694, %dma_wait3A_763, %dma_wait3A_764] : memref<6x32x128xf32, #tpu.memory_space<vmem>> -> memref<1x32x128xf32, #tpu.memory_space<vmem>>
        %dma_wait3A_766 = tpu.memref_squeeze %dma_wait3A_765 : memref<1x32x128xf32, #tpu.memory_space<vmem>> -> memref<32x128xf32, #tpu.memory_space<vmem>>
        %dma_wait3A_767 = arith.constant 0 : i32
        %dma_wait3A_768 = tpu.memref_slice %arg12[%run_scoped3A_695, %dma_wait3A_767] : memref<6x32xi32, #tpu.memory_space<vmem>> -> memref<1x32xi32, #tpu.memory_space<vmem>>
        %dma_wait3A_769 = tpu.memref_squeeze %dma_wait3A_768 : memref<1x32xi32, #tpu.memory_space<vmem>> -> memref<32xi32, #tpu.memory_space<vmem>>
        %dma_wait3A_770 = arith.constant 0 : i32
        %dma_wait3A_771 = arith.constant 0 : i32
        %dma_wait3A_772 = tpu.memref_slice %arg14[%dma_wait3A_770, %dma_wait3A_771] : memref<12288x128xf32, #tpu.memory_space<vmem_shared>> -> memref<12288x128xf32, #tpu.memory_space<vmem_shared>>
        tpu.wait_indirect_dma semaphore(%run_scoped3A_752 : memref<!tpu.dma_semaphore, #tpu.memory_space<semaphore_mem>>) src(%dma_wait3A_766 : memref<32x128xf32, #tpu.memory_space<vmem>>) dst(%dma_wait3A_772 : memref<12288x128xf32, #tpu.memory_space<vmem_shared>>)
        tpu.yield
      }) : () -> ()
      %dma_wait3A_696 = arith.constant 2 : i32
      %dma_wait3A_697 = arith.constant 2 : i32
      %dma_wait3A_698 = arith.constant 0 : i32
      %dma_wait3A_699 = arith.constant 0 : i32
      %dma_wait3A_700 = tpu.memref_slice %arg13[%dma_wait3A_697, %dma_wait3A_698, %dma_wait3A_699] : memref<6x32x128xf32, #tpu.memory_space<vmem>> -> memref<1x32x128xf32, #tpu.memory_space<vmem>>
      %dma_wait3A_701 = tpu.memref_squeeze %dma_wait3A_700 : memref<1x32x128xf32, #tpu.memory_space<vmem>> -> memref<32x128xf32, #tpu.memory_space<vmem>>
      %dma_wait3A_702 = arith.constant 0 : i32
      %dma_wait3A_703 = tpu.memref_slice %arg11[%dma_wait3A_696, %dma_wait3A_702] : memref<6x32xi32, #tpu.memory_space<vmem>> -> memref<1x32xi32, #tpu.memory_space<vmem>>
      %dma_wait3A_704 = tpu.memref_squeeze %dma_wait3A_703 : memref<1x32xi32, #tpu.memory_space<vmem>> -> memref<32xi32, #tpu.memory_space<vmem>>
      %dma_wait3A_705 = arith.constant 0 : i32
      %dma_wait3A_706 = arith.constant 0 : i32
      %dma_wait3A_707 = tpu.memref_slice %arg3[%dma_wait3A_705, %dma_wait3A_706] : memref<6192x128xf32, #tpu.memory_space<hbm>> -> memref<6192x128xf32, #tpu.memory_space<hbm>>
      tpu.wait_indirect_dma semaphore(%arg15 : memref<!tpu.dma_semaphore, #tpu.memory_space<semaphore_mem>>) src(%dma_wait3A_707 : memref<6192x128xf32, #tpu.memory_space<hbm>>) dst(%dma_wait3A_701 : memref<32x128xf32, #tpu.memory_space<vmem>>)
      %run_scoped3A_708 = arith.constant 2 : i32
      %run_scoped3A_709 = arith.constant 2 : i32
      "tpu.region"() ({
        %run_scoped3A_752 = tpu.sem_alloc : memref<!tpu.dma_semaphore, #tpu.memory_space<semaphore_mem>>
        %dma_start3A_753 = arith.constant 0 : i32
        %dma_start3A_754 = arith.constant 0 : i32
        %dma_start3A_755 = tpu.memref_slice %arg13[%run_scoped3A_708, %dma_start3A_753, %dma_start3A_754] : memref<6x32x128xf32, #tpu.memory_space<vmem>> -> memref<1x32x128xf32, #tpu.memory_space<vmem>>
        %dma_start3A_756 = tpu.memref_squeeze %dma_start3A_755 : memref<1x32x128xf32, #tpu.memory_space<vmem>> -> memref<32x128xf32, #tpu.memory_space<vmem>>
        %dma_start3A_757 = arith.constant 0 : i32
        %dma_start3A_758 = tpu.memref_slice %arg12[%run_scoped3A_709, %dma_start3A_757] : memref<6x32xi32, #tpu.memory_space<vmem>> -> memref<1x32xi32, #tpu.memory_space<vmem>>
        %dma_start3A_759 = tpu.memref_squeeze %dma_start3A_758 : memref<1x32xi32, #tpu.memory_space<vmem>> -> memref<32xi32, #tpu.memory_space<vmem>>
        %dma_start3A_760 = arith.constant 0 : i32
        %dma_start3A_761 = arith.constant 0 : i32
        %dma_start3A_762 = tpu.memref_slice %arg14[%dma_start3A_760, %dma_start3A_761] : memref<12288x128xf32, #tpu.memory_space<vmem_shared>> -> memref<12288x128xf32, #tpu.memory_space<vmem_shared>>
        tpu.enqueue_indirect_dma source(%dma_start3A_756 : memref<32x128xf32, #tpu.memory_space<vmem>>) target(%dma_start3A_762 : memref<12288x128xf32, #tpu.memory_space<vmem_shared>>) offsets(%dma_start3A_759 : memref<32xi32, #tpu.memory_space<vmem>>) semaphore(%run_scoped3A_752 : memref<!tpu.dma_semaphore, #tpu.memory_space<semaphore_mem>>) {add = true}
        %dma_wait3A_763 = arith.constant 0 : i32
        %dma_wait3A_764 = arith.constant 0 : i32
        %dma_wait3A_765 = tpu.memref_slice %arg13[%run_scoped3A_708, %dma_wait3A_763, %dma_wait3A_764] : memref<6x32x128xf32, #tpu.memory_space<vmem>> -> memref<1x32x128xf32, #tpu.memory_space<vmem>>
        %dma_wait3A_766 = tpu.memref_squeeze %dma_wait3A_765 : memref<1x32x128xf32, #tpu.memory_space<vmem>> -> memref<32x128xf32, #tpu.memory_space<vmem>>
        %dma_wait3A_767 = arith.constant 0 : i32
        %dma_wait3A_768 = tpu.memref_slice %arg12[%run_scoped3A_709, %dma_wait3A_767] : memref<6x32xi32, #tpu.memory_space<vmem>> -> memref<1x32xi32, #tpu.memory_space<vmem>>
        %dma_wait3A_769 = tpu.memref_squeeze %dma_wait3A_768 : memref<1x32xi32, #tpu.memory_space<vmem>> -> memref<32xi32, #tpu.memory_space<vmem>>
        %dma_wait3A_770 = arith.constant 0 : i32
        %dma_wait3A_771 = arith.constant 0 : i32
        %dma_wait3A_772 = tpu.memref_slice %arg14[%dma_wait3A_770, %dma_wait3A_771] : memref<12288x128xf32, #tpu.memory_space<vmem_shared>> -> memref<12288x128xf32, #tpu.memory_space<vmem_shared>>
        tpu.wait_indirect_dma semaphore(%run_scoped3A_752 : memref<!tpu.dma_semaphore, #tpu.memory_space<semaphore_mem>>) src(%dma_wait3A_766 : memref<32x128xf32, #tpu.memory_space<vmem>>) dst(%dma_wait3A_772 : memref<12288x128xf32, #tpu.memory_space<vmem_shared>>)
        tpu.yield
      }) : () -> ()
      %dma_wait3A_710 = arith.constant 3 : i32
      %dma_wait3A_711 = arith.constant 3 : i32
      %dma_wait3A_712 = arith.constant 0 : i32
      %dma_wait3A_713 = arith.constant 0 : i32
      %dma_wait3A_714 = tpu.memref_slice %arg13[%dma_wait3A_711, %dma_wait3A_712, %dma_wait3A_713] : memref<6x32x128xf32, #tpu.memory_space<vmem>> -> memref<1x32x128xf32, #tpu.memory_space<vmem>>
      %dma_wait3A_715 = tpu.memref_squeeze %dma_wait3A_714 : memref<1x32x128xf32, #tpu.memory_space<vmem>> -> memref<32x128xf32, #tpu.memory_space<vmem>>
      %dma_wait3A_716 = arith.constant 0 : i32
      %dma_wait3A_717 = tpu.memref_slice %arg11[%dma_wait3A_710, %dma_wait3A_716] : memref<6x32xi32, #tpu.memory_space<vmem>> -> memref<1x32xi32, #tpu.memory_space<vmem>>
      %dma_wait3A_718 = tpu.memref_squeeze %dma_wait3A_717 : memref<1x32xi32, #tpu.memory_space<vmem>> -> memref<32xi32, #tpu.memory_space<vmem>>
      %dma_wait3A_719 = arith.constant 0 : i32
      %dma_wait3A_720 = arith.constant 0 : i32
      %dma_wait3A_721 = tpu.memref_slice %arg3[%dma_wait3A_719, %dma_wait3A_720] : memref<6192x128xf32, #tpu.memory_space<hbm>> -> memref<6192x128xf32, #tpu.memory_space<hbm>>
      tpu.wait_indirect_dma semaphore(%arg15 : memref<!tpu.dma_semaphore, #tpu.memory_space<semaphore_mem>>) src(%dma_wait3A_721 : memref<6192x128xf32, #tpu.memory_space<hbm>>) dst(%dma_wait3A_715 : memref<32x128xf32, #tpu.memory_space<vmem>>)
      %run_scoped3A_722 = arith.constant 3 : i32
      %run_scoped3A_723 = arith.constant 3 : i32
      "tpu.region"() ({
        %run_scoped3A_752 = tpu.sem_alloc : memref<!tpu.dma_semaphore, #tpu.memory_space<semaphore_mem>>
        %dma_start3A_753 = arith.constant 0 : i32
        %dma_start3A_754 = arith.constant 0 : i32
        %dma_start3A_755 = tpu.memref_slice %arg13[%run_scoped3A_722, %dma_start3A_753, %dma_start3A_754] : memref<6x32x128xf32, #tpu.memory_space<vmem>> -> memref<1x32x128xf32, #tpu.memory_space<vmem>>
        %dma_start3A_756 = tpu.memref_squeeze %dma_start3A_755 : memref<1x32x128xf32, #tpu.memory_space<vmem>> -> memref<32x128xf32, #tpu.memory_space<vmem>>
        %dma_start3A_757 = arith.constant 0 : i32
        %dma_start3A_758 = tpu.memref_slice %arg12[%run_scoped3A_723, %dma_start3A_757] : memref<6x32xi32, #tpu.memory_space<vmem>> -> memref<1x32xi32, #tpu.memory_space<vmem>>
        %dma_start3A_759 = tpu.memref_squeeze %dma_start3A_758 : memref<1x32xi32, #tpu.memory_space<vmem>> -> memref<32xi32, #tpu.memory_space<vmem>>
        %dma_start3A_760 = arith.constant 0 : i32
        %dma_start3A_761 = arith.constant 0 : i32
        %dma_start3A_762 = tpu.memref_slice %arg14[%dma_start3A_760, %dma_start3A_761] : memref<12288x128xf32, #tpu.memory_space<vmem_shared>> -> memref<12288x128xf32, #tpu.memory_space<vmem_shared>>
        tpu.enqueue_indirect_dma source(%dma_start3A_756 : memref<32x128xf32, #tpu.memory_space<vmem>>) target(%dma_start3A_762 : memref<12288x128xf32, #tpu.memory_space<vmem_shared>>) offsets(%dma_start3A_759 : memref<32xi32, #tpu.memory_space<vmem>>) semaphore(%run_scoped3A_752 : memref<!tpu.dma_semaphore, #tpu.memory_space<semaphore_mem>>) {add = true}
        %dma_wait3A_763 = arith.constant 0 : i32
        %dma_wait3A_764 = arith.constant 0 : i32
        %dma_wait3A_765 = tpu.memref_slice %arg13[%run_scoped3A_722, %dma_wait3A_763, %dma_wait3A_764] : memref<6x32x128xf32, #tpu.memory_space<vmem>> -> memref<1x32x128xf32, #tpu.memory_space<vmem>>
        %dma_wait3A_766 = tpu.memref_squeeze %dma_wait3A_765 : memref<1x32x128xf32, #tpu.memory_space<vmem>> -> memref<32x128xf32, #tpu.memory_space<vmem>>
        %dma_wait3A_767 = arith.constant 0 : i32
        %dma_wait3A_768 = tpu.memref_slice %arg12[%run_scoped3A_723, %dma_wait3A_767] : memref<6x32xi32, #tpu.memory_space<vmem>> -> memref<1x32xi32, #tpu.memory_space<vmem>>
        %dma_wait3A_769 = tpu.memref_squeeze %dma_wait3A_768 : memref<1x32xi32, #tpu.memory_space<vmem>> -> memref<32xi32, #tpu.memory_space<vmem>>
        %dma_wait3A_770 = arith.constant 0 : i32
        %dma_wait3A_771 = arith.constant 0 : i32
        %dma_wait3A_772 = tpu.memref_slice %arg14[%dma_wait3A_770, %dma_wait3A_771] : memref<12288x128xf32, #tpu.memory_space<vmem_shared>> -> memref<12288x128xf32, #tpu.memory_space<vmem_shared>>
        tpu.wait_indirect_dma semaphore(%run_scoped3A_752 : memref<!tpu.dma_semaphore, #tpu.memory_space<semaphore_mem>>) src(%dma_wait3A_766 : memref<32x128xf32, #tpu.memory_space<vmem>>) dst(%dma_wait3A_772 : memref<12288x128xf32, #tpu.memory_space<vmem_shared>>)
        tpu.yield
      }) : () -> ()
      %dma_wait3A_724 = arith.constant 4 : i32
      %dma_wait3A_725 = arith.constant 4 : i32
      %dma_wait3A_726 = arith.constant 0 : i32
      %dma_wait3A_727 = arith.constant 0 : i32
      %dma_wait3A_728 = tpu.memref_slice %arg13[%dma_wait3A_725, %dma_wait3A_726, %dma_wait3A_727] : memref<6x32x128xf32, #tpu.memory_space<vmem>> -> memref<1x32x128xf32, #tpu.memory_space<vmem>>
      %dma_wait3A_729 = tpu.memref_squeeze %dma_wait3A_728 : memref<1x32x128xf32, #tpu.memory_space<vmem>> -> memref<32x128xf32, #tpu.memory_space<vmem>>
      %dma_wait3A_730 = arith.constant 0 : i32
      %dma_wait3A_731 = tpu.memref_slice %arg11[%dma_wait3A_724, %dma_wait3A_730] : memref<6x32xi32, #tpu.memory_space<vmem>> -> memref<1x32xi32, #tpu.memory_space<vmem>>
      %dma_wait3A_732 = tpu.memref_squeeze %dma_wait3A_731 : memref<1x32xi32, #tpu.memory_space<vmem>> -> memref<32xi32, #tpu.memory_space<vmem>>
      %dma_wait3A_733 = arith.constant 0 : i32
      %dma_wait3A_734 = arith.constant 0 : i32
      %dma_wait3A_735 = tpu.memref_slice %arg3[%dma_wait3A_733, %dma_wait3A_734] : memref<6192x128xf32, #tpu.memory_space<hbm>> -> memref<6192x128xf32, #tpu.memory_space<hbm>>
      tpu.wait_indirect_dma semaphore(%arg15 : memref<!tpu.dma_semaphore, #tpu.memory_space<semaphore_mem>>) src(%dma_wait3A_735 : memref<6192x128xf32, #tpu.memory_space<hbm>>) dst(%dma_wait3A_729 : memref<32x128xf32, #tpu.memory_space<vmem>>)
      %run_scoped3A_736 = arith.constant 4 : i32
      %run_scoped3A_737 = arith.constant 4 : i32
      "tpu.region"() ({
        %run_scoped3A_752 = tpu.sem_alloc : memref<!tpu.dma_semaphore, #tpu.memory_space<semaphore_mem>>
        %dma_start3A_753 = arith.constant 0 : i32
        %dma_start3A_754 = arith.constant 0 : i32
        %dma_start3A_755 = tpu.memref_slice %arg13[%run_scoped3A_736, %dma_start3A_753, %dma_start3A_754] : memref<6x32x128xf32, #tpu.memory_space<vmem>> -> memref<1x32x128xf32, #tpu.memory_space<vmem>>
        %dma_start3A_756 = tpu.memref_squeeze %dma_start3A_755 : memref<1x32x128xf32, #tpu.memory_space<vmem>> -> memref<32x128xf32, #tpu.memory_space<vmem>>
        %dma_start3A_757 = arith.constant 0 : i32
        %dma_start3A_758 = tpu.memref_slice %arg12[%run_scoped3A_737, %dma_start3A_757] : memref<6x32xi32, #tpu.memory_space<vmem>> -> memref<1x32xi32, #tpu.memory_space<vmem>>
        %dma_start3A_759 = tpu.memref_squeeze %dma_start3A_758 : memref<1x32xi32, #tpu.memory_space<vmem>> -> memref<32xi32, #tpu.memory_space<vmem>>
        %dma_start3A_760 = arith.constant 0 : i32
        %dma_start3A_761 = arith.constant 0 : i32
        %dma_start3A_762 = tpu.memref_slice %arg14[%dma_start3A_760, %dma_start3A_761] : memref<12288x128xf32, #tpu.memory_space<vmem_shared>> -> memref<12288x128xf32, #tpu.memory_space<vmem_shared>>
        tpu.enqueue_indirect_dma source(%dma_start3A_756 : memref<32x128xf32, #tpu.memory_space<vmem>>) target(%dma_start3A_762 : memref<12288x128xf32, #tpu.memory_space<vmem_shared>>) offsets(%dma_start3A_759 : memref<32xi32, #tpu.memory_space<vmem>>) semaphore(%run_scoped3A_752 : memref<!tpu.dma_semaphore, #tpu.memory_space<semaphore_mem>>) {add = true}
        %dma_wait3A_763 = arith.constant 0 : i32
        %dma_wait3A_764 = arith.constant 0 : i32
        %dma_wait3A_765 = tpu.memref_slice %arg13[%run_scoped3A_736, %dma_wait3A_763, %dma_wait3A_764] : memref<6x32x128xf32, #tpu.memory_space<vmem>> -> memref<1x32x128xf32, #tpu.memory_space<vmem>>
        %dma_wait3A_766 = tpu.memref_squeeze %dma_wait3A_765 : memref<1x32x128xf32, #tpu.memory_space<vmem>> -> memref<32x128xf32, #tpu.memory_space<vmem>>
        %dma_wait3A_767 = arith.constant 0 : i32
        %dma_wait3A_768 = tpu.memref_slice %arg12[%run_scoped3A_737, %dma_wait3A_767] : memref<6x32xi32, #tpu.memory_space<vmem>> -> memref<1x32xi32, #tpu.memory_space<vmem>>
        %dma_wait3A_769 = tpu.memref_squeeze %dma_wait3A_768 : memref<1x32xi32, #tpu.memory_space<vmem>> -> memref<32xi32, #tpu.memory_space<vmem>>
        %dma_wait3A_770 = arith.constant 0 : i32
        %dma_wait3A_771 = arith.constant 0 : i32
        %dma_wait3A_772 = tpu.memref_slice %arg14[%dma_wait3A_770, %dma_wait3A_771] : memref<12288x128xf32, #tpu.memory_space<vmem_shared>> -> memref<12288x128xf32, #tpu.memory_space<vmem_shared>>
        tpu.wait_indirect_dma semaphore(%run_scoped3A_752 : memref<!tpu.dma_semaphore, #tpu.memory_space<semaphore_mem>>) src(%dma_wait3A_766 : memref<32x128xf32, #tpu.memory_space<vmem>>) dst(%dma_wait3A_772 : memref<12288x128xf32, #tpu.memory_space<vmem_shared>>)
        tpu.yield
      }) : () -> ()
      %dma_wait3A_738 = arith.constant 5 : i32
      %dma_wait3A_739 = arith.constant 5 : i32
      %dma_wait3A_740 = arith.constant 0 : i32
      %dma_wait3A_741 = arith.constant 0 : i32
      %dma_wait3A_742 = tpu.memref_slice %arg13[%dma_wait3A_739, %dma_wait3A_740, %dma_wait3A_741] : memref<6x32x128xf32, #tpu.memory_space<vmem>> -> memref<1x32x128xf32, #tpu.memory_space<vmem>>
      %dma_wait3A_743 = tpu.memref_squeeze %dma_wait3A_742 : memref<1x32x128xf32, #tpu.memory_space<vmem>> -> memref<32x128xf32, #tpu.memory_space<vmem>>
      %dma_wait3A_744 = arith.constant 0 : i32
      %dma_wait3A_745 = tpu.memref_slice %arg11[%dma_wait3A_738, %dma_wait3A_744] : memref<6x32xi32, #tpu.memory_space<vmem>> -> memref<1x32xi32, #tpu.memory_space<vmem>>
      %dma_wait3A_746 = tpu.memref_squeeze %dma_wait3A_745 : memref<1x32xi32, #tpu.memory_space<vmem>> -> memref<32xi32, #tpu.memory_space<vmem>>
      %dma_wait3A_747 = arith.constant 0 : i32
      %dma_wait3A_748 = arith.constant 0 : i32
      %dma_wait3A_749 = tpu.memref_slice %arg3[%dma_wait3A_747, %dma_wait3A_748] : memref<6192x128xf32, #tpu.memory_space<hbm>> -> memref<6192x128xf32, #tpu.memory_space<hbm>>
      tpu.wait_indirect_dma semaphore(%arg15 : memref<!tpu.dma_semaphore, #tpu.memory_space<semaphore_mem>>) src(%dma_wait3A_749 : memref<6192x128xf32, #tpu.memory_space<hbm>>) dst(%dma_wait3A_743 : memref<32x128xf32, #tpu.memory_space<vmem>>)
      %run_scoped3A_750 = arith.constant 5 : i32
      %run_scoped3A_751 = arith.constant 5 : i32
      "tpu.region"() ({
        %run_scoped3A_752 = tpu.sem_alloc : memref<!tpu.dma_semaphore, #tpu.memory_space<semaphore_mem>>
        %dma_start3A_753 = arith.constant 0 : i32
        %dma_start3A_754 = arith.constant 0 : i32
        %dma_start3A_755 = tpu.memref_slice %arg13[%run_scoped3A_750, %dma_start3A_753, %dma_start3A_754] : memref<6x32x128xf32, #tpu.memory_space<vmem>> -> memref<1x32x128xf32, #tpu.memory_space<vmem>>
        %dma_start3A_756 = tpu.memref_squeeze %dma_start3A_755 : memref<1x32x128xf32, #tpu.memory_space<vmem>> -> memref<32x128xf32, #tpu.memory_space<vmem>>
        %dma_start3A_757 = arith.constant 0 : i32
        %dma_start3A_758 = tpu.memref_slice %arg12[%run_scoped3A_751, %dma_start3A_757] : memref<6x32xi32, #tpu.memory_space<vmem>> -> memref<1x32xi32, #tpu.memory_space<vmem>>
        %dma_start3A_759 = tpu.memref_squeeze %dma_start3A_758 : memref<1x32xi32, #tpu.memory_space<vmem>> -> memref<32xi32, #tpu.memory_space<vmem>>
        %dma_start3A_760 = arith.constant 0 : i32
        %dma_start3A_761 = arith.constant 0 : i32
        %dma_start3A_762 = tpu.memref_slice %arg14[%dma_start3A_760, %dma_start3A_761] : memref<12288x128xf32, #tpu.memory_space<vmem_shared>> -> memref<12288x128xf32, #tpu.memory_space<vmem_shared>>
        tpu.enqueue_indirect_dma source(%dma_start3A_756 : memref<32x128xf32, #tpu.memory_space<vmem>>) target(%dma_start3A_762 : memref<12288x128xf32, #tpu.memory_space<vmem_shared>>) offsets(%dma_start3A_759 : memref<32xi32, #tpu.memory_space<vmem>>) semaphore(%run_scoped3A_752 : memref<!tpu.dma_semaphore, #tpu.memory_space<semaphore_mem>>) {add = true}
        %dma_wait3A_763 = arith.constant 0 : i32
        %dma_wait3A_764 = arith.constant 0 : i32
        %dma_wait3A_765 = tpu.memref_slice %arg13[%run_scoped3A_750, %dma_wait3A_763, %dma_wait3A_764] : memref<6x32x128xf32, #tpu.memory_space<vmem>> -> memref<1x32x128xf32, #tpu.memory_space<vmem>>
        %dma_wait3A_766 = tpu.memref_squeeze %dma_wait3A_765 : memref<1x32x128xf32, #tpu.memory_space<vmem>> -> memref<32x128xf32, #tpu.memory_space<vmem>>
        %dma_wait3A_767 = arith.constant 0 : i32
        %dma_wait3A_768 = tpu.memref_slice %arg12[%run_scoped3A_751, %dma_wait3A_767] : memref<6x32xi32, #tpu.memory_space<vmem>> -> memref<1x32xi32, #tpu.memory_space<vmem>>
        %dma_wait3A_769 = tpu.memref_squeeze %dma_wait3A_768 : memref<1x32xi32, #tpu.memory_space<vmem>> -> memref<32xi32, #tpu.memory_space<vmem>>
        %dma_wait3A_770 = arith.constant 0 : i32
        %dma_wait3A_771 = arith.constant 0 : i32
        %dma_wait3A_772 = tpu.memref_slice %arg14[%dma_wait3A_770, %dma_wait3A_771] : memref<12288x128xf32, #tpu.memory_space<vmem_shared>> -> memref<12288x128xf32, #tpu.memory_space<vmem_shared>>
        tpu.wait_indirect_dma semaphore(%run_scoped3A_752 : memref<!tpu.dma_semaphore, #tpu.memory_space<semaphore_mem>>) src(%dma_wait3A_766 : memref<32x128xf32, #tpu.memory_space<vmem>>) dst(%dma_wait3A_772 : memref<12288x128xf32, #tpu.memory_space<vmem_shared>>)
        tpu.yield
      }) : () -> ()
    }
    %barrier3A_362 = arith.constant 0 : index
    tpu.barrier barrier_id(%barrier3A_362)
    %mul3A_363 = arith.constant 128 : i32
    %mul3A_364 = arith.muli %arg1, %mul3A_363 : i32
    %add3A_365 = arith.constant 0 : i32
    %add3A_366 = arith.addi %add3A_365, %mul3A_364 : i32
    %mul3A_367 = arith.constant 128 : i32
    %mul3A_368 = arith.muli %arg1, %mul3A_367 : i32
    %add3A_369 = arith.addi %mul3A_205, %mul3A_368 : i32
    "tpu.region"() ({
      %run_scoped3A = tpu.sem_alloc : memref<!tpu.dma_semaphore, #tpu.memory_space<semaphore_mem>>
      %dma_start3A_405 = arith.constant 0 : i32
      %dma_start3A_406 = tpu.memref_slice %arg6[%add3A_369, %dma_start3A_405] : memref<8192x768xf32, #tpu.memory_space<hbm>> -> memref<128x128xf32, #tpu.memory_space<hbm>>
      %dma_start3A_407 = arith.constant 0 : i32
      %dma_start3A_408 = tpu.memref_slice %arg14[%add3A_366, %dma_start3A_407] : memref<12288x128xf32, #tpu.memory_space<vmem_shared>> -> memref<128x128xf32, #tpu.memory_space<vmem_shared>>
      tpu.enqueue_dma source(%dma_start3A_408 : memref<128x128xf32, #tpu.memory_space<vmem_shared>>) target(%dma_start3A_406 : memref<128x128xf32, #tpu.memory_space<hbm>>) target_semaphore(%run_scoped3A : memref<!tpu.dma_semaphore, #tpu.memory_space<semaphore_mem>>)
      %dma_wait3A_409 = arith.constant 0 : i32
      %dma_wait3A_410 = tpu.memref_slice %arg6[%add3A_369, %dma_wait3A_409] : memref<8192x768xf32, #tpu.memory_space<hbm>> -> memref<128x128xf32, #tpu.memory_space<hbm>>
      %dma_wait3A_411 = arith.constant 0 : i32
      %dma_wait3A_412 = tpu.memref_slice %arg14[%add3A_366, %dma_wait3A_411] : memref<12288x128xf32, #tpu.memory_space<vmem_shared>> -> memref<128x128xf32, #tpu.memory_space<vmem_shared>>
      tpu.wait_dma2 semaphore(%run_scoped3A : memref<!tpu.dma_semaphore, #tpu.memory_space<semaphore_mem>>) src(%dma_wait3A_412 : memref<128x128xf32, #tpu.memory_space<vmem_shared>>) dst(%dma_wait3A_410 : memref<128x128xf32, #tpu.memory_space<hbm>>)
      tpu.yield
    }) : () -> ()
    %mul3A_370 = arith.constant 128 : i32
    %mul3A_371 = arith.muli %arg1, %mul3A_370 : i32
    %add3A_372 = arith.constant 2048 : i32
    %add3A_373 = arith.addi %add3A_372, %mul3A_371 : i32
    %mul3A_374 = arith.constant 128 : i32
    %mul3A_375 = arith.muli %arg1, %mul3A_374 : i32
    %add3A_376 = arith.addi %mul3A_205, %mul3A_375 : i32
    "tpu.region"() ({
      %run_scoped3A = tpu.sem_alloc : memref<!tpu.dma_semaphore, #tpu.memory_space<semaphore_mem>>
      %dma_start3A_405 = arith.constant 128 : i32
      %dma_start3A_406 = tpu.memref_slice %arg6[%add3A_376, %dma_start3A_405] : memref<8192x768xf32, #tpu.memory_space<hbm>> -> memref<128x128xf32, #tpu.memory_space<hbm>>
      %dma_start3A_407 = arith.constant 0 : i32
      %dma_start3A_408 = tpu.memref_slice %arg14[%add3A_373, %dma_start3A_407] : memref<12288x128xf32, #tpu.memory_space<vmem_shared>> -> memref<128x128xf32, #tpu.memory_space<vmem_shared>>
      tpu.enqueue_dma source(%dma_start3A_408 : memref<128x128xf32, #tpu.memory_space<vmem_shared>>) target(%dma_start3A_406 : memref<128x128xf32, #tpu.memory_space<hbm>>) target_semaphore(%run_scoped3A : memref<!tpu.dma_semaphore, #tpu.memory_space<semaphore_mem>>)
      %dma_wait3A_409 = arith.constant 128 : i32
      %dma_wait3A_410 = tpu.memref_slice %arg6[%add3A_376, %dma_wait3A_409] : memref<8192x768xf32, #tpu.memory_space<hbm>> -> memref<128x128xf32, #tpu.memory_space<hbm>>
      %dma_wait3A_411 = arith.constant 0 : i32
      %dma_wait3A_412 = tpu.memref_slice %arg14[%add3A_373, %dma_wait3A_411] : memref<12288x128xf32, #tpu.memory_space<vmem_shared>> -> memref<128x128xf32, #tpu.memory_space<vmem_shared>>
      tpu.wait_dma2 semaphore(%run_scoped3A : memref<!tpu.dma_semaphore, #tpu.memory_space<semaphore_mem>>) src(%dma_wait3A_412 : memref<128x128xf32, #tpu.memory_space<vmem_shared>>) dst(%dma_wait3A_410 : memref<128x128xf32, #tpu.memory_space<hbm>>)
      tpu.yield
    }) : () -> ()
    %mul3A_377 = arith.constant 128 : i32
    %mul3A_378 = arith.muli %arg1, %mul3A_377 : i32
    %add3A_379 = arith.constant 4096 : i32
    %add3A_380 = arith.addi %add3A_379, %mul3A_378 : i32
    %mul3A_381 = arith.constant 128 : i32
    %mul3A_382 = arith.muli %arg1, %mul3A_381 : i32
    %add3A_383 = arith.addi %mul3A_205, %mul3A_382 : i32
    "tpu.region"() ({
      %run_scoped3A = tpu.sem_alloc : memref<!tpu.dma_semaphore, #tpu.memory_space<semaphore_mem>>
      %dma_start3A_405 = arith.constant 256 : i32
      %dma_start3A_406 = tpu.memref_slice %arg6[%add3A_383, %dma_start3A_405] : memref<8192x768xf32, #tpu.memory_space<hbm>> -> memref<128x128xf32, #tpu.memory_space<hbm>>
      %dma_start3A_407 = arith.constant 0 : i32
      %dma_start3A_408 = tpu.memref_slice %arg14[%add3A_380, %dma_start3A_407] : memref<12288x128xf32, #tpu.memory_space<vmem_shared>> -> memref<128x128xf32, #tpu.memory_space<vmem_shared>>
      tpu.enqueue_dma source(%dma_start3A_408 : memref<128x128xf32, #tpu.memory_space<vmem_shared>>) target(%dma_start3A_406 : memref<128x128xf32, #tpu.memory_space<hbm>>) target_semaphore(%run_scoped3A : memref<!tpu.dma_semaphore, #tpu.memory_space<semaphore_mem>>)
      %dma_wait3A_409 = arith.constant 256 : i32
      %dma_wait3A_410 = tpu.memref_slice %arg6[%add3A_383, %dma_wait3A_409] : memref<8192x768xf32, #tpu.memory_space<hbm>> -> memref<128x128xf32, #tpu.memory_space<hbm>>
      %dma_wait3A_411 = arith.constant 0 : i32
      %dma_wait3A_412 = tpu.memref_slice %arg14[%add3A_380, %dma_wait3A_411] : memref<12288x128xf32, #tpu.memory_space<vmem_shared>> -> memref<128x128xf32, #tpu.memory_space<vmem_shared>>
      tpu.wait_dma2 semaphore(%run_scoped3A : memref<!tpu.dma_semaphore, #tpu.memory_space<semaphore_mem>>) src(%dma_wait3A_412 : memref<128x128xf32, #tpu.memory_space<vmem_shared>>) dst(%dma_wait3A_410 : memref<128x128xf32, #tpu.memory_space<hbm>>)
      tpu.yield
    }) : () -> ()
    %mul3A_384 = arith.constant 128 : i32
    %mul3A_385 = arith.muli %arg1, %mul3A_384 : i32
    %add3A_386 = arith.constant 6144 : i32
    %add3A_387 = arith.addi %add3A_386, %mul3A_385 : i32
    %mul3A_388 = arith.constant 128 : i32
    %mul3A_389 = arith.muli %arg1, %mul3A_388 : i32
    %add3A_390 = arith.addi %mul3A_205, %mul3A_389 : i32
    "tpu.region"() ({
      %run_scoped3A = tpu.sem_alloc : memref<!tpu.dma_semaphore, #tpu.memory_space<semaphore_mem>>
      %dma_start3A_405 = arith.constant 384 : i32
      %dma_start3A_406 = tpu.memref_slice %arg6[%add3A_390, %dma_start3A_405] : memref<8192x768xf32, #tpu.memory_space<hbm>> -> memref<128x128xf32, #tpu.memory_space<hbm>>
      %dma_start3A_407 = arith.constant 0 : i32
      %dma_start3A_408 = tpu.memref_slice %arg14[%add3A_387, %dma_start3A_407] : memref<12288x128xf32, #tpu.memory_space<vmem_shared>> -> memref<128x128xf32, #tpu.memory_space<vmem_shared>>
      tpu.enqueue_dma source(%dma_start3A_408 : memref<128x128xf32, #tpu.memory_space<vmem_shared>>) target(%dma_start3A_406 : memref<128x128xf32, #tpu.memory_space<hbm>>) target_semaphore(%run_scoped3A : memref<!tpu.dma_semaphore, #tpu.memory_space<semaphore_mem>>)
      %dma_wait3A_409 = arith.constant 384 : i32
      %dma_wait3A_410 = tpu.memref_slice %arg6[%add3A_390, %dma_wait3A_409] : memref<8192x768xf32, #tpu.memory_space<hbm>> -> memref<128x128xf32, #tpu.memory_space<hbm>>
      %dma_wait3A_411 = arith.constant 0 : i32
      %dma_wait3A_412 = tpu.memref_slice %arg14[%add3A_387, %dma_wait3A_411] : memref<12288x128xf32, #tpu.memory_space<vmem_shared>> -> memref<128x128xf32, #tpu.memory_space<vmem_shared>>
      tpu.wait_dma2 semaphore(%run_scoped3A : memref<!tpu.dma_semaphore, #tpu.memory_space<semaphore_mem>>) src(%dma_wait3A_412 : memref<128x128xf32, #tpu.memory_space<vmem_shared>>) dst(%dma_wait3A_410 : memref<128x128xf32, #tpu.memory_space<hbm>>)
      tpu.yield
    }) : () -> ()
    %mul3A_391 = arith.constant 128 : i32
    %mul3A_392 = arith.muli %arg1, %mul3A_391 : i32
    %add3A_393 = arith.constant 8192 : i32
    %add3A_394 = arith.addi %add3A_393, %mul3A_392 : i32
    %mul3A_395 = arith.constant 128 : i32
    %mul3A_396 = arith.muli %arg1, %mul3A_395 : i32
    %add3A_397 = arith.addi %mul3A_205, %mul3A_396 : i32
    "tpu.region"() ({
      %run_scoped3A = tpu.sem_alloc : memref<!tpu.dma_semaphore, #tpu.memory_space<semaphore_mem>>
      %dma_start3A_405 = arith.constant 512 : i32
      %dma_start3A_406 = tpu.memref_slice %arg6[%add3A_397, %dma_start3A_405] : memref<8192x768xf32, #tpu.memory_space<hbm>> -> memref<128x128xf32, #tpu.memory_space<hbm>>
      %dma_start3A_407 = arith.constant 0 : i32
      %dma_start3A_408 = tpu.memref_slice %arg14[%add3A_394, %dma_start3A_407] : memref<12288x128xf32, #tpu.memory_space<vmem_shared>> -> memref<128x128xf32, #tpu.memory_space<vmem_shared>>
      tpu.enqueue_dma source(%dma_start3A_408 : memref<128x128xf32, #tpu.memory_space<vmem_shared>>) target(%dma_start3A_406 : memref<128x128xf32, #tpu.memory_space<hbm>>) target_semaphore(%run_scoped3A : memref<!tpu.dma_semaphore, #tpu.memory_space<semaphore_mem>>)
      %dma_wait3A_409 = arith.constant 512 : i32
      %dma_wait3A_410 = tpu.memref_slice %arg6[%add3A_397, %dma_wait3A_409] : memref<8192x768xf32, #tpu.memory_space<hbm>> -> memref<128x128xf32, #tpu.memory_space<hbm>>
      %dma_wait3A_411 = arith.constant 0 : i32
      %dma_wait3A_412 = tpu.memref_slice %arg14[%add3A_394, %dma_wait3A_411] : memref<12288x128xf32, #tpu.memory_space<vmem_shared>> -> memref<128x128xf32, #tpu.memory_space<vmem_shared>>
      tpu.wait_dma2 semaphore(%run_scoped3A : memref<!tpu.dma_semaphore, #tpu.memory_space<semaphore_mem>>) src(%dma_wait3A_412 : memref<128x128xf32, #tpu.memory_space<vmem_shared>>) dst(%dma_wait3A_410 : memref<128x128xf32, #tpu.memory_space<hbm>>)
      tpu.yield
    }) : () -> ()
    %mul3A_398 = arith.constant 128 : i32
    %mul3A_399 = arith.muli %arg1, %mul3A_398 : i32
    %add3A_400 = arith.constant 10240 : i32
    %add3A_401 = arith.addi %add3A_400, %mul3A_399 : i32
    %mul3A_402 = arith.constant 128 : i32
    %mul3A_403 = arith.muli %arg1, %mul3A_402 : i32
    %add3A_404 = arith.addi %mul3A_205, %mul3A_403 : i32
    "tpu.region"() ({
      %run_scoped3A = tpu.sem_alloc : memref<!tpu.dma_semaphore, #tpu.memory_space<semaphore_mem>>
      %dma_start3A_405 = arith.constant 640 : i32
      %dma_start3A_406 = tpu.memref_slice %arg6[%add3A_404, %dma_start3A_405] : memref<8192x768xf32, #tpu.memory_space<hbm>> -> memref<128x128xf32, #tpu.memory_space<hbm>>
      %dma_start3A_407 = arith.constant 0 : i32
      %dma_start3A_408 = tpu.memref_slice %arg14[%add3A_401, %dma_start3A_407] : memref<12288x128xf32, #tpu.memory_space<vmem_shared>> -> memref<128x128xf32, #tpu.memory_space<vmem_shared>>
      tpu.enqueue_dma source(%dma_start3A_408 : memref<128x128xf32, #tpu.memory_space<vmem_shared>>) target(%dma_start3A_406 : memref<128x128xf32, #tpu.memory_space<hbm>>) target_semaphore(%run_scoped3A : memref<!tpu.dma_semaphore, #tpu.memory_space<semaphore_mem>>)
      %dma_wait3A_409 = arith.constant 640 : i32
      %dma_wait3A_410 = tpu.memref_slice %arg6[%add3A_404, %dma_wait3A_409] : memref<8192x768xf32, #tpu.memory_space<hbm>> -> memref<128x128xf32, #tpu.memory_space<hbm>>
      %dma_wait3A_411 = arith.constant 0 : i32
      %dma_wait3A_412 = tpu.memref_slice %arg14[%add3A_401, %dma_wait3A_411] : memref<12288x128xf32, #tpu.memory_space<vmem_shared>> -> memref<128x128xf32, #tpu.memory_space<vmem_shared>>
      tpu.wait_dma2 semaphore(%run_scoped3A : memref<!tpu.dma_semaphore, #tpu.memory_space<semaphore_mem>>) src(%dma_wait3A_412 : memref<128x128xf32, #tpu.memory_space<vmem_shared>>) dst(%dma_wait3A_410 : memref<128x128xf32, #tpu.memory_space<hbm>>)
      tpu.yield
    }) : () -> ()
    return
  }
}

module attributes {stable_mosaic.version = 14 : i64} {
  func.func @_proj_table_kernel(%arg0: memref<1x1xf32, #tpu.memory_space<smem>>, %arg1: memref<1024x768xf32, #tpu.memory_space<vmem>>, %arg2: memref<768x768xf32, #tpu.memory_space<vmem>>, %arg3: memref<1x768xf32, #tpu.memory_space<vmem>>, %arg4: memref<6x1032x128xf32, #tpu.memory_space<vmem>>) attributes {dimension_semantics = [], scalar_prefetch = 0 : i64, scratch_operands = 0 : i64, tpu.core_type = #tpu.core_type<tc>} {
    %get3A = arith.constant 0 : index
    %get3A_0 = arith.constant 0 : index
    %get3A_1 = vector.load %arg1[%get3A, %get3A_0] : memref<1024x768xf32, #tpu.memory_space<vmem>>, vector<1024x768xf32>
    %get3A_2 = arith.constant 0 : index
    %get3A_3 = arith.constant 0 : index
    %get3A_4 = vector.load %arg2[%get3A_2, %get3A_3] : memref<768x768xf32, #tpu.memory_space<vmem>>, vector<768x768xf32>
    %dot_general3A = arith.constant dense<0.000000e+00> : vector<1024x768xf32>
    %dot_general3A_5 = tpu.matmul %get3A_1, %get3A_4, %dot_general3A {dimension_numbers = #tpu.dot_dimension_numbers<[1], [1], [0], [0], [0, 0, 1, 0], [], []>, transpose_lhs_hint = false} : vector<1024x768xf32>, vector<768x768xf32>, vector<1024x768xf32> -> vector<1024x768xf32>
    %get3A_6 = arith.constant 0 : index
    %get3A_7 = arith.constant 0 : index
    %get3A_8 = memref.load %arg0[%get3A_6, %get3A_7] : memref<1x1xf32, #tpu.memory_space<smem>>
    %get3A_9 = arith.constant 0 : index
    %get3A_10 = arith.constant 0 : index
    %get3A_11 = vector.load %arg3[%get3A_9, %get3A_10] : memref<1x768xf32, #tpu.memory_space<vmem>>, vector<1x768xf32>
    %add3A = vector.broadcast %get3A_11 : vector<1x768xf32> to vector<1024x768xf32>
    %add3A_12 = arith.addf %dot_general3A_5, %add3A : vector<1024x768xf32>
    %mul3A = vector.broadcast %get3A_8 : f32 to vector<1024x768xf32>
    %mul3A_13 = arith.mulf %mul3A, %add3A_12 : vector<1024x768xf32>
    %slice3A = vector.extract_strided_slice %mul3A_13 {offsets = [0, 0], sizes = [1024, 128], strides = [1, 1]} : vector<1024x768xf32> to vector<1024x128xf32>
    %swap3A = arith.constant 0 : index
    %swap3A_14 = arith.constant 0 : index
    %swap3A_15 = arith.constant 0 : index
    %swap3A_16 = vector.load %arg4[%swap3A, %swap3A_14, %swap3A_15] : memref<6x1032x128xf32, #tpu.memory_space<vmem>>, vector<1x1024x128xf32>
    %swap3A_17 = vector.shape_cast %swap3A_16 : vector<1x1024x128xf32> to vector<1024x128xf32>
    %swap3A_18 = vector.shape_cast %slice3A : vector<1024x128xf32> to vector<1x1024x128xf32>
    tpu.vector_store %arg4[%swap3A, %swap3A_14, %swap3A_15], %swap3A_18 {strides = array<i32>} : memref<6x1032x128xf32, #tpu.memory_space<vmem>>, vector<1x1024x128xf32>,
    %broadcast_in_dim3A = arith.constant 0.000000e+00 : f32
    %broadcast_in_dim3A_19 = vector.broadcast %broadcast_in_dim3A : f32 to vector<8x128xf32>
    %swap3A_20 = arith.constant 0 : index
    %swap3A_21 = arith.constant 1024 : index
    %swap3A_22 = arith.constant 0 : index
    %swap3A_23 = vector.load %arg4[%swap3A_20, %swap3A_21, %swap3A_22] : memref<6x1032x128xf32, #tpu.memory_space<vmem>>, vector<1x8x128xf32>
    %swap3A_24 = vector.shape_cast %swap3A_23 : vector<1x8x128xf32> to vector<8x128xf32>
    %swap3A_25 = vector.shape_cast %broadcast_in_dim3A_19 : vector<8x128xf32> to vector<1x8x128xf32>
    tpu.vector_store %arg4[%swap3A_20, %swap3A_21, %swap3A_22], %swap3A_25 {strides = array<i32>} : memref<6x1032x128xf32, #tpu.memory_space<vmem>>, vector<1x8x128xf32>,
    %slice3A_26 = vector.extract_strided_slice %mul3A_13 {offsets = [0, 128], sizes = [1024, 128], strides = [1, 1]} : vector<1024x768xf32> to vector<1024x128xf32>
    %swap3A_27 = arith.constant 1 : index
    %swap3A_28 = arith.constant 0 : index
    %swap3A_29 = arith.constant 0 : index
    %swap3A_30 = vector.load %arg4[%swap3A_27, %swap3A_28, %swap3A_29] : memref<6x1032x128xf32, #tpu.memory_space<vmem>>, vector<1x1024x128xf32>
    %swap3A_31 = vector.shape_cast %swap3A_30 : vector<1x1024x128xf32> to vector<1024x128xf32>
    %swap3A_32 = vector.shape_cast %slice3A_26 : vector<1024x128xf32> to vector<1x1024x128xf32>
    tpu.vector_store %arg4[%swap3A_27, %swap3A_28, %swap3A_29], %swap3A_32 {strides = array<i32>} : memref<6x1032x128xf32, #tpu.memory_space<vmem>>, vector<1x1024x128xf32>,
    %broadcast_in_dim3A_33 = arith.constant 0.000000e+00 : f32
    %broadcast_in_dim3A_34 = vector.broadcast %broadcast_in_dim3A_33 : f32 to vector<8x128xf32>
    %swap3A_35 = arith.constant 1 : index
    %swap3A_36 = arith.constant 1024 : index
    %swap3A_37 = arith.constant 0 : index
    %swap3A_38 = vector.load %arg4[%swap3A_35, %swap3A_36, %swap3A_37] : memref<6x1032x128xf32, #tpu.memory_space<vmem>>, vector<1x8x128xf32>
    %swap3A_39 = vector.shape_cast %swap3A_38 : vector<1x8x128xf32> to vector<8x128xf32>
    %swap3A_40 = vector.shape_cast %broadcast_in_dim3A_34 : vector<8x128xf32> to vector<1x8x128xf32>
    tpu.vector_store %arg4[%swap3A_35, %swap3A_36, %swap3A_37], %swap3A_40 {strides = array<i32>} : memref<6x1032x128xf32, #tpu.memory_space<vmem>>, vector<1x8x128xf32>,
    %slice3A_41 = vector.extract_strided_slice %mul3A_13 {offsets = [0, 256], sizes = [1024, 128], strides = [1, 1]} : vector<1024x768xf32> to vector<1024x128xf32>
    %swap3A_42 = arith.constant 2 : index
    %swap3A_43 = arith.constant 0 : index
    %swap3A_44 = arith.constant 0 : index
    %swap3A_45 = vector.load %arg4[%swap3A_42, %swap3A_43, %swap3A_44] : memref<6x1032x128xf32, #tpu.memory_space<vmem>>, vector<1x1024x128xf32>
    %swap3A_46 = vector.shape_cast %swap3A_45 : vector<1x1024x128xf32> to vector<1024x128xf32>
    %swap3A_47 = vector.shape_cast %slice3A_41 : vector<1024x128xf32> to vector<1x1024x128xf32>
    tpu.vector_store %arg4[%swap3A_42, %swap3A_43, %swap3A_44], %swap3A_47 {strides = array<i32>} : memref<6x1032x128xf32, #tpu.memory_space<vmem>>, vector<1x1024x128xf32>,
    %broadcast_in_dim3A_48 = arith.constant 0.000000e+00 : f32
    %broadcast_in_dim3A_49 = vector.broadcast %broadcast_in_dim3A_48 : f32 to vector<8x128xf32>
    %swap3A_50 = arith.constant 2 : index
    %swap3A_51 = arith.constant 1024 : index
    %swap3A_52 = arith.constant 0 : index
    %swap3A_53 = vector.load %arg4[%swap3A_50, %swap3A_51, %swap3A_52] : memref<6x1032x128xf32, #tpu.memory_space<vmem>>, vector<1x8x128xf32>
    %swap3A_54 = vector.shape_cast %swap3A_53 : vector<1x8x128xf32> to vector<8x128xf32>
    %swap3A_55 = vector.shape_cast %broadcast_in_dim3A_49 : vector<8x128xf32> to vector<1x8x128xf32>
    tpu.vector_store %arg4[%swap3A_50, %swap3A_51, %swap3A_52], %swap3A_55 {strides = array<i32>} : memref<6x1032x128xf32, #tpu.memory_space<vmem>>, vector<1x8x128xf32>,
    %slice3A_56 = vector.extract_strided_slice %mul3A_13 {offsets = [0, 384], sizes = [1024, 128], strides = [1, 1]} : vector<1024x768xf32> to vector<1024x128xf32>
    %swap3A_57 = arith.constant 3 : index
    %swap3A_58 = arith.constant 0 : index
    %swap3A_59 = arith.constant 0 : index
    %swap3A_60 = vector.load %arg4[%swap3A_57, %swap3A_58, %swap3A_59] : memref<6x1032x128xf32, #tpu.memory_space<vmem>>, vector<1x1024x128xf32>
    %swap3A_61 = vector.shape_cast %swap3A_60 : vector<1x1024x128xf32> to vector<1024x128xf32>
    %swap3A_62 = vector.shape_cast %slice3A_56 : vector<1024x128xf32> to vector<1x1024x128xf32>
    tpu.vector_store %arg4[%swap3A_57, %swap3A_58, %swap3A_59], %swap3A_62 {strides = array<i32>} : memref<6x1032x128xf32, #tpu.memory_space<vmem>>, vector<1x1024x128xf32>,
    %broadcast_in_dim3A_63 = arith.constant 0.000000e+00 : f32
    %broadcast_in_dim3A_64 = vector.broadcast %broadcast_in_dim3A_63 : f32 to vector<8x128xf32>
    %swap3A_65 = arith.constant 3 : index
    %swap3A_66 = arith.constant 1024 : index
    %swap3A_67 = arith.constant 0 : index
    %swap3A_68 = vector.load %arg4[%swap3A_65, %swap3A_66, %swap3A_67] : memref<6x1032x128xf32, #tpu.memory_space<vmem>>, vector<1x8x128xf32>
    %swap3A_69 = vector.shape_cast %swap3A_68 : vector<1x8x128xf32> to vector<8x128xf32>
    %swap3A_70 = vector.shape_cast %broadcast_in_dim3A_64 : vector<8x128xf32> to vector<1x8x128xf32>
    tpu.vector_store %arg4[%swap3A_65, %swap3A_66, %swap3A_67], %swap3A_70 {strides = array<i32>} : memref<6x1032x128xf32, #tpu.memory_space<vmem>>, vector<1x8x128xf32>,
    %slice3A_71 = vector.extract_strided_slice %mul3A_13 {offsets = [0, 512], sizes = [1024, 128], strides = [1, 1]} : vector<1024x768xf32> to vector<1024x128xf32>
    %swap3A_72 = arith.constant 4 : index
    %swap3A_73 = arith.constant 0 : index
    %swap3A_74 = arith.constant 0 : index
    %swap3A_75 = vector.load %arg4[%swap3A_72, %swap3A_73, %swap3A_74] : memref<6x1032x128xf32, #tpu.memory_space<vmem>>, vector<1x1024x128xf32>
    %swap3A_76 = vector.shape_cast %swap3A_75 : vector<1x1024x128xf32> to vector<1024x128xf32>
    %swap3A_77 = vector.shape_cast %slice3A_71 : vector<1024x128xf32> to vector<1x1024x128xf32>
    tpu.vector_store %arg4[%swap3A_72, %swap3A_73, %swap3A_74], %swap3A_77 {strides = array<i32>} : memref<6x1032x128xf32, #tpu.memory_space<vmem>>, vector<1x1024x128xf32>,
    %broadcast_in_dim3A_78 = arith.constant 0.000000e+00 : f32
    %broadcast_in_dim3A_79 = vector.broadcast %broadcast_in_dim3A_78 : f32 to vector<8x128xf32>
    %swap3A_80 = arith.constant 4 : index
    %swap3A_81 = arith.constant 1024 : index
    %swap3A_82 = arith.constant 0 : index
    %swap3A_83 = vector.load %arg4[%swap3A_80, %swap3A_81, %swap3A_82] : memref<6x1032x128xf32, #tpu.memory_space<vmem>>, vector<1x8x128xf32>
    %swap3A_84 = vector.shape_cast %swap3A_83 : vector<1x8x128xf32> to vector<8x128xf32>
    %swap3A_85 = vector.shape_cast %broadcast_in_dim3A_79 : vector<8x128xf32> to vector<1x8x128xf32>
    tpu.vector_store %arg4[%swap3A_80, %swap3A_81, %swap3A_82], %swap3A_85 {strides = array<i32>} : memref<6x1032x128xf32, #tpu.memory_space<vmem>>, vector<1x8x128xf32>,
    %slice3A_86 = vector.extract_strided_slice %mul3A_13 {offsets = [0, 640], sizes = [1024, 128], strides = [1, 1]} : vector<1024x768xf32> to vector<1024x128xf32>
    %swap3A_87 = arith.constant 5 : index
    %swap3A_88 = arith.constant 0 : index
    %swap3A_89 = arith.constant 0 : index
    %swap3A_90 = vector.load %arg4[%swap3A_87, %swap3A_88, %swap3A_89] : memref<6x1032x128xf32, #tpu.memory_space<vmem>>, vector<1x1024x128xf32>
    %swap3A_91 = vector.shape_cast %swap3A_90 : vector<1x1024x128xf32> to vector<1024x128xf32>
    %swap3A_92 = vector.shape_cast %slice3A_86 : vector<1024x128xf32> to vector<1x1024x128xf32>
    tpu.vector_store %arg4[%swap3A_87, %swap3A_88, %swap3A_89], %swap3A_92 {strides = array<i32>} : memref<6x1032x128xf32, #tpu.memory_space<vmem>>, vector<1x1024x128xf32>,
    %broadcast_in_dim3A_93 = arith.constant 0.000000e+00 : f32
    %broadcast_in_dim3A_94 = vector.broadcast %broadcast_in_dim3A_93 : f32 to vector<8x128xf32>
    %swap3A_95 = arith.constant 5 : index
    %swap3A_96 = arith.constant 1024 : index
    %swap3A_97 = arith.constant 0 : index
    %swap3A_98 = vector.load %arg4[%swap3A_95, %swap3A_96, %swap3A_97] : memref<6x1032x128xf32, #tpu.memory_space<vmem>>, vector<1x8x128xf32>
    %swap3A_99 = vector.shape_cast %swap3A_98 : vector<1x8x128xf32> to vector<8x128xf32>
    %swap3A_100 = vector.shape_cast %broadcast_in_dim3A_94 : vector<8x128xf32> to vector<1x8x128xf32>
    tpu.vector_store %arg4[%swap3A_95, %swap3A_96, %swap3A_97], %swap3A_100 {strides = array<i32>} : memref<6x1032x128xf32, #tpu.memory_space<vmem>>, vector<1x8x128xf32>,
    return
  }
}

</mosaic_0001>

<sc_bundles>
// kernel: kernel.4.cloned.1.call-start
scs
__scs_entry_jumppad:
0x0: {  	(pc) =	sbr.rel $0x88, $3  }
0x1: {  	(tag) =	ssettag $0x0;
	lr =	simm.s32 $0x1  }
0x2: {  	[smem:$0x3F9A] =	sst lr;
	_ =	strace $0xD0000000  }
0x3: {  	_ = 	snop  }
0x4: {  	_ = 	snop  }
0x5: {  	_ = 	snop  }
0x6: {  	_ = 	snop  }
0x7: {  	_ = 	snop  }
__scs_overlays_trampoline_lowered:
0x8: {  	[smem:$0x3FA9] =	sst s0  }
0x9: {  	[smem:$0x3FAA] =	sst s1  }
0xa: {  	[smem:$0x3FAB] =	sst s2  }
0xb: {  	[smem:$0x3FAC] =	sst s3  }
0xc: {  	[smem:$0x3FAD] =	sst s4  }
0xd: {  	[smem:$0x3FAE] =	sst s5  }
0xe: {  	[smem:$0x3FAF] =	sst s6  }
0xf: {  	[smem:$0x3FB0] =	sst s7  }
0x10: {  	[smem:$0x3FB1] =	sst s8  }
0x11: {  	[smem:$0x3FB2] =	sst s9;
	s0 =	simm.s32 @!p0 $0x0  }
0x12: {  	s1 =	sld [smem:$0x3F98];
	s0 =	simm.s32 @p0 $0x1  }
0x13: {  	[smem:$0x3FB3] =	sst s0;
	s0 =	simm.s32 @!p1 $0x0  }
0x14: {  	s2 =	sld [smem:$0x3F97];
	s0 =	simm.s32 @p1 $0x1  }
0x15: {  	[smem:$0x3FB4] =	sst s0;
	s0 =	simm.s32 @!p2 $0x0  }
0x16: {  	s3 =	sld [smem:$0x3FDB];
	s0 =	simm.s32 @p2 $0x1  }
0x17: {  	s4 =	simm.s32 $0x1BF5;
	[smem:$0x3FB6] =	sst s0  }
0x18: {  	s0 =	sld [smem:$0x3F99];
	_ =	swait.ge [sflag:s4], $0x0  }
0x19: {  	s7 =	sld [smem:$0x3F9A]  }
0x1a: {  	s8 =	sadd.s32 $0xFFFFE003, lr  }
0x1b: {  	s9 =	sadd.s32 $0xFFFFFEF7, lr;
	s5 =	simm.s32 $0xFFFFFFFF;
	p2 =	slt.u32 s8, $0xFFFFF086  }
0x1c: {  	p1 =	slt.u32 s9, $0xF7A;
	s5 =	simm.s32 @!p2 $0x0  }
0x1d: {  	s5 =	simm.s32 @p1 $0x1;
	p0 =	seq.s32 s7, s2  }
0x1e: {  	s7 =	smul.u32 @!p0 $0xF7A, s2;
	p2 =	seq.s32 @!p0 s5, $0x0  }
0x1f: {  	s9 =	smul.u32 $0xF7A, s1;
	s8 =	simm.s32 @!p0 $0x1BF5;
	p2 =	por !p2, p0  }
0x20: {  	[sflag:s8] =	ssyncset.s32 @!p0 $0xFFFFF086;
	s6 =	sadd.s32 @!p0 s3, s7;
	s7 =	simm.s32 @!p0 $0x108  }
0x21: {  	s3 =	sadd.s32 s3, s9;
	s6 =	sadd.s32 @!p0 $0x88, s6;
	s7 =	simm.s32 @p2 $0x1082  }
0x22: {  	[simem:s7], [sflag:s8] =	dma.local @!p0 [hbm:s6], $0xF7A  }
0x23: {  	s9 =	sor.u32 $0xD0000000, s2;
	s6 =	simm.s32 $0x108;
	_ =	swait.ge @!p0 [sflag:s8], $0x0  }
0x24: {  	s3 =	sadd.s32 $0x88, s3;
	s6 =	simm.s32 @!p1 $0x1082;
	[sflag:s4] =	ssyncset.s32 $0xFFFFF086  }
0x25: {  	[simem:s6], [sflag:s4] =	dma.local [hbm:s3], $0xF7A  }
0x26: {  	[smem:$0x3F9A] =	sst s1;
	(tag) =	ssettag s2;
	_ =	strace s9  }
0x27: {  	s1 =	sld [smem:$0x3FAA]  }
0x28: {  	s2 =	sld [smem:$0x3FAB]  }
0x29: {  	s4 =	sld [smem:$0x3FAD]  }
0x2a: {  	p0 =	seq.s32 s5, $0x0;
	s5 =	sld [smem:$0x3FAE]  }
0x2b: {  	s6 =	sld [smem:$0x3FAF]  }
0x2c: {  	s7 =	sld [smem:$0x3FB0]  }
0x2d: {  	s3 =	simm.s32 $0x108;
	s8 =	sld [smem:$0x3FB1]  }
0x2e: {  	s3 =	simm.s32 @!p0 $0x1082;
	s9 =	sld [smem:$0x3FB2]  }
0x2f: {  	lr =	sadd.s32 s0, s3;
	s0 =	sld [smem:$0x3FA9]  }
0x30: {  	s3 =	sld [smem:$0x3FAC]  }
0x31: {  	[smem:$0x3FB5] =	sst s10  }
0x32: {  	s10 =	sld [smem:$0x3FB3];
	_ =	sdelay $0x3  }
0x33: {  	p0 =	seq.s32 s10, $0x1;
	s10 =	sld [smem:$0x3FB5];
	_ =	sdelay $0x3  }
0x34: {  	[smem:$0x3FB5] =	sst s10  }
0x35: {  	s10 =	sld [smem:$0x3FB4];
	_ =	sdelay $0x3  }
0x36: {  	p1 =	seq.s32 s10, $0x1;
	s10 =	sld [smem:$0x3FB5];
	_ =	sdelay $0x3  }
0x37: {  	[smem:$0x3FB5] =	sst s10  }
0x38: {  	s10 =	sld [smem:$0x3FB6]  }
0x39: {  	_ = 	snop;
	(pc) =	sbr.ind lr, $3  }
0x3a: {  	_ = 	snop  }
0x3b: {  	_ = 	snop  }
0x3c: {  	p2 =	seq.s32 s10, $0x1;
	s10 =	sld [smem:$0x3FB5]  }
0x3d: {  	_ =	shalt  }
0x3e: {  	_ =	shalt  }
0x3f: {  	_ =	shalt  }
0x40: {  	_ =	shalt  }
0x41: {  	_ =	shalt  }
0x42: {  	_ =	shalt  }
0x43: {  	_ =	shalt  }
0x44: {  	_ =	shalt  }
0x45: {  	_ =	shalt  }
0x46: {  	_ =	shalt  }
0x47: {  	_ =	shalt  }
0x48: {  	_ =	shalt  }
0x49: {  	_ =	shalt  }
0x4a: {  	_ =	shalt  }
0x4b: {  	_ =	shalt  }
0x4c: {  	_ =	shalt  }
0x4d: {  	_ =	shalt  }
0x4e: {  	_ =	shalt  }
0x4f: {  	_ =	shalt  }
0x50: {  	_ =	shalt  }
0x51: {  	_ =	shalt  }
0x52: {  	_ =	shalt  }
0x53: {  	_ =	shalt  }
0x54: {  	_ =	shalt  }
0x55: {  	_ =	shalt  }
0x56: {  	_ =	shalt  }
0x57: {  	_ =	shalt  }
0x58: {  	_ =	shalt  }
0x59: {  	_ =	shalt  }
0x5a: {  	_ =	shalt  }
0x5b: {  	_ =	shalt  }
0x5c: {  	_ =	shalt  }
0x5d: {  	_ =	shalt  }
0x5e: {  	_ =	shalt  }
0x5f: {  	_ =	shalt  }
0x60: {  	_ =	shalt  }
0x61: {  	_ =	shalt  }
0x62: {  	_ =	shalt  }
0x63: {  	_ =	shalt  }
0x64: {  	_ =	shalt  }
0x65: {  	_ =	shalt  }
0x66: {  	_ =	shalt  }
0x67: {  	_ =	shalt  }
0x68: {  	_ =	shalt  }
0x69: {  	_ =	shalt  }
0x6a: {  	_ =	shalt  }
0x6b: {  	_ =	shalt  }
0x6c: {  	_ =	shalt  }
0x6d: {  	_ =	shalt  }
0x6e: {  	_ =	shalt  }
0x6f: {  	_ =	shalt  }
0x70: {  	_ =	shalt  }
0x71: {  	_ =	shalt  }
0x72: {  	_ =	shalt  }
0x73: {  	_ =	shalt  }
0x74: {  	_ =	shalt  }
0x75: {  	_ =	shalt  }
0x76: {  	_ =	shalt  }
0x77: {  	_ =	shalt  }
0x78: {  	_ =	shalt  }
0x79: {  	_ =	shalt  }
0x7a: {  	_ =	shalt  }
0x7b: {  	_ =	shalt  }
0x7c: {  	_ =	shalt  }
0x7d: {  	_ =	shalt  }
0x7e: {  	_ =	shalt  }
0x7f: {  	_ =	shalt  }
0x80: {  	_ =	shalt  }
0x81: {  	_ =	shalt  }
0x82: {  	_ =	shalt  }
0x83: {  	_ =	shalt  }
0x84: {  	_ =	shalt  }
0x85: {  	_ =	shalt  }
0x86: {  	_ =	shalt  }
0x87: {  	_ =	shalt  }
.Lfunc_end0:
.L_simem_size_0:
called_computation_lowered:
.L_overlay_start_0:
0x88: {  	s2 =	sld [smem:$0x3FD9]  }
0x89: {  	s3 =	sld [smem:$0x3FFE];
	_ =	sdelay $0x1  }
0x8a: {  	s1 =	srdreg.scid  }
0x8b: {  	s0 =	sand.u32 $0x1, s1  }
0x8c: {  	s17 =	sshll.u32 s0, $0xA;
	s2 =	sadd.s32 s3, s2  }
0x8d: {  	s2 =	sadd.s32 s2, s17  }
0x8e: {  	[smem:$0x3FC1] =	sst s2  }
0x8f: {  	_ = 	snop  }
0x90: {  	s2 =	sld [smem:$0x3FC9]  }
0x91: {  	s18 =	sld [smem:$0x3FC7]  }
0x92: {  	s4 =	sld [smem:$0x3FC6]  }
0x93: {  	s5 =	sld [smem:$0x3FD0];
	(tm) =	ssettm $0x1  }
0x94: {  	s6 =	sld [smem:$0x3FFB];
	_ =	sdelay $0x3  }
0x95: {  	_ =	strace s6  }
0x96: {  	s6 =	sld [smem:$0x3FFC];
	_ =	sdelay $0x3  }
0x97: {  	_ =	strace s6  }
0x98: {  	s6 =	sld [smem:$0x3FFD];
	_ =	sdelay $0x3  }
0x99: {  	_ =	strace s6  }
0x9a: {  	_ =	strace $0x8FFFFFFF  }
0x9b: {  	s19 =	sld [smem:$0x3FDB];
	_ =	sdelay $0x1  }
0x9c: {  	s7 =	simm.s32 $_scs_section_size  }
0x9d: {  	s8 =	simm.s32 $_size__tile_overlayer_lowered;
	s9 =	simm.s32 $_tile_overlayer_lowered  }
0x9e: {  	s22 =	simm.s32 $0x1BFF;
	s21 =	sshll.u32 s9, $0x1;
	s6 =	sadd.s32 s7, s19  }
0x9f: {  	s10 =	simm.s32 $0x0;
	s20 =	sshll.u32 s8, $0x1;
	s8 =	sadd.s32 s21, s6  }
0xa0: {  	[timem:s10], [sflag:s22] =	dma.local [hbm:s8], s20  }
0xa1: {  	_ =	swait.ge [sflag:s22], s20  }
0xa2: {  	s7 =	ssub.s32 $0x0, s20;
	[sflag:s22] =	ssyncset.done $0x0  }
0xa3: {  	[sflag:s22] =	ssyncadd.s32 s7;
	_ =	sdelay $0x1  }
0xa4: {  	s23 =	simm.s32 $0x1B8B  }
0xa5: {  	_ =	swait.ge [sflag:s23], $0x1  }
0xa6: {  	[sflag:s23] =	ssyncset.done $0x0  }
0xa7: {  	s25 =	simm.s32 $0x1B8E;
	s24 =	sld [smem:$0x3FFE];
	[sflag:s23] =	ssyncadd.s32 $0xFFFFFFFF  }
0xa8: {  	s26 =	simm.s32 $execute0_lowered;
	[smem:$0x3FD2] =	sst s25  }
0xa9: {  	s8 =	sshll.u32 s26, $0x1;
	_ =	strace $0x80000046;
	[dreg:$0x1] =	wrdreg $0xFFFFFFFF  }
0xaa: {  	s28 =	simm.s32 $_size_execute0_lowered;
	s6 =	sadd.s32 s6, s8;
	[dreg:$0x0] =	wrdreg $0x0  }
0xab: {  	s8 =	sshll.u32 s28, $0x1;
	[dreg:$0x2] =	wrdreg s6  }
0xac: {  	[dreg:$0x3] =	wrdreg s8  }
0xad: {  	[dreg:$0x4] =	wrdreg $0xC0  }
0xae: {  	_ =	task [dreg:s10], $0x5FFFF  }
0xaf: {  	[dreg:$0x1] =	wrdreg $0xFFFFFFFF  }
0xb0: {  	[dreg:$0x0] =	wrdreg $0x60  }
0xb1: {  	[dreg:$0x2] =	wrdreg s2  }
0xb2: {  	[dreg:$0x3] =	wrdreg s24  }
0xb3: {  	[dreg:$0x4] =	wrdreg s18  }
0xb4: {  	[dreg:$0x5] =	wrdreg s4  }
0xb5: {  	[dreg:$0x6] =	wrdreg s5  }
0xb6: {  	[dreg:$0x7] =	wrdreg $0x71000  }
0xb7: {  	[dreg:$0x8] =	wrdreg $0x9  }
0xb8: {  	_ =	task.clear_ibuf [dreg:s10], $0x9FFFF;
	_ =	strace $0x90000046  }
0xb9: {  	s29 =	simm.s32 $0x9;
	_ =	strace $0x80000048  }
0xba: {  	_ =	swait.ge [sflag:s29], $0x1  }
0xbb: {  	[sflag:s29] =	ssyncadd.s32 $0xFFFFFFFF  }
0xbc: {  	_ =	strace $0x90000048  }
0xbd: {  	_ =	sfence  }
0xbe: {  	s30 =	sld [smem:$0x0];
	_ =	sdelay $0x2  }
0xbf: {  	s31 =	sshll.u32 s1, $0xD;
	s1 =	sshrl.u32 s1, $0x2  }
0xc0: {  	s3 =	sand.u32 $0x4000, s31;
	s1 =	sadd.s32 s1, s30  }
0xc1: {  	s0 =	sor.u32 s3, s0;
	s1 =	sshll.u32 s1, $0x11  }
0xc2: {  	s0 =	sor.u32 s1, s0  }
0xc3: {  	s0 =	sadd.s32 $0x8F2B, s0  }
0xc4: {  	[sflag:s0] =	ssyncadd.remote.s32 $0x1  }
0xc5: {  	_ =	sfence.sel $0xFFFF  }
0xc6: {  	[dreg:$0x0] =	wrdreg $0xFFFFFFFF;
	(pc) =	sbr.abs _section_cstart, $3  }
0xc7: {  	[dreg:$0x1] =	wrdreg $0xFFFFFFFF  }
0xc8: {  	_ =	task.clear_ibuf [dreg:s10], $0x2FFFF;
	_ =	strace $0x9FFFFFFF  }
0xc9: {  	(tm) =	ssettm $0x7FFFFFFF  }
tec
execute0_lowered:
.L_overlay_start_1:
0x0: {  	(tag) =	ssettag $0x1  }
0x1: {  	s0 =	srdreg.scid  }
0x2: {  	s13 =	stileid.u32;
	s0 =	sand.u32 $0x1, s0  }
0x3: {  	s4 =	sshll.u32 s13, $0x7;
	s1 =	sshll.u32 s0, $0xC  }
0x4: {  	s3 =	sor.u32 s4, s1  }
0x5: {  	s2 =	rddreg [dreg:$0x0];
	s3 =	sshrl.u32 s3, $0x3  }
0x6: {  	s5 =	rddreg [dreg:$0x1];
	s8 =	smul.u32 $0x300, s3  }
0x7: {  	s6 =	rddreg [dreg:$0x4];
	s9 =	simm.s32 $0x0  }
0x8: {  	[smem:$0x7FF] =	sst s9;
	s3 =	sadd.s32 s2, s8;
	s25 =	sor.u32 $0x80, s8  }
0x9: {  	s26 =	sor.u32 $0x100, s8;
	s10 =	sor.u32 $0x180, s8;
	s11 =	sor.u32 $0x200, s8  }
0xa: {  	s18 =	sor.u32 $0x280, s8;
	s8 =	sadd.s32 s6, s8;
	[dreg:$0x7] =	wrdreg s3  }
0xb: {  	s15 =	sadd.s32 s2, s25;
	[dreg:$0xd] =	wrdreg s8  }
0xc: {  	s14 =	sadd.s32 s2, s18;
	s22 =	sadd.s32 s6, s18;
	s18 =	rddreg [dreg:$0x2]  }
0xd: {  	s16 =	sadd.s32 s2, s26;
	[dreg:$0x8] =	wrdreg s15  }
0xe: {  	s17 =	sadd.s32 s2, s10;
	[dreg:$0x9] =	wrdreg s16  }
0xf: {  	s0 =	ssub.s32 $0x2, s0;
	s12 =	sadd.s32 s2, s11;
	[dreg:$0xa] =	wrdreg s17  }
0x10: {  	s7 =	sshrl.u32 s0, $0x1;
	[dreg:$0xb] =	wrdreg s12  }
0x11: {  	s0 =	ssub.s32 s0, s7;
	s7 =	sadd.s32 s6, s25;
	[dreg:$0xc] =	wrdreg s14  }
0x12: {  	s3 =	sor.u32 $0x800, s1;
	s19 =	sadd.s32 s6, s26;
	[dreg:$0xe] =	wrdreg s7  }
0x13: {  	s20 =	sadd.s32 s6, s10;
	s4 =	sor.u32 s4, s3;
	[dreg:$0xf] =	wrdreg s19  }
0x14: {  	s21 =	sadd.s32 s6, s11;
	[dreg:$0x10] =	wrdreg s20;
	s4 =	sshrl.u32 s4, $0x3  }
0x15: {  	[dreg:$0x11] =	wrdreg s21;
	s4 =	smul.u32 $0x300, s4  }
0x16: {  	[dreg:$0x12] =	wrdreg s22  }
0x17: {  	s20 =	rddreg [dreg:$0x3];
	s23 =	sadd.s32 s2, s4;
	s24 =	sor.u32 $0x80, s4  }
0x18: {  	s25 =	sor.u32 $0x100, s4;
	s11 =	sor.u32 $0x180, s4;
	s15 =	sor.u32 $0x200, s4  }
0x19: {  	s16 =	sor.u32 $0x280, s4;
	s4 =	sadd.s32 s6, s4;
	[dreg:$0x13] =	wrdreg s23  }
0x1a: {  	s26 =	sadd.s32 s2, s24;
	[dreg:$0x19] =	wrdreg s4  }
0x1b: {  	s10 =	sadd.s32 s2, s25;
	s21 =	sadd.s32 s6, s25;
	s25 =	rddreg [dreg:$0x5]  }
0x1c: {  	[dreg:$0x14] =	wrdreg s26  }
0x1d: {  	s28 =	simm.s32 $0x5100;
	s14 =	sadd.s32 s2, s11;
	[dreg:$0x15] =	wrdreg s10  }
0x1e: {  	s31 =	simm.s32 $0xB80;
	s17 =	sadd.s32 s2, s15;
	[dreg:$0x16] =	wrdreg s14  }
0x1f: {  	s29 =	simm.s32 $0x0;
	s2 =	sadd.s32 s2, s16;
	[dreg:$0x17] =	wrdreg s17  }
0x20: {  	s30 =	sadd.s32 $0xA00, s5;
	s19 =	sadd.s32 s6, s24;
	[dreg:$0x18] =	wrdreg s2  }
0x21: {  	s0 =	smax.u32 s0, $0x1;
	s12 =	simm.s32 $0x400;
	[dreg:$0x1a] =	wrdreg s19  }
0x22: {  	v1 =	vmov s3;
	s3 =	simm.s32 $0xD80;
	s22 =	sadd.s32 s6, s11;
	[dreg:$0x1b] =	wrdreg s21  }
0x23: {  	s23 =	sadd.s32 s6, s15;
	s6 =	sadd.s32 s6, s16;
	[dreg:$0x1c] =	wrdreg s22  }
0x24: {  	s24 =	sshll.u32 s13, $0x6;
	s11 =	sadd.s32 $0x1000, s1;
	[dreg:$0x1d] =	wrdreg s23  }
0x25: {  	s15 =	simm.s32 $0x20;
	s16 =	simm.s32 $0x900;
	[dreg:$0x1e] =	wrdreg s6  }
0x26: {  	s26 =	sshll.u32 s13, $0xE;
	s2 =	sadd.s32 s18, s24;
	s4 =	sadd.s32 s20, s24  }
0x27: {  	s22 =	simm.s32 $0x8;
	s13 =	simm.s32 $0x680;
	s14 =	simm.s32 $0x1  }
0x28: {  	s17 =	simm.s32 $0x1100;
	_ =	strace $0x80000047;
	[smem:$0x7F5] =	sst s2  }
0x29: {  	s18 =	simm.s32 $0x980;
	s19 =	simm.s32 $0x2100;
	[dreg:$0x1f] =	wrdreg s24  }
0x2a: {  	s20 =	simm.s32 $0xA00;
	s21 =	simm.s32 $0x3100;
	[smem:$0x7F6] =	sst s4  }
0x2b: {  	s23 =	simm.s32 $0xA80;
	s5 =	sadd.s32 s26, s25;
	[smem:$0x7F7] =	sst s0  }
0x2c: {  	s24 =	simm.s32 $0x4100;
	s6 =	sadd.s32 $0x40000, s5;
	[smem:$0x7FC] =	sst s5  }
0x2d: {  	s26 =	simm.s32 $0xB00;
	s7 =	sadd.s32 $0x80000, s5;
	[smem:$0x7F8] =	sst s6  }
.Ltmp0:
0x2e: {  	s8 =	sadd.s32 $0xC0000, s5;
	[smem:$0x7F9] =	sst s7;
	(pc) =	sbr.rel .LBB2_1-.Ltmp0, $4  }
0x2f: {  	s0 =	simm.s32 $0x6100;
	s9 =	sadd.s32 $0x100000, s5;
	[smem:$0x7FA] =	sst s8  }
0x30: {  	s2 =	simm.s32 $0xD00;
	s10 =	sadd.s32 $0x140000, s5;
	[smem:$0x7FB] =	sst s9  }
0x31: {  	v3 =	vimm.s32 $0x0;
	s4 =	simm.s32 $0xE00;
	s5 =	simm.s32 $0xE80;
	[smem:$0x7FD] =	sst s10  }
0x32: {  	v4 =	vimm.s32 $0x400;
	v0 =	vmov s1;
	v2 =	vmov s11;
	s8 =	simm.s32 $0x2;
	s6 =	simm.s32 $0xF00;
	s7 =	simm.s32 $0xF80  }
.LBB2_12:
0x33: {  	_ =	swait.ge [sflag:s8], $0x1000  }
0x34: {  	[sflag:s8] =	ssyncset.done $0x0  }
0x35: {  	[sflag:s8] =	ssyncadd.s32 $0xFFFFF000  }
0x36: {  	_ =	swait.ge [sflag:s14], $0x1000  }
0x37: {  	[sflag:s14] =	ssyncset.done $0x0  }
0x38: {  	[sflag:s14] =	ssyncadd.s32 $0xFFFFF000  }
0x39: {  	[spmem:s25] =	stream.indirect.scatter.add.f32 [tilespmem:s28], [sflag:$0x2], $0x80, s6, s15, $0xb8;
	[tilespmem:$0x1F100] =	vst v63  }
0x3a: {  	_ =	swait.ge [sflag:s8], $0x1000  }
0x3b: {  	[sflag:s8] =	ssyncset.done $0x0  }
0x3c: {  	[sflag:s8] =	ssyncadd.s32 $0xFFFFF000  }
0x3d: {  	_ =	swait.ge [sflag:s14], $0x1000  }
0x3e: {  	[sflag:s14] =	ssyncset.done $0x0  }
0x3f: {  	[sflag:s14] =	ssyncadd.s32 $0xFFFFF000  }
0x40: {  	[spmem:s25] =	stream.indirect.scatter.add.f32 [tilespmem:s0], [sflag:$0x2], $0x80, s7, s15, $0xb8;
	[tilespmem:$0x1F100] =	vst v63  }
0x41: {  	_ =	swait.ge [sflag:s8], $0x1000  }
0x42: {  	[sflag:s8] =	ssyncset.done $0x0  }
0x43: {  	[sflag:s8] =	ssyncadd.s32 $0xFFFFF000  }
.LBB2_13:
0x44: {  	[bflag:$0x0] =	sbarrier.arrive $0xFFFF  }
0x45: {  	s1 =	sld [smem:$0x7EE]  }
0x46: {  	s10 =	sld [smem:$0x7EC]  }
0x47: {  	s29 =	simm.s32 $0x8  }
0x48: {  	s22 =	simm.s32 $0x80;
	s11 =	simm.s32 $0x300;
	s9 =	rddreg [dreg:$0x19]  }
0x49: {  	[hbm:s9@s11], [sflag:s10] =	dma.strided [spmem:s1@s22], $0x800, s29, $0x10   }
0x4a: {  	_ =	swait.ge [sflag:s8], $0x800  }
0x4b: {  	s1 =	sld [smem:$0x7EF]  }
0x4c: {  	s22 =	simm.s32 $0x300;
	[sflag:s8] =	ssyncset.done $0x0  }
0x4d: {  	s11 =	simm.s32 $0x80;
	s9 =	rddreg [dreg:$0x1a];
	[sflag:s8] =	ssyncadd.s32 $0xFFFFF800  }
0x4e: {  	[hbm:s9@s22], [sflag:s10] =	dma.strided [spmem:s1@s11], $0x800, s29, $0x10   }
0x4f: {  	_ =	swait.ge [sflag:s8], $0x800  }
0x50: {  	s1 =	sld [smem:$0x7F0]  }
0x51: {  	s22 =	simm.s32 $0x80;
	[sflag:s8] =	ssyncset.done $0x0  }
0x52: {  	s11 =	simm.s32 $0x300;
	s9 =	rddreg [dreg:$0x1b];
	[sflag:s8] =	ssyncadd.s32 $0xFFFFF800  }
0x53: {  	[hbm:s9@s11], [sflag:s10] =	dma.strided [spmem:s1@s22], $0x800, s29, $0x10   }
0x54: {  	_ =	swait.ge [sflag:s8], $0x800  }
0x55: {  	s1 =	sld [smem:$0x7F1]  }
0x56: {  	[sflag:s8] =	ssyncset.done $0x0  }
0x57: {  	s22 =	simm.s32 $0x80;
	s9 =	rddreg [dreg:$0x1c];
	[sflag:s8] =	ssyncadd.s32 $0xFFFFF800  }
0x58: {  	[hbm:s9@s11], [sflag:s10] =	dma.strided [spmem:s1@s22], $0x800, s29, $0x10   }
0x59: {  	_ =	swait.ge [sflag:s8], $0x800  }
0x5a: {  	s11 =	sld [smem:$0x7F2]  }
0x5b: {  	s1 =	simm.s32 $0x80;
	s29 =	simm.s32 $0x300;
	[sflag:s8] =	ssyncset.done $0x0  }
0x5c: {  	s22 =	simm.s32 $0x8;
	s9 =	rddreg [dreg:$0x1d];
	[sflag:s8] =	ssyncadd.s32 $0xFFFFF800  }
0x5d: {  	[hbm:s9@s29], [sflag:s10] =	dma.strided [spmem:s11@s1], $0x800, s22, $0x10   }
0x5e: {  	_ =	swait.ge [sflag:s8], $0x800  }
0x5f: {  	s11 =	sld [smem:$0x7F3]  }
0x60: {  	s29 =	simm.s32 $0x300;
	s1 =	simm.s32 $0x80;
	[sflag:s8] =	ssyncset.done $0x0  }
0x61: {  	s22 =	simm.s32 $0x8;
	s9 =	rddreg [dreg:$0x1e];
	[sflag:s8] =	ssyncadd.s32 $0xFFFFF800  }
0x62: {  	[hbm:s9@s29], [sflag:s10] =	dma.strided [spmem:s11@s1], $0x800, s22, $0x10   }
0x63: {  	_ =	swait.ge [sflag:s8], $0x800  }
0x64: {  	s29 =	sld [smem:$0x7ED]  }
0x65: {  	s22 =	sld [smem:$0x7F7];
	_ =	sdelay $0x1  }
0x66: {  	s29 =	sadd.s32 $0x1, s29  }
0x67: {  	p0 =	sne.s32 s29, s22  }
.Ltmp1:
0x68: {  	_ = 	snop;
	(pc) =	sbr.rel @!p0 .LBB2_14-.Ltmp1, $3  }
0x69: {  	_ =	sdelay $0x1  }
0x6a: {  	[sflag:s8] =	ssyncset.done $0x0  }
0x6b: {  	[sflag:s8] =	ssyncadd.s32 $0xFFFFF800;
	s22 =	simm.s32 $0x8  }
.LBB2_1:
0x6c: {  	s1 =	sld [smem:$0x7F5];
	_ =	sdelay $0x1  }
0x6d: {  	[smem:$0x7ED] =	sst s29;
	s9 =	simm.s32 $0x0  }
0x6e: {  	[tilespmem:s9], [sflag:$0x2] =	stream.linear.gather [hbm4b:s1+s9], $0x200, $0x38;
	[tilespmem:$0x1F100] =	vst v63  }
0x6f: {  	_ =	swait.ge [sflag:s8], $0x200  }
0x70: {  	s1 =	sld [smem:$0x7F6]  }
0x71: {  	[sflag:s8] =	ssyncset.done $0x0  }
0x72: {  	s10 =	simm.s32 $0x200;
	[sflag:s8] =	ssyncadd.s32 $0xFFFFFE00  }
0x73: {  	[tilespmem:s10], [sflag:$0x2] =	stream.linear.gather [hbm4b:s1+s9], $0x200, $0x38;
	[tilespmem:$0x1F100] =	vst v63  }
0x74: {  	_ =	swait.ge [sflag:s8], $0x200  }
0x75: {  	s10 =	sld [smem:$0x7FC];
	_ =	sdelay $0x1  }
0x76: {  	s29 =	simm.s32 $0x300;
	s11 =	simm.s32 $0x80;
	s9 =	rddreg [dreg:$0x1f]  }
0x77: {  	[sflag:s8] =	ssyncset.done $0x0;
	s1 =	rddreg [dreg:$0x7];
	s10 =	sshrl.u32 s10, $0x3  }
0x78: {  	[sflag:s8] =	ssyncadd.s32 $0xFFFFFE00;
	s9 =	sor.u32 $0x1C01, s9;
	[smem:$0x7EE] =	sst s10  }
0x79: {  	[spmem:s10@s11], [sflag:s9] =	dma.strided [hbm:s1@s29], $0x800, s22, $0x10   }
0x7a: {  	s1 =	sld [smem:$0x7F8];
	_ =	sdelay $0x2  }
0x7b: {  	s10 =	sshrl.u32 s1, $0x3;
	s1 =	rddreg [dreg:$0x8]  }
0x7c: {  	[smem:$0x7EF] =	sst s10  }
0x7d: {  	[spmem:s10@s11], [sflag:s9] =	dma.strided [hbm:s1@s29], $0x800, s22, $0x10   }
0x7e: {  	s1 =	sld [smem:$0x7F9];
	_ =	sdelay $0x2  }
0x7f: {  	s10 =	sshrl.u32 s1, $0x3;
	s1 =	rddreg [dreg:$0x9]  }
0x80: {  	[smem:$0x7F0] =	sst s10  }
0x81: {  	[spmem:s10@s11], [sflag:s9] =	dma.strided [hbm:s1@s29], $0x800, s22, $0x10   }
0x82: {  	s1 =	sld [smem:$0x7FA];
	_ =	sdelay $0x2  }
0x83: {  	s10 =	sshrl.u32 s1, $0x3;
	s1 =	rddreg [dreg:$0xa]  }
0x84: {  	[smem:$0x7F1] =	sst s10  }
0x85: {  	[spmem:s10@s11], [sflag:s9] =	dma.strided [hbm:s1@s29], $0x800, s22, $0x10   }
0x86: {  	s1 =	sld [smem:$0x7FB];
	_ =	sdelay $0x2  }
0x87: {  	s10 =	sshrl.u32 s1, $0x3;
	s1 =	rddreg [dreg:$0xb]  }
0x88: {  	[smem:$0x7F2] =	sst s10  }
0x89: {  	[spmem:s10@s11], [sflag:s9] =	dma.strided [hbm:s1@s29], $0x800, s22, $0x10   }
0x8a: {  	s1 =	sld [smem:$0x7FD];
	_ =	sdelay $0x1  }
0x8b: {  	[smem:$0x7F4] =	sst s9  }
0x8c: {  	s10 =	sshrl.u32 s1, $0x3;
	s1 =	rddreg [dreg:$0xc]  }
0x8d: {  	[smem:$0x7F3] =	sst s10  }
0x8e: {  	[spmem:s10@s11], [sflag:s9] =	dma.strided [hbm:s1@s29], $0x800, s22, $0x10   }
0x8f: {  	s11 =	simm.s32 $0x0  }
0x90: {  	v5 =	vld [tilespmem:s11+$0x0]  }
0x91: {  	v6 =	vld [tilespmem:s11+$0x200];
	_ =	sdelay $0x4  }
0x92: {  	vm0 =	vgt.s32 v5, $0x0;
	vm1 =	vge.s32 v6, v0  }
0x93: {  	vm2 =	vlt.s32 v6, v1;
	vm0 =	vmand vm0, vm1  }
0x94: {  	vm0 =	vmand vm2, vm0  }
0x95: {  	v7 =	vsel vm0, $0x1, v3  }
0x96: {  	(xrf0) =	vadd.scan.msk.s32 $0xffff, v7;
	_ =	sdelay $0x4  }
0x97: {  	s22 =	simm.s32 $0x0;
	v7 =	vsel vm0, $0xFFFFFFFF, v3  }
0x98: {  	v7 =	vadd.s32 s22, v7;
	v8, _, _ =	vpop (xrf0)  }
0x99: {  	v7 =	vadd.s32 v8, v7  }
0x9a: {  	(v2sf) =	vpush v8, $0xF;
	v7 =	vnsel vm0, $0x22F, v7;
	_ =	sdelay $0x3  }
0x9b: {  	v5 =	vadd.s32 $0xFFFFFFFF, v5  }
0x9c: {  	[tilespmem:v7+s12+$0x0] =	vst.idx.msk $0xffff, v5;
	v5 =	vsub.s32 v6, v0  }
0x9d: {  	s29 =	simm.s32 $0x10;
	[tilespmem:v7+s13+$0x0] =	vst.idx.msk $0xffff, v5  }
0x9e: {  	v6 =	vld [tilespmem:s29+$0x0]  }
0x9f: {  	v5 =	vld [tilespmem:s29+$0x200];
	_ =	sdelay $0x4  }
0xa0: {  	s9 =	simm.s32 $0x80;
	s1 =	simm.s32 $0x0;
	vm1 =	vgt.s32 v6, $0x0;
	vm2 =	vge.s32 v5, v0;
	vm0 =	vlt.s32 v5, v1  }
.LBB2_2:
0xa1: {  	p0 =	sne.s32 s9, $0x7C0  }
0xa2: {  	vm1 =	vmand vm1, vm2;
	s22 =	spop (v2sf);
	s10 =	smov.u32 s9;
	s9 =	sadd.s32 $0x40, s9  }
0xa3: {  	vm0 =	vmand vm0, vm1;
	s1 =	sadd.s32 s1, s22  }
0xa4: {  	v7 =	vsel vm0, $0xFFFFFFFF, v3;
	v8 =	vsel vm0, $0x1, v3  }
0xa5: {  	(xrf0) =	vadd.scan.msk.s32 $0xffff, v8;
	_ =	sdelay $0x5  }
0xa6: {  	v7 =	vadd.s32 s1, v7;
	v8, _, _ =	vpop (xrf0)  }
0xa7: {  	v7 =	vadd.s32 v8, v7;
	(v2sf) =	vpush v8, $0xF  }
0xa8: {  	v7 =	vnsel vm0, $0x22F, v7;
	_ =	sdelay $0x3  }
0xa9: {  	v6 =	vadd.s32 $0xFFFFFFFF, v6  }
0xaa: {  	v5 =	vsub.s32 v5, v0;
	[tilespmem:v7+s12+$0x0] =	vst.idx.msk $0xffff, v6  }
0xab: {  	s10 =	sshra.s32 s10, $0x2;
	[tilespmem:v7+s13+$0x0] =	vst.idx.msk $0xffff, v5  }
0xac: {  	v6 =	vld [tilespmem:s10+$0x0]  }
0xad: {  	v5 =	vld [tilespmem:s10+$0x200]  }
.Ltmp2:
0xae: {  	(pc) =	sbr.rel @p0 .LBB2_2-.Ltmp2, $3  }
0xaf: {  	_ =	sdelay $0x1  }
0xb0: {  	vm1 =	vgt.s32 v6, $0x0  }
0xb1: {  	vm2 =	vge.s32 v5, v0;
	vm0 =	vlt.s32 v5, v1  }
0xb2: {  	vm1 =	vmand vm1, vm2  }
0xb3: {  	vm0 =	vmand vm0, vm1  }
0xb4: {  	v7 =	vsel vm0, $0x1, v3  }
0xb5: {  	(xrf0) =	vadd.scan.msk.s32 $0xffff, v7;
	_ =	sdelay $0x5  }
0xb6: {  	v7, _, _ =	vpop (xrf0)  }
0xb7: {  	(v2sf) =	vpush v7, $0xF;
	_ =	sdelay $0x5  }
0xb8: {  	s9 =	spop (v2sf)  }
0xb9: {  	s1 =	sadd.s32 s1, s9;
	v8 =	vsel vm0, $0xFFFFFFFF, v3  }
0xba: {  	v8 =	vadd.s32 s1, v8  }
0xbb: {  	v7 =	vadd.s32 v7, v8  }
0xbc: {  	v7 =	vnsel vm0, $0x22F, v7;
	_ =	sdelay $0x3  }
0xbd: {  	v6 =	vadd.s32 $0xFFFFFFFF, v6  }
0xbe: {  	v5 =	vsub.s32 v5, v0;
	[tilespmem:v7+s12+$0x0] =	vst.idx.msk $0xffff, v6;
	s11 =	spop (v2sf)  }
0xbf: {  	[tilespmem:v7+s13+$0x0] =	vst.idx.msk $0xffff, v5;
	s1 =	sadd.s32 s1, s11  }
0xc0: {  	[tilespmem:s1+$0x400] =	vst v4  }
0xc1: {  	[tilespmem:s1+$0x680] =	vst v3  }
0xc2: {  	[tilespmem:s1+$0x410] =	vst v4  }
0xc3: {  	[tilespmem:s1+$0x690] =	vst v3  }
0xc4: {  	_ =	swait.ge [sflag:s14], $0x800  }
0xc5: {  	[sflag:s14] =	ssyncset.done $0x0  }
0xc6: {  	[sflag:s14] =	ssyncadd.s32 $0xFFFFF800  }
0xc7: {  	_ =	swait.ge [sflag:s14], $0x800  }
0xc8: {  	[sflag:s14] =	ssyncset.done $0x0  }
0xc9: {  	[sflag:s14] =	ssyncadd.s32 $0xFFFFF800  }
0xca: {  	s1 =	sadd.s32 $0x1F, s1;
	_ =	swait.ge [sflag:s14], $0x800  }
0xcb: {  	s22 =	sand.u32 $0x1F, s1;
	[sflag:s14] =	ssyncset.done $0x0  }
0xcc: {  	s29 =	sshra.s32 s1, $0x1F;
	p1 =	slt.s32 s1, $0x1;
	[sflag:s14] =	ssyncadd.s32 $0xFFFFF800  }
0xcd: {  	p0 =	sne.s32 s22, $0x0;
	s9 =	sshrl.u32 s29, $0x1B;
	_ =	swait.ge [sflag:s14], $0x800  }
0xce: {  	s1 =	sadd.s32 s9, s1;
	p0 =	por !p1, !p0;
	[sflag:s14] =	ssyncset.done $0x0  }
0xcf: {  	s9 =	simm.s32 $0x1;
	p0 =	por !p0, !p0;
	[sflag:s14] =	ssyncadd.s32 $0xFFFFF800  }
0xd0: {  	s1 =	sshra.s32 s1, $0x5;
	s9 =	simm.s32 @!p0 $0x0;
	_ =	swait.ge [sflag:s14], $0x800  }
0xd1: {  	s9 =	ssub.s32 s1, s9;
	[sflag:s14] =	ssyncset.done $0x0  }
0xd2: {  	p0 =	slt.s32 s9, $0x1;
	[sflag:s14] =	ssyncadd.s32 $0xFFFFF800  }
.Ltmp3:
0xd3: {  	_ =	swait.ge [sflag:s14], $0x800;
	(pc) =	sbr.rel @p0 .LBB2_7-.Ltmp3, $3  }
0xd4: {  	[sflag:s14] =	ssyncset.done $0x0  }
0xd5: {  	[sflag:s14] =	ssyncadd.s32 $0xFFFFF800  }
0xd6: {  	[bflag:$0x0] =	sbarrier.arrive $0xFFFF;
	_ =	sdelay $0x1  }
0xd7: {  	s1 =	simm.s32 $0x410  }
0xd8: {  	s22 =	simm.s32 $0x690;
	v5 =	vld [tilespmem:s1+$0xFFFFFFF0]  }
0xd9: {  	v6 =	vld [tilespmem:s22+$0xFFFFFFF0];
	_ =	sdelay $0x3  }
0xda: {  	[tilespmem:$0x900] =	vst v5  }
0xdb: {  	v7 =	vadd.s32 $0x1020, v5;
	[tilespmem:$0xD00] =	vst v6  }
0xdc: {  	v8 =	vadd.s32 $0x1428, v5;
	[tilespmem:$0xB00] =	vst v7  }
0xdd: {  	v59 =	vadd.s32 $0xC18, v5;
	[tilespmem:$0xB80] =	vst v8  }
0xde: {  	v7 =	vadd.s32 $0x408, v5;
	[tilespmem:$0xA80] =	vst v59  }
0xdf: {  	v5 =	vadd.s32 $0x810, v5;
	[tilespmem:$0x980] =	vst v7  }
0xe0: {  	v7 =	vadd.s32 $0x1800, v6;
	[tilespmem:$0xA00] =	vst v5  }
0xe1: {  	v5 =	vadd.s32 $0x2800, v6;
	[tilespmem:$0xE80] =	vst v7  }
0xe2: {  	v7 =	vadd.s32 $0x800, v6;
	[tilespmem:$0xF80] =	vst v5  }
0xe3: {  	v5 =	vadd.s32 $0x1000, v6;
	[tilespmem:$0xD80] =	vst v7  }
0xe4: {  	v6 =	vadd.s32 $0x2000, v6;
	[tilespmem:$0xE00] =	vst v5  }
0xe5: {  	[tilespmem:$0xF00] =	vst v6  }
0xe6: {  	v5 =	vld [tilespmem:s1+$0x0]  }
0xe7: {  	v6 =	vld [tilespmem:s22+$0x0];
	_ =	sdelay $0x3  }
0xe8: {  	[tilespmem:$0x910] =	vst v5  }
0xe9: {  	v7 =	vadd.s32 $0xC18, v5;
	[tilespmem:$0xD10] =	vst v6  }
0xea: {  	v60 =	vadd.s32 $0x810, v5;
	[tilespmem:$0xA90] =	vst v7  }
0xeb: {  	v61 =	vadd.s32 $0x800, v6;
	[tilespmem:$0xA10] =	vst v60  }
0xec: {  	v62 =	vadd.s32 $0x1800, v6;
	[tilespmem:$0xD90] =	vst v61  }
0xed: {  	v63 =	vadd.s32 $0x1428, v5;
	[tilespmem:$0xE90] =	vst v62  }
0xee: {  	v7 =	vadd.s32 $0x408, v5;
	[tilespmem:$0xB90] =	vst v63  }
0xef: {  	v5 =	vadd.s32 $0x1020, v5;
	[tilespmem:$0x990] =	vst v7  }
0xf0: {  	v7 =	vadd.s32 $0x1000, v6;
	[tilespmem:$0xB10] =	vst v5  }
0xf1: {  	[tilespmem:$0xE10] =	vst v7;
	v7 =	vadd.s32 $0x2000, v6  }
0xf2: {  	v6 =	vadd.s32 $0x2800, v6;
	[tilespmem:$0xF10] =	vst v7  }
0xf3: {  	[tilespmem:$0xF90] =	vst v6  }
0xf4: {  	[tilespmem:s17], [sflag:$0x1] =	stream.indirect.gather [hbm4b:s30+s15], $0x80, s16, s15, $0xb8;
	[tilespmem:$0x1F100] =	vst v63  }
0xf5: {  	_ = 	snop  }
0xf6: {  	[tilespmem:s19], [sflag:$0x1] =	stream.indirect.gather [hbm4b:s30+s15], $0x80, s18, s15, $0xb8;
	[tilespmem:$0x1F100] =	vst v63  }
0xf7: {  	_ = 	snop  }
0xf8: {  	[tilespmem:s21], [sflag:$0x1] =	stream.indirect.gather [hbm4b:s30+s15], $0x80, s20, s15, $0xb8;
	[tilespmem:$0x1F100] =	vst v63  }
0xf9: {  	_ = 	snop  }
0xfa: {  	[tilespmem:s24], [sflag:$0x1] =	stream.indirect.gather [hbm4b:s30+s15], $0x80, s23, s15, $0xb8;
	[tilespmem:$0x1F100] =	vst v63  }
0xfb: {  	_ = 	snop  }
0xfc: {  	[tilespmem:s28], [sflag:$0x1] =	stream.indirect.gather [hbm4b:s30+s15], $0x80, s26, s15, $0xb8;
	[tilespmem:$0x1F100] =	vst v63  }
0xfd: {  	_ = 	snop  }
0xfe: {  	[tilespmem:s0], [sflag:$0x1] =	stream.indirect.gather [hbm4b:s30+s15], $0x80, s31, s15, $0xb8;
	[tilespmem:$0x1F100] =	vst v63  }
0xff: {  	_ =	swait.ge [sflag:s14], $0x1000  }
0x100: {  	[sflag:s14] =	ssyncset.done $0x0  }
0x101: {  	[sflag:s14] =	ssyncadd.s32 $0xFFFFF000  }
0x102: {  	[spmem:s25] =	stream.indirect.scatter.add.f32 [tilespmem:s17], [sflag:$0x2], $0x80, s2, s15, $0xb8;
	[tilespmem:$0x1F100] =	vst v63  }
0x103: {  	_ =	swait.ge [sflag:s8], $0x1000  }
0x104: {  	[sflag:s8] =	ssyncset.done $0x0  }
0x105: {  	[sflag:s8] =	ssyncadd.s32 $0xFFFFF000  }
0x106: {  	_ =	swait.ge [sflag:s14], $0x1000  }
0x107: {  	[sflag:s14] =	ssyncset.done $0x0  }
0x108: {  	[sflag:s14] =	ssyncadd.s32 $0xFFFFF000  }
0x109: {  	[spmem:s25] =	stream.indirect.scatter.add.f32 [tilespmem:s19], [sflag:$0x2], $0x80, s3, s15, $0xb8;
	[tilespmem:$0x1F100] =	vst v63  }
0x10a: {  	_ =	swait.ge [sflag:s8], $0x1000  }
0x10b: {  	[sflag:s8] =	ssyncset.done $0x0  }
0x10c: {  	[sflag:s8] =	ssyncadd.s32 $0xFFFFF000  }
0x10d: {  	_ =	swait.ge [sflag:s14], $0x1000  }
0x10e: {  	[sflag:s14] =	ssyncset.done $0x0  }
0x10f: {  	[sflag:s14] =	ssyncadd.s32 $0xFFFFF000  }
0x110: {  	[spmem:s25] =	stream.indirect.scatter.add.f32 [tilespmem:s21], [sflag:$0x2], $0x80, s4, s15, $0xb8;
	[tilespmem:$0x1F100] =	vst v63  }
0x111: {  	_ =	swait.ge [sflag:s8], $0x1000  }
0x112: {  	p0 =	sne.s32 s9, $0x1;
	[sflag:s8] =	ssyncset.done $0x0  }
.Ltmp4:
0x113: {  	[sflag:s8] =	ssyncadd.s32 $0xFFFFF000;
	(pc) =	sbr.rel @!p0 .LBB2_6-.Ltmp4, $4  }
0x114: {  	_ =	swait.ge [sflag:s14], $0x1000  }
0x115: {  	[sflag:s14] =	ssyncset.done $0x0  }
0x116: {  	s9 =	sadd.s32 $0xFFFFFFFF, s9;
	[sflag:s14] =	ssyncadd.s32 $0xFFFFF000  }
0x117: {  	[spmem:s25] =	stream.indirect.scatter.add.f32 [tilespmem:s24], [sflag:$0x2], $0x80, s5, s15, $0xb8;
	[tilespmem:$0x1F100] =	vst v63  }
.LBB2_5:
0x118: {  	_ =	swait.ge [sflag:s8], $0x1000;
	s22 =	sadd.s32 $0x20, s22;
	s1 =	sadd.s32 $0x20, s1  }
0x119: {  	p0 =	sne.s32 s9, $0x1;
	s9 =	sadd.s32 $0xFFFFFFFF, s9;
	[sflag:s8] =	ssyncset.done $0x0  }
0x11a: {  	[sflag:s8] =	ssyncadd.s32 $0xFFFFF000  }
0x11b: {  	_ =	swait.ge [sflag:s14], $0x1000  }
0x11c: {  	[sflag:s14] =	ssyncset.done $0x0  }
0x11d: {  	[sflag:s14] =	ssyncadd.s32 $0xFFFFF000  }
0x11e: {  	[spmem:s25] =	stream.indirect.scatter.add.f32 [tilespmem:s28], [sflag:$0x2], $0x80, s6, s15, $0xb8;
	[tilespmem:$0x1F100] =	vst v63  }
0x11f: {  	_ =	swait.ge [sflag:s8], $0x1000  }
0x120: {  	[sflag:s8] =	ssyncset.done $0x0  }
0x121: {  	[sflag:s8] =	ssyncadd.s32 $0xFFFFF000  }
0x122: {  	_ =	swait.ge [sflag:s14], $0x1000  }
0x123: {  	[sflag:s14] =	ssyncset.done $0x0  }
0x124: {  	[sflag:s14] =	ssyncadd.s32 $0xFFFFF000  }
0x125: {  	[spmem:s25] =	stream.indirect.scatter.add.f32 [tilespmem:s0], [sflag:$0x2], $0x80, s7, s15, $0xb8;
	[tilespmem:$0x1F100] =	vst v63  }
0x126: {  	_ =	swait.ge [sflag:s8], $0x1000  }
0x127: {  	[sflag:s8] =	ssyncset.done $0x0  }
0x128: {  	[sflag:s8] =	ssyncadd.s32 $0xFFFFF000  }
0x129: {  	v5 =	vld [tilespmem:s1+$0xFFFFFFF0];
	_ =	sdelay $0x3  }
0x12a: {  	v6 =	vld [tilespmem:s22+$0xFFFFFFF0]  }
0x12b: {  	[tilespmem:$0x900] =	vst v5;
	v7 =	vadd.s32 $0x1020, v5;
	v8 =	vadd.s32 $0x1428, v5  }
0x12c: {  	v9 =	vadd.s32 $0xC18, v5;
	[tilespmem:$0xB00] =	vst v7  }
0x12d: {  	v7 =	vadd.s32 $0x408, v5;
	[tilespmem:$0xB80] =	vst v8  }
0x12e: {  	[tilespmem:$0x980] =	vst v7  }
0x12f: {  	v7 =	vadd.s32 $0x800, v6;
	[tilespmem:$0xA80] =	vst v9;
	v8 =	vadd.s32 $0x1800, v6;
	v9 =	vadd.s32 $0x2800, v6  }
0x130: {  	v5 =	vadd.s32 $0x810, v5;
	v10 =	vadd.s32 $0x1000, v6;
	[tilespmem:$0xD00] =	vst v6;
	v6 =	vadd.s32 $0x2000, v6  }
0x131: {  	[tilespmem:$0xA00] =	vst v5  }
0x132: {  	[tilespmem:$0xE80] =	vst v8  }
0x133: {  	[tilespmem:$0xF80] =	vst v9  }
0x134: {  	[tilespmem:$0xD80] =	vst v7  }
0x135: {  	[tilespmem:$0xE00] =	vst v10  }
0x136: {  	[tilespmem:$0xF00] =	vst v6  }
0x137: {  	v5 =	vld [tilespmem:s1+$0x0]  }
0x138: {  	v6 =	vld [tilespmem:s22+$0x0];
	_ =	sdelay $0x3  }
0x139: {  	[tilespmem:$0x910] =	vst v5;
	v7 =	vadd.s32 $0x408, v5;
	v8 =	vadd.s32 $0xC18, v5;
	v9 =	vadd.s32 $0x1020, v5  }
0x13a: {  	[tilespmem:$0xD10] =	vst v6;
	v10 =	vadd.s32 $0x800, v6;
	v11 =	vadd.s32 $0x1000, v6;
	v12 =	vadd.s32 $0x1800, v6  }
0x13b: {  	v13 =	vadd.s32 $0x810, v5;
	[tilespmem:$0xA90] =	vst v8;
	v8 =	vadd.s32 $0x2000, v6;
	v6 =	vadd.s32 $0x2800, v6  }
0x13c: {  	v5 =	vadd.s32 $0x1428, v5;
	[tilespmem:$0xA10] =	vst v13  }
0x13d: {  	[tilespmem:$0x990] =	vst v7  }
0x13e: {  	[tilespmem:$0xD90] =	vst v10  }
0x13f: {  	[tilespmem:$0xE10] =	vst v11  }
0x140: {  	[tilespmem:$0xE90] =	vst v12  }
0x141: {  	[tilespmem:$0xF10] =	vst v8  }
0x142: {  	[tilespmem:$0xB90] =	vst v5  }
0x143: {  	[tilespmem:$0xB10] =	vst v9  }
0x144: {  	[tilespmem:$0xF90] =	vst v6  }
0x145: {  	[tilespmem:s17], [sflag:$0x1] =	stream.indirect.gather [hbm4b:s30+s15], $0x80, s16, s15, $0xb8;
	[tilespmem:$0x1F100] =	vst v63  }
0x146: {  	_ = 	snop  }
0x147: {  	[tilespmem:s19], [sflag:$0x1] =	stream.indirect.gather [hbm4b:s30+s15], $0x80, s18, s15, $0xb8;
	[tilespmem:$0x1F100] =	vst v63  }
0x148: {  	_ = 	snop  }
0x149: {  	[tilespmem:s21], [sflag:$0x1] =	stream.indirect.gather [hbm4b:s30+s15], $0x80, s20, s15, $0xb8;
	[tilespmem:$0x1F100] =	vst v63  }
0x14a: {  	_ = 	snop  }
0x14b: {  	[tilespmem:s24], [sflag:$0x1] =	stream.indirect.gather [hbm4b:s30+s15], $0x80, s23, s15, $0xb8;
	[tilespmem:$0x1F100] =	vst v63  }
0x14c: {  	_ = 	snop  }
0x14d: {  	[tilespmem:s28], [sflag:$0x1] =	stream.indirect.gather [hbm4b:s30+s15], $0x80, s26, s15, $0xb8;
	[tilespmem:$0x1F100] =	vst v63  }
0x14e: {  	_ = 	snop  }
0x14f: {  	[tilespmem:s0], [sflag:$0x1] =	stream.indirect.gather [hbm4b:s30+s15], $0x80, s31, s15, $0xb8;
	[tilespmem:$0x1F100] =	vst v63  }
0x150: {  	_ =	swait.ge [sflag:s14], $0x1000  }
0x151: {  	[sflag:s14] =	ssyncset.done $0x0  }
0x152: {  	[sflag:s14] =	ssyncadd.s32 $0xFFFFF000  }
0x153: {  	[spmem:s25] =	stream.indirect.scatter.add.f32 [tilespmem:s17], [sflag:$0x2], $0x80, s2, s15, $0xb8;
	[tilespmem:$0x1F100] =	vst v63  }
0x154: {  	_ =	swait.ge [sflag:s8], $0x1000  }
0x155: {  	[sflag:s8] =	ssyncset.done $0x0  }
0x156: {  	[sflag:s8] =	ssyncadd.s32 $0xFFFFF000  }
0x157: {  	_ =	swait.ge [sflag:s14], $0x1000  }
0x158: {  	[sflag:s14] =	ssyncset.done $0x0  }
0x159: {  	[sflag:s14] =	ssyncadd.s32 $0xFFFFF000  }
0x15a: {  	[spmem:s25] =	stream.indirect.scatter.add.f32 [tilespmem:s19], [sflag:$0x2], $0x80, s3, s15, $0xb8;
	[tilespmem:$0x1F100] =	vst v63  }
0x15b: {  	_ =	swait.ge [sflag:s8], $0x1000  }
0x15c: {  	[sflag:s8] =	ssyncset.done $0x0  }
0x15d: {  	[sflag:s8] =	ssyncadd.s32 $0xFFFFF000  }
0x15e: {  	_ =	swait.ge [sflag:s14], $0x1000  }
0x15f: {  	[sflag:s14] =	ssyncset.done $0x0  }
0x160: {  	[sflag:s14] =	ssyncadd.s32 $0xFFFFF000  }
0x161: {  	[spmem:s25] =	stream.indirect.scatter.add.f32 [tilespmem:s21], [sflag:$0x2], $0x80, s4, s15, $0xb8;
	[tilespmem:$0x1F100] =	vst v63  }
0x162: {  	_ =	swait.ge [sflag:s8], $0x1000  }
0x163: {  	[sflag:s8] =	ssyncset.done $0x0  }
.Ltmp5:
0x164: {  	[sflag:s8] =	ssyncadd.s32 $0xFFFFF000;
	(pc) =	sbr.rel @p0 .LBB2_5-.Ltmp5, $4  }
0x165: {  	_ =	swait.ge [sflag:s14], $0x1000  }
0x166: {  	[sflag:s14] =	ssyncset.done $0x0  }
0x167: {  	[sflag:s14] =	ssyncadd.s32 $0xFFFFF000  }
0x168: {  	[spmem:s25] =	stream.indirect.scatter.add.f32 [tilespmem:s24], [sflag:$0x2], $0x80, s5, s15, $0xb8;
	[tilespmem:$0x1F100] =	vst v63  }
.LBB2_6:
0x169: {  	_ =	swait.ge [sflag:s8], $0x1000  }
0x16a: {  	[sflag:s8] =	ssyncset.done $0x0  }
0x16b: {  	[sflag:s8] =	ssyncadd.s32 $0xFFFFF000  }
0x16c: {  	_ =	swait.ge [sflag:s14], $0x1000  }
0x16d: {  	[sflag:s14] =	ssyncset.done $0x0  }
0x16e: {  	[sflag:s14] =	ssyncadd.s32 $0xFFFFF000  }
0x16f: {  	[spmem:s25] =	stream.indirect.scatter.add.f32 [tilespmem:s28], [sflag:$0x2], $0x80, s6, s15, $0xb8;
	[tilespmem:$0x1F100] =	vst v63  }
0x170: {  	_ =	swait.ge [sflag:s8], $0x1000  }
0x171: {  	[sflag:s8] =	ssyncset.done $0x0  }
0x172: {  	[sflag:s8] =	ssyncadd.s32 $0xFFFFF000  }
0x173: {  	_ =	swait.ge [sflag:s14], $0x1000  }
0x174: {  	[sflag:s14] =	ssyncset.done $0x0  }
0x175: {  	[sflag:s14] =	ssyncadd.s32 $0xFFFFF000  }
0x176: {  	[spmem:s25] =	stream.indirect.scatter.add.f32 [tilespmem:s0], [sflag:$0x2], $0x80, s7, s15, $0xb8;
	[tilespmem:$0x1F100] =	vst v63  }
0x177: {  	_ =	swait.ge [sflag:s8], $0x1000  }
0x178: {  	[sflag:s8] =	ssyncset.done $0x0  }
0x179: {  	[sflag:s8] =	ssyncadd.s32 $0xFFFFF000  }
.LBB2_7:
0x17a: {  	[bflag:$0x0] =	sbarrier.arrive $0xFFFF  }
0x17b: {  	s29 =	sld [smem:$0x7EE]  }
0x17c: {  	s10 =	simm.s32 $0x8;
	s11 =	simm.s32 $0x80;
	s1 =	rddreg [dreg:$0x1f]  }
0x17d: {  	s22 =	simm.s32 $0x300;
	s9 =	rddreg [dreg:$0xd];
	s1 =	sor.u32 $0x1C02, s1  }
0x17e: {  	[hbm:s9@s22], [sflag:s1] =	dma.strided [spmem:s29@s11], $0x800, s10, $0x10   }
0x17f: {  	_ =	swait.ge [sflag:s8], $0x800  }
0x180: {  	s29 =	sld [smem:$0x7EF]  }
0x181: {  	[sflag:s8] =	ssyncset.done $0x0  }
0x182: {  	s9 =	rddreg [dreg:$0xe];
	[sflag:s8] =	ssyncadd.s32 $0xFFFFF800  }
0x183: {  	[hbm:s9@s22], [sflag:s1] =	dma.strided [spmem:s29@s11], $0x800, s10, $0x10   }
0x184: {  	_ =	swait.ge [sflag:s8], $0x800  }
0x185: {  	s29 =	sld [smem:$0x7F0]  }
0x186: {  	[sflag:s8] =	ssyncset.done $0x0  }
0x187: {  	s9 =	rddreg [dreg:$0xf];
	[sflag:s8] =	ssyncadd.s32 $0xFFFFF800  }
0x188: {  	[hbm:s9@s22], [sflag:s1] =	dma.strided [spmem:s29@s11], $0x800, s10, $0x10   }
0x189: {  	_ =	swait.ge [sflag:s8], $0x800  }
0x18a: {  	s29 =	sld [smem:$0x7F1]  }
0x18b: {  	[sflag:s8] =	ssyncset.done $0x0  }
0x18c: {  	s9 =	rddreg [dreg:$0x10];
	[sflag:s8] =	ssyncadd.s32 $0xFFFFF800  }
0x18d: {  	[hbm:s9@s22], [sflag:s1] =	dma.strided [spmem:s29@s11], $0x800, s10, $0x10   }
0x18e: {  	_ =	swait.ge [sflag:s8], $0x800  }
0x18f: {  	s29 =	sld [smem:$0x7F2]  }
0x190: {  	[sflag:s8] =	ssyncset.done $0x0  }
0x191: {  	s9 =	rddreg [dreg:$0x11];
	[sflag:s8] =	ssyncadd.s32 $0xFFFFF800  }
0x192: {  	[hbm:s9@s22], [sflag:s1] =	dma.strided [spmem:s29@s11], $0x800, s10, $0x10   }
0x193: {  	_ =	swait.ge [sflag:s8], $0x800  }
0x194: {  	s29 =	sld [smem:$0x7F3]  }
0x195: {  	[sflag:s8] =	ssyncset.done $0x0;
	s9 =	rddreg [dreg:$0x12]  }
0x196: {  	[smem:$0x7EC] =	sst s1;
	[sflag:s8] =	ssyncadd.s32 $0xFFFFF800  }
0x197: {  	[hbm:s9@s22], [sflag:s1] =	dma.strided [spmem:s29@s11], $0x800, s10, $0x10   }
0x198: {  	_ =	swait.ge [sflag:s8], $0x800  }
0x199: {  	s1 =	sld [smem:$0x7F4]  }
0x19a: {  	s29 =	sld [smem:$0x7EE]  }
0x19b: {  	[sflag:s8] =	ssyncset.done $0x0  }
0x19c: {  	s9 =	rddreg [dreg:$0x13];
	[sflag:s8] =	ssyncadd.s32 $0xFFFFF800  }
0x19d: {  	[spmem:s29@s11], [sflag:s1] =	dma.strided [hbm:s9@s22], $0x800, s10, $0x10   }
0x19e: {  	s29 =	sld [smem:$0x7EF];
	_ =	sdelay $0x1  }
0x19f: {  	s9 =	rddreg [dreg:$0x14]  }
0x1a0: {  	[spmem:s29@s11], [sflag:s1] =	dma.strided [hbm:s9@s22], $0x800, s10, $0x10   }
0x1a1: {  	s29 =	sld [smem:$0x7F0];
	_ =	sdelay $0x1  }
0x1a2: {  	s9 =	rddreg [dreg:$0x15]  }
0x1a3: {  	[spmem:s29@s11], [sflag:s1] =	dma.strided [hbm:s9@s22], $0x800, s10, $0x10   }
0x1a4: {  	s29 =	sld [smem:$0x7F1];
	_ =	sdelay $0x1  }
0x1a5: {  	s9 =	rddreg [dreg:$0x16]  }
0x1a6: {  	[spmem:s29@s11], [sflag:s1] =	dma.strided [hbm:s9@s22], $0x800, s10, $0x10   }
0x1a7: {  	s29 =	sld [smem:$0x7F2];
	_ =	sdelay $0x1  }
0x1a8: {  	s9 =	rddreg [dreg:$0x17]  }
0x1a9: {  	[spmem:s29@s11], [sflag:s1] =	dma.strided [hbm:s9@s22], $0x800, s10, $0x10   }
0x1aa: {  	s29 =	sld [smem:$0x7F3];
	_ =	sdelay $0x1  }
0x1ab: {  	s9 =	rddreg [dreg:$0x18]  }
0x1ac: {  	[spmem:s29@s11], [sflag:s1] =	dma.strided [hbm:s9@s22], $0x800, s10, $0x10   }
0x1ad: {  	s22 =	simm.s32 $0x0  }
0x1ae: {  	v5 =	vld [tilespmem:s22+$0x0]  }
0x1af: {  	v6 =	vld [tilespmem:s22+$0x200];
	_ =	sdelay $0x4  }
0x1b0: {  	vm0 =	vgt.s32 v5, $0x0;
	vm1 =	vge.s32 v6, v1  }
0x1b1: {  	vm2 =	vlt.s32 v6, v2;
	vm0 =	vmand vm0, vm1  }
0x1b2: {  	vm0 =	vmand vm2, vm0  }
0x1b3: {  	v7 =	vsel vm0, $0x1, v3  }
0x1b4: {  	(xrf0) =	vadd.scan.msk.s32 $0xffff, v7;
	_ =	sdelay $0x4  }
0x1b5: {  	s9 =	simm.s32 $0x0;
	v7 =	vsel vm0, $0xFFFFFFFF, v3  }
0x1b6: {  	v7 =	vadd.s32 s9, v7;
	v8, _, _ =	vpop (xrf0)  }
0x1b7: {  	v7 =	vadd.s32 v8, v7  }
0x1b8: {  	(v2sf) =	vpush v8, $0xF;
	v7 =	vnsel vm0, $0x22F, v7;
	_ =	sdelay $0x3  }
0x1b9: {  	v5 =	vadd.s32 $0xFFFFFFFF, v5  }
0x1ba: {  	[tilespmem:v7+s12+$0x0] =	vst.idx.msk $0xffff, v5;
	v5 =	vsub.s32 v6, v1  }
0x1bb: {  	s29 =	simm.s32 $0x10;
	[tilespmem:v7+s13+$0x0] =	vst.idx.msk $0xffff, v5  }
0x1bc: {  	v6 =	vld [tilespmem:s29+$0x0]  }
0x1bd: {  	v5 =	vld [tilespmem:s29+$0x200];
	_ =	sdelay $0x4  }
0x1be: {  	s22 =	simm.s32 $0x80;
	vm1 =	vgt.s32 v6, $0x0;
	vm2 =	vge.s32 v5, v1;
	vm0 =	vlt.s32 v5, v2  }
.LBB2_8:
0x1bf: {  	p0 =	sne.s32 s22, $0x7C0  }
0x1c0: {  	vm1 =	vmand vm1, vm2;
	s10 =	spop (v2sf);
	s29 =	smov.u32 s22;
	s22 =	sadd.s32 $0x40, s22  }
0x1c1: {  	vm0 =	vmand vm0, vm1;
	s9 =	sadd.s32 s9, s10  }
0x1c2: {  	v7 =	vsel vm0, $0xFFFFFFFF, v3;
	v8 =	vsel vm0, $0x1, v3  }
0x1c3: {  	(xrf0) =	vadd.scan.msk.s32 $0xffff, v8;
	_ =	sdelay $0x5  }
0x1c4: {  	v7 =	vadd.s32 s9, v7;
	v8, _, _ =	vpop (xrf0)  }
0x1c5: {  	v7 =	vadd.s32 v8, v7;
	(v2sf) =	vpush v8, $0xF  }
0x1c6: {  	v7 =	vnsel vm0, $0x22F, v7;
	_ =	sdelay $0x3  }
0x1c7: {  	v6 =	vadd.s32 $0xFFFFFFFF, v6  }
0x1c8: {  	v5 =	vsub.s32 v5, v1;
	[tilespmem:v7+s12+$0x0] =	vst.idx.msk $0xffff, v6  }
0x1c9: {  	s10 =	sshra.s32 s29, $0x2;
	[tilespmem:v7+s13+$0x0] =	vst.idx.msk $0xffff, v5  }
0x1ca: {  	v6 =	vld [tilespmem:s10+$0x0]  }
0x1cb: {  	v5 =	vld [tilespmem:s10+$0x200]  }
.Ltmp6:
0x1cc: {  	(pc) =	sbr.rel @p0 .LBB2_8-.Ltmp6, $3  }
0x1cd: {  	_ =	sdelay $0x1  }
0x1ce: {  	vm1 =	vgt.s32 v6, $0x0  }
0x1cf: {  	vm2 =	vge.s32 v5, v1;
	vm0 =	vlt.s32 v5, v2  }
0x1d0: {  	vm1 =	vmand vm1, vm2  }
0x1d1: {  	vm0 =	vmand vm0, vm1  }
0x1d2: {  	v7 =	vsel vm0, $0x1, v3  }
0x1d3: {  	(xrf0) =	vadd.scan.msk.s32 $0xffff, v7;
	_ =	sdelay $0x5  }
0x1d4: {  	v7, _, _ =	vpop (xrf0)  }
0x1d5: {  	(v2sf) =	vpush v7, $0xF;
	_ =	sdelay $0x5  }
0x1d6: {  	s10 =	spop (v2sf)  }
0x1d7: {  	s9 =	sadd.s32 s9, s10;
	v8 =	vsel vm0, $0xFFFFFFFF, v3  }
0x1d8: {  	v8 =	vadd.s32 s9, v8  }
0x1d9: {  	v7 =	vadd.s32 v7, v8  }
0x1da: {  	v7 =	vnsel vm0, $0x22F, v7;
	_ =	sdelay $0x3  }
0x1db: {  	v6 =	vadd.s32 $0xFFFFFFFF, v6  }
0x1dc: {  	v5 =	vsub.s32 v5, v1;
	[tilespmem:v7+s12+$0x0] =	vst.idx.msk $0xffff, v6;
	s11 =	spop (v2sf)  }
0x1dd: {  	[tilespmem:v7+s13+$0x0] =	vst.idx.msk $0xffff, v5;
	s9 =	sadd.s32 s9, s11  }
0x1de: {  	[tilespmem:s9+$0x400] =	vst v4  }
0x1df: {  	[tilespmem:s9+$0x680] =	vst v3  }
0x1e0: {  	[tilespmem:s9+$0x410] =	vst v4  }
0x1e1: {  	[tilespmem:s9+$0x690] =	vst v3  }
0x1e2: {  	_ =	swait.ge [sflag:s14], $0x800  }
0x1e3: {  	[sflag:s14] =	ssyncset.done $0x0  }
0x1e4: {  	[sflag:s14] =	ssyncadd.s32 $0xFFFFF800  }
0x1e5: {  	_ =	swait.ge [sflag:s14], $0x800  }
0x1e6: {  	[sflag:s14] =	ssyncset.done $0x0  }
0x1e7: {  	[sflag:s14] =	ssyncadd.s32 $0xFFFFF800  }
0x1e8: {  	s9 =	sadd.s32 $0x1F, s9;
	_ =	swait.ge [sflag:s14], $0x800  }
0x1e9: {  	s22 =	sand.u32 $0x1F, s9;
	[sflag:s14] =	ssyncset.done $0x0  }
0x1ea: {  	s29 =	sshra.s32 s9, $0x1F;
	p1 =	slt.s32 s9, $0x1;
	[sflag:s14] =	ssyncadd.s32 $0xFFFFF800  }
0x1eb: {  	p0 =	sne.s32 s22, $0x0;
	s10 =	sshrl.u32 s29, $0x1B;
	_ =	swait.ge [sflag:s14], $0x800  }
0x1ec: {  	s9 =	sadd.s32 s10, s9;
	p0 =	por !p1, !p0;
	[sflag:s14] =	ssyncset.done $0x0  }
0x1ed: {  	s10 =	simm.s32 $0x1;
	p0 =	por !p0, !p0;
	[sflag:s14] =	ssyncadd.s32 $0xFFFFF800  }
0x1ee: {  	s9 =	sshra.s32 s9, $0x5;
	s10 =	simm.s32 @!p0 $0x0;
	_ =	swait.ge [sflag:s14], $0x800  }
0x1ef: {  	s9 =	ssub.s32 s9, s10;
	[sflag:s14] =	ssyncset.done $0x0  }
0x1f0: {  	p0 =	slt.s32 s9, $0x1;
	[sflag:s14] =	ssyncadd.s32 $0xFFFFF800  }
.Ltmp7:
0x1f1: {  	_ =	swait.ge [sflag:s14], $0x800;
	(pc) =	sbr.rel @p0 .LBB2_13-.Ltmp7, $3  }
0x1f2: {  	[sflag:s14] =	ssyncset.done $0x0  }
0x1f3: {  	[sflag:s14] =	ssyncadd.s32 $0xFFFFF800  }
0x1f4: {  	[bflag:$0x0] =	sbarrier.arrive $0xFFFF;
	_ =	sdelay $0x1  }
0x1f5: {  	s29 =	simm.s32 $0x410  }
0x1f6: {  	s22 =	simm.s32 $0x690;
	v5 =	vld [tilespmem:s29+$0xFFFFFFF0]  }
0x1f7: {  	v6 =	vld [tilespmem:s22+$0xFFFFFFF0];
	_ =	sdelay $0x3  }
0x1f8: {  	[tilespmem:$0x900] =	vst v5  }
0x1f9: {  	v7 =	vadd.s32 $0x1020, v5;
	[tilespmem:$0xD00] =	vst v6  }
0x1fa: {  	v8 =	vadd.s32 $0x1428, v5;
	[tilespmem:$0xB00] =	vst v7  }
0x1fb: {  	v59 =	vadd.s32 $0xC18, v5;
	[tilespmem:$0xB80] =	vst v8  }
0x1fc: {  	v7 =	vadd.s32 $0x408, v5;
	[tilespmem:$0xA80] =	vst v59  }
0x1fd: {  	v5 =	vadd.s32 $0x810, v5;
	[tilespmem:$0x980] =	vst v7  }
0x1fe: {  	v7 =	vadd.s32 $0x1800, v6;
	[tilespmem:$0xA00] =	vst v5  }
0x1ff: {  	v5 =	vadd.s32 $0x2800, v6;
	[tilespmem:$0xE80] =	vst v7  }
0x200: {  	v7 =	vadd.s32 $0x800, v6;
	[tilespmem:$0xF80] =	vst v5  }
0x201: {  	v5 =	vadd.s32 $0x1000, v6;
	[tilespmem:$0xD80] =	vst v7  }
0x202: {  	v6 =	vadd.s32 $0x2000, v6;
	[tilespmem:$0xE00] =	vst v5  }
0x203: {  	[tilespmem:$0xF00] =	vst v6  }
0x204: {  	v5 =	vld [tilespmem:s29+$0x0]  }
0x205: {  	v6 =	vld [tilespmem:s22+$0x0];
	_ =	sdelay $0x3  }
0x206: {  	[tilespmem:$0x910] =	vst v5  }
0x207: {  	v7 =	vadd.s32 $0xC18, v5;
	[tilespmem:$0xD10] =	vst v6  }
0x208: {  	v60 =	vadd.s32 $0x810, v5;
	[tilespmem:$0xA90] =	vst v7  }
0x209: {  	v61 =	vadd.s32 $0x800, v6;
	[tilespmem:$0xA10] =	vst v60  }
0x20a: {  	v62 =	vadd.s32 $0x1800, v6;
	[tilespmem:$0xD90] =	vst v61  }
0x20b: {  	v63 =	vadd.s32 $0x1428, v5;
	[tilespmem:$0xE90] =	vst v62  }
0x20c: {  	v7 =	vadd.s32 $0x408, v5;
	[tilespmem:$0xB90] =	vst v63  }
0x20d: {  	v5 =	vadd.s32 $0x1020, v5;
	[tilespmem:$0x990] =	vst v7  }
0x20e: {  	v7 =	vadd.s32 $0x1000, v6;
	[tilespmem:$0xB10] =	vst v5  }
0x20f: {  	[tilespmem:$0xE10] =	vst v7;
	v7 =	vadd.s32 $0x2000, v6  }
0x210: {  	v6 =	vadd.s32 $0x2800, v6;
	[tilespmem:$0xF10] =	vst v7  }
0x211: {  	[tilespmem:$0xF90] =	vst v6  }
0x212: {  	[tilespmem:s17], [sflag:$0x1] =	stream.indirect.gather [hbm4b:s30+s15], $0x80, s16, s15, $0xb8;
	[tilespmem:$0x1F100] =	vst v63  }
0x213: {  	_ = 	snop  }
0x214: {  	[tilespmem:s19], [sflag:$0x1] =	stream.indirect.gather [hbm4b:s30+s15], $0x80, s18, s15, $0xb8;
	[tilespmem:$0x1F100] =	vst v63  }
0x215: {  	_ = 	snop  }
0x216: {  	[tilespmem:s21], [sflag:$0x1] =	stream.indirect.gather [hbm4b:s30+s15], $0x80, s20, s15, $0xb8;
	[tilespmem:$0x1F100] =	vst v63  }
0x217: {  	_ = 	snop  }
0x218: {  	[tilespmem:s24], [sflag:$0x1] =	stream.indirect.gather [hbm4b:s30+s15], $0x80, s23, s15, $0xb8;
	[tilespmem:$0x1F100] =	vst v63  }
0x219: {  	_ = 	snop  }
0x21a: {  	[tilespmem:s28], [sflag:$0x1] =	stream.indirect.gather [hbm4b:s30+s15], $0x80, s26, s15, $0xb8;
	[tilespmem:$0x1F100] =	vst v63  }
0x21b: {  	_ = 	snop  }
0x21c: {  	[tilespmem:s0], [sflag:$0x1] =	stream.indirect.gather [hbm4b:s30+s15], $0x80, s31, s15, $0xb8;
	[tilespmem:$0x1F100] =	vst v63  }
0x21d: {  	_ =	swait.ge [sflag:s14], $0x1000  }
0x21e: {  	[sflag:s14] =	ssyncset.done $0x0  }
0x21f: {  	[sflag:s14] =	ssyncadd.s32 $0xFFFFF000  }
0x220: {  	[spmem:s25] =	stream.indirect.scatter.add.f32 [tilespmem:s17], [sflag:$0x2], $0x80, s2, s15, $0xb8;
	[tilespmem:$0x1F100] =	vst v63  }
0x221: {  	_ =	swait.ge [sflag:s8], $0x1000  }
0x222: {  	[sflag:s8] =	ssyncset.done $0x0  }
0x223: {  	[sflag:s8] =	ssyncadd.s32 $0xFFFFF000  }
0x224: {  	_ =	swait.ge [sflag:s14], $0x1000  }
0x225: {  	[sflag:s14] =	ssyncset.done $0x0  }
0x226: {  	[sflag:s14] =	ssyncadd.s32 $0xFFFFF000  }
0x227: {  	[spmem:s25] =	stream.indirect.scatter.add.f32 [tilespmem:s19], [sflag:$0x2], $0x80, s3, s15, $0xb8;
	[tilespmem:$0x1F100] =	vst v63  }
0x228: {  	_ =	swait.ge [sflag:s8], $0x1000  }
0x229: {  	[sflag:s8] =	ssyncset.done $0x0  }
0x22a: {  	[sflag:s8] =	ssyncadd.s32 $0xFFFFF000  }
0x22b: {  	_ =	swait.ge [sflag:s14], $0x1000  }
0x22c: {  	[sflag:s14] =	ssyncset.done $0x0  }
0x22d: {  	[sflag:s14] =	ssyncadd.s32 $0xFFFFF000  }
0x22e: {  	[spmem:s25] =	stream.indirect.scatter.add.f32 [tilespmem:s21], [sflag:$0x2], $0x80, s4, s15, $0xb8;
	[tilespmem:$0x1F100] =	vst v63  }
0x22f: {  	_ =	swait.ge [sflag:s8], $0x1000  }
0x230: {  	p0 =	sne.s32 s9, $0x1;
	[sflag:s8] =	ssyncset.done $0x0  }
.Ltmp8:
0x231: {  	[sflag:s8] =	ssyncadd.s32 $0xFFFFF000;
	(pc) =	sbr.rel @!p0 .LBB2_12-.Ltmp8, $4  }
0x232: {  	_ =	swait.ge [sflag:s14], $0x1000  }
0x233: {  	[sflag:s14] =	ssyncset.done $0x0  }
0x234: {  	s9 =	sadd.s32 $0xFFFFFFFF, s9;
	[sflag:s14] =	ssyncadd.s32 $0xFFFFF000  }
0x235: {  	[spmem:s25] =	stream.indirect.scatter.add.f32 [tilespmem:s24], [sflag:$0x2], $0x80, s5, s15, $0xb8;
	[tilespmem:$0x1F100] =	vst v63  }
.LBB2_11:
0x236: {  	_ =	swait.ge [sflag:s8], $0x1000;
	s22 =	sadd.s32 $0x20, s22;
	s29 =	sadd.s32 $0x20, s29  }
0x237: {  	p0 =	sne.s32 s9, $0x1;
	s9 =	sadd.s32 $0xFFFFFFFF, s9;
	[sflag:s8] =	ssyncset.done $0x0  }
0x238: {  	[sflag:s8] =	ssyncadd.s32 $0xFFFFF000  }
0x239: {  	_ =	swait.ge [sflag:s14], $0x1000  }
0x23a: {  	[sflag:s14] =	ssyncset.done $0x0  }
0x23b: {  	[sflag:s14] =	ssyncadd.s32 $0xFFFFF000  }
0x23c: {  	[spmem:s25] =	stream.indirect.scatter.add.f32 [tilespmem:s28], [sflag:$0x2], $0x80, s6, s15, $0xb8;
	[tilespmem:$0x1F100] =	vst v63  }
0x23d: {  	_ =	swait.ge [sflag:s8], $0x1000  }
0x23e: {  	[sflag:s8] =	ssyncset.done $0x0  }
0x23f: {  	[sflag:s8] =	ssyncadd.s32 $0xFFFFF000  }
0x240: {  	_ =	swait.ge [sflag:s14], $0x1000  }
0x241: {  	[sflag:s14] =	ssyncset.done $0x0  }
0x242: {  	[sflag:s14] =	ssyncadd.s32 $0xFFFFF000  }
0x243: {  	[spmem:s25] =	stream.indirect.scatter.add.f32 [tilespmem:s0], [sflag:$0x2], $0x80, s7, s15, $0xb8;
	[tilespmem:$0x1F100] =	vst v63  }
0x244: {  	_ =	swait.ge [sflag:s8], $0x1000  }
0x245: {  	[sflag:s8] =	ssyncset.done $0x0  }
0x246: {  	[sflag:s8] =	ssyncadd.s32 $0xFFFFF000  }
0x247: {  	v5 =	vld [tilespmem:s29+$0xFFFFFFF0];
	_ =	sdelay $0x3  }
0x248: {  	v6 =	vld [tilespmem:s22+$0xFFFFFFF0]  }
0x249: {  	[tilespmem:$0x900] =	vst v5;
	v7 =	vadd.s32 $0x1020, v5;
	v8 =	vadd.s32 $0x1428, v5  }
0x24a: {  	v9 =	vadd.s32 $0xC18, v5;
	[tilespmem:$0xB00] =	vst v7  }
0x24b: {  	v7 =	vadd.s32 $0x408, v5;
	[tilespmem:$0xB80] =	vst v8  }
0x24c: {  	[tilespmem:$0x980] =	vst v7  }
0x24d: {  	v7 =	vadd.s32 $0x800, v6;
	[tilespmem:$0xA80] =	vst v9;
	v8 =	vadd.s32 $0x1800, v6;
	v9 =	vadd.s32 $0x2800, v6  }
0x24e: {  	v5 =	vadd.s32 $0x810, v5;
	v10 =	vadd.s32 $0x1000, v6;
	[tilespmem:$0xD00] =	vst v6;
	v6 =	vadd.s32 $0x2000, v6  }
0x24f: {  	[tilespmem:$0xA00] =	vst v5  }
0x250: {  	[tilespmem:$0xE80] =	vst v8  }
0x251: {  	[tilespmem:$0xF80] =	vst v9  }
0x252: {  	[tilespmem:$0xD80] =	vst v7  }
0x253: {  	[tilespmem:$0xE00] =	vst v10  }
0x254: {  	[tilespmem:$0xF00] =	vst v6  }
0x255: {  	v5 =	vld [tilespmem:s29+$0x0]  }
0x256: {  	v6 =	vld [tilespmem:s22+$0x0];
	_ =	sdelay $0x3  }
0x257: {  	[tilespmem:$0x910] =	vst v5;
	v7 =	vadd.s32 $0x408, v5;
	v8 =	vadd.s32 $0xC18, v5;
	v9 =	vadd.s32 $0x1020, v5  }
0x258: {  	[tilespmem:$0xD10] =	vst v6;
	v10 =	vadd.s32 $0x800, v6;
	v11 =	vadd.s32 $0x1000, v6;
	v12 =	vadd.s32 $0x1800, v6  }
0x259: {  	v13 =	vadd.s32 $0x810, v5;
	[tilespmem:$0xA90] =	vst v8;
	v8 =	vadd.s32 $0x2000, v6;
	v6 =	vadd.s32 $0x2800, v6  }
0x25a: {  	v5 =	vadd.s32 $0x1428, v5;
	[tilespmem:$0xA10] =	vst v13  }
0x25b: {  	[tilespmem:$0x990] =	vst v7  }
0x25c: {  	[tilespmem:$0xD90] =	vst v10  }
0x25d: {  	[tilespmem:$0xE10] =	vst v11  }
0x25e: {  	[tilespmem:$0xE90] =	vst v12  }
0x25f: {  	[tilespmem:$0xF10] =	vst v8  }
0x260: {  	[tilespmem:$0xB90] =	vst v5  }
0x261: {  	[tilespmem:$0xB10] =	vst v9  }
0x262: {  	[tilespmem:$0xF90] =	vst v6  }
0x263: {  	[tilespmem:s17], [sflag:$0x1] =	stream.indirect.gather [hbm4b:s30+s15], $0x80, s16, s15, $0xb8;
	[tilespmem:$0x1F100] =	vst v63  }
0x264: {  	_ = 	snop  }
0x265: {  	[tilespmem:s19], [sflag:$0x1] =	stream.indirect.gather [hbm4b:s30+s15], $0x80, s18, s15, $0xb8;
	[tilespmem:$0x1F100] =	vst v63  }
0x266: {  	_ = 	snop  }
0x267: {  	[tilespmem:s21], [sflag:$0x1] =	stream.indirect.gather [hbm4b:s30+s15], $0x80, s20, s15, $0xb8;
	[tilespmem:$0x1F100] =	vst v63  }
0x268: {  	_ = 	snop  }
0x269: {  	[tilespmem:s24], [sflag:$0x1] =	stream.indirect.gather [hbm4b:s30+s15], $0x80, s23, s15, $0xb8;
	[tilespmem:$0x1F100] =	vst v63  }
0x26a: {  	_ = 	snop  }
0x26b: {  	[tilespmem:s28], [sflag:$0x1] =	stream.indirect.gather [hbm4b:s30+s15], $0x80, s26, s15, $0xb8;
	[tilespmem:$0x1F100] =	vst v63  }
0x26c: {  	_ = 	snop  }
0x26d: {  	[tilespmem:s0], [sflag:$0x1] =	stream.indirect.gather [hbm4b:s30+s15], $0x80, s31, s15, $0xb8;
	[tilespmem:$0x1F100] =	vst v63  }
0x26e: {  	_ =	swait.ge [sflag:s14], $0x1000  }
0x26f: {  	[sflag:s14] =	ssyncset.done $0x0  }
0x270: {  	[sflag:s14] =	ssyncadd.s32 $0xFFFFF000  }
0x271: {  	[spmem:s25] =	stream.indirect.scatter.add.f32 [tilespmem:s17], [sflag:$0x2], $0x80, s2, s15, $0xb8;
	[tilespmem:$0x1F100] =	vst v63  }
0x272: {  	_ =	swait.ge [sflag:s8], $0x1000  }
0x273: {  	[sflag:s8] =	ssyncset.done $0x0  }
0x274: {  	[sflag:s8] =	ssyncadd.s32 $0xFFFFF000  }
0x275: {  	_ =	swait.ge [sflag:s14], $0x1000  }
0x276: {  	[sflag:s14] =	ssyncset.done $0x0  }
0x277: {  	[sflag:s14] =	ssyncadd.s32 $0xFFFFF000  }
0x278: {  	[spmem:s25] =	stream.indirect.scatter.add.f32 [tilespmem:s19], [sflag:$0x2], $0x80, s3, s15, $0xb8;
	[tilespmem:$0x1F100] =	vst v63  }
0x279: {  	_ =	swait.ge [sflag:s8], $0x1000  }
0x27a: {  	[sflag:s8] =	ssyncset.done $0x0  }
0x27b: {  	[sflag:s8] =	ssyncadd.s32 $0xFFFFF000  }
0x27c: {  	_ =	swait.ge [sflag:s14], $0x1000  }
0x27d: {  	[sflag:s14] =	ssyncset.done $0x0  }
0x27e: {  	[sflag:s14] =	ssyncadd.s32 $0xFFFFF000  }
0x27f: {  	[spmem:s25] =	stream.indirect.scatter.add.f32 [tilespmem:s21], [sflag:$0x2], $0x80, s4, s15, $0xb8;
	[tilespmem:$0x1F100] =	vst v63  }
0x280: {  	_ =	swait.ge [sflag:s8], $0x1000  }
0x281: {  	[sflag:s8] =	ssyncset.done $0x0  }
.Ltmp9:
0x282: {  	[sflag:s8] =	ssyncadd.s32 $0xFFFFF000;
	(pc) =	sbr.rel @p0 .LBB2_11-.Ltmp9, $4  }
0x283: {  	_ =	swait.ge [sflag:s14], $0x1000  }
0x284: {  	[sflag:s14] =	ssyncset.done $0x0  }
0x285: {  	[sflag:s14] =	ssyncadd.s32 $0xFFFFF000  }
0x286: {  	[spmem:s25] =	stream.indirect.scatter.add.f32 [tilespmem:s24], [sflag:$0x2], $0x80, s5, s15, $0xb8;
	[tilespmem:$0x1F100] =	vst v63  }
.Ltmp10:
0x287: {  	_ = 	snop;
	(pc) =	sbr.rel .LBB2_12-.Ltmp10, $1  }
0x288: {  	_ =	sdelay $0x3  }
.LBB2_14:
0x289: {  	_ =	sfence.sel $0x180000  }
0x28a: {  	[bflag:$0x0] =	sbarrier.arrive $0xFFFF  }
0x28b: {  	_ =	strace $0x90000047  }
0x28c: {  	s0 =	stileid.u32;
	[bflag:$0x2] =	sbarrier.arrive $0xFFFF  }
0x28d: {  	p0 =	sne.s32 s0, $0x0;
	s0 =	rddreg [dreg:$0x6]  }
0x28e: {  	s0 =	sadd.s32 @!p0 $0x100000, s0  }
0x28f: {  	[sflag:s0] =	ssyncadd.tile.s32 @!p0 $0x1;
	_ =	shalt  }
.Lfunc_end2:
_tile_overlayer_lowered:
.L_overlay_start_2:
0x290: {  	(tag) =	ssettag $0x2  }
0x291: {  	s0 =	rddreg [dreg:$0x0];
	s2 =	stileid.u32  }
0x292: {  	s1 =	rddreg [dreg:$0x1];
	p0 =	sne.s32 s2, $0x0  }
0x293: {  	s3 =	rddreg [dreg:$0x2];
	[bflag:$0x3] =	sbarrier.arrive $0xFFFF;
	s2 =	simm.s32 @!p0 $0x1C02  }
0x294: {  	[timem:s3], [sflag:s2] =	dma.local @!p0 [hbm:s0], s1  }
0x295: {  	s0 =	simm.s32 @!p0 $0x2  }
0x296: {  	_ =	swait.ge @!p0 [sflag:s0], s1  }
0x297: {  	s1 =	ssub.s32 @!p0 $0x0, s1;
	[sflag:s0] =	ssyncset.done @!p0 $0x0  }
0x298: {  	[sflag:s0] =	ssyncadd.s32 @!p0 s1  }
0x299: {  	[bflag:$0x3] =	sbarrier.arrive $0xFFFF  }
0x29a: {  	_ =	shalt  }

</sc_bundles>
